<compile_context>
chip_gen: v7x
topology: tpu7x:2x2x1
jax: 0.10.2.dev20260603
libtpu: 0.0.44.dev20260713+nightly
codegen_flags: <defaults>
</compile_context>

<pallas_src>
import functools

import jax
import jax.numpy as jnp
from jax import lax
from jax.experimental import pallas as pl
from jax.experimental.pallas import tpu as pltpu
from jax.experimental.pallas import tpu_sc as plsc

_V1 = 1000
_V2 = 1000
_RANK = 64
_D1 = 12
_D2 = 11
_DM = 128
_WORDS = (_D1 * _RANK) // 4
_CHUNK = 128


def _sc_gather_fn(ntok, tok_per_w, nc):
  mesh = plsc.VectorSubcoreMesh(core_axis_name="c", subcore_axis_name="s")

  nchunks = tok_per_w // _CHUNK

  @functools.partial(
      pl.kernel,
      mesh=mesh,
      compiler_params=pltpu.CompilerParams(use_tc_tiling_on_sc=False),
      out_type=(
          jax.ShapeDtypeStruct((ntok, _WORDS), jnp.int32),
          jax.ShapeDtypeStruct((ntok, _WORDS), jnp.int32),
      ),
      scratch_types=[
          pltpu.VMEM((tok_per_w,), jnp.int32),
          pltpu.VMEM((tok_per_w,), jnp.int32),
          pltpu.VMEM((tok_per_w,), jnp.int32),
          pltpu.VMEM((2, _CHUNK, _WORDS), jnp.int32),
          pltpu.VMEM((2, _CHUNK, _WORDS), jnp.int32),
          pltpu.SemaphoreType.DMA,
          pltpu.SemaphoreType.DMA,
          pltpu.SemaphoreType.DMA,
          pltpu.SemaphoreType.DMA,
      ],
  )
  def sc_gather(ids_hbm, t1_hbm, t2_hbm, g1_hbm, g2_hbm,
                ids_v, idx1_v, idx2_v, rows1_v, rows2_v,
                gsem_a, gsem_b, ssem_a, ssem_b):
    wid = lax.axis_index("s") * nc + lax.axis_index("c")
    wbase = wid * tok_per_w
    pltpu.sync_copy(ids_hbm.at[pl.ds(wbase, tok_per_w)], ids_v)
    vmod = jnp.full((16,), _V2, jnp.int32)
    vone = jnp.full((16,), 1, jnp.int32)
    vrcp = jnp.full((16,), 1.0 / _V2, jnp.float32)
    for i in range(tok_per_w // 16):
      sl = pl.ds(i * 16, 16)
      v = ids_v[sl]
      q = (v.astype(jnp.float32) * vrcp).astype(jnp.int32)
      q = jnp.where(q * vmod > v, q - vone, q)
      q = jnp.where(q * vmod + vmod <= v, q + vone, q)
      idx1_v[sl] = q
      idx2_v[sl] = v - q * vmod
    gsems = (gsem_a, gsem_b)
    ssems = (ssem_a, ssem_b)

    def fire_gather(c):
      buf = c % 2
      isl = pl.ds(c * _CHUNK, _CHUNK)
      cp1 = pltpu.async_copy(t1_hbm.at[idx1_v.at[isl]], rows1_v.at[buf],
                             gsems[buf])
      cp2 = pltpu.async_copy(t2_hbm.at[idx2_v.at[isl]], rows2_v.at[buf],
                             gsems[buf])
      return cp1, cp2

    gathers = [None] * nchunks
    scatters = [None] * nchunks
    gathers[0] = fire_gather(0)
    for c in range(nchunks):
      buf = c % 2
      g1c, g2c = gathers[c]
      g1c.wait()
      g2c.wait()
      if c + 1 < nchunks:
        if c - 1 >= 0:
          s1p, s2p = scatters[c - 1]
          s1p.wait()
          s2p.wait()
        gathers[c + 1] = fire_gather(c + 1)
      osl = pl.ds(wbase + c * _CHUNK, _CHUNK)
      scatters[c] = (
          pltpu.async_copy(rows1_v.at[buf], g1_hbm.at[osl], ssems[buf]),
          pltpu.async_copy(rows2_v.at[buf], g2_hbm.at[osl], ssems[buf]),
      )
    for c in (nchunks - 2, nchunks - 1):
      if c >= 0:
        s1p, s2p = scatters[c]
        s1p.wait()
        s2p.wait()

  return sc_gather


def _tc_body(tb, g1_ref, g2_ref, ph_ref, par_ref, o_ref):
  s = par_ref[0]
  zp1 = par_ref[1]
  zp2 = par_ref[2]
  mult = (s * jnp.cos(ph_ref[...])).reshape(4, 16, 1)
  w1 = g1_ref[...].T
  w2 = g2_ref[...].T
  a_pl = []
  b_pl = []
  for b in range(4):
    p1 = jnp.right_shift(jnp.left_shift(w1, 24 - 8 * b), 24)
    p13 = p1.astype(jnp.float32).reshape(_D1, 16, tb)
    a_pl.append([(p13[d] - zp1) * mult[b] for d in range(_D1)])
    p2 = jnp.right_shift(jnp.left_shift(w2, 24 - 8 * b), 24)
    p23 = p2.astype(jnp.float32).reshape(_D1, 16, tb)
    b_pl.append([p23[d] - zp2 for d in range(_D2)])
  rows = []
  for d1 in range(_D1):
    for d2 in range(_D2):
      f = d1 * _D2 + d2
      if f >= _DM:
        break
      ps = [a_pl[b][d1] * b_pl[b][d2] for b in range(4)]
      acc = (ps[0] + ps[1]) + (ps[2] + ps[3])
      rows.append(jnp.sum(acc, axis=0, keepdims=True))
  out_f = jnp.concatenate(rows, axis=0)
  o_ref[...] = out_f.T


def kernel(input_ids, core1_q, core1_scale, core1_zp, core2_q, core2_scale,
           core2_zp, phase_shift):
  b, l = input_ids.shape
  ntok = b * l
  ids = input_ids.reshape(ntok).astype(jnp.int32)

  t1 = core1_q.reshape(_V1, _RANK, _D1).transpose(0, 2, 1)
  t2 = core2_q.reshape(_V2, _RANK, _D2).transpose(0, 2, 1)
  t2 = jnp.pad(t2, ((0, 0), (0, _D1 - _D2), (0, 0)))
  t1_w = lax.bitcast_convert_type(
      t1.reshape(_V1, _WORDS, 4), jnp.int32)
  t2_w = lax.bitcast_convert_type(
      t2.reshape(_V2, _WORDS, 4), jnp.int32)

  info = plsc.get_sparse_core_info()
  nw = info.num_cores * info.num_subcores
  tok_per_w = ntok // nw

  g1_w, g2_w = _sc_gather_fn(ntok, tok_per_w, info.num_cores)(ids, t1_w, t2_w)

  params = jnp.stack([
      (core1_scale * core2_scale).astype(jnp.float32),
      core1_zp.astype(jnp.float32),
      core2_zp.astype(jnp.float32),
      jnp.float32(0.0),
  ])
  ph = phase_shift.reshape(16, 4).T.astype(jnp.float32)

  tb = 1024
  nblk = ntok // tb
  out = pl.pallas_call(
      functools.partial(_tc_body, tb),
      grid=(nblk,),
      in_specs=[
          pl.BlockSpec((tb, _WORDS), lambda i: (i, 0)),
          pl.BlockSpec((tb, _WORDS), lambda i: (i, 0)),
          pl.BlockSpec((4, 16), lambda i: (0, 0)),
          pl.BlockSpec(memory_space=pltpu.SMEM),
      ],
      out_specs=pl.BlockSpec((tb, _DM), lambda i: (i, 0)),
      out_shape=jax.ShapeDtypeStruct((ntok, _DM), jnp.float32),
  )(g1_w, g2_w, ph, params)

  return out.reshape(b, l, _DM)

# --- scband reference (transcript-rebuilt; emitter-appended) ---
"""Pipeline reference for scband-quantized-holographic-ttembedding-41575283425407 (READ-ONLY COPY).

The authoritative reference and input builder live on the scoring server;
editing this copy changes nothing except your own understanding.
"""

import jax, jax.numpy as jnp
import numpy as np

VOCAB = 1000000
D_MODEL = 128
RANK = 64
V1 = 1000   # ceil(sqrt(1000000))
V2 = 1000   # ceil(1000000 / 1000)
D1 = 12     # ceil(sqrt(128))
D2 = 11     # ceil(128 / 12)
B = 1024
L = 20


def setup_inputs(seed: int = 0) -> dict:
    key = jax.random.key(seed)
    k1, k2, k3, k4 = jax.random.split(key, 4)
    input_ids = jax.random.randint(k1, (B, L), 0, VOCAB)
    core1_q = jax.random.randint(k2, (V1, 1, RANK, D1), -127, 128, dtype=jnp.int8)
    core2_q = jax.random.randint(k3, (V2, RANK, 1, D2), -127, 128, dtype=jnp.int8)
    phase_shift = 0.1 * jax.random.normal(k4, (RANK,), dtype=jnp.float32)
    return {
        "input_ids": input_ids,
        "core1_q": core1_q,
        "core1_scale": jnp.float32(0.02),
        "core1_zp": jnp.float32(0.0),
        "core2_q": core2_q,
        "core2_scale": jnp.float32(0.02),
        "core2_zp": jnp.float32(0.0),
        "phase_shift": phase_shift,
    }


def reference(input_ids, core1_q, core1_scale, core1_zp, core2_q, core2_scale, core2_zp, phase_shift):
    # dequantize cores (affine dequant: scale * (q - zp))
    c1_full = core1_scale * (core1_q.astype(jnp.float32) - core1_zp)  # [V1, 1, R, D1]
    c2_full = core2_scale * (core2_q.astype(jnp.float32) - core2_zp)  # [V2, R, 1, D2]
    idx1 = jnp.clip(input_ids // V2, 0, V1 - 1)
    idx2 = jnp.clip(input_ids % V2, 0, V2 - 1)
    c1 = jnp.take(c1_full, idx1, axis=0)[:, :, 0, :, :]   # [B, L, R, D1]
    c2 = jnp.take(c2_full, idx2, axis=0)[:, :, :, 0, :]   # [B, L, R, D2]
    phase_mod = jnp.cos(phase_shift)
    c1 = c1 * phase_mod.reshape(1, 1, -1, 1)
    out_tensor = jnp.einsum('blrd,blrf->bldf', c1, c2)    # [B, L, D1, D2]
    out = out_tensor.reshape(input_ids.shape[0], input_ids.shape[1], -1)
    out = out[:, :, :D_MODEL]
    return out

if __name__ == "__main__":
    import jax
    _d = setup_inputs()
    print(jax.jit(kernel)(*tuple(_d.values())))

</pallas_src>

<mosaic_0001>
#map = affine_map<(d0, d1) -> (0)>
#map1 = affine_map<(d0, d1) -> (0, 0)>
module attributes {stable_mosaic.version = 14 : i64} {
  func.func @sc_gather(%arg0: i32, %arg1: i32, %arg2: memref<20480xi32, #tpu.memory_space<hbm>>, %arg3: memref<1000x192xi32, #tpu.memory_space<hbm>>, %arg4: memref<1000x192xi32, #tpu.memory_space<hbm>>, %arg5: memref<20480x192xi32, #tpu.memory_space<hbm>>, %arg6: memref<20480x192xi32, #tpu.memory_space<hbm>>, %arg7: memref<640xi32, #tpu.memory_space<vmem>>, %arg8: memref<640xi32, #tpu.memory_space<vmem>>, %arg9: memref<640xi32, #tpu.memory_space<vmem>>, %arg10: memref<2x128x192xi32, #tpu.memory_space<vmem>>, %arg11: memref<2x128x192xi32, #tpu.memory_space<vmem>>, %arg12: memref<!tpu.dma_semaphore, #tpu.memory_space<semaphore_mem>>, %arg13: memref<!tpu.dma_semaphore, #tpu.memory_space<semaphore_mem>>, %arg14: memref<!tpu.dma_semaphore, #tpu.memory_space<semaphore_mem>>, %arg15: memref<!tpu.dma_semaphore, #tpu.memory_space<semaphore_mem>>) attributes {dimension_semantics = [#tpu.dimension_semantics<core_parallel>, #tpu.dimension_semantics<subcore_parallel>], iteration_bounds = array<i64: 2, 16>, scalar_prefetch = 0 : i64, scratch_operands = 9 : i64, tpu.core_type = #tpu.core_type<sc_vector_subcore>, window_params = [{transform_indices = #map}, {transform_indices = #map1}, {transform_indices = #map1}, {transform_indices = #map1}, {transform_indices = #map1}]} {
    %mul3A = arith.constant 2 : i32
    %mul3A_0 = arith.muli %arg1, %mul3A : i32
    %add3A = arith.addi %mul3A_0, %arg0 : i32
    %mul3A_1 = arith.constant 640 : i32
    %mul3A_2 = arith.muli %add3A, %mul3A_1 : i32
    "tpu.region"() ({
      %run_scoped3A = tpu.sem_alloc : memref<!tpu.dma_semaphore, #tpu.memory_space<semaphore_mem>>
      %dma_start3A_1469 = tpu.memref_slice %arg2[%mul3A_2] : memref<20480xi32, #tpu.memory_space<hbm>> -> memref<640xi32, #tpu.memory_space<hbm>>
      %dma_start3A_1470 = tpu.memref_slice %arg2[%mul3A_2] : memref<20480xi32, #tpu.memory_space<hbm>> -> memref<640xi32, #tpu.memory_space<hbm>>
      tpu.enqueue_dma source(%dma_start3A_1470 : memref<640xi32, #tpu.memory_space<hbm>>) target(%arg7 : memref<640xi32, #tpu.memory_space<vmem>>) target_semaphore(%run_scoped3A : memref<!tpu.dma_semaphore, #tpu.memory_space<semaphore_mem>>)
      %dma_wait3A_1471 = tpu.memref_slice %arg2[%mul3A_2] : memref<20480xi32, #tpu.memory_space<hbm>> -> memref<640xi32, #tpu.memory_space<hbm>>
      %dma_wait3A_1472 = tpu.memref_slice %arg2[%mul3A_2] : memref<20480xi32, #tpu.memory_space<hbm>> -> memref<640xi32, #tpu.memory_space<hbm>>
      tpu.wait_dma2 semaphore(%run_scoped3A : memref<!tpu.dma_semaphore, #tpu.memory_space<semaphore_mem>>) src(%dma_wait3A_1472 : memref<640xi32, #tpu.memory_space<hbm>>) dst(%arg7 : memref<640xi32, #tpu.memory_space<vmem>>)
      tpu.yield
    }) : () -> ()
    %broadcast_in_dim3A = arith.constant 1000 : i32
    %broadcast_in_dim3A_3 = vector.broadcast %broadcast_in_dim3A : i32 to vector<16xi32>
    %broadcast_in_dim3A_4 = arith.constant 1 : i32
    %broadcast_in_dim3A_5 = vector.broadcast %broadcast_in_dim3A_4 : i32 to vector<16xi32>
    %broadcast_in_dim3A_6 = arith.constant 1.000000e-03 : f32
    %broadcast_in_dim3A_7 = vector.broadcast %broadcast_in_dim3A_6 : f32 to vector<16xf32>
    %get3A = arith.constant 0 : index
    %get3A_8 = tpu.vector_load %arg7[%get3A] {strides = array<i32>} : memref<640xi32, #tpu.memory_space<vmem>>, vector<16xi32>,
    %get3A_9 = vector.shape_cast %get3A_8 : vector<16xi32> to vector<16xi32>
    %convert_element_type3A = arith.sitofp %get3A_9 : vector<16xi32> to vector<16xf32>
    %mul3A_10 = arith.mulf %convert_element_type3A, %broadcast_in_dim3A_7 : vector<16xf32>
    %convert_element_type3A_11 = arith.fptosi %mul3A_10 : vector<16xf32> to vector<16xi32>
    %mul3A_12 = arith.muli %convert_element_type3A_11, %broadcast_in_dim3A_3 : vector<16xi32>
    %gt3A = arith.cmpi sgt, %mul3A_12, %get3A_9 : vector<16xi32>
    %sub3A = arith.subi %convert_element_type3A_11, %broadcast_in_dim3A_5 : vector<16xi32>
    %select_n3A = arith.select %gt3A, %sub3A, %convert_element_type3A_11 : vector<16xi1>, vector<16xi32>
    %mul3A_13 = arith.muli %select_n3A, %broadcast_in_dim3A_3 : vector<16xi32>
    %add3A_14 = arith.addi %mul3A_13, %broadcast_in_dim3A_3 : vector<16xi32>
    %le3A = arith.cmpi sle, %add3A_14, %get3A_9 : vector<16xi32>
    %add3A_15 = arith.addi %select_n3A, %broadcast_in_dim3A_5 : vector<16xi32>
    %select_n3A_16 = arith.select %le3A, %add3A_15, %select_n3A : vector<16xi1>, vector<16xi32>
    %swap3A = arith.constant 0 : index
    %swap3A_17 = tpu.vector_load %arg8[%swap3A] {strides = array<i32>} : memref<640xi32, #tpu.memory_space<vmem>>, vector<16xi32>,
    %swap3A_18 = vector.shape_cast %swap3A_17 : vector<16xi32> to vector<16xi32>
    %swap3A_19 = vector.shape_cast %select_n3A_16 : vector<16xi32> to vector<16xi32>
    tpu.vector_store %arg8[%swap3A], %swap3A_19 {strides = array<i32>} : memref<640xi32, #tpu.memory_space<vmem>>, vector<16xi32>,
    %mul3A_20 = arith.muli %select_n3A_16, %broadcast_in_dim3A_3 : vector<16xi32>
    %sub3A_21 = arith.subi %get3A_9, %mul3A_20 : vector<16xi32>
    %swap3A_22 = arith.constant 0 : index
    %swap3A_23 = tpu.vector_load %arg9[%swap3A_22] {strides = array<i32>} : memref<640xi32, #tpu.memory_space<vmem>>, vector<16xi32>,
    %swap3A_24 = vector.shape_cast %swap3A_23 : vector<16xi32> to vector<16xi32>
    %swap3A_25 = vector.shape_cast %sub3A_21 : vector<16xi32> to vector<16xi32>
    tpu.vector_store %arg9[%swap3A_22], %swap3A_25 {strides = array<i32>} : memref<640xi32, #tpu.memory_space<vmem>>, vector<16xi32>,
    %get3A_26 = arith.constant 16 : index
    %get3A_27 = tpu.vector_load %arg7[%get3A_26] {strides = array<i32>} : memref<640xi32, #tpu.memory_space<vmem>>, vector<16xi32>,
    %get3A_28 = vector.shape_cast %get3A_27 : vector<16xi32> to vector<16xi32>
    %convert_element_type3A_29 = arith.sitofp %get3A_28 : vector<16xi32> to vector<16xf32>
    %mul3A_30 = arith.mulf %convert_element_type3A_29, %broadcast_in_dim3A_7 : vector<16xf32>
    %convert_element_type3A_31 = arith.fptosi %mul3A_30 : vector<16xf32> to vector<16xi32>
    %mul3A_32 = arith.muli %convert_element_type3A_31, %broadcast_in_dim3A_3 : vector<16xi32>
    %gt3A_33 = arith.cmpi sgt, %mul3A_32, %get3A_28 : vector<16xi32>
    %sub3A_34 = arith.subi %convert_element_type3A_31, %broadcast_in_dim3A_5 : vector<16xi32>
    %select_n3A_35 = arith.select %gt3A_33, %sub3A_34, %convert_element_type3A_31 : vector<16xi1>, vector<16xi32>
    %mul3A_36 = arith.muli %select_n3A_35, %broadcast_in_dim3A_3 : vector<16xi32>
    %add3A_37 = arith.addi %mul3A_36, %broadcast_in_dim3A_3 : vector<16xi32>
    %le3A_38 = arith.cmpi sle, %add3A_37, %get3A_28 : vector<16xi32>
    %add3A_39 = arith.addi %select_n3A_35, %broadcast_in_dim3A_5 : vector<16xi32>
    %select_n3A_40 = arith.select %le3A_38, %add3A_39, %select_n3A_35 : vector<16xi1>, vector<16xi32>
    %swap3A_41 = arith.constant 16 : index
    %swap3A_42 = tpu.vector_load %arg8[%swap3A_41] {strides = array<i32>} : memref<640xi32, #tpu.memory_space<vmem>>, vector<16xi32>,
    %swap3A_43 = vector.shape_cast %swap3A_42 : vector<16xi32> to vector<16xi32>
    %swap3A_44 = vector.shape_cast %select_n3A_40 : vector<16xi32> to vector<16xi32>
    tpu.vector_store %arg8[%swap3A_41], %swap3A_44 {strides = array<i32>} : memref<640xi32, #tpu.memory_space<vmem>>, vector<16xi32>,
    %mul3A_45 = arith.muli %select_n3A_40, %broadcast_in_dim3A_3 : vector<16xi32>
    %sub3A_46 = arith.subi %get3A_28, %mul3A_45 : vector<16xi32>
    %swap3A_47 = arith.constant 16 : index
    %swap3A_48 = tpu.vector_load %arg9[%swap3A_47] {strides = array<i32>} : memref<640xi32, #tpu.memory_space<vmem>>, vector<16xi32>,
    %swap3A_49 = vector.shape_cast %swap3A_48 : vector<16xi32> to vector<16xi32>
    %swap3A_50 = vector.shape_cast %sub3A_46 : vector<16xi32> to vector<16xi32>
    tpu.vector_store %arg9[%swap3A_47], %swap3A_50 {strides = array<i32>} : memref<640xi32, #tpu.memory_space<vmem>>, vector<16xi32>,
    %get3A_51 = arith.constant 32 : index
    %get3A_52 = tpu.vector_load %arg7[%get3A_51] {strides = array<i32>} : memref<640xi32, #tpu.memory_space<vmem>>, vector<16xi32>,
    %get3A_53 = vector.shape_cast %get3A_52 : vector<16xi32> to vector<16xi32>
    %convert_element_type3A_54 = arith.sitofp %get3A_53 : vector<16xi32> to vector<16xf32>
    %mul3A_55 = arith.mulf %convert_element_type3A_54, %broadcast_in_dim3A_7 : vector<16xf32>
    %convert_element_type3A_56 = arith.fptosi %mul3A_55 : vector<16xf32> to vector<16xi32>
    %mul3A_57 = arith.muli %convert_element_type3A_56, %broadcast_in_dim3A_3 : vector<16xi32>
    %gt3A_58 = arith.cmpi sgt, %mul3A_57, %get3A_53 : vector<16xi32>
    %sub3A_59 = arith.subi %convert_element_type3A_56, %broadcast_in_dim3A_5 : vector<16xi32>
    %select_n3A_60 = arith.select %gt3A_58, %sub3A_59, %convert_element_type3A_56 : vector<16xi1>, vector<16xi32>
    %mul3A_61 = arith.muli %select_n3A_60, %broadcast_in_dim3A_3 : vector<16xi32>
    %add3A_62 = arith.addi %mul3A_61, %broadcast_in_dim3A_3 : vector<16xi32>
    %le3A_63 = arith.cmpi sle, %add3A_62, %get3A_53 : vector<16xi32>
    %add3A_64 = arith.addi %select_n3A_60, %broadcast_in_dim3A_5 : vector<16xi32>
    %select_n3A_65 = arith.select %le3A_63, %add3A_64, %select_n3A_60 : vector<16xi1>, vector<16xi32>
    %swap3A_66 = arith.constant 32 : index
    %swap3A_67 = tpu.vector_load %arg8[%swap3A_66] {strides = array<i32>} : memref<640xi32, #tpu.memory_space<vmem>>, vector<16xi32>,
    %swap3A_68 = vector.shape_cast %swap3A_67 : vector<16xi32> to vector<16xi32>
    %swap3A_69 = vector.shape_cast %select_n3A_65 : vector<16xi32> to vector<16xi32>
    tpu.vector_store %arg8[%swap3A_66], %swap3A_69 {strides = array<i32>} : memref<640xi32, #tpu.memory_space<vmem>>, vector<16xi32>,
    %mul3A_70 = arith.muli %select_n3A_65, %broadcast_in_dim3A_3 : vector<16xi32>
    %sub3A_71 = arith.subi %get3A_53, %mul3A_70 : vector<16xi32>
    %swap3A_72 = arith.constant 32 : index
    %swap3A_73 = tpu.vector_load %arg9[%swap3A_72] {strides = array<i32>} : memref<640xi32, #tpu.memory_space<vmem>>, vector<16xi32>,
    %swap3A_74 = vector.shape_cast %swap3A_73 : vector<16xi32> to vector<16xi32>
    %swap3A_75 = vector.shape_cast %sub3A_71 : vector<16xi32> to vector<16xi32>
    tpu.vector_store %arg9[%swap3A_72], %swap3A_75 {strides = array<i32>} : memref<640xi32, #tpu.memory_space<vmem>>, vector<16xi32>,
    %get3A_76 = arith.constant 48 : index
    %get3A_77 = tpu.vector_load %arg7[%get3A_76] {strides = array<i32>} : memref<640xi32, #tpu.memory_space<vmem>>, vector<16xi32>,
    %get3A_78 = vector.shape_cast %get3A_77 : vector<16xi32> to vector<16xi32>
    %convert_element_type3A_79 = arith.sitofp %get3A_78 : vector<16xi32> to vector<16xf32>
    %mul3A_80 = arith.mulf %convert_element_type3A_79, %broadcast_in_dim3A_7 : vector<16xf32>
    %convert_element_type3A_81 = arith.fptosi %mul3A_80 : vector<16xf32> to vector<16xi32>
    %mul3A_82 = arith.muli %convert_element_type3A_81, %broadcast_in_dim3A_3 : vector<16xi32>
    %gt3A_83 = arith.cmpi sgt, %mul3A_82, %get3A_78 : vector<16xi32>
    %sub3A_84 = arith.subi %convert_element_type3A_81, %broadcast_in_dim3A_5 : vector<16xi32>
    %select_n3A_85 = arith.select %gt3A_83, %sub3A_84, %convert_element_type3A_81 : vector<16xi1>, vector<16xi32>
    %mul3A_86 = arith.muli %select_n3A_85, %broadcast_in_dim3A_3 : vector<16xi32>
    %add3A_87 = arith.addi %mul3A_86, %broadcast_in_dim3A_3 : vector<16xi32>
    %le3A_88 = arith.cmpi sle, %add3A_87, %get3A_78 : vector<16xi32>
    %add3A_89 = arith.addi %select_n3A_85, %broadcast_in_dim3A_5 : vector<16xi32>
    %select_n3A_90 = arith.select %le3A_88, %add3A_89, %select_n3A_85 : vector<16xi1>, vector<16xi32>
    %swap3A_91 = arith.constant 48 : index
    %swap3A_92 = tpu.vector_load %arg8[%swap3A_91] {strides = array<i32>} : memref<640xi32, #tpu.memory_space<vmem>>, vector<16xi32>,
    %swap3A_93 = vector.shape_cast %swap3A_92 : vector<16xi32> to vector<16xi32>
    %swap3A_94 = vector.shape_cast %select_n3A_90 : vector<16xi32> to vector<16xi32>
    tpu.vector_store %arg8[%swap3A_91], %swap3A_94 {strides = array<i32>} : memref<640xi32, #tpu.memory_space<vmem>>, vector<16xi32>,
    %mul3A_95 = arith.muli %select_n3A_90, %broadcast_in_dim3A_3 : vector<16xi32>
    %sub3A_96 = arith.subi %get3A_78, %mul3A_95 : vector<16xi32>
    %swap3A_97 = arith.constant 48 : index
    %swap3A_98 = tpu.vector_load %arg9[%swap3A_97] {strides = array<i32>} : memref<640xi32, #tpu.memory_space<vmem>>, vector<16xi32>,
    %swap3A_99 = vector.shape_cast %swap3A_98 : vector<16xi32> to vector<16xi32>
    %swap3A_100 = vector.shape_cast %sub3A_96 : vector<16xi32> to vector<16xi32>
    tpu.vector_store %arg9[%swap3A_97], %swap3A_100 {strides = array<i32>} : memref<640xi32, #tpu.memory_space<vmem>>, vector<16xi32>,
    %get3A_101 = arith.constant 64 : index
    %get3A_102 = tpu.vector_load %arg7[%get3A_101] {strides = array<i32>} : memref<640xi32, #tpu.memory_space<vmem>>, vector<16xi32>,
    %get3A_103 = vector.shape_cast %get3A_102 : vector<16xi32> to vector<16xi32>
    %convert_element_type3A_104 = arith.sitofp %get3A_103 : vector<16xi32> to vector<16xf32>
    %mul3A_105 = arith.mulf %convert_element_type3A_104, %broadcast_in_dim3A_7 : vector<16xf32>
    %convert_element_type3A_106 = arith.fptosi %mul3A_105 : vector<16xf32> to vector<16xi32>
    %mul3A_107 = arith.muli %convert_element_type3A_106, %broadcast_in_dim3A_3 : vector<16xi32>
    %gt3A_108 = arith.cmpi sgt, %mul3A_107, %get3A_103 : vector<16xi32>
    %sub3A_109 = arith.subi %convert_element_type3A_106, %broadcast_in_dim3A_5 : vector<16xi32>
    %select_n3A_110 = arith.select %gt3A_108, %sub3A_109, %convert_element_type3A_106 : vector<16xi1>, vector<16xi32>
    %mul3A_111 = arith.muli %select_n3A_110, %broadcast_in_dim3A_3 : vector<16xi32>
    %add3A_112 = arith.addi %mul3A_111, %broadcast_in_dim3A_3 : vector<16xi32>
    %le3A_113 = arith.cmpi sle, %add3A_112, %get3A_103 : vector<16xi32>
    %add3A_114 = arith.addi %select_n3A_110, %broadcast_in_dim3A_5 : vector<16xi32>
    %select_n3A_115 = arith.select %le3A_113, %add3A_114, %select_n3A_110 : vector<16xi1>, vector<16xi32>
    %swap3A_116 = arith.constant 64 : index
    %swap3A_117 = tpu.vector_load %arg8[%swap3A_116] {strides = array<i32>} : memref<640xi32, #tpu.memory_space<vmem>>, vector<16xi32>,
    %swap3A_118 = vector.shape_cast %swap3A_117 : vector<16xi32> to vector<16xi32>
    %swap3A_119 = vector.shape_cast %select_n3A_115 : vector<16xi32> to vector<16xi32>
    tpu.vector_store %arg8[%swap3A_116], %swap3A_119 {strides = array<i32>} : memref<640xi32, #tpu.memory_space<vmem>>, vector<16xi32>,
    %mul3A_120 = arith.muli %select_n3A_115, %broadcast_in_dim3A_3 : vector<16xi32>
    %sub3A_121 = arith.subi %get3A_103, %mul3A_120 : vector<16xi32>
    %swap3A_122 = arith.constant 64 : index
    %swap3A_123 = tpu.vector_load %arg9[%swap3A_122] {strides = array<i32>} : memref<640xi32, #tpu.memory_space<vmem>>, vector<16xi32>,
    %swap3A_124 = vector.shape_cast %swap3A_123 : vector<16xi32> to vector<16xi32>
    %swap3A_125 = vector.shape_cast %sub3A_121 : vector<16xi32> to vector<16xi32>
    tpu.vector_store %arg9[%swap3A_122], %swap3A_125 {strides = array<i32>} : memref<640xi32, #tpu.memory_space<vmem>>, vector<16xi32>,
    %get3A_126 = arith.constant 80 : index
    %get3A_127 = tpu.vector_load %arg7[%get3A_126] {strides = array<i32>} : memref<640xi32, #tpu.memory_space<vmem>>, vector<16xi32>,
    %get3A_128 = vector.shape_cast %get3A_127 : vector<16xi32> to vector<16xi32>
    %convert_element_type3A_129 = arith.sitofp %get3A_128 : vector<16xi32> to vector<16xf32>
    %mul3A_130 = arith.mulf %convert_element_type3A_129, %broadcast_in_dim3A_7 : vector<16xf32>
    %convert_element_type3A_131 = arith.fptosi %mul3A_130 : vector<16xf32> to vector<16xi32>
    %mul3A_132 = arith.muli %convert_element_type3A_131, %broadcast_in_dim3A_3 : vector<16xi32>
    %gt3A_133 = arith.cmpi sgt, %mul3A_132, %get3A_128 : vector<16xi32>
    %sub3A_134 = arith.subi %convert_element_type3A_131, %broadcast_in_dim3A_5 : vector<16xi32>
    %select_n3A_135 = arith.select %gt3A_133, %sub3A_134, %convert_element_type3A_131 : vector<16xi1>, vector<16xi32>
    %mul3A_136 = arith.muli %select_n3A_135, %broadcast_in_dim3A_3 : vector<16xi32>
    %add3A_137 = arith.addi %mul3A_136, %broadcast_in_dim3A_3 : vector<16xi32>
    %le3A_138 = arith.cmpi sle, %add3A_137, %get3A_128 : vector<16xi32>
    %add3A_139 = arith.addi %select_n3A_135, %broadcast_in_dim3A_5 : vector<16xi32>
    %select_n3A_140 = arith.select %le3A_138, %add3A_139, %select_n3A_135 : vector<16xi1>, vector<16xi32>
    %swap3A_141 = arith.constant 80 : index
    %swap3A_142 = tpu.vector_load %arg8[%swap3A_141] {strides = array<i32>} : memref<640xi32, #tpu.memory_space<vmem>>, vector<16xi32>,
    %swap3A_143 = vector.shape_cast %swap3A_142 : vector<16xi32> to vector<16xi32>
    %swap3A_144 = vector.shape_cast %select_n3A_140 : vector<16xi32> to vector<16xi32>
    tpu.vector_store %arg8[%swap3A_141], %swap3A_144 {strides = array<i32>} : memref<640xi32, #tpu.memory_space<vmem>>, vector<16xi32>,
    %mul3A_145 = arith.muli %select_n3A_140, %broadcast_in_dim3A_3 : vector<16xi32>
    %sub3A_146 = arith.subi %get3A_128, %mul3A_145 : vector<16xi32>
    %swap3A_147 = arith.constant 80 : index
    %swap3A_148 = tpu.vector_load %arg9[%swap3A_147] {strides = array<i32>} : memref<640xi32, #tpu.memory_space<vmem>>, vector<16xi32>,
    %swap3A_149 = vector.shape_cast %swap3A_148 : vector<16xi32> to vector<16xi32>
    %swap3A_150 = vector.shape_cast %sub3A_146 : vector<16xi32> to vector<16xi32>
    tpu.vector_store %arg9[%swap3A_147], %swap3A_150 {strides = array<i32>} : memref<640xi32, #tpu.memory_space<vmem>>, vector<16xi32>,
    %get3A_151 = arith.constant 96 : index
    %get3A_152 = tpu.vector_load %arg7[%get3A_151] {strides = array<i32>} : memref<640xi32, #tpu.memory_space<vmem>>, vector<16xi32>,
    %get3A_153 = vector.shape_cast %get3A_152 : vector<16xi32> to vector<16xi32>
    %convert_element_type3A_154 = arith.sitofp %get3A_153 : vector<16xi32> to vector<16xf32>
    %mul3A_155 = arith.mulf %convert_element_type3A_154, %broadcast_in_dim3A_7 : vector<16xf32>
    %convert_element_type3A_156 = arith.fptosi %mul3A_155 : vector<16xf32> to vector<16xi32>
    %mul3A_157 = arith.muli %convert_element_type3A_156, %broadcast_in_dim3A_3 : vector<16xi32>
    %gt3A_158 = arith.cmpi sgt, %mul3A_157, %get3A_153 : vector<16xi32>
    %sub3A_159 = arith.subi %convert_element_type3A_156, %broadcast_in_dim3A_5 : vector<16xi32>
    %select_n3A_160 = arith.select %gt3A_158, %sub3A_159, %convert_element_type3A_156 : vector<16xi1>, vector<16xi32>
    %mul3A_161 = arith.muli %select_n3A_160, %broadcast_in_dim3A_3 : vector<16xi32>
    %add3A_162 = arith.addi %mul3A_161, %broadcast_in_dim3A_3 : vector<16xi32>
    %le3A_163 = arith.cmpi sle, %add3A_162, %get3A_153 : vector<16xi32>
    %add3A_164 = arith.addi %select_n3A_160, %broadcast_in_dim3A_5 : vector<16xi32>
    %select_n3A_165 = arith.select %le3A_163, %add3A_164, %select_n3A_160 : vector<16xi1>, vector<16xi32>
    %swap3A_166 = arith.constant 96 : index
    %swap3A_167 = tpu.vector_load %arg8[%swap3A_166] {strides = array<i32>} : memref<640xi32, #tpu.memory_space<vmem>>, vector<16xi32>,
    %swap3A_168 = vector.shape_cast %swap3A_167 : vector<16xi32> to vector<16xi32>
    %swap3A_169 = vector.shape_cast %select_n3A_165 : vector<16xi32> to vector<16xi32>
    tpu.vector_store %arg8[%swap3A_166], %swap3A_169 {strides = array<i32>} : memref<640xi32, #tpu.memory_space<vmem>>, vector<16xi32>,
    %mul3A_170 = arith.muli %select_n3A_165, %broadcast_in_dim3A_3 : vector<16xi32>
    %sub3A_171 = arith.subi %get3A_153, %mul3A_170 : vector<16xi32>
    %swap3A_172 = arith.constant 96 : index
    %swap3A_173 = tpu.vector_load %arg9[%swap3A_172] {strides = array<i32>} : memref<640xi32, #tpu.memory_space<vmem>>, vector<16xi32>,
    %swap3A_174 = vector.shape_cast %swap3A_173 : vector<16xi32> to vector<16xi32>
    %swap3A_175 = vector.shape_cast %sub3A_171 : vector<16xi32> to vector<16xi32>
    tpu.vector_store %arg9[%swap3A_172], %swap3A_175 {strides = array<i32>} : memref<640xi32, #tpu.memory_space<vmem>>, vector<16xi32>,
    %get3A_176 = arith.constant 112 : index
    %get3A_177 = tpu.vector_load %arg7[%get3A_176] {strides = array<i32>} : memref<640xi32, #tpu.memory_space<vmem>>, vector<16xi32>,
    %get3A_178 = vector.shape_cast %get3A_177 : vector<16xi32> to vector<16xi32>
    %convert_element_type3A_179 = arith.sitofp %get3A_178 : vector<16xi32> to vector<16xf32>
    %mul3A_180 = arith.mulf %convert_element_type3A_179, %broadcast_in_dim3A_7 : vector<16xf32>
    %convert_element_type3A_181 = arith.fptosi %mul3A_180 : vector<16xf32> to vector<16xi32>
    %mul3A_182 = arith.muli %convert_element_type3A_181, %broadcast_in_dim3A_3 : vector<16xi32>
    %gt3A_183 = arith.cmpi sgt, %mul3A_182, %get3A_178 : vector<16xi32>
    %sub3A_184 = arith.subi %convert_element_type3A_181, %broadcast_in_dim3A_5 : vector<16xi32>
    %select_n3A_185 = arith.select %gt3A_183, %sub3A_184, %convert_element_type3A_181 : vector<16xi1>, vector<16xi32>
    %mul3A_186 = arith.muli %select_n3A_185, %broadcast_in_dim3A_3 : vector<16xi32>
    %add3A_187 = arith.addi %mul3A_186, %broadcast_in_dim3A_3 : vector<16xi32>
    %le3A_188 = arith.cmpi sle, %add3A_187, %get3A_178 : vector<16xi32>
    %add3A_189 = arith.addi %select_n3A_185, %broadcast_in_dim3A_5 : vector<16xi32>
    %select_n3A_190 = arith.select %le3A_188, %add3A_189, %select_n3A_185 : vector<16xi1>, vector<16xi32>
    %swap3A_191 = arith.constant 112 : index
    %swap3A_192 = tpu.vector_load %arg8[%swap3A_191] {strides = array<i32>} : memref<640xi32, #tpu.memory_space<vmem>>, vector<16xi32>,
    %swap3A_193 = vector.shape_cast %swap3A_192 : vector<16xi32> to vector<16xi32>
    %swap3A_194 = vector.shape_cast %select_n3A_190 : vector<16xi32> to vector<16xi32>
    tpu.vector_store %arg8[%swap3A_191], %swap3A_194 {strides = array<i32>} : memref<640xi32, #tpu.memory_space<vmem>>, vector<16xi32>,
    %mul3A_195 = arith.muli %select_n3A_190, %broadcast_in_dim3A_3 : vector<16xi32>
    %sub3A_196 = arith.subi %get3A_178, %mul3A_195 : vector<16xi32>
    %swap3A_197 = arith.constant 112 : index
    %swap3A_198 = tpu.vector_load %arg9[%swap3A_197] {strides = array<i32>} : memref<640xi32, #tpu.memory_space<vmem>>, vector<16xi32>,
    %swap3A_199 = vector.shape_cast %swap3A_198 : vector<16xi32> to vector<16xi32>
    %swap3A_200 = vector.shape_cast %sub3A_196 : vector<16xi32> to vector<16xi32>
    tpu.vector_store %arg9[%swap3A_197], %swap3A_200 {strides = array<i32>} : memref<640xi32, #tpu.memory_space<vmem>>, vector<16xi32>,
    %get3A_201 = arith.constant 128 : index
    %get3A_202 = tpu.vector_load %arg7[%get3A_201] {strides = array<i32>} : memref<640xi32, #tpu.memory_space<vmem>>, vector<16xi32>,
    %get3A_203 = vector.shape_cast %get3A_202 : vector<16xi32> to vector<16xi32>
    %convert_element_type3A_204 = arith.sitofp %get3A_203 : vector<16xi32> to vector<16xf32>
    %mul3A_205 = arith.mulf %convert_element_type3A_204, %broadcast_in_dim3A_7 : vector<16xf32>
    %convert_element_type3A_206 = arith.fptosi %mul3A_205 : vector<16xf32> to vector<16xi32>
    %mul3A_207 = arith.muli %convert_element_type3A_206, %broadcast_in_dim3A_3 : vector<16xi32>
    %gt3A_208 = arith.cmpi sgt, %mul3A_207, %get3A_203 : vector<16xi32>
    %sub3A_209 = arith.subi %convert_element_type3A_206, %broadcast_in_dim3A_5 : vector<16xi32>
    %select_n3A_210 = arith.select %gt3A_208, %sub3A_209, %convert_element_type3A_206 : vector<16xi1>, vector<16xi32>
    %mul3A_211 = arith.muli %select_n3A_210, %broadcast_in_dim3A_3 : vector<16xi32>
    %add3A_212 = arith.addi %mul3A_211, %broadcast_in_dim3A_3 : vector<16xi32>
    %le3A_213 = arith.cmpi sle, %add3A_212, %get3A_203 : vector<16xi32>
    %add3A_214 = arith.addi %select_n3A_210, %broadcast_in_dim3A_5 : vector<16xi32>
    %select_n3A_215 = arith.select %le3A_213, %add3A_214, %select_n3A_210 : vector<16xi1>, vector<16xi32>
    %swap3A_216 = arith.constant 128 : index
    %swap3A_217 = tpu.vector_load %arg8[%swap3A_216] {strides = array<i32>} : memref<640xi32, #tpu.memory_space<vmem>>, vector<16xi32>,
    %swap3A_218 = vector.shape_cast %swap3A_217 : vector<16xi32> to vector<16xi32>
    %swap3A_219 = vector.shape_cast %select_n3A_215 : vector<16xi32> to vector<16xi32>
    tpu.vector_store %arg8[%swap3A_216], %swap3A_219 {strides = array<i32>} : memref<640xi32, #tpu.memory_space<vmem>>, vector<16xi32>,
    %mul3A_220 = arith.muli %select_n3A_215, %broadcast_in_dim3A_3 : vector<16xi32>
    %sub3A_221 = arith.subi %get3A_203, %mul3A_220 : vector<16xi32>
    %swap3A_222 = arith.constant 128 : index
    %swap3A_223 = tpu.vector_load %arg9[%swap3A_222] {strides = array<i32>} : memref<640xi32, #tpu.memory_space<vmem>>, vector<16xi32>,
    %swap3A_224 = vector.shape_cast %swap3A_223 : vector<16xi32> to vector<16xi32>
    %swap3A_225 = vector.shape_cast %sub3A_221 : vector<16xi32> to vector<16xi32>
    tpu.vector_store %arg9[%swap3A_222], %swap3A_225 {strides = array<i32>} : memref<640xi32, #tpu.memory_space<vmem>>, vector<16xi32>,
    %get3A_226 = arith.constant 144 : index
    %get3A_227 = tpu.vector_load %arg7[%get3A_226] {strides = array<i32>} : memref<640xi32, #tpu.memory_space<vmem>>, vector<16xi32>,
    %get3A_228 = vector.shape_cast %get3A_227 : vector<16xi32> to vector<16xi32>
    %convert_element_type3A_229 = arith.sitofp %get3A_228 : vector<16xi32> to vector<16xf32>
    %mul3A_230 = arith.mulf %convert_element_type3A_229, %broadcast_in_dim3A_7 : vector<16xf32>
    %convert_element_type3A_231 = arith.fptosi %mul3A_230 : vector<16xf32> to vector<16xi32>
    %mul3A_232 = arith.muli %convert_element_type3A_231, %broadcast_in_dim3A_3 : vector<16xi32>
    %gt3A_233 = arith.cmpi sgt, %mul3A_232, %get3A_228 : vector<16xi32>
    %sub3A_234 = arith.subi %convert_element_type3A_231, %broadcast_in_dim3A_5 : vector<16xi32>
    %select_n3A_235 = arith.select %gt3A_233, %sub3A_234, %convert_element_type3A_231 : vector<16xi1>, vector<16xi32>
    %mul3A_236 = arith.muli %select_n3A_235, %broadcast_in_dim3A_3 : vector<16xi32>
    %add3A_237 = arith.addi %mul3A_236, %broadcast_in_dim3A_3 : vector<16xi32>
    %le3A_238 = arith.cmpi sle, %add3A_237, %get3A_228 : vector<16xi32>
    %add3A_239 = arith.addi %select_n3A_235, %broadcast_in_dim3A_5 : vector<16xi32>
    %select_n3A_240 = arith.select %le3A_238, %add3A_239, %select_n3A_235 : vector<16xi1>, vector<16xi32>
    %swap3A_241 = arith.constant 144 : index
    %swap3A_242 = tpu.vector_load %arg8[%swap3A_241] {strides = array<i32>} : memref<640xi32, #tpu.memory_space<vmem>>, vector<16xi32>,
    %swap3A_243 = vector.shape_cast %swap3A_242 : vector<16xi32> to vector<16xi32>
    %swap3A_244 = vector.shape_cast %select_n3A_240 : vector<16xi32> to vector<16xi32>
    tpu.vector_store %arg8[%swap3A_241], %swap3A_244 {strides = array<i32>} : memref<640xi32, #tpu.memory_space<vmem>>, vector<16xi32>,
    %mul3A_245 = arith.muli %select_n3A_240, %broadcast_in_dim3A_3 : vector<16xi32>
    %sub3A_246 = arith.subi %get3A_228, %mul3A_245 : vector<16xi32>
    %swap3A_247 = arith.constant 144 : index
    %swap3A_248 = tpu.vector_load %arg9[%swap3A_247] {strides = array<i32>} : memref<640xi32, #tpu.memory_space<vmem>>, vector<16xi32>,
    %swap3A_249 = vector.shape_cast %swap3A_248 : vector<16xi32> to vector<16xi32>
    %swap3A_250 = vector.shape_cast %sub3A_246 : vector<16xi32> to vector<16xi32>
    tpu.vector_store %arg9[%swap3A_247], %swap3A_250 {strides = array<i32>} : memref<640xi32, #tpu.memory_space<vmem>>, vector<16xi32>,
    %get3A_251 = arith.constant 160 : index
    %get3A_252 = tpu.vector_load %arg7[%get3A_251] {strides = array<i32>} : memref<640xi32, #tpu.memory_space<vmem>>, vector<16xi32>,
    %get3A_253 = vector.shape_cast %get3A_252 : vector<16xi32> to vector<16xi32>
    %convert_element_type3A_254 = arith.sitofp %get3A_253 : vector<16xi32> to vector<16xf32>
    %mul3A_255 = arith.mulf %convert_element_type3A_254, %broadcast_in_dim3A_7 : vector<16xf32>
    %convert_element_type3A_256 = arith.fptosi %mul3A_255 : vector<16xf32> to vector<16xi32>
    %mul3A_257 = arith.muli %convert_element_type3A_256, %broadcast_in_dim3A_3 : vector<16xi32>
    %gt3A_258 = arith.cmpi sgt, %mul3A_257, %get3A_253 : vector<16xi32>
    %sub3A_259 = arith.subi %convert_element_type3A_256, %broadcast_in_dim3A_5 : vector<16xi32>
    %select_n3A_260 = arith.select %gt3A_258, %sub3A_259, %convert_element_type3A_256 : vector<16xi1>, vector<16xi32>
    %mul3A_261 = arith.muli %select_n3A_260, %broadcast_in_dim3A_3 : vector<16xi32>
    %add3A_262 = arith.addi %mul3A_261, %broadcast_in_dim3A_3 : vector<16xi32>
    %le3A_263 = arith.cmpi sle, %add3A_262, %get3A_253 : vector<16xi32>
    %add3A_264 = arith.addi %select_n3A_260, %broadcast_in_dim3A_5 : vector<16xi32>
    %select_n3A_265 = arith.select %le3A_263, %add3A_264, %select_n3A_260 : vector<16xi1>, vector<16xi32>
    %swap3A_266 = arith.constant 160 : index
    %swap3A_267 = tpu.vector_load %arg8[%swap3A_266] {strides = array<i32>} : memref<640xi32, #tpu.memory_space<vmem>>, vector<16xi32>,
    %swap3A_268 = vector.shape_cast %swap3A_267 : vector<16xi32> to vector<16xi32>
    %swap3A_269 = vector.shape_cast %select_n3A_265 : vector<16xi32> to vector<16xi32>
    tpu.vector_store %arg8[%swap3A_266], %swap3A_269 {strides = array<i32>} : memref<640xi32, #tpu.memory_space<vmem>>, vector<16xi32>,
    %mul3A_270 = arith.muli %select_n3A_265, %broadcast_in_dim3A_3 : vector<16xi32>
    %sub3A_271 = arith.subi %get3A_253, %mul3A_270 : vector<16xi32>
    %swap3A_272 = arith.constant 160 : index
    %swap3A_273 = tpu.vector_load %arg9[%swap3A_272] {strides = array<i32>} : memref<640xi32, #tpu.memory_space<vmem>>, vector<16xi32>,
    %swap3A_274 = vector.shape_cast %swap3A_273 : vector<16xi32> to vector<16xi32>
    %swap3A_275 = vector.shape_cast %sub3A_271 : vector<16xi32> to vector<16xi32>
    tpu.vector_store %arg9[%swap3A_272], %swap3A_275 {strides = array<i32>} : memref<640xi32, #tpu.memory_space<vmem>>, vector<16xi32>,
    %get3A_276 = arith.constant 176 : index
    %get3A_277 = tpu.vector_load %arg7[%get3A_276] {strides = array<i32>} : memref<640xi32, #tpu.memory_space<vmem>>, vector<16xi32>,
    %get3A_278 = vector.shape_cast %get3A_277 : vector<16xi32> to vector<16xi32>
    %convert_element_type3A_279 = arith.sitofp %get3A_278 : vector<16xi32> to vector<16xf32>
    %mul3A_280 = arith.mulf %convert_element_type3A_279, %broadcast_in_dim3A_7 : vector<16xf32>
    %convert_element_type3A_281 = arith.fptosi %mul3A_280 : vector<16xf32> to vector<16xi32>
    %mul3A_282 = arith.muli %convert_element_type3A_281, %broadcast_in_dim3A_3 : vector<16xi32>
    %gt3A_283 = arith.cmpi sgt, %mul3A_282, %get3A_278 : vector<16xi32>
    %sub3A_284 = arith.subi %convert_element_type3A_281, %broadcast_in_dim3A_5 : vector<16xi32>
    %select_n3A_285 = arith.select %gt3A_283, %sub3A_284, %convert_element_type3A_281 : vector<16xi1>, vector<16xi32>
    %mul3A_286 = arith.muli %select_n3A_285, %broadcast_in_dim3A_3 : vector<16xi32>
    %add3A_287 = arith.addi %mul3A_286, %broadcast_in_dim3A_3 : vector<16xi32>
    %le3A_288 = arith.cmpi sle, %add3A_287, %get3A_278 : vector<16xi32>
    %add3A_289 = arith.addi %select_n3A_285, %broadcast_in_dim3A_5 : vector<16xi32>
    %select_n3A_290 = arith.select %le3A_288, %add3A_289, %select_n3A_285 : vector<16xi1>, vector<16xi32>
    %swap3A_291 = arith.constant 176 : index
    %swap3A_292 = tpu.vector_load %arg8[%swap3A_291] {strides = array<i32>} : memref<640xi32, #tpu.memory_space<vmem>>, vector<16xi32>,
    %swap3A_293 = vector.shape_cast %swap3A_292 : vector<16xi32> to vector<16xi32>
    %swap3A_294 = vector.shape_cast %select_n3A_290 : vector<16xi32> to vector<16xi32>
    tpu.vector_store %arg8[%swap3A_291], %swap3A_294 {strides = array<i32>} : memref<640xi32, #tpu.memory_space<vmem>>, vector<16xi32>,
    %mul3A_295 = arith.muli %select_n3A_290, %broadcast_in_dim3A_3 : vector<16xi32>
    %sub3A_296 = arith.subi %get3A_278, %mul3A_295 : vector<16xi32>
    %swap3A_297 = arith.constant 176 : index
    %swap3A_298 = tpu.vector_load %arg9[%swap3A_297] {strides = array<i32>} : memref<640xi32, #tpu.memory_space<vmem>>, vector<16xi32>,
    %swap3A_299 = vector.shape_cast %swap3A_298 : vector<16xi32> to vector<16xi32>
    %swap3A_300 = vector.shape_cast %sub3A_296 : vector<16xi32> to vector<16xi32>
    tpu.vector_store %arg9[%swap3A_297], %swap3A_300 {strides = array<i32>} : memref<640xi32, #tpu.memory_space<vmem>>, vector<16xi32>,
    %get3A_301 = arith.constant 192 : index
    %get3A_302 = tpu.vector_load %arg7[%get3A_301] {strides = array<i32>} : memref<640xi32, #tpu.memory_space<vmem>>, vector<16xi32>,
    %get3A_303 = vector.shape_cast %get3A_302 : vector<16xi32> to vector<16xi32>
    %convert_element_type3A_304 = arith.sitofp %get3A_303 : vector<16xi32> to vector<16xf32>
    %mul3A_305 = arith.mulf %convert_element_type3A_304, %broadcast_in_dim3A_7 : vector<16xf32>
    %convert_element_type3A_306 = arith.fptosi %mul3A_305 : vector<16xf32> to vector<16xi32>
    %mul3A_307 = arith.muli %convert_element_type3A_306, %broadcast_in_dim3A_3 : vector<16xi32>
    %gt3A_308 = arith.cmpi sgt, %mul3A_307, %get3A_303 : vector<16xi32>
    %sub3A_309 = arith.subi %convert_element_type3A_306, %broadcast_in_dim3A_5 : vector<16xi32>
    %select_n3A_310 = arith.select %gt3A_308, %sub3A_309, %convert_element_type3A_306 : vector<16xi1>, vector<16xi32>
    %mul3A_311 = arith.muli %select_n3A_310, %broadcast_in_dim3A_3 : vector<16xi32>
    %add3A_312 = arith.addi %mul3A_311, %broadcast_in_dim3A_3 : vector<16xi32>
    %le3A_313 = arith.cmpi sle, %add3A_312, %get3A_303 : vector<16xi32>
    %add3A_314 = arith.addi %select_n3A_310, %broadcast_in_dim3A_5 : vector<16xi32>
    %select_n3A_315 = arith.select %le3A_313, %add3A_314, %select_n3A_310 : vector<16xi1>, vector<16xi32>
    %swap3A_316 = arith.constant 192 : index
    %swap3A_317 = tpu.vector_load %arg8[%swap3A_316] {strides = array<i32>} : memref<640xi32, #tpu.memory_space<vmem>>, vector<16xi32>,
    %swap3A_318 = vector.shape_cast %swap3A_317 : vector<16xi32> to vector<16xi32>
    %swap3A_319 = vector.shape_cast %select_n3A_315 : vector<16xi32> to vector<16xi32>
    tpu.vector_store %arg8[%swap3A_316], %swap3A_319 {strides = array<i32>} : memref<640xi32, #tpu.memory_space<vmem>>, vector<16xi32>,
    %mul3A_320 = arith.muli %select_n3A_315, %broadcast_in_dim3A_3 : vector<16xi32>
    %sub3A_321 = arith.subi %get3A_303, %mul3A_320 : vector<16xi32>
    %swap3A_322 = arith.constant 192 : index
    %swap3A_323 = tpu.vector_load %arg9[%swap3A_322] {strides = array<i32>} : memref<640xi32, #tpu.memory_space<vmem>>, vector<16xi32>,
    %swap3A_324 = vector.shape_cast %swap3A_323 : vector<16xi32> to vector<16xi32>
    %swap3A_325 = vector.shape_cast %sub3A_321 : vector<16xi32> to vector<16xi32>
    tpu.vector_store %arg9[%swap3A_322], %swap3A_325 {strides = array<i32>} : memref<640xi32, #tpu.memory_space<vmem>>, vector<16xi32>,
    %get3A_326 = arith.constant 208 : index
    %get3A_327 = tpu.vector_load %arg7[%get3A_326] {strides = array<i32>} : memref<640xi32, #tpu.memory_space<vmem>>, vector<16xi32>,
    %get3A_328 = vector.shape_cast %get3A_327 : vector<16xi32> to vector<16xi32>
    %convert_element_type3A_329 = arith.sitofp %get3A_328 : vector<16xi32> to vector<16xf32>
    %mul3A_330 = arith.mulf %convert_element_type3A_329, %broadcast_in_dim3A_7 : vector<16xf32>
    %convert_element_type3A_331 = arith.fptosi %mul3A_330 : vector<16xf32> to vector<16xi32>
    %mul3A_332 = arith.muli %convert_element_type3A_331, %broadcast_in_dim3A_3 : vector<16xi32>
    %gt3A_333 = arith.cmpi sgt, %mul3A_332, %get3A_328 : vector<16xi32>
    %sub3A_334 = arith.subi %convert_element_type3A_331, %broadcast_in_dim3A_5 : vector<16xi32>
    %select_n3A_335 = arith.select %gt3A_333, %sub3A_334, %convert_element_type3A_331 : vector<16xi1>, vector<16xi32>
    %mul3A_336 = arith.muli %select_n3A_335, %broadcast_in_dim3A_3 : vector<16xi32>
    %add3A_337 = arith.addi %mul3A_336, %broadcast_in_dim3A_3 : vector<16xi32>
    %le3A_338 = arith.cmpi sle, %add3A_337, %get3A_328 : vector<16xi32>
    %add3A_339 = arith.addi %select_n3A_335, %broadcast_in_dim3A_5 : vector<16xi32>
    %select_n3A_340 = arith.select %le3A_338, %add3A_339, %select_n3A_335 : vector<16xi1>, vector<16xi32>
    %swap3A_341 = arith.constant 208 : index
    %swap3A_342 = tpu.vector_load %arg8[%swap3A_341] {strides = array<i32>} : memref<640xi32, #tpu.memory_space<vmem>>, vector<16xi32>,
    %swap3A_343 = vector.shape_cast %swap3A_342 : vector<16xi32> to vector<16xi32>
    %swap3A_344 = vector.shape_cast %select_n3A_340 : vector<16xi32> to vector<16xi32>
    tpu.vector_store %arg8[%swap3A_341], %swap3A_344 {strides = array<i32>} : memref<640xi32, #tpu.memory_space<vmem>>, vector<16xi32>,
    %mul3A_345 = arith.muli %select_n3A_340, %broadcast_in_dim3A_3 : vector<16xi32>
    %sub3A_346 = arith.subi %get3A_328, %mul3A_345 : vector<16xi32>
    %swap3A_347 = arith.constant 208 : index
    %swap3A_348 = tpu.vector_load %arg9[%swap3A_347] {strides = array<i32>} : memref<640xi32, #tpu.memory_space<vmem>>, vector<16xi32>,
    %swap3A_349 = vector.shape_cast %swap3A_348 : vector<16xi32> to vector<16xi32>
    %swap3A_350 = vector.shape_cast %sub3A_346 : vector<16xi32> to vector<16xi32>
    tpu.vector_store %arg9[%swap3A_347], %swap3A_350 {strides = array<i32>} : memref<640xi32, #tpu.memory_space<vmem>>, vector<16xi32>,
    %get3A_351 = arith.constant 224 : index
    %get3A_352 = tpu.vector_load %arg7[%get3A_351] {strides = array<i32>} : memref<640xi32, #tpu.memory_space<vmem>>, vector<16xi32>,
    %get3A_353 = vector.shape_cast %get3A_352 : vector<16xi32> to vector<16xi32>
    %convert_element_type3A_354 = arith.sitofp %get3A_353 : vector<16xi32> to vector<16xf32>
    %mul3A_355 = arith.mulf %convert_element_type3A_354, %broadcast_in_dim3A_7 : vector<16xf32>
    %convert_element_type3A_356 = arith.fptosi %mul3A_355 : vector<16xf32> to vector<16xi32>
    %mul3A_357 = arith.muli %convert_element_type3A_356, %broadcast_in_dim3A_3 : vector<16xi32>
    %gt3A_358 = arith.cmpi sgt, %mul3A_357, %get3A_353 : vector<16xi32>
    %sub3A_359 = arith.subi %convert_element_type3A_356, %broadcast_in_dim3A_5 : vector<16xi32>
    %select_n3A_360 = arith.select %gt3A_358, %sub3A_359, %convert_element_type3A_356 : vector<16xi1>, vector<16xi32>
    %mul3A_361 = arith.muli %select_n3A_360, %broadcast_in_dim3A_3 : vector<16xi32>
    %add3A_362 = arith.addi %mul3A_361, %broadcast_in_dim3A_3 : vector<16xi32>
    %le3A_363 = arith.cmpi sle, %add3A_362, %get3A_353 : vector<16xi32>
    %add3A_364 = arith.addi %select_n3A_360, %broadcast_in_dim3A_5 : vector<16xi32>
    %select_n3A_365 = arith.select %le3A_363, %add3A_364, %select_n3A_360 : vector<16xi1>, vector<16xi32>
    %swap3A_366 = arith.constant 224 : index
    %swap3A_367 = tpu.vector_load %arg8[%swap3A_366] {strides = array<i32>} : memref<640xi32, #tpu.memory_space<vmem>>, vector<16xi32>,
    %swap3A_368 = vector.shape_cast %swap3A_367 : vector<16xi32> to vector<16xi32>
    %swap3A_369 = vector.shape_cast %select_n3A_365 : vector<16xi32> to vector<16xi32>
    tpu.vector_store %arg8[%swap3A_366], %swap3A_369 {strides = array<i32>} : memref<640xi32, #tpu.memory_space<vmem>>, vector<16xi32>,
    %mul3A_370 = arith.muli %select_n3A_365, %broadcast_in_dim3A_3 : vector<16xi32>
    %sub3A_371 = arith.subi %get3A_353, %mul3A_370 : vector<16xi32>
    %swap3A_372 = arith.constant 224 : index
    %swap3A_373 = tpu.vector_load %arg9[%swap3A_372] {strides = array<i32>} : memref<640xi32, #tpu.memory_space<vmem>>, vector<16xi32>,
    %swap3A_374 = vector.shape_cast %swap3A_373 : vector<16xi32> to vector<16xi32>
    %swap3A_375 = vector.shape_cast %sub3A_371 : vector<16xi32> to vector<16xi32>
    tpu.vector_store %arg9[%swap3A_372], %swap3A_375 {strides = array<i32>} : memref<640xi32, #tpu.memory_space<vmem>>, vector<16xi32>,
    %get3A_376 = arith.constant 240 : index
    %get3A_377 = tpu.vector_load %arg7[%get3A_376] {strides = array<i32>} : memref<640xi32, #tpu.memory_space<vmem>>, vector<16xi32>,
    %get3A_378 = vector.shape_cast %get3A_377 : vector<16xi32> to vector<16xi32>
    %convert_element_type3A_379 = arith.sitofp %get3A_378 : vector<16xi32> to vector<16xf32>
    %mul3A_380 = arith.mulf %convert_element_type3A_379, %broadcast_in_dim3A_7 : vector<16xf32>
    %convert_element_type3A_381 = arith.fptosi %mul3A_380 : vector<16xf32> to vector<16xi32>
    %mul3A_382 = arith.muli %convert_element_type3A_381, %broadcast_in_dim3A_3 : vector<16xi32>
    %gt3A_383 = arith.cmpi sgt, %mul3A_382, %get3A_378 : vector<16xi32>
    %sub3A_384 = arith.subi %convert_element_type3A_381, %broadcast_in_dim3A_5 : vector<16xi32>
    %select_n3A_385 = arith.select %gt3A_383, %sub3A_384, %convert_element_type3A_381 : vector<16xi1>, vector<16xi32>
    %mul3A_386 = arith.muli %select_n3A_385, %broadcast_in_dim3A_3 : vector<16xi32>
    %add3A_387 = arith.addi %mul3A_386, %broadcast_in_dim3A_3 : vector<16xi32>
    %le3A_388 = arith.cmpi sle, %add3A_387, %get3A_378 : vector<16xi32>
    %add3A_389 = arith.addi %select_n3A_385, %broadcast_in_dim3A_5 : vector<16xi32>
    %select_n3A_390 = arith.select %le3A_388, %add3A_389, %select_n3A_385 : vector<16xi1>, vector<16xi32>
    %swap3A_391 = arith.constant 240 : index
    %swap3A_392 = tpu.vector_load %arg8[%swap3A_391] {strides = array<i32>} : memref<640xi32, #tpu.memory_space<vmem>>, vector<16xi32>,
    %swap3A_393 = vector.shape_cast %swap3A_392 : vector<16xi32> to vector<16xi32>
    %swap3A_394 = vector.shape_cast %select_n3A_390 : vector<16xi32> to vector<16xi32>
    tpu.vector_store %arg8[%swap3A_391], %swap3A_394 {strides = array<i32>} : memref<640xi32, #tpu.memory_space<vmem>>, vector<16xi32>,
    %mul3A_395 = arith.muli %select_n3A_390, %broadcast_in_dim3A_3 : vector<16xi32>
    %sub3A_396 = arith.subi %get3A_378, %mul3A_395 : vector<16xi32>
    %swap3A_397 = arith.constant 240 : index
    %swap3A_398 = tpu.vector_load %arg9[%swap3A_397] {strides = array<i32>} : memref<640xi32, #tpu.memory_space<vmem>>, vector<16xi32>,
    %swap3A_399 = vector.shape_cast %swap3A_398 : vector<16xi32> to vector<16xi32>
    %swap3A_400 = vector.shape_cast %sub3A_396 : vector<16xi32> to vector<16xi32>
    tpu.vector_store %arg9[%swap3A_397], %swap3A_400 {strides = array<i32>} : memref<640xi32, #tpu.memory_space<vmem>>, vector<16xi32>,
    %get3A_401 = arith.constant 256 : index
    %get3A_402 = tpu.vector_load %arg7[%get3A_401] {strides = array<i32>} : memref<640xi32, #tpu.memory_space<vmem>>, vector<16xi32>,
    %get3A_403 = vector.shape_cast %get3A_402 : vector<16xi32> to vector<16xi32>
    %convert_element_type3A_404 = arith.sitofp %get3A_403 : vector<16xi32> to vector<16xf32>
    %mul3A_405 = arith.mulf %convert_element_type3A_404, %broadcast_in_dim3A_7 : vector<16xf32>
    %convert_element_type3A_406 = arith.fptosi %mul3A_405 : vector<16xf32> to vector<16xi32>
    %mul3A_407 = arith.muli %convert_element_type3A_406, %broadcast_in_dim3A_3 : vector<16xi32>
    %gt3A_408 = arith.cmpi sgt, %mul3A_407, %get3A_403 : vector<16xi32>
    %sub3A_409 = arith.subi %convert_element_type3A_406, %broadcast_in_dim3A_5 : vector<16xi32>
    %select_n3A_410 = arith.select %gt3A_408, %sub3A_409, %convert_element_type3A_406 : vector<16xi1>, vector<16xi32>
    %mul3A_411 = arith.muli %select_n3A_410, %broadcast_in_dim3A_3 : vector<16xi32>
    %add3A_412 = arith.addi %mul3A_411, %broadcast_in_dim3A_3 : vector<16xi32>
    %le3A_413 = arith.cmpi sle, %add3A_412, %get3A_403 : vector<16xi32>
    %add3A_414 = arith.addi %select_n3A_410, %broadcast_in_dim3A_5 : vector<16xi32>
    %select_n3A_415 = arith.select %le3A_413, %add3A_414, %select_n3A_410 : vector<16xi1>, vector<16xi32>
    %swap3A_416 = arith.constant 256 : index
    %swap3A_417 = tpu.vector_load %arg8[%swap3A_416] {strides = array<i32>} : memref<640xi32, #tpu.memory_space<vmem>>, vector<16xi32>,
    %swap3A_418 = vector.shape_cast %swap3A_417 : vector<16xi32> to vector<16xi32>
    %swap3A_419 = vector.shape_cast %select_n3A_415 : vector<16xi32> to vector<16xi32>
    tpu.vector_store %arg8[%swap3A_416], %swap3A_419 {strides = array<i32>} : memref<640xi32, #tpu.memory_space<vmem>>, vector<16xi32>,
    %mul3A_420 = arith.muli %select_n3A_415, %broadcast_in_dim3A_3 : vector<16xi32>
    %sub3A_421 = arith.subi %get3A_403, %mul3A_420 : vector<16xi32>
    %swap3A_422 = arith.constant 256 : index
    %swap3A_423 = tpu.vector_load %arg9[%swap3A_422] {strides = array<i32>} : memref<640xi32, #tpu.memory_space<vmem>>, vector<16xi32>,
    %swap3A_424 = vector.shape_cast %swap3A_423 : vector<16xi32> to vector<16xi32>
    %swap3A_425 = vector.shape_cast %sub3A_421 : vector<16xi32> to vector<16xi32>
    tpu.vector_store %arg9[%swap3A_422], %swap3A_425 {strides = array<i32>} : memref<640xi32, #tpu.memory_space<vmem>>, vector<16xi32>,
    %get3A_426 = arith.constant 272 : index
    %get3A_427 = tpu.vector_load %arg7[%get3A_426] {strides = array<i32>} : memref<640xi32, #tpu.memory_space<vmem>>, vector<16xi32>,
    %get3A_428 = vector.shape_cast %get3A_427 : vector<16xi32> to vector<16xi32>
    %convert_element_type3A_429 = arith.sitofp %get3A_428 : vector<16xi32> to vector<16xf32>
    %mul3A_430 = arith.mulf %convert_element_type3A_429, %broadcast_in_dim3A_7 : vector<16xf32>
    %convert_element_type3A_431 = arith.fptosi %mul3A_430 : vector<16xf32> to vector<16xi32>
    %mul3A_432 = arith.muli %convert_element_type3A_431, %broadcast_in_dim3A_3 : vector<16xi32>
    %gt3A_433 = arith.cmpi sgt, %mul3A_432, %get3A_428 : vector<16xi32>
    %sub3A_434 = arith.subi %convert_element_type3A_431, %broadcast_in_dim3A_5 : vector<16xi32>
    %select_n3A_435 = arith.select %gt3A_433, %sub3A_434, %convert_element_type3A_431 : vector<16xi1>, vector<16xi32>
    %mul3A_436 = arith.muli %select_n3A_435, %broadcast_in_dim3A_3 : vector<16xi32>
    %add3A_437 = arith.addi %mul3A_436, %broadcast_in_dim3A_3 : vector<16xi32>
    %le3A_438 = arith.cmpi sle, %add3A_437, %get3A_428 : vector<16xi32>
    %add3A_439 = arith.addi %select_n3A_435, %broadcast_in_dim3A_5 : vector<16xi32>
    %select_n3A_440 = arith.select %le3A_438, %add3A_439, %select_n3A_435 : vector<16xi1>, vector<16xi32>
    %swap3A_441 = arith.constant 272 : index
    %swap3A_442 = tpu.vector_load %arg8[%swap3A_441] {strides = array<i32>} : memref<640xi32, #tpu.memory_space<vmem>>, vector<16xi32>,
    %swap3A_443 = vector.shape_cast %swap3A_442 : vector<16xi32> to vector<16xi32>
    %swap3A_444 = vector.shape_cast %select_n3A_440 : vector<16xi32> to vector<16xi32>
    tpu.vector_store %arg8[%swap3A_441], %swap3A_444 {strides = array<i32>} : memref<640xi32, #tpu.memory_space<vmem>>, vector<16xi32>,
    %mul3A_445 = arith.muli %select_n3A_440, %broadcast_in_dim3A_3 : vector<16xi32>
    %sub3A_446 = arith.subi %get3A_428, %mul3A_445 : vector<16xi32>
    %swap3A_447 = arith.constant 272 : index
    %swap3A_448 = tpu.vector_load %arg9[%swap3A_447] {strides = array<i32>} : memref<640xi32, #tpu.memory_space<vmem>>, vector<16xi32>,
    %swap3A_449 = vector.shape_cast %swap3A_448 : vector<16xi32> to vector<16xi32>
    %swap3A_450 = vector.shape_cast %sub3A_446 : vector<16xi32> to vector<16xi32>
    tpu.vector_store %arg9[%swap3A_447], %swap3A_450 {strides = array<i32>} : memref<640xi32, #tpu.memory_space<vmem>>, vector<16xi32>,
    %get3A_451 = arith.constant 288 : index
    %get3A_452 = tpu.vector_load %arg7[%get3A_451] {strides = array<i32>} : memref<640xi32, #tpu.memory_space<vmem>>, vector<16xi32>,
    %get3A_453 = vector.shape_cast %get3A_452 : vector<16xi32> to vector<16xi32>
    %convert_element_type3A_454 = arith.sitofp %get3A_453 : vector<16xi32> to vector<16xf32>
    %mul3A_455 = arith.mulf %convert_element_type3A_454, %broadcast_in_dim3A_7 : vector<16xf32>
    %convert_element_type3A_456 = arith.fptosi %mul3A_455 : vector<16xf32> to vector<16xi32>
    %mul3A_457 = arith.muli %convert_element_type3A_456, %broadcast_in_dim3A_3 : vector<16xi32>
    %gt3A_458 = arith.cmpi sgt, %mul3A_457, %get3A_453 : vector<16xi32>
    %sub3A_459 = arith.subi %convert_element_type3A_456, %broadcast_in_dim3A_5 : vector<16xi32>
    %select_n3A_460 = arith.select %gt3A_458, %sub3A_459, %convert_element_type3A_456 : vector<16xi1>, vector<16xi32>
    %mul3A_461 = arith.muli %select_n3A_460, %broadcast_in_dim3A_3 : vector<16xi32>
    %add3A_462 = arith.addi %mul3A_461, %broadcast_in_dim3A_3 : vector<16xi32>
    %le3A_463 = arith.cmpi sle, %add3A_462, %get3A_453 : vector<16xi32>
    %add3A_464 = arith.addi %select_n3A_460, %broadcast_in_dim3A_5 : vector<16xi32>
    %select_n3A_465 = arith.select %le3A_463, %add3A_464, %select_n3A_460 : vector<16xi1>, vector<16xi32>
    %swap3A_466 = arith.constant 288 : index
    %swap3A_467 = tpu.vector_load %arg8[%swap3A_466] {strides = array<i32>} : memref<640xi32, #tpu.memory_space<vmem>>, vector<16xi32>,
    %swap3A_468 = vector.shape_cast %swap3A_467 : vector<16xi32> to vector<16xi32>
    %swap3A_469 = vector.shape_cast %select_n3A_465 : vector<16xi32> to vector<16xi32>
    tpu.vector_store %arg8[%swap3A_466], %swap3A_469 {strides = array<i32>} : memref<640xi32, #tpu.memory_space<vmem>>, vector<16xi32>,
    %mul3A_470 = arith.muli %select_n3A_465, %broadcast_in_dim3A_3 : vector<16xi32>
    %sub3A_471 = arith.subi %get3A_453, %mul3A_470 : vector<16xi32>
    %swap3A_472 = arith.constant 288 : index
    %swap3A_473 = tpu.vector_load %arg9[%swap3A_472] {strides = array<i32>} : memref<640xi32, #tpu.memory_space<vmem>>, vector<16xi32>,
    %swap3A_474 = vector.shape_cast %swap3A_473 : vector<16xi32> to vector<16xi32>
    %swap3A_475 = vector.shape_cast %sub3A_471 : vector<16xi32> to vector<16xi32>
    tpu.vector_store %arg9[%swap3A_472], %swap3A_475 {strides = array<i32>} : memref<640xi32, #tpu.memory_space<vmem>>, vector<16xi32>,
    %get3A_476 = arith.constant 304 : index
    %get3A_477 = tpu.vector_load %arg7[%get3A_476] {strides = array<i32>} : memref<640xi32, #tpu.memory_space<vmem>>, vector<16xi32>,
    %get3A_478 = vector.shape_cast %get3A_477 : vector<16xi32> to vector<16xi32>
    %convert_element_type3A_479 = arith.sitofp %get3A_478 : vector<16xi32> to vector<16xf32>
    %mul3A_480 = arith.mulf %convert_element_type3A_479, %broadcast_in_dim3A_7 : vector<16xf32>
    %convert_element_type3A_481 = arith.fptosi %mul3A_480 : vector<16xf32> to vector<16xi32>
    %mul3A_482 = arith.muli %convert_element_type3A_481, %broadcast_in_dim3A_3 : vector<16xi32>
    %gt3A_483 = arith.cmpi sgt, %mul3A_482, %get3A_478 : vector<16xi32>
    %sub3A_484 = arith.subi %convert_element_type3A_481, %broadcast_in_dim3A_5 : vector<16xi32>
    %select_n3A_485 = arith.select %gt3A_483, %sub3A_484, %convert_element_type3A_481 : vector<16xi1>, vector<16xi32>
    %mul3A_486 = arith.muli %select_n3A_485, %broadcast_in_dim3A_3 : vector<16xi32>
    %add3A_487 = arith.addi %mul3A_486, %broadcast_in_dim3A_3 : vector<16xi32>
    %le3A_488 = arith.cmpi sle, %add3A_487, %get3A_478 : vector<16xi32>
    %add3A_489 = arith.addi %select_n3A_485, %broadcast_in_dim3A_5 : vector<16xi32>
    %select_n3A_490 = arith.select %le3A_488, %add3A_489, %select_n3A_485 : vector<16xi1>, vector<16xi32>
    %swap3A_491 = arith.constant 304 : index
    %swap3A_492 = tpu.vector_load %arg8[%swap3A_491] {strides = array<i32>} : memref<640xi32, #tpu.memory_space<vmem>>, vector<16xi32>,
    %swap3A_493 = vector.shape_cast %swap3A_492 : vector<16xi32> to vector<16xi32>
    %swap3A_494 = vector.shape_cast %select_n3A_490 : vector<16xi32> to vector<16xi32>
    tpu.vector_store %arg8[%swap3A_491], %swap3A_494 {strides = array<i32>} : memref<640xi32, #tpu.memory_space<vmem>>, vector<16xi32>,
    %mul3A_495 = arith.muli %select_n3A_490, %broadcast_in_dim3A_3 : vector<16xi32>
    %sub3A_496 = arith.subi %get3A_478, %mul3A_495 : vector<16xi32>
    %swap3A_497 = arith.constant 304 : index
    %swap3A_498 = tpu.vector_load %arg9[%swap3A_497] {strides = array<i32>} : memref<640xi32, #tpu.memory_space<vmem>>, vector<16xi32>,
    %swap3A_499 = vector.shape_cast %swap3A_498 : vector<16xi32> to vector<16xi32>
    %swap3A_500 = vector.shape_cast %sub3A_496 : vector<16xi32> to vector<16xi32>
    tpu.vector_store %arg9[%swap3A_497], %swap3A_500 {strides = array<i32>} : memref<640xi32, #tpu.memory_space<vmem>>, vector<16xi32>,
    %get3A_501 = arith.constant 320 : index
    %get3A_502 = tpu.vector_load %arg7[%get3A_501] {strides = array<i32>} : memref<640xi32, #tpu.memory_space<vmem>>, vector<16xi32>,
    %get3A_503 = vector.shape_cast %get3A_502 : vector<16xi32> to vector<16xi32>
    %convert_element_type3A_504 = arith.sitofp %get3A_503 : vector<16xi32> to vector<16xf32>
    %mul3A_505 = arith.mulf %convert_element_type3A_504, %broadcast_in_dim3A_7 : vector<16xf32>
    %convert_element_type3A_506 = arith.fptosi %mul3A_505 : vector<16xf32> to vector<16xi32>
    %mul3A_507 = arith.muli %convert_element_type3A_506, %broadcast_in_dim3A_3 : vector<16xi32>
    %gt3A_508 = arith.cmpi sgt, %mul3A_507, %get3A_503 : vector<16xi32>
    %sub3A_509 = arith.subi %convert_element_type3A_506, %broadcast_in_dim3A_5 : vector<16xi32>
    %select_n3A_510 = arith.select %gt3A_508, %sub3A_509, %convert_element_type3A_506 : vector<16xi1>, vector<16xi32>
    %mul3A_511 = arith.muli %select_n3A_510, %broadcast_in_dim3A_3 : vector<16xi32>
    %add3A_512 = arith.addi %mul3A_511, %broadcast_in_dim3A_3 : vector<16xi32>
    %le3A_513 = arith.cmpi sle, %add3A_512, %get3A_503 : vector<16xi32>
    %add3A_514 = arith.addi %select_n3A_510, %broadcast_in_dim3A_5 : vector<16xi32>
    %select_n3A_515 = arith.select %le3A_513, %add3A_514, %select_n3A_510 : vector<16xi1>, vector<16xi32>
    %swap3A_516 = arith.constant 320 : index
    %swap3A_517 = tpu.vector_load %arg8[%swap3A_516] {strides = array<i32>} : memref<640xi32, #tpu.memory_space<vmem>>, vector<16xi32>,
    %swap3A_518 = vector.shape_cast %swap3A_517 : vector<16xi32> to vector<16xi32>
    %swap3A_519 = vector.shape_cast %select_n3A_515 : vector<16xi32> to vector<16xi32>
    tpu.vector_store %arg8[%swap3A_516], %swap3A_519 {strides = array<i32>} : memref<640xi32, #tpu.memory_space<vmem>>, vector<16xi32>,
    %mul3A_520 = arith.muli %select_n3A_515, %broadcast_in_dim3A_3 : vector<16xi32>
    %sub3A_521 = arith.subi %get3A_503, %mul3A_520 : vector<16xi32>
    %swap3A_522 = arith.constant 320 : index
    %swap3A_523 = tpu.vector_load %arg9[%swap3A_522] {strides = array<i32>} : memref<640xi32, #tpu.memory_space<vmem>>, vector<16xi32>,
    %swap3A_524 = vector.shape_cast %swap3A_523 : vector<16xi32> to vector<16xi32>
    %swap3A_525 = vector.shape_cast %sub3A_521 : vector<16xi32> to vector<16xi32>
    tpu.vector_store %arg9[%swap3A_522], %swap3A_525 {strides = array<i32>} : memref<640xi32, #tpu.memory_space<vmem>>, vector<16xi32>,
    %get3A_526 = arith.constant 336 : index
    %get3A_527 = tpu.vector_load %arg7[%get3A_526] {strides = array<i32>} : memref<640xi32, #tpu.memory_space<vmem>>, vector<16xi32>,
    %get3A_528 = vector.shape_cast %get3A_527 : vector<16xi32> to vector<16xi32>
    %convert_element_type3A_529 = arith.sitofp %get3A_528 : vector<16xi32> to vector<16xf32>
    %mul3A_530 = arith.mulf %convert_element_type3A_529, %broadcast_in_dim3A_7 : vector<16xf32>
    %convert_element_type3A_531 = arith.fptosi %mul3A_530 : vector<16xf32> to vector<16xi32>
    %mul3A_532 = arith.muli %convert_element_type3A_531, %broadcast_in_dim3A_3 : vector<16xi32>
    %gt3A_533 = arith.cmpi sgt, %mul3A_532, %get3A_528 : vector<16xi32>
    %sub3A_534 = arith.subi %convert_element_type3A_531, %broadcast_in_dim3A_5 : vector<16xi32>
    %select_n3A_535 = arith.select %gt3A_533, %sub3A_534, %convert_element_type3A_531 : vector<16xi1>, vector<16xi32>
    %mul3A_536 = arith.muli %select_n3A_535, %broadcast_in_dim3A_3 : vector<16xi32>
    %add3A_537 = arith.addi %mul3A_536, %broadcast_in_dim3A_3 : vector<16xi32>
    %le3A_538 = arith.cmpi sle, %add3A_537, %get3A_528 : vector<16xi32>
    %add3A_539 = arith.addi %select_n3A_535, %broadcast_in_dim3A_5 : vector<16xi32>
    %select_n3A_540 = arith.select %le3A_538, %add3A_539, %select_n3A_535 : vector<16xi1>, vector<16xi32>
    %swap3A_541 = arith.constant 336 : index
    %swap3A_542 = tpu.vector_load %arg8[%swap3A_541] {strides = array<i32>} : memref<640xi32, #tpu.memory_space<vmem>>, vector<16xi32>,
    %swap3A_543 = vector.shape_cast %swap3A_542 : vector<16xi32> to vector<16xi32>
    %swap3A_544 = vector.shape_cast %select_n3A_540 : vector<16xi32> to vector<16xi32>
    tpu.vector_store %arg8[%swap3A_541], %swap3A_544 {strides = array<i32>} : memref<640xi32, #tpu.memory_space<vmem>>, vector<16xi32>,
    %mul3A_545 = arith.muli %select_n3A_540, %broadcast_in_dim3A_3 : vector<16xi32>
    %sub3A_546 = arith.subi %get3A_528, %mul3A_545 : vector<16xi32>
    %swap3A_547 = arith.constant 336 : index
    %swap3A_548 = tpu.vector_load %arg9[%swap3A_547] {strides = array<i32>} : memref<640xi32, #tpu.memory_space<vmem>>, vector<16xi32>,
    %swap3A_549 = vector.shape_cast %swap3A_548 : vector<16xi32> to vector<16xi32>
    %swap3A_550 = vector.shape_cast %sub3A_546 : vector<16xi32> to vector<16xi32>
    tpu.vector_store %arg9[%swap3A_547], %swap3A_550 {strides = array<i32>} : memref<640xi32, #tpu.memory_space<vmem>>, vector<16xi32>,
    %get3A_551 = arith.constant 352 : index
    %get3A_552 = tpu.vector_load %arg7[%get3A_551] {strides = array<i32>} : memref<640xi32, #tpu.memory_space<vmem>>, vector<16xi32>,
    %get3A_553 = vector.shape_cast %get3A_552 : vector<16xi32> to vector<16xi32>
    %convert_element_type3A_554 = arith.sitofp %get3A_553 : vector<16xi32> to vector<16xf32>
    %mul3A_555 = arith.mulf %convert_element_type3A_554, %broadcast_in_dim3A_7 : vector<16xf32>
    %convert_element_type3A_556 = arith.fptosi %mul3A_555 : vector<16xf32> to vector<16xi32>
    %mul3A_557 = arith.muli %convert_element_type3A_556, %broadcast_in_dim3A_3 : vector<16xi32>
    %gt3A_558 = arith.cmpi sgt, %mul3A_557, %get3A_553 : vector<16xi32>
    %sub3A_559 = arith.subi %convert_element_type3A_556, %broadcast_in_dim3A_5 : vector<16xi32>
    %select_n3A_560 = arith.select %gt3A_558, %sub3A_559, %convert_element_type3A_556 : vector<16xi1>, vector<16xi32>
    %mul3A_561 = arith.muli %select_n3A_560, %broadcast_in_dim3A_3 : vector<16xi32>
    %add3A_562 = arith.addi %mul3A_561, %broadcast_in_dim3A_3 : vector<16xi32>
    %le3A_563 = arith.cmpi sle, %add3A_562, %get3A_553 : vector<16xi32>
    %add3A_564 = arith.addi %select_n3A_560, %broadcast_in_dim3A_5 : vector<16xi32>
    %select_n3A_565 = arith.select %le3A_563, %add3A_564, %select_n3A_560 : vector<16xi1>, vector<16xi32>
    %swap3A_566 = arith.constant 352 : index
    %swap3A_567 = tpu.vector_load %arg8[%swap3A_566] {strides = array<i32>} : memref<640xi32, #tpu.memory_space<vmem>>, vector<16xi32>,
    %swap3A_568 = vector.shape_cast %swap3A_567 : vector<16xi32> to vector<16xi32>
    %swap3A_569 = vector.shape_cast %select_n3A_565 : vector<16xi32> to vector<16xi32>
    tpu.vector_store %arg8[%swap3A_566], %swap3A_569 {strides = array<i32>} : memref<640xi32, #tpu.memory_space<vmem>>, vector<16xi32>,
    %mul3A_570 = arith.muli %select_n3A_565, %broadcast_in_dim3A_3 : vector<16xi32>
    %sub3A_571 = arith.subi %get3A_553, %mul3A_570 : vector<16xi32>
    %swap3A_572 = arith.constant 352 : index
    %swap3A_573 = tpu.vector_load %arg9[%swap3A_572] {strides = array<i32>} : memref<640xi32, #tpu.memory_space<vmem>>, vector<16xi32>,
    %swap3A_574 = vector.shape_cast %swap3A_573 : vector<16xi32> to vector<16xi32>
    %swap3A_575 = vector.shape_cast %sub3A_571 : vector<16xi32> to vector<16xi32>
    tpu.vector_store %arg9[%swap3A_572], %swap3A_575 {strides = array<i32>} : memref<640xi32, #tpu.memory_space<vmem>>, vector<16xi32>,
    %get3A_576 = arith.constant 368 : index
    %get3A_577 = tpu.vector_load %arg7[%get3A_576] {strides = array<i32>} : memref<640xi32, #tpu.memory_space<vmem>>, vector<16xi32>,
    %get3A_578 = vector.shape_cast %get3A_577 : vector<16xi32> to vector<16xi32>
    %convert_element_type3A_579 = arith.sitofp %get3A_578 : vector<16xi32> to vector<16xf32>
    %mul3A_580 = arith.mulf %convert_element_type3A_579, %broadcast_in_dim3A_7 : vector<16xf32>
    %convert_element_type3A_581 = arith.fptosi %mul3A_580 : vector<16xf32> to vector<16xi32>
    %mul3A_582 = arith.muli %convert_element_type3A_581, %broadcast_in_dim3A_3 : vector<16xi32>
    %gt3A_583 = arith.cmpi sgt, %mul3A_582, %get3A_578 : vector<16xi32>
    %sub3A_584 = arith.subi %convert_element_type3A_581, %broadcast_in_dim3A_5 : vector<16xi32>
    %select_n3A_585 = arith.select %gt3A_583, %sub3A_584, %convert_element_type3A_581 : vector<16xi1>, vector<16xi32>
    %mul3A_586 = arith.muli %select_n3A_585, %broadcast_in_dim3A_3 : vector<16xi32>
    %add3A_587 = arith.addi %mul3A_586, %broadcast_in_dim3A_3 : vector<16xi32>
    %le3A_588 = arith.cmpi sle, %add3A_587, %get3A_578 : vector<16xi32>
    %add3A_589 = arith.addi %select_n3A_585, %broadcast_in_dim3A_5 : vector<16xi32>
    %select_n3A_590 = arith.select %le3A_588, %add3A_589, %select_n3A_585 : vector<16xi1>, vector<16xi32>
    %swap3A_591 = arith.constant 368 : index
    %swap3A_592 = tpu.vector_load %arg8[%swap3A_591] {strides = array<i32>} : memref<640xi32, #tpu.memory_space<vmem>>, vector<16xi32>,
    %swap3A_593 = vector.shape_cast %swap3A_592 : vector<16xi32> to vector<16xi32>
    %swap3A_594 = vector.shape_cast %select_n3A_590 : vector<16xi32> to vector<16xi32>
    tpu.vector_store %arg8[%swap3A_591], %swap3A_594 {strides = array<i32>} : memref<640xi32, #tpu.memory_space<vmem>>, vector<16xi32>,
    %mul3A_595 = arith.muli %select_n3A_590, %broadcast_in_dim3A_3 : vector<16xi32>
    %sub3A_596 = arith.subi %get3A_578, %mul3A_595 : vector<16xi32>
    %swap3A_597 = arith.constant 368 : index
    %swap3A_598 = tpu.vector_load %arg9[%swap3A_597] {strides = array<i32>} : memref<640xi32, #tpu.memory_space<vmem>>, vector<16xi32>,
    %swap3A_599 = vector.shape_cast %swap3A_598 : vector<16xi32> to vector<16xi32>
    %swap3A_600 = vector.shape_cast %sub3A_596 : vector<16xi32> to vector<16xi32>
    tpu.vector_store %arg9[%swap3A_597], %swap3A_600 {strides = array<i32>} : memref<640xi32, #tpu.memory_space<vmem>>, vector<16xi32>,
    %get3A_601 = arith.constant 384 : index
    %get3A_602 = tpu.vector_load %arg7[%get3A_601] {strides = array<i32>} : memref<640xi32, #tpu.memory_space<vmem>>, vector<16xi32>,
    %get3A_603 = vector.shape_cast %get3A_602 : vector<16xi32> to vector<16xi32>
    %convert_element_type3A_604 = arith.sitofp %get3A_603 : vector<16xi32> to vector<16xf32>
    %mul3A_605 = arith.mulf %convert_element_type3A_604, %broadcast_in_dim3A_7 : vector<16xf32>
    %convert_element_type3A_606 = arith.fptosi %mul3A_605 : vector<16xf32> to vector<16xi32>
    %mul3A_607 = arith.muli %convert_element_type3A_606, %broadcast_in_dim3A_3 : vector<16xi32>
    %gt3A_608 = arith.cmpi sgt, %mul3A_607, %get3A_603 : vector<16xi32>
    %sub3A_609 = arith.subi %convert_element_type3A_606, %broadcast_in_dim3A_5 : vector<16xi32>
    %select_n3A_610 = arith.select %gt3A_608, %sub3A_609, %convert_element_type3A_606 : vector<16xi1>, vector<16xi32>
    %mul3A_611 = arith.muli %select_n3A_610, %broadcast_in_dim3A_3 : vector<16xi32>
    %add3A_612 = arith.addi %mul3A_611, %broadcast_in_dim3A_3 : vector<16xi32>
    %le3A_613 = arith.cmpi sle, %add3A_612, %get3A_603 : vector<16xi32>
    %add3A_614 = arith.addi %select_n3A_610, %broadcast_in_dim3A_5 : vector<16xi32>
    %select_n3A_615 = arith.select %le3A_613, %add3A_614, %select_n3A_610 : vector<16xi1>, vector<16xi32>
    %swap3A_616 = arith.constant 384 : index
    %swap3A_617 = tpu.vector_load %arg8[%swap3A_616] {strides = array<i32>} : memref<640xi32, #tpu.memory_space<vmem>>, vector<16xi32>,
    %swap3A_618 = vector.shape_cast %swap3A_617 : vector<16xi32> to vector<16xi32>
    %swap3A_619 = vector.shape_cast %select_n3A_615 : vector<16xi32> to vector<16xi32>
    tpu.vector_store %arg8[%swap3A_616], %swap3A_619 {strides = array<i32>} : memref<640xi32, #tpu.memory_space<vmem>>, vector<16xi32>,
    %mul3A_620 = arith.muli %select_n3A_615, %broadcast_in_dim3A_3 : vector<16xi32>
    %sub3A_621 = arith.subi %get3A_603, %mul3A_620 : vector<16xi32>
    %swap3A_622 = arith.constant 384 : index
    %swap3A_623 = tpu.vector_load %arg9[%swap3A_622] {strides = array<i32>} : memref<640xi32, #tpu.memory_space<vmem>>, vector<16xi32>,
    %swap3A_624 = vector.shape_cast %swap3A_623 : vector<16xi32> to vector<16xi32>
    %swap3A_625 = vector.shape_cast %sub3A_621 : vector<16xi32> to vector<16xi32>
    tpu.vector_store %arg9[%swap3A_622], %swap3A_625 {strides = array<i32>} : memref<640xi32, #tpu.memory_space<vmem>>, vector<16xi32>,
    %get3A_626 = arith.constant 400 : index
    %get3A_627 = tpu.vector_load %arg7[%get3A_626] {strides = array<i32>} : memref<640xi32, #tpu.memory_space<vmem>>, vector<16xi32>,
    %get3A_628 = vector.shape_cast %get3A_627 : vector<16xi32> to vector<16xi32>
    %convert_element_type3A_629 = arith.sitofp %get3A_628 : vector<16xi32> to vector<16xf32>
    %mul3A_630 = arith.mulf %convert_element_type3A_629, %broadcast_in_dim3A_7 : vector<16xf32>
    %convert_element_type3A_631 = arith.fptosi %mul3A_630 : vector<16xf32> to vector<16xi32>
    %mul3A_632 = arith.muli %convert_element_type3A_631, %broadcast_in_dim3A_3 : vector<16xi32>
    %gt3A_633 = arith.cmpi sgt, %mul3A_632, %get3A_628 : vector<16xi32>
    %sub3A_634 = arith.subi %convert_element_type3A_631, %broadcast_in_dim3A_5 : vector<16xi32>
    %select_n3A_635 = arith.select %gt3A_633, %sub3A_634, %convert_element_type3A_631 : vector<16xi1>, vector<16xi32>
    %mul3A_636 = arith.muli %select_n3A_635, %broadcast_in_dim3A_3 : vector<16xi32>
    %add3A_637 = arith.addi %mul3A_636, %broadcast_in_dim3A_3 : vector<16xi32>
    %le3A_638 = arith.cmpi sle, %add3A_637, %get3A_628 : vector<16xi32>
    %add3A_639 = arith.addi %select_n3A_635, %broadcast_in_dim3A_5 : vector<16xi32>
    %select_n3A_640 = arith.select %le3A_638, %add3A_639, %select_n3A_635 : vector<16xi1>, vector<16xi32>
    %swap3A_641 = arith.constant 400 : index
    %swap3A_642 = tpu.vector_load %arg8[%swap3A_641] {strides = array<i32>} : memref<640xi32, #tpu.memory_space<vmem>>, vector<16xi32>,
    %swap3A_643 = vector.shape_cast %swap3A_642 : vector<16xi32> to vector<16xi32>
    %swap3A_644 = vector.shape_cast %select_n3A_640 : vector<16xi32> to vector<16xi32>
    tpu.vector_store %arg8[%swap3A_641], %swap3A_644 {strides = array<i32>} : memref<640xi32, #tpu.memory_space<vmem>>, vector<16xi32>,
    %mul3A_645 = arith.muli %select_n3A_640, %broadcast_in_dim3A_3 : vector<16xi32>
    %sub3A_646 = arith.subi %get3A_628, %mul3A_645 : vector<16xi32>
    %swap3A_647 = arith.constant 400 : index
    %swap3A_648 = tpu.vector_load %arg9[%swap3A_647] {strides = array<i32>} : memref<640xi32, #tpu.memory_space<vmem>>, vector<16xi32>,
    %swap3A_649 = vector.shape_cast %swap3A_648 : vector<16xi32> to vector<16xi32>
    %swap3A_650 = vector.shape_cast %sub3A_646 : vector<16xi32> to vector<16xi32>
    tpu.vector_store %arg9[%swap3A_647], %swap3A_650 {strides = array<i32>} : memref<640xi32, #tpu.memory_space<vmem>>, vector<16xi32>,
    %get3A_651 = arith.constant 416 : index
    %get3A_652 = tpu.vector_load %arg7[%get3A_651] {strides = array<i32>} : memref<640xi32, #tpu.memory_space<vmem>>, vector<16xi32>,
    %get3A_653 = vector.shape_cast %get3A_652 : vector<16xi32> to vector<16xi32>
    %convert_element_type3A_654 = arith.sitofp %get3A_653 : vector<16xi32> to vector<16xf32>
    %mul3A_655 = arith.mulf %convert_element_type3A_654, %broadcast_in_dim3A_7 : vector<16xf32>
    %convert_element_type3A_656 = arith.fptosi %mul3A_655 : vector<16xf32> to vector<16xi32>
    %mul3A_657 = arith.muli %convert_element_type3A_656, %broadcast_in_dim3A_3 : vector<16xi32>
    %gt3A_658 = arith.cmpi sgt, %mul3A_657, %get3A_653 : vector<16xi32>
    %sub3A_659 = arith.subi %convert_element_type3A_656, %broadcast_in_dim3A_5 : vector<16xi32>
    %select_n3A_660 = arith.select %gt3A_658, %sub3A_659, %convert_element_type3A_656 : vector<16xi1>, vector<16xi32>
    %mul3A_661 = arith.muli %select_n3A_660, %broadcast_in_dim3A_3 : vector<16xi32>
    %add3A_662 = arith.addi %mul3A_661, %broadcast_in_dim3A_3 : vector<16xi32>
    %le3A_663 = arith.cmpi sle, %add3A_662, %get3A_653 : vector<16xi32>
    %add3A_664 = arith.addi %select_n3A_660, %broadcast_in_dim3A_5 : vector<16xi32>
    %select_n3A_665 = arith.select %le3A_663, %add3A_664, %select_n3A_660 : vector<16xi1>, vector<16xi32>
    %swap3A_666 = arith.constant 416 : index
    %swap3A_667 = tpu.vector_load %arg8[%swap3A_666] {strides = array<i32>} : memref<640xi32, #tpu.memory_space<vmem>>, vector<16xi32>,
    %swap3A_668 = vector.shape_cast %swap3A_667 : vector<16xi32> to vector<16xi32>
    %swap3A_669 = vector.shape_cast %select_n3A_665 : vector<16xi32> to vector<16xi32>
    tpu.vector_store %arg8[%swap3A_666], %swap3A_669 {strides = array<i32>} : memref<640xi32, #tpu.memory_space<vmem>>, vector<16xi32>,
    %mul3A_670 = arith.muli %select_n3A_665, %broadcast_in_dim3A_3 : vector<16xi32>
    %sub3A_671 = arith.subi %get3A_653, %mul3A_670 : vector<16xi32>
    %swap3A_672 = arith.constant 416 : index
    %swap3A_673 = tpu.vector_load %arg9[%swap3A_672] {strides = array<i32>} : memref<640xi32, #tpu.memory_space<vmem>>, vector<16xi32>,
    %swap3A_674 = vector.shape_cast %swap3A_673 : vector<16xi32> to vector<16xi32>
    %swap3A_675 = vector.shape_cast %sub3A_671 : vector<16xi32> to vector<16xi32>
    tpu.vector_store %arg9[%swap3A_672], %swap3A_675 {strides = array<i32>} : memref<640xi32, #tpu.memory_space<vmem>>, vector<16xi32>,
    %get3A_676 = arith.constant 432 : index
    %get3A_677 = tpu.vector_load %arg7[%get3A_676] {strides = array<i32>} : memref<640xi32, #tpu.memory_space<vmem>>, vector<16xi32>,
    %get3A_678 = vector.shape_cast %get3A_677 : vector<16xi32> to vector<16xi32>
    %convert_element_type3A_679 = arith.sitofp %get3A_678 : vector<16xi32> to vector<16xf32>
    %mul3A_680 = arith.mulf %convert_element_type3A_679, %broadcast_in_dim3A_7 : vector<16xf32>
    %convert_element_type3A_681 = arith.fptosi %mul3A_680 : vector<16xf32> to vector<16xi32>
    %mul3A_682 = arith.muli %convert_element_type3A_681, %broadcast_in_dim3A_3 : vector<16xi32>
    %gt3A_683 = arith.cmpi sgt, %mul3A_682, %get3A_678 : vector<16xi32>
    %sub3A_684 = arith.subi %convert_element_type3A_681, %broadcast_in_dim3A_5 : vector<16xi32>
    %select_n3A_685 = arith.select %gt3A_683, %sub3A_684, %convert_element_type3A_681 : vector<16xi1>, vector<16xi32>
    %mul3A_686 = arith.muli %select_n3A_685, %broadcast_in_dim3A_3 : vector<16xi32>
    %add3A_687 = arith.addi %mul3A_686, %broadcast_in_dim3A_3 : vector<16xi32>
    %le3A_688 = arith.cmpi sle, %add3A_687, %get3A_678 : vector<16xi32>
    %add3A_689 = arith.addi %select_n3A_685, %broadcast_in_dim3A_5 : vector<16xi32>
    %select_n3A_690 = arith.select %le3A_688, %add3A_689, %select_n3A_685 : vector<16xi1>, vector<16xi32>
    %swap3A_691 = arith.constant 432 : index
    %swap3A_692 = tpu.vector_load %arg8[%swap3A_691] {strides = array<i32>} : memref<640xi32, #tpu.memory_space<vmem>>, vector<16xi32>,
    %swap3A_693 = vector.shape_cast %swap3A_692 : vector<16xi32> to vector<16xi32>
    %swap3A_694 = vector.shape_cast %select_n3A_690 : vector<16xi32> to vector<16xi32>
    tpu.vector_store %arg8[%swap3A_691], %swap3A_694 {strides = array<i32>} : memref<640xi32, #tpu.memory_space<vmem>>, vector<16xi32>,
    %mul3A_695 = arith.muli %select_n3A_690, %broadcast_in_dim3A_3 : vector<16xi32>
    %sub3A_696 = arith.subi %get3A_678, %mul3A_695 : vector<16xi32>
    %swap3A_697 = arith.constant 432 : index
    %swap3A_698 = tpu.vector_load %arg9[%swap3A_697] {strides = array<i32>} : memref<640xi32, #tpu.memory_space<vmem>>, vector<16xi32>,
    %swap3A_699 = vector.shape_cast %swap3A_698 : vector<16xi32> to vector<16xi32>
    %swap3A_700 = vector.shape_cast %sub3A_696 : vector<16xi32> to vector<16xi32>
    tpu.vector_store %arg9[%swap3A_697], %swap3A_700 {strides = array<i32>} : memref<640xi32, #tpu.memory_space<vmem>>, vector<16xi32>,
    %get3A_701 = arith.constant 448 : index
    %get3A_702 = tpu.vector_load %arg7[%get3A_701] {strides = array<i32>} : memref<640xi32, #tpu.memory_space<vmem>>, vector<16xi32>,
    %get3A_703 = vector.shape_cast %get3A_702 : vector<16xi32> to vector<16xi32>
    %convert_element_type3A_704 = arith.sitofp %get3A_703 : vector<16xi32> to vector<16xf32>
    %mul3A_705 = arith.mulf %convert_element_type3A_704, %broadcast_in_dim3A_7 : vector<16xf32>
    %convert_element_type3A_706 = arith.fptosi %mul3A_705 : vector<16xf32> to vector<16xi32>
    %mul3A_707 = arith.muli %convert_element_type3A_706, %broadcast_in_dim3A_3 : vector<16xi32>
    %gt3A_708 = arith.cmpi sgt, %mul3A_707, %get3A_703 : vector<16xi32>
    %sub3A_709 = arith.subi %convert_element_type3A_706, %broadcast_in_dim3A_5 : vector<16xi32>
    %select_n3A_710 = arith.select %gt3A_708, %sub3A_709, %convert_element_type3A_706 : vector<16xi1>, vector<16xi32>
    %mul3A_711 = arith.muli %select_n3A_710, %broadcast_in_dim3A_3 : vector<16xi32>
    %add3A_712 = arith.addi %mul3A_711, %broadcast_in_dim3A_3 : vector<16xi32>
    %le3A_713 = arith.cmpi sle, %add3A_712, %get3A_703 : vector<16xi32>
    %add3A_714 = arith.addi %select_n3A_710, %broadcast_in_dim3A_5 : vector<16xi32>
    %select_n3A_715 = arith.select %le3A_713, %add3A_714, %select_n3A_710 : vector<16xi1>, vector<16xi32>
    %swap3A_716 = arith.constant 448 : index
    %swap3A_717 = tpu.vector_load %arg8[%swap3A_716] {strides = array<i32>} : memref<640xi32, #tpu.memory_space<vmem>>, vector<16xi32>,
    %swap3A_718 = vector.shape_cast %swap3A_717 : vector<16xi32> to vector<16xi32>
    %swap3A_719 = vector.shape_cast %select_n3A_715 : vector<16xi32> to vector<16xi32>
    tpu.vector_store %arg8[%swap3A_716], %swap3A_719 {strides = array<i32>} : memref<640xi32, #tpu.memory_space<vmem>>, vector<16xi32>,
    %mul3A_720 = arith.muli %select_n3A_715, %broadcast_in_dim3A_3 : vector<16xi32>
    %sub3A_721 = arith.subi %get3A_703, %mul3A_720 : vector<16xi32>
    %swap3A_722 = arith.constant 448 : index
    %swap3A_723 = tpu.vector_load %arg9[%swap3A_722] {strides = array<i32>} : memref<640xi32, #tpu.memory_space<vmem>>, vector<16xi32>,
    %swap3A_724 = vector.shape_cast %swap3A_723 : vector<16xi32> to vector<16xi32>
    %swap3A_725 = vector.shape_cast %sub3A_721 : vector<16xi32> to vector<16xi32>
    tpu.vector_store %arg9[%swap3A_722], %swap3A_725 {strides = array<i32>} : memref<640xi32, #tpu.memory_space<vmem>>, vector<16xi32>,
    %get3A_726 = arith.constant 464 : index
    %get3A_727 = tpu.vector_load %arg7[%get3A_726] {strides = array<i32>} : memref<640xi32, #tpu.memory_space<vmem>>, vector<16xi32>,
    %get3A_728 = vector.shape_cast %get3A_727 : vector<16xi32> to vector<16xi32>
    %convert_element_type3A_729 = arith.sitofp %get3A_728 : vector<16xi32> to vector<16xf32>
    %mul3A_730 = arith.mulf %convert_element_type3A_729, %broadcast_in_dim3A_7 : vector<16xf32>
    %convert_element_type3A_731 = arith.fptosi %mul3A_730 : vector<16xf32> to vector<16xi32>
    %mul3A_732 = arith.muli %convert_element_type3A_731, %broadcast_in_dim3A_3 : vector<16xi32>
    %gt3A_733 = arith.cmpi sgt, %mul3A_732, %get3A_728 : vector<16xi32>
    %sub3A_734 = arith.subi %convert_element_type3A_731, %broadcast_in_dim3A_5 : vector<16xi32>
    %select_n3A_735 = arith.select %gt3A_733, %sub3A_734, %convert_element_type3A_731 : vector<16xi1>, vector<16xi32>
    %mul3A_736 = arith.muli %select_n3A_735, %broadcast_in_dim3A_3 : vector<16xi32>
    %add3A_737 = arith.addi %mul3A_736, %broadcast_in_dim3A_3 : vector<16xi32>
    %le3A_738 = arith.cmpi sle, %add3A_737, %get3A_728 : vector<16xi32>
    %add3A_739 = arith.addi %select_n3A_735, %broadcast_in_dim3A_5 : vector<16xi32>
    %select_n3A_740 = arith.select %le3A_738, %add3A_739, %select_n3A_735 : vector<16xi1>, vector<16xi32>
    %swap3A_741 = arith.constant 464 : index
    %swap3A_742 = tpu.vector_load %arg8[%swap3A_741] {strides = array<i32>} : memref<640xi32, #tpu.memory_space<vmem>>, vector<16xi32>,
    %swap3A_743 = vector.shape_cast %swap3A_742 : vector<16xi32> to vector<16xi32>
    %swap3A_744 = vector.shape_cast %select_n3A_740 : vector<16xi32> to vector<16xi32>
    tpu.vector_store %arg8[%swap3A_741], %swap3A_744 {strides = array<i32>} : memref<640xi32, #tpu.memory_space<vmem>>, vector<16xi32>,
    %mul3A_745 = arith.muli %select_n3A_740, %broadcast_in_dim3A_3 : vector<16xi32>
    %sub3A_746 = arith.subi %get3A_728, %mul3A_745 : vector<16xi32>
    %swap3A_747 = arith.constant 464 : index
    %swap3A_748 = tpu.vector_load %arg9[%swap3A_747] {strides = array<i32>} : memref<640xi32, #tpu.memory_space<vmem>>, vector<16xi32>,
    %swap3A_749 = vector.shape_cast %swap3A_748 : vector<16xi32> to vector<16xi32>
    %swap3A_750 = vector.shape_cast %sub3A_746 : vector<16xi32> to vector<16xi32>
    tpu.vector_store %arg9[%swap3A_747], %swap3A_750 {strides = array<i32>} : memref<640xi32, #tpu.memory_space<vmem>>, vector<16xi32>,
    %get3A_751 = arith.constant 480 : index
    %get3A_752 = tpu.vector_load %arg7[%get3A_751] {strides = array<i32>} : memref<640xi32, #tpu.memory_space<vmem>>, vector<16xi32>,
    %get3A_753 = vector.shape_cast %get3A_752 : vector<16xi32> to vector<16xi32>
    %convert_element_type3A_754 = arith.sitofp %get3A_753 : vector<16xi32> to vector<16xf32>
    %mul3A_755 = arith.mulf %convert_element_type3A_754, %broadcast_in_dim3A_7 : vector<16xf32>
    %convert_element_type3A_756 = arith.fptosi %mul3A_755 : vector<16xf32> to vector<16xi32>
    %mul3A_757 = arith.muli %convert_element_type3A_756, %broadcast_in_dim3A_3 : vector<16xi32>
    %gt3A_758 = arith.cmpi sgt, %mul3A_757, %get3A_753 : vector<16xi32>
    %sub3A_759 = arith.subi %convert_element_type3A_756, %broadcast_in_dim3A_5 : vector<16xi32>
    %select_n3A_760 = arith.select %gt3A_758, %sub3A_759, %convert_element_type3A_756 : vector<16xi1>, vector<16xi32>
    %mul3A_761 = arith.muli %select_n3A_760, %broadcast_in_dim3A_3 : vector<16xi32>
    %add3A_762 = arith.addi %mul3A_761, %broadcast_in_dim3A_3 : vector<16xi32>
    %le3A_763 = arith.cmpi sle, %add3A_762, %get3A_753 : vector<16xi32>
    %add3A_764 = arith.addi %select_n3A_760, %broadcast_in_dim3A_5 : vector<16xi32>
    %select_n3A_765 = arith.select %le3A_763, %add3A_764, %select_n3A_760 : vector<16xi1>, vector<16xi32>
    %swap3A_766 = arith.constant 480 : index
    %swap3A_767 = tpu.vector_load %arg8[%swap3A_766] {strides = array<i32>} : memref<640xi32, #tpu.memory_space<vmem>>, vector<16xi32>,
    %swap3A_768 = vector.shape_cast %swap3A_767 : vector<16xi32> to vector<16xi32>
    %swap3A_769 = vector.shape_cast %select_n3A_765 : vector<16xi32> to vector<16xi32>
    tpu.vector_store %arg8[%swap3A_766], %swap3A_769 {strides = array<i32>} : memref<640xi32, #tpu.memory_space<vmem>>, vector<16xi32>,
    %mul3A_770 = arith.muli %select_n3A_765, %broadcast_in_dim3A_3 : vector<16xi32>
    %sub3A_771 = arith.subi %get3A_753, %mul3A_770 : vector<16xi32>
    %swap3A_772 = arith.constant 480 : index
    %swap3A_773 = tpu.vector_load %arg9[%swap3A_772] {strides = array<i32>} : memref<640xi32, #tpu.memory_space<vmem>>, vector<16xi32>,
    %swap3A_774 = vector.shape_cast %swap3A_773 : vector<16xi32> to vector<16xi32>
    %swap3A_775 = vector.shape_cast %sub3A_771 : vector<16xi32> to vector<16xi32>
    tpu.vector_store %arg9[%swap3A_772], %swap3A_775 {strides = array<i32>} : memref<640xi32, #tpu.memory_space<vmem>>, vector<16xi32>,
    %get3A_776 = arith.constant 496 : index
    %get3A_777 = tpu.vector_load %arg7[%get3A_776] {strides = array<i32>} : memref<640xi32, #tpu.memory_space<vmem>>, vector<16xi32>,
    %get3A_778 = vector.shape_cast %get3A_777 : vector<16xi32> to vector<16xi32>
    %convert_element_type3A_779 = arith.sitofp %get3A_778 : vector<16xi32> to vector<16xf32>
    %mul3A_780 = arith.mulf %convert_element_type3A_779, %broadcast_in_dim3A_7 : vector<16xf32>
    %convert_element_type3A_781 = arith.fptosi %mul3A_780 : vector<16xf32> to vector<16xi32>
    %mul3A_782 = arith.muli %convert_element_type3A_781, %broadcast_in_dim3A_3 : vector<16xi32>
    %gt3A_783 = arith.cmpi sgt, %mul3A_782, %get3A_778 : vector<16xi32>
    %sub3A_784 = arith.subi %convert_element_type3A_781, %broadcast_in_dim3A_5 : vector<16xi32>
    %select_n3A_785 = arith.select %gt3A_783, %sub3A_784, %convert_element_type3A_781 : vector<16xi1>, vector<16xi32>
    %mul3A_786 = arith.muli %select_n3A_785, %broadcast_in_dim3A_3 : vector<16xi32>
    %add3A_787 = arith.addi %mul3A_786, %broadcast_in_dim3A_3 : vector<16xi32>
    %le3A_788 = arith.cmpi sle, %add3A_787, %get3A_778 : vector<16xi32>
    %add3A_789 = arith.addi %select_n3A_785, %broadcast_in_dim3A_5 : vector<16xi32>
    %select_n3A_790 = arith.select %le3A_788, %add3A_789, %select_n3A_785 : vector<16xi1>, vector<16xi32>
    %swap3A_791 = arith.constant 496 : index
    %swap3A_792 = tpu.vector_load %arg8[%swap3A_791] {strides = array<i32>} : memref<640xi32, #tpu.memory_space<vmem>>, vector<16xi32>,
    %swap3A_793 = vector.shape_cast %swap3A_792 : vector<16xi32> to vector<16xi32>
    %swap3A_794 = vector.shape_cast %select_n3A_790 : vector<16xi32> to vector<16xi32>
    tpu.vector_store %arg8[%swap3A_791], %swap3A_794 {strides = array<i32>} : memref<640xi32, #tpu.memory_space<vmem>>, vector<16xi32>,
    %mul3A_795 = arith.muli %select_n3A_790, %broadcast_in_dim3A_3 : vector<16xi32>
    %sub3A_796 = arith.subi %get3A_778, %mul3A_795 : vector<16xi32>
    %swap3A_797 = arith.constant 496 : index
    %swap3A_798 = tpu.vector_load %arg9[%swap3A_797] {strides = array<i32>} : memref<640xi32, #tpu.memory_space<vmem>>, vector<16xi32>,
    %swap3A_799 = vector.shape_cast %swap3A_798 : vector<16xi32> to vector<16xi32>
    %swap3A_800 = vector.shape_cast %sub3A_796 : vector<16xi32> to vector<16xi32>
    tpu.vector_store %arg9[%swap3A_797], %swap3A_800 {strides = array<i32>} : memref<640xi32, #tpu.memory_space<vmem>>, vector<16xi32>,
    %get3A_801 = arith.constant 512 : index
    %get3A_802 = tpu.vector_load %arg7[%get3A_801] {strides = array<i32>} : memref<640xi32, #tpu.memory_space<vmem>>, vector<16xi32>,
    %get3A_803 = vector.shape_cast %get3A_802 : vector<16xi32> to vector<16xi32>
    %convert_element_type3A_804 = arith.sitofp %get3A_803 : vector<16xi32> to vector<16xf32>
    %mul3A_805 = arith.mulf %convert_element_type3A_804, %broadcast_in_dim3A_7 : vector<16xf32>
    %convert_element_type3A_806 = arith.fptosi %mul3A_805 : vector<16xf32> to vector<16xi32>
    %mul3A_807 = arith.muli %convert_element_type3A_806, %broadcast_in_dim3A_3 : vector<16xi32>
    %gt3A_808 = arith.cmpi sgt, %mul3A_807, %get3A_803 : vector<16xi32>
    %sub3A_809 = arith.subi %convert_element_type3A_806, %broadcast_in_dim3A_5 : vector<16xi32>
    %select_n3A_810 = arith.select %gt3A_808, %sub3A_809, %convert_element_type3A_806 : vector<16xi1>, vector<16xi32>
    %mul3A_811 = arith.muli %select_n3A_810, %broadcast_in_dim3A_3 : vector<16xi32>
    %add3A_812 = arith.addi %mul3A_811, %broadcast_in_dim3A_3 : vector<16xi32>
    %le3A_813 = arith.cmpi sle, %add3A_812, %get3A_803 : vector<16xi32>
    %add3A_814 = arith.addi %select_n3A_810, %broadcast_in_dim3A_5 : vector<16xi32>
    %select_n3A_815 = arith.select %le3A_813, %add3A_814, %select_n3A_810 : vector<16xi1>, vector<16xi32>
    %swap3A_816 = arith.constant 512 : index
    %swap3A_817 = tpu.vector_load %arg8[%swap3A_816] {strides = array<i32>} : memref<640xi32, #tpu.memory_space<vmem>>, vector<16xi32>,
    %swap3A_818 = vector.shape_cast %swap3A_817 : vector<16xi32> to vector<16xi32>
    %swap3A_819 = vector.shape_cast %select_n3A_815 : vector<16xi32> to vector<16xi32>
    tpu.vector_store %arg8[%swap3A_816], %swap3A_819 {strides = array<i32>} : memref<640xi32, #tpu.memory_space<vmem>>, vector<16xi32>,
    %mul3A_820 = arith.muli %select_n3A_815, %broadcast_in_dim3A_3 : vector<16xi32>
    %sub3A_821 = arith.subi %get3A_803, %mul3A_820 : vector<16xi32>
    %swap3A_822 = arith.constant 512 : index
    %swap3A_823 = tpu.vector_load %arg9[%swap3A_822] {strides = array<i32>} : memref<640xi32, #tpu.memory_space<vmem>>, vector<16xi32>,
    %swap3A_824 = vector.shape_cast %swap3A_823 : vector<16xi32> to vector<16xi32>
    %swap3A_825 = vector.shape_cast %sub3A_821 : vector<16xi32> to vector<16xi32>
    tpu.vector_store %arg9[%swap3A_822], %swap3A_825 {strides = array<i32>} : memref<640xi32, #tpu.memory_space<vmem>>, vector<16xi32>,
    %get3A_826 = arith.constant 528 : index
    %get3A_827 = tpu.vector_load %arg7[%get3A_826] {strides = array<i32>} : memref<640xi32, #tpu.memory_space<vmem>>, vector<16xi32>,
    %get3A_828 = vector.shape_cast %get3A_827 : vector<16xi32> to vector<16xi32>
    %convert_element_type3A_829 = arith.sitofp %get3A_828 : vector<16xi32> to vector<16xf32>
    %mul3A_830 = arith.mulf %convert_element_type3A_829, %broadcast_in_dim3A_7 : vector<16xf32>
    %convert_element_type3A_831 = arith.fptosi %mul3A_830 : vector<16xf32> to vector<16xi32>
    %mul3A_832 = arith.muli %convert_element_type3A_831, %broadcast_in_dim3A_3 : vector<16xi32>
    %gt3A_833 = arith.cmpi sgt, %mul3A_832, %get3A_828 : vector<16xi32>
    %sub3A_834 = arith.subi %convert_element_type3A_831, %broadcast_in_dim3A_5 : vector<16xi32>
    %select_n3A_835 = arith.select %gt3A_833, %sub3A_834, %convert_element_type3A_831 : vector<16xi1>, vector<16xi32>
    %mul3A_836 = arith.muli %select_n3A_835, %broadcast_in_dim3A_3 : vector<16xi32>
    %add3A_837 = arith.addi %mul3A_836, %broadcast_in_dim3A_3 : vector<16xi32>
    %le3A_838 = arith.cmpi sle, %add3A_837, %get3A_828 : vector<16xi32>
    %add3A_839 = arith.addi %select_n3A_835, %broadcast_in_dim3A_5 : vector<16xi32>
    %select_n3A_840 = arith.select %le3A_838, %add3A_839, %select_n3A_835 : vector<16xi1>, vector<16xi32>
    %swap3A_841 = arith.constant 528 : index
    %swap3A_842 = tpu.vector_load %arg8[%swap3A_841] {strides = array<i32>} : memref<640xi32, #tpu.memory_space<vmem>>, vector<16xi32>,
    %swap3A_843 = vector.shape_cast %swap3A_842 : vector<16xi32> to vector<16xi32>
    %swap3A_844 = vector.shape_cast %select_n3A_840 : vector<16xi32> to vector<16xi32>
    tpu.vector_store %arg8[%swap3A_841], %swap3A_844 {strides = array<i32>} : memref<640xi32, #tpu.memory_space<vmem>>, vector<16xi32>,
    %mul3A_845 = arith.muli %select_n3A_840, %broadcast_in_dim3A_3 : vector<16xi32>
    %sub3A_846 = arith.subi %get3A_828, %mul3A_845 : vector<16xi32>
    %swap3A_847 = arith.constant 528 : index
    %swap3A_848 = tpu.vector_load %arg9[%swap3A_847] {strides = array<i32>} : memref<640xi32, #tpu.memory_space<vmem>>, vector<16xi32>,
    %swap3A_849 = vector.shape_cast %swap3A_848 : vector<16xi32> to vector<16xi32>
    %swap3A_850 = vector.shape_cast %sub3A_846 : vector<16xi32> to vector<16xi32>
    tpu.vector_store %arg9[%swap3A_847], %swap3A_850 {strides = array<i32>} : memref<640xi32, #tpu.memory_space<vmem>>, vector<16xi32>,
    %get3A_851 = arith.constant 544 : index
    %get3A_852 = tpu.vector_load %arg7[%get3A_851] {strides = array<i32>} : memref<640xi32, #tpu.memory_space<vmem>>, vector<16xi32>,
    %get3A_853 = vector.shape_cast %get3A_852 : vector<16xi32> to vector<16xi32>
    %convert_element_type3A_854 = arith.sitofp %get3A_853 : vector<16xi32> to vector<16xf32>
    %mul3A_855 = arith.mulf %convert_element_type3A_854, %broadcast_in_dim3A_7 : vector<16xf32>
    %convert_element_type3A_856 = arith.fptosi %mul3A_855 : vector<16xf32> to vector<16xi32>
    %mul3A_857 = arith.muli %convert_element_type3A_856, %broadcast_in_dim3A_3 : vector<16xi32>
    %gt3A_858 = arith.cmpi sgt, %mul3A_857, %get3A_853 : vector<16xi32>
    %sub3A_859 = arith.subi %convert_element_type3A_856, %broadcast_in_dim3A_5 : vector<16xi32>
    %select_n3A_860 = arith.select %gt3A_858, %sub3A_859, %convert_element_type3A_856 : vector<16xi1>, vector<16xi32>
    %mul3A_861 = arith.muli %select_n3A_860, %broadcast_in_dim3A_3 : vector<16xi32>
    %add3A_862 = arith.addi %mul3A_861, %broadcast_in_dim3A_3 : vector<16xi32>
    %le3A_863 = arith.cmpi sle, %add3A_862, %get3A_853 : vector<16xi32>
    %add3A_864 = arith.addi %select_n3A_860, %broadcast_in_dim3A_5 : vector<16xi32>
    %select_n3A_865 = arith.select %le3A_863, %add3A_864, %select_n3A_860 : vector<16xi1>, vector<16xi32>
    %swap3A_866 = arith.constant 544 : index
    %swap3A_867 = tpu.vector_load %arg8[%swap3A_866] {strides = array<i32>} : memref<640xi32, #tpu.memory_space<vmem>>, vector<16xi32>,
    %swap3A_868 = vector.shape_cast %swap3A_867 : vector<16xi32> to vector<16xi32>
    %swap3A_869 = vector.shape_cast %select_n3A_865 : vector<16xi32> to vector<16xi32>
    tpu.vector_store %arg8[%swap3A_866], %swap3A_869 {strides = array<i32>} : memref<640xi32, #tpu.memory_space<vmem>>, vector<16xi32>,
    %mul3A_870 = arith.muli %select_n3A_865, %broadcast_in_dim3A_3 : vector<16xi32>
    %sub3A_871 = arith.subi %get3A_853, %mul3A_870 : vector<16xi32>
    %swap3A_872 = arith.constant 544 : index
    %swap3A_873 = tpu.vector_load %arg9[%swap3A_872] {strides = array<i32>} : memref<640xi32, #tpu.memory_space<vmem>>, vector<16xi32>,
    %swap3A_874 = vector.shape_cast %swap3A_873 : vector<16xi32> to vector<16xi32>
    %swap3A_875 = vector.shape_cast %sub3A_871 : vector<16xi32> to vector<16xi32>
    tpu.vector_store %arg9[%swap3A_872], %swap3A_875 {strides = array<i32>} : memref<640xi32, #tpu.memory_space<vmem>>, vector<16xi32>,
    %get3A_876 = arith.constant 560 : index
    %get3A_877 = tpu.vector_load %arg7[%get3A_876] {strides = array<i32>} : memref<640xi32, #tpu.memory_space<vmem>>, vector<16xi32>,
    %get3A_878 = vector.shape_cast %get3A_877 : vector<16xi32> to vector<16xi32>
    %convert_element_type3A_879 = arith.sitofp %get3A_878 : vector<16xi32> to vector<16xf32>
    %mul3A_880 = arith.mulf %convert_element_type3A_879, %broadcast_in_dim3A_7 : vector<16xf32>
    %convert_element_type3A_881 = arith.fptosi %mul3A_880 : vector<16xf32> to vector<16xi32>
    %mul3A_882 = arith.muli %convert_element_type3A_881, %broadcast_in_dim3A_3 : vector<16xi32>
    %gt3A_883 = arith.cmpi sgt, %mul3A_882, %get3A_878 : vector<16xi32>
    %sub3A_884 = arith.subi %convert_element_type3A_881, %broadcast_in_dim3A_5 : vector<16xi32>
    %select_n3A_885 = arith.select %gt3A_883, %sub3A_884, %convert_element_type3A_881 : vector<16xi1>, vector<16xi32>
    %mul3A_886 = arith.muli %select_n3A_885, %broadcast_in_dim3A_3 : vector<16xi32>
    %add3A_887 = arith.addi %mul3A_886, %broadcast_in_dim3A_3 : vector<16xi32>
    %le3A_888 = arith.cmpi sle, %add3A_887, %get3A_878 : vector<16xi32>
    %add3A_889 = arith.addi %select_n3A_885, %broadcast_in_dim3A_5 : vector<16xi32>
    %select_n3A_890 = arith.select %le3A_888, %add3A_889, %select_n3A_885 : vector<16xi1>, vector<16xi32>
    %swap3A_891 = arith.constant 560 : index
    %swap3A_892 = tpu.vector_load %arg8[%swap3A_891] {strides = array<i32>} : memref<640xi32, #tpu.memory_space<vmem>>, vector<16xi32>,
    %swap3A_893 = vector.shape_cast %swap3A_892 : vector<16xi32> to vector<16xi32>
    %swap3A_894 = vector.shape_cast %select_n3A_890 : vector<16xi32> to vector<16xi32>
    tpu.vector_store %arg8[%swap3A_891], %swap3A_894 {strides = array<i32>} : memref<640xi32, #tpu.memory_space<vmem>>, vector<16xi32>,
    %mul3A_895 = arith.muli %select_n3A_890, %broadcast_in_dim3A_3 : vector<16xi32>
    %sub3A_896 = arith.subi %get3A_878, %mul3A_895 : vector<16xi32>
    %swap3A_897 = arith.constant 560 : index
    %swap3A_898 = tpu.vector_load %arg9[%swap3A_897] {strides = array<i32>} : memref<640xi32, #tpu.memory_space<vmem>>, vector<16xi32>,
    %swap3A_899 = vector.shape_cast %swap3A_898 : vector<16xi32> to vector<16xi32>
    %swap3A_900 = vector.shape_cast %sub3A_896 : vector<16xi32> to vector<16xi32>
    tpu.vector_store %arg9[%swap3A_897], %swap3A_900 {strides = array<i32>} : memref<640xi32, #tpu.memory_space<vmem>>, vector<16xi32>,
    %get3A_901 = arith.constant 576 : index
    %get3A_902 = tpu.vector_load %arg7[%get3A_901] {strides = array<i32>} : memref<640xi32, #tpu.memory_space<vmem>>, vector<16xi32>,
    %get3A_903 = vector.shape_cast %get3A_902 : vector<16xi32> to vector<16xi32>
    %convert_element_type3A_904 = arith.sitofp %get3A_903 : vector<16xi32> to vector<16xf32>
    %mul3A_905 = arith.mulf %convert_element_type3A_904, %broadcast_in_dim3A_7 : vector<16xf32>
    %convert_element_type3A_906 = arith.fptosi %mul3A_905 : vector<16xf32> to vector<16xi32>
    %mul3A_907 = arith.muli %convert_element_type3A_906, %broadcast_in_dim3A_3 : vector<16xi32>
    %gt3A_908 = arith.cmpi sgt, %mul3A_907, %get3A_903 : vector<16xi32>
    %sub3A_909 = arith.subi %convert_element_type3A_906, %broadcast_in_dim3A_5 : vector<16xi32>
    %select_n3A_910 = arith.select %gt3A_908, %sub3A_909, %convert_element_type3A_906 : vector<16xi1>, vector<16xi32>
    %mul3A_911 = arith.muli %select_n3A_910, %broadcast_in_dim3A_3 : vector<16xi32>
    %add3A_912 = arith.addi %mul3A_911, %broadcast_in_dim3A_3 : vector<16xi32>
    %le3A_913 = arith.cmpi sle, %add3A_912, %get3A_903 : vector<16xi32>
    %add3A_914 = arith.addi %select_n3A_910, %broadcast_in_dim3A_5 : vector<16xi32>
    %select_n3A_915 = arith.select %le3A_913, %add3A_914, %select_n3A_910 : vector<16xi1>, vector<16xi32>
    %swap3A_916 = arith.constant 576 : index
    %swap3A_917 = tpu.vector_load %arg8[%swap3A_916] {strides = array<i32>} : memref<640xi32, #tpu.memory_space<vmem>>, vector<16xi32>,
    %swap3A_918 = vector.shape_cast %swap3A_917 : vector<16xi32> to vector<16xi32>
    %swap3A_919 = vector.shape_cast %select_n3A_915 : vector<16xi32> to vector<16xi32>
    tpu.vector_store %arg8[%swap3A_916], %swap3A_919 {strides = array<i32>} : memref<640xi32, #tpu.memory_space<vmem>>, vector<16xi32>,
    %mul3A_920 = arith.muli %select_n3A_915, %broadcast_in_dim3A_3 : vector<16xi32>
    %sub3A_921 = arith.subi %get3A_903, %mul3A_920 : vector<16xi32>
    %swap3A_922 = arith.constant 576 : index
    %swap3A_923 = tpu.vector_load %arg9[%swap3A_922] {strides = array<i32>} : memref<640xi32, #tpu.memory_space<vmem>>, vector<16xi32>,
    %swap3A_924 = vector.shape_cast %swap3A_923 : vector<16xi32> to vector<16xi32>
    %swap3A_925 = vector.shape_cast %sub3A_921 : vector<16xi32> to vector<16xi32>
    tpu.vector_store %arg9[%swap3A_922], %swap3A_925 {strides = array<i32>} : memref<640xi32, #tpu.memory_space<vmem>>, vector<16xi32>,
    %get3A_926 = arith.constant 592 : index
    %get3A_927 = tpu.vector_load %arg7[%get3A_926] {strides = array<i32>} : memref<640xi32, #tpu.memory_space<vmem>>, vector<16xi32>,
    %get3A_928 = vector.shape_cast %get3A_927 : vector<16xi32> to vector<16xi32>
    %convert_element_type3A_929 = arith.sitofp %get3A_928 : vector<16xi32> to vector<16xf32>
    %mul3A_930 = arith.mulf %convert_element_type3A_929, %broadcast_in_dim3A_7 : vector<16xf32>
    %convert_element_type3A_931 = arith.fptosi %mul3A_930 : vector<16xf32> to vector<16xi32>
    %mul3A_932 = arith.muli %convert_element_type3A_931, %broadcast_in_dim3A_3 : vector<16xi32>
    %gt3A_933 = arith.cmpi sgt, %mul3A_932, %get3A_928 : vector<16xi32>
    %sub3A_934 = arith.subi %convert_element_type3A_931, %broadcast_in_dim3A_5 : vector<16xi32>
    %select_n3A_935 = arith.select %gt3A_933, %sub3A_934, %convert_element_type3A_931 : vector<16xi1>, vector<16xi32>
    %mul3A_936 = arith.muli %select_n3A_935, %broadcast_in_dim3A_3 : vector<16xi32>
    %add3A_937 = arith.addi %mul3A_936, %broadcast_in_dim3A_3 : vector<16xi32>
    %le3A_938 = arith.cmpi sle, %add3A_937, %get3A_928 : vector<16xi32>
    %add3A_939 = arith.addi %select_n3A_935, %broadcast_in_dim3A_5 : vector<16xi32>
    %select_n3A_940 = arith.select %le3A_938, %add3A_939, %select_n3A_935 : vector<16xi1>, vector<16xi32>
    %swap3A_941 = arith.constant 592 : index
    %swap3A_942 = tpu.vector_load %arg8[%swap3A_941] {strides = array<i32>} : memref<640xi32, #tpu.memory_space<vmem>>, vector<16xi32>,
    %swap3A_943 = vector.shape_cast %swap3A_942 : vector<16xi32> to vector<16xi32>
    %swap3A_944 = vector.shape_cast %select_n3A_940 : vector<16xi32> to vector<16xi32>
    tpu.vector_store %arg8[%swap3A_941], %swap3A_944 {strides = array<i32>} : memref<640xi32, #tpu.memory_space<vmem>>, vector<16xi32>,
    %mul3A_945 = arith.muli %select_n3A_940, %broadcast_in_dim3A_3 : vector<16xi32>
    %sub3A_946 = arith.subi %get3A_928, %mul3A_945 : vector<16xi32>
    %swap3A_947 = arith.constant 592 : index
    %swap3A_948 = tpu.vector_load %arg9[%swap3A_947] {strides = array<i32>} : memref<640xi32, #tpu.memory_space<vmem>>, vector<16xi32>,
    %swap3A_949 = vector.shape_cast %swap3A_948 : vector<16xi32> to vector<16xi32>
    %swap3A_950 = vector.shape_cast %sub3A_946 : vector<16xi32> to vector<16xi32>
    tpu.vector_store %arg9[%swap3A_947], %swap3A_950 {strides = array<i32>} : memref<640xi32, #tpu.memory_space<vmem>>, vector<16xi32>,
    %get3A_951 = arith.constant 608 : index
    %get3A_952 = tpu.vector_load %arg7[%get3A_951] {strides = array<i32>} : memref<640xi32, #tpu.memory_space<vmem>>, vector<16xi32>,
    %get3A_953 = vector.shape_cast %get3A_952 : vector<16xi32> to vector<16xi32>
    %convert_element_type3A_954 = arith.sitofp %get3A_953 : vector<16xi32> to vector<16xf32>
    %mul3A_955 = arith.mulf %convert_element_type3A_954, %broadcast_in_dim3A_7 : vector<16xf32>
    %convert_element_type3A_956 = arith.fptosi %mul3A_955 : vector<16xf32> to vector<16xi32>
    %mul3A_957 = arith.muli %convert_element_type3A_956, %broadcast_in_dim3A_3 : vector<16xi32>
    %gt3A_958 = arith.cmpi sgt, %mul3A_957, %get3A_953 : vector<16xi32>
    %sub3A_959 = arith.subi %convert_element_type3A_956, %broadcast_in_dim3A_5 : vector<16xi32>
    %select_n3A_960 = arith.select %gt3A_958, %sub3A_959, %convert_element_type3A_956 : vector<16xi1>, vector<16xi32>
    %mul3A_961 = arith.muli %select_n3A_960, %broadcast_in_dim3A_3 : vector<16xi32>
    %add3A_962 = arith.addi %mul3A_961, %broadcast_in_dim3A_3 : vector<16xi32>
    %le3A_963 = arith.cmpi sle, %add3A_962, %get3A_953 : vector<16xi32>
    %add3A_964 = arith.addi %select_n3A_960, %broadcast_in_dim3A_5 : vector<16xi32>
    %select_n3A_965 = arith.select %le3A_963, %add3A_964, %select_n3A_960 : vector<16xi1>, vector<16xi32>
    %swap3A_966 = arith.constant 608 : index
    %swap3A_967 = tpu.vector_load %arg8[%swap3A_966] {strides = array<i32>} : memref<640xi32, #tpu.memory_space<vmem>>, vector<16xi32>,
    %swap3A_968 = vector.shape_cast %swap3A_967 : vector<16xi32> to vector<16xi32>
    %swap3A_969 = vector.shape_cast %select_n3A_965 : vector<16xi32> to vector<16xi32>
    tpu.vector_store %arg8[%swap3A_966], %swap3A_969 {strides = array<i32>} : memref<640xi32, #tpu.memory_space<vmem>>, vector<16xi32>,
    %mul3A_970 = arith.muli %select_n3A_965, %broadcast_in_dim3A_3 : vector<16xi32>
    %sub3A_971 = arith.subi %get3A_953, %mul3A_970 : vector<16xi32>
    %swap3A_972 = arith.constant 608 : index
    %swap3A_973 = tpu.vector_load %arg9[%swap3A_972] {strides = array<i32>} : memref<640xi32, #tpu.memory_space<vmem>>, vector<16xi32>,
    %swap3A_974 = vector.shape_cast %swap3A_973 : vector<16xi32> to vector<16xi32>
    %swap3A_975 = vector.shape_cast %sub3A_971 : vector<16xi32> to vector<16xi32>
    tpu.vector_store %arg9[%swap3A_972], %swap3A_975 {strides = array<i32>} : memref<640xi32, #tpu.memory_space<vmem>>, vector<16xi32>,
    %get3A_976 = arith.constant 624 : index
    %get3A_977 = tpu.vector_load %arg7[%get3A_976] {strides = array<i32>} : memref<640xi32, #tpu.memory_space<vmem>>, vector<16xi32>,
    %get3A_978 = vector.shape_cast %get3A_977 : vector<16xi32> to vector<16xi32>
    %convert_element_type3A_979 = arith.sitofp %get3A_978 : vector<16xi32> to vector<16xf32>
    %mul3A_980 = arith.mulf %convert_element_type3A_979, %broadcast_in_dim3A_7 : vector<16xf32>
    %convert_element_type3A_981 = arith.fptosi %mul3A_980 : vector<16xf32> to vector<16xi32>
    %mul3A_982 = arith.muli %convert_element_type3A_981, %broadcast_in_dim3A_3 : vector<16xi32>
    %gt3A_983 = arith.cmpi sgt, %mul3A_982, %get3A_978 : vector<16xi32>
    %sub3A_984 = arith.subi %convert_element_type3A_981, %broadcast_in_dim3A_5 : vector<16xi32>
    %select_n3A_985 = arith.select %gt3A_983, %sub3A_984, %convert_element_type3A_981 : vector<16xi1>, vector<16xi32>
    %mul3A_986 = arith.muli %select_n3A_985, %broadcast_in_dim3A_3 : vector<16xi32>
    %add3A_987 = arith.addi %mul3A_986, %broadcast_in_dim3A_3 : vector<16xi32>
    %le3A_988 = arith.cmpi sle, %add3A_987, %get3A_978 : vector<16xi32>
    %add3A_989 = arith.addi %select_n3A_985, %broadcast_in_dim3A_5 : vector<16xi32>
    %select_n3A_990 = arith.select %le3A_988, %add3A_989, %select_n3A_985 : vector<16xi1>, vector<16xi32>
    %swap3A_991 = arith.constant 624 : index
    %swap3A_992 = tpu.vector_load %arg8[%swap3A_991] {strides = array<i32>} : memref<640xi32, #tpu.memory_space<vmem>>, vector<16xi32>,
    %swap3A_993 = vector.shape_cast %swap3A_992 : vector<16xi32> to vector<16xi32>
    %swap3A_994 = vector.shape_cast %select_n3A_990 : vector<16xi32> to vector<16xi32>
    tpu.vector_store %arg8[%swap3A_991], %swap3A_994 {strides = array<i32>} : memref<640xi32, #tpu.memory_space<vmem>>, vector<16xi32>,
    %mul3A_995 = arith.muli %select_n3A_990, %broadcast_in_dim3A_3 : vector<16xi32>
    %sub3A_996 = arith.subi %get3A_978, %mul3A_995 : vector<16xi32>
    %swap3A_997 = arith.constant 624 : index
    %swap3A_998 = tpu.vector_load %arg9[%swap3A_997] {strides = array<i32>} : memref<640xi32, #tpu.memory_space<vmem>>, vector<16xi32>,
    %swap3A_999 = vector.shape_cast %swap3A_998 : vector<16xi32> to vector<16xi32>
    %swap3A_1000 = vector.shape_cast %sub3A_996 : vector<16xi32> to vector<16xi32>
    tpu.vector_store %arg9[%swap3A_997], %swap3A_1000 {strides = array<i32>} : memref<640xi32, #tpu.memory_space<vmem>>, vector<16xi32>,
    %dma_start3A = arith.constant 0 : i32
    %dma_start3A_1001 = arith.constant 0 : i32
    %dma_start3A_1002 = arith.constant 0 : i32
    %dma_start3A_1003 = tpu.memref_slice %arg10[%dma_start3A, %dma_start3A_1001, %dma_start3A_1002] : memref<2x128x192xi32, #tpu.memory_space<vmem>> -> memref<1x128x192xi32, #tpu.memory_space<vmem>>
    %dma_start3A_1004 = tpu.memref_squeeze %dma_start3A_1003 : memref<1x128x192xi32, #tpu.memory_space<vmem>> -> memref<128x192xi32, #tpu.memory_space<vmem>>
    %dma_start3A_1005 = arith.constant 0 : i32
    %dma_start3A_1006 = tpu.memref_slice %arg8[%dma_start3A_1005] : memref<640xi32, #tpu.memory_space<vmem>> -> memref<128xi32, #tpu.memory_space<vmem>>
    %dma_start3A_1007 = arith.constant 0 : i32
    %dma_start3A_1008 = arith.constant 0 : i32
    %dma_start3A_1009 = tpu.memref_slice %arg3[%dma_start3A_1007, %dma_start3A_1008] : memref<1000x192xi32, #tpu.memory_space<hbm>> -> memref<1000x192xi32, #tpu.memory_space<hbm>>
    tpu.enqueue_indirect_dma source(%dma_start3A_1009 : memref<1000x192xi32, #tpu.memory_space<hbm>>) target(%dma_start3A_1004 : memref<128x192xi32, #tpu.memory_space<vmem>>) offsets(%dma_start3A_1006 : memref<128xi32, #tpu.memory_space<vmem>>) semaphore(%arg12 : memref<!tpu.dma_semaphore, #tpu.memory_space<semaphore_mem>>)
    %dma_start3A_1010 = arith.constant 0 : i32
    %dma_start3A_1011 = arith.constant 0 : i32
    %dma_start3A_1012 = arith.constant 0 : i32
    %dma_start3A_1013 = tpu.memref_slice %arg11[%dma_start3A_1010, %dma_start3A_1011, %dma_start3A_1012] : memref<2x128x192xi32, #tpu.memory_space<vmem>> -> memref<1x128x192xi32, #tpu.memory_space<vmem>>
    %dma_start3A_1014 = tpu.memref_squeeze %dma_start3A_1013 : memref<1x128x192xi32, #tpu.memory_space<vmem>> -> memref<128x192xi32, #tpu.memory_space<vmem>>
    %dma_start3A_1015 = arith.constant 0 : i32
    %dma_start3A_1016 = tpu.memref_slice %arg9[%dma_start3A_1015] : memref<640xi32, #tpu.memory_space<vmem>> -> memref<128xi32, #tpu.memory_space<vmem>>
    %dma_start3A_1017 = arith.constant 0 : i32
    %dma_start3A_1018 = arith.constant 0 : i32
    %dma_start3A_1019 = tpu.memref_slice %arg4[%dma_start3A_1017, %dma_start3A_1018] : memref<1000x192xi32, #tpu.memory_space<hbm>> -> memref<1000x192xi32, #tpu.memory_space<hbm>>
    tpu.enqueue_indirect_dma source(%dma_start3A_1019 : memref<1000x192xi32, #tpu.memory_space<hbm>>) target(%dma_start3A_1014 : memref<128x192xi32, #tpu.memory_space<vmem>>) offsets(%dma_start3A_1016 : memref<128xi32, #tpu.memory_space<vmem>>) semaphore(%arg12 : memref<!tpu.dma_semaphore, #tpu.memory_space<semaphore_mem>>)
    %dma_wait3A = arith.constant 0 : i32
    %dma_wait3A_1020 = arith.constant 0 : i32
    %dma_wait3A_1021 = arith.constant 0 : i32
    %dma_wait3A_1022 = tpu.memref_slice %arg10[%dma_wait3A, %dma_wait3A_1020, %dma_wait3A_1021] : memref<2x128x192xi32, #tpu.memory_space<vmem>> -> memref<1x128x192xi32, #tpu.memory_space<vmem>>
    %dma_wait3A_1023 = tpu.memref_squeeze %dma_wait3A_1022 : memref<1x128x192xi32, #tpu.memory_space<vmem>> -> memref<128x192xi32, #tpu.memory_space<vmem>>
    %dma_wait3A_1024 = arith.constant 0 : i32
    %dma_wait3A_1025 = tpu.memref_slice %arg8[%dma_wait3A_1024] : memref<640xi32, #tpu.memory_space<vmem>> -> memref<128xi32, #tpu.memory_space<vmem>>
    %dma_wait3A_1026 = arith.constant 0 : i32
    %dma_wait3A_1027 = arith.constant 0 : i32
    %dma_wait3A_1028 = tpu.memref_slice %arg3[%dma_wait3A_1026, %dma_wait3A_1027] : memref<1000x192xi32, #tpu.memory_space<hbm>> -> memref<1000x192xi32, #tpu.memory_space<hbm>>
    tpu.wait_indirect_dma semaphore(%arg12 : memref<!tpu.dma_semaphore, #tpu.memory_space<semaphore_mem>>) src(%dma_wait3A_1028 : memref<1000x192xi32, #tpu.memory_space<hbm>>) dst(%dma_wait3A_1023 : memref<128x192xi32, #tpu.memory_space<vmem>>)
    %dma_wait3A_1029 = arith.constant 0 : i32
    %dma_wait3A_1030 = arith.constant 0 : i32
    %dma_wait3A_1031 = arith.constant 0 : i32
    %dma_wait3A_1032 = tpu.memref_slice %arg11[%dma_wait3A_1029, %dma_wait3A_1030, %dma_wait3A_1031] : memref<2x128x192xi32, #tpu.memory_space<vmem>> -> memref<1x128x192xi32, #tpu.memory_space<vmem>>
    %dma_wait3A_1033 = tpu.memref_squeeze %dma_wait3A_1032 : memref<1x128x192xi32, #tpu.memory_space<vmem>> -> memref<128x192xi32, #tpu.memory_space<vmem>>
    %dma_wait3A_1034 = arith.constant 0 : i32
    %dma_wait3A_1035 = tpu.memref_slice %arg9[%dma_wait3A_1034] : memref<640xi32, #tpu.memory_space<vmem>> -> memref<128xi32, #tpu.memory_space<vmem>>
    %dma_wait3A_1036 = arith.constant 0 : i32
    %dma_wait3A_1037 = arith.constant 0 : i32
    %dma_wait3A_1038 = tpu.memref_slice %arg4[%dma_wait3A_1036, %dma_wait3A_1037] : memref<1000x192xi32, #tpu.memory_space<hbm>> -> memref<1000x192xi32, #tpu.memory_space<hbm>>
    tpu.wait_indirect_dma semaphore(%arg12 : memref<!tpu.dma_semaphore, #tpu.memory_space<semaphore_mem>>) src(%dma_wait3A_1038 : memref<1000x192xi32, #tpu.memory_space<hbm>>) dst(%dma_wait3A_1033 : memref<128x192xi32, #tpu.memory_space<vmem>>)
    %dma_start3A_1039 = arith.constant 1 : i32
    %dma_start3A_1040 = arith.constant 0 : i32
    %dma_start3A_1041 = arith.constant 0 : i32
    %dma_start3A_1042 = tpu.memref_slice %arg10[%dma_start3A_1039, %dma_start3A_1040, %dma_start3A_1041] : memref<2x128x192xi32, #tpu.memory_space<vmem>> -> memref<1x128x192xi32, #tpu.memory_space<vmem>>
    %dma_start3A_1043 = tpu.memref_squeeze %dma_start3A_1042 : memref<1x128x192xi32, #tpu.memory_space<vmem>> -> memref<128x192xi32, #tpu.memory_space<vmem>>
    %dma_start3A_1044 = arith.constant 128 : i32
    %dma_start3A_1045 = tpu.memref_slice %arg8[%dma_start3A_1044] : memref<640xi32, #tpu.memory_space<vmem>> -> memref<128xi32, #tpu.memory_space<vmem>>
    %dma_start3A_1046 = arith.constant 0 : i32
    %dma_start3A_1047 = arith.constant 0 : i32
    %dma_start3A_1048 = tpu.memref_slice %arg3[%dma_start3A_1046, %dma_start3A_1047] : memref<1000x192xi32, #tpu.memory_space<hbm>> -> memref<1000x192xi32, #tpu.memory_space<hbm>>
    tpu.enqueue_indirect_dma source(%dma_start3A_1048 : memref<1000x192xi32, #tpu.memory_space<hbm>>) target(%dma_start3A_1043 : memref<128x192xi32, #tpu.memory_space<vmem>>) offsets(%dma_start3A_1045 : memref<128xi32, #tpu.memory_space<vmem>>) semaphore(%arg13 : memref<!tpu.dma_semaphore, #tpu.memory_space<semaphore_mem>>)
    %dma_start3A_1049 = arith.constant 1 : i32
    %dma_start3A_1050 = arith.constant 0 : i32
    %dma_start3A_1051 = arith.constant 0 : i32
    %dma_start3A_1052 = tpu.memref_slice %arg11[%dma_start3A_1049, %dma_start3A_1050, %dma_start3A_1051] : memref<2x128x192xi32, #tpu.memory_space<vmem>> -> memref<1x128x192xi32, #tpu.memory_space<vmem>>
    %dma_start3A_1053 = tpu.memref_squeeze %dma_start3A_1052 : memref<1x128x192xi32, #tpu.memory_space<vmem>> -> memref<128x192xi32, #tpu.memory_space<vmem>>
    %dma_start3A_1054 = arith.constant 128 : i32
    %dma_start3A_1055 = tpu.memref_slice %arg9[%dma_start3A_1054] : memref<640xi32, #tpu.memory_space<vmem>> -> memref<128xi32, #tpu.memory_space<vmem>>
    %dma_start3A_1056 = arith.constant 0 : i32
    %dma_start3A_1057 = arith.constant 0 : i32
    %dma_start3A_1058 = tpu.memref_slice %arg4[%dma_start3A_1056, %dma_start3A_1057] : memref<1000x192xi32, #tpu.memory_space<hbm>> -> memref<1000x192xi32, #tpu.memory_space<hbm>>
    tpu.enqueue_indirect_dma source(%dma_start3A_1058 : memref<1000x192xi32, #tpu.memory_space<hbm>>) target(%dma_start3A_1053 : memref<128x192xi32, #tpu.memory_space<vmem>>) offsets(%dma_start3A_1055 : memref<128xi32, #tpu.memory_space<vmem>>) semaphore(%arg13 : memref<!tpu.dma_semaphore, #tpu.memory_space<semaphore_mem>>)
    %add3A_1059 = arith.constant 0 : i32
    %add3A_1060 = arith.addi %mul3A_2, %add3A_1059 : i32
    %dma_start3A_1061 = arith.constant 0 : i32
    %dma_start3A_1062 = arith.constant 0 : i32
    %dma_start3A_1063 = arith.constant 0 : i32
    %dma_start3A_1064 = tpu.memref_slice %arg10[%dma_start3A_1061, %dma_start3A_1062, %dma_start3A_1063] : memref<2x128x192xi32, #tpu.memory_space<vmem>> -> memref<1x128x192xi32, #tpu.memory_space<vmem>>
    %dma_start3A_1065 = tpu.memref_squeeze %dma_start3A_1064 : memref<1x128x192xi32, #tpu.memory_space<vmem>> -> memref<128x192xi32, #tpu.memory_space<vmem>>
    %dma_start3A_1066 = arith.constant 0 : i32
    %dma_start3A_1067 = tpu.memref_slice %arg5[%add3A_1060, %dma_start3A_1066] : memref<20480x192xi32, #tpu.memory_space<hbm>> -> memref<128x192xi32, #tpu.memory_space<hbm>>
    %dma_start3A_1068 = arith.constant 0 : i32
    %dma_start3A_1069 = tpu.memref_slice %arg5[%add3A_1060, %dma_start3A_1068] : memref<20480x192xi32, #tpu.memory_space<hbm>> -> memref<128x192xi32, #tpu.memory_space<hbm>>
    %dma_start3A_1070 = arith.constant 0 : i32
    %dma_start3A_1071 = arith.constant 0 : i32
    %dma_start3A_1072 = tpu.memref_slice %arg10[%dma_start3A_1061, %dma_start3A_1070, %dma_start3A_1071] : memref<2x128x192xi32, #tpu.memory_space<vmem>> -> memref<1x128x192xi32, #tpu.memory_space<vmem>>
    %dma_start3A_1073 = tpu.memref_squeeze %dma_start3A_1072 : memref<1x128x192xi32, #tpu.memory_space<vmem>> -> memref<128x192xi32, #tpu.memory_space<vmem>>
    tpu.enqueue_dma source(%dma_start3A_1073 : memref<128x192xi32, #tpu.memory_space<vmem>>) target(%dma_start3A_1069 : memref<128x192xi32, #tpu.memory_space<hbm>>) target_semaphore(%arg14 : memref<!tpu.dma_semaphore, #tpu.memory_space<semaphore_mem>>)
    %dma_start3A_1074 = arith.constant 0 : i32
    %dma_start3A_1075 = arith.constant 0 : i32
    %dma_start3A_1076 = arith.constant 0 : i32
    %dma_start3A_1077 = tpu.memref_slice %arg11[%dma_start3A_1074, %dma_start3A_1075, %dma_start3A_1076] : memref<2x128x192xi32, #tpu.memory_space<vmem>> -> memref<1x128x192xi32, #tpu.memory_space<vmem>>
    %dma_start3A_1078 = tpu.memref_squeeze %dma_start3A_1077 : memref<1x128x192xi32, #tpu.memory_space<vmem>> -> memref<128x192xi32, #tpu.memory_space<vmem>>
    %dma_start3A_1079 = arith.constant 0 : i32
    %dma_start3A_1080 = tpu.memref_slice %arg6[%add3A_1060, %dma_start3A_1079] : memref<20480x192xi32, #tpu.memory_space<hbm>> -> memref<128x192xi32, #tpu.memory_space<hbm>>
    %dma_start3A_1081 = arith.constant 0 : i32
    %dma_start3A_1082 = tpu.memref_slice %arg6[%add3A_1060, %dma_start3A_1081] : memref<20480x192xi32, #tpu.memory_space<hbm>> -> memref<128x192xi32, #tpu.memory_space<hbm>>
    %dma_start3A_1083 = arith.constant 0 : i32
    %dma_start3A_1084 = arith.constant 0 : i32
    %dma_start3A_1085 = tpu.memref_slice %arg11[%dma_start3A_1074, %dma_start3A_1083, %dma_start3A_1084] : memref<2x128x192xi32, #tpu.memory_space<vmem>> -> memref<1x128x192xi32, #tpu.memory_space<vmem>>
    %dma_start3A_1086 = tpu.memref_squeeze %dma_start3A_1085 : memref<1x128x192xi32, #tpu.memory_space<vmem>> -> memref<128x192xi32, #tpu.memory_space<vmem>>
    tpu.enqueue_dma source(%dma_start3A_1086 : memref<128x192xi32, #tpu.memory_space<vmem>>) target(%dma_start3A_1082 : memref<128x192xi32, #tpu.memory_space<hbm>>) target_semaphore(%arg14 : memref<!tpu.dma_semaphore, #tpu.memory_space<semaphore_mem>>)
    %dma_wait3A_1087 = arith.constant 1 : i32
    %dma_wait3A_1088 = arith.constant 0 : i32
    %dma_wait3A_1089 = arith.constant 0 : i32
    %dma_wait3A_1090 = tpu.memref_slice %arg10[%dma_wait3A_1087, %dma_wait3A_1088, %dma_wait3A_1089] : memref<2x128x192xi32, #tpu.memory_space<vmem>> -> memref<1x128x192xi32, #tpu.memory_space<vmem>>
    %dma_wait3A_1091 = tpu.memref_squeeze %dma_wait3A_1090 : memref<1x128x192xi32, #tpu.memory_space<vmem>> -> memref<128x192xi32, #tpu.memory_space<vmem>>
    %dma_wait3A_1092 = arith.constant 128 : i32
    %dma_wait3A_1093 = tpu.memref_slice %arg8[%dma_wait3A_1092] : memref<640xi32, #tpu.memory_space<vmem>> -> memref<128xi32, #tpu.memory_space<vmem>>
    %dma_wait3A_1094 = arith.constant 0 : i32
    %dma_wait3A_1095 = arith.constant 0 : i32
    %dma_wait3A_1096 = tpu.memref_slice %arg3[%dma_wait3A_1094, %dma_wait3A_1095] : memref<1000x192xi32, #tpu.memory_space<hbm>> -> memref<1000x192xi32, #tpu.memory_space<hbm>>
    tpu.wait_indirect_dma semaphore(%arg13 : memref<!tpu.dma_semaphore, #tpu.memory_space<semaphore_mem>>) src(%dma_wait3A_1096 : memref<1000x192xi32, #tpu.memory_space<hbm>>) dst(%dma_wait3A_1091 : memref<128x192xi32, #tpu.memory_space<vmem>>)
    %dma_wait3A_1097 = arith.constant 1 : i32
    %dma_wait3A_1098 = arith.constant 0 : i32
    %dma_wait3A_1099 = arith.constant 0 : i32
    %dma_wait3A_1100 = tpu.memref_slice %arg11[%dma_wait3A_1097, %dma_wait3A_1098, %dma_wait3A_1099] : memref<2x128x192xi32, #tpu.memory_space<vmem>> -> memref<1x128x192xi32, #tpu.memory_space<vmem>>
    %dma_wait3A_1101 = tpu.memref_squeeze %dma_wait3A_1100 : memref<1x128x192xi32, #tpu.memory_space<vmem>> -> memref<128x192xi32, #tpu.memory_space<vmem>>
    %dma_wait3A_1102 = arith.constant 128 : i32
    %dma_wait3A_1103 = tpu.memref_slice %arg9[%dma_wait3A_1102] : memref<640xi32, #tpu.memory_space<vmem>> -> memref<128xi32, #tpu.memory_space<vmem>>
    %dma_wait3A_1104 = arith.constant 0 : i32
    %dma_wait3A_1105 = arith.constant 0 : i32
    %dma_wait3A_1106 = tpu.memref_slice %arg4[%dma_wait3A_1104, %dma_wait3A_1105] : memref<1000x192xi32, #tpu.memory_space<hbm>> -> memref<1000x192xi32, #tpu.memory_space<hbm>>
    tpu.wait_indirect_dma semaphore(%arg13 : memref<!tpu.dma_semaphore, #tpu.memory_space<semaphore_mem>>) src(%dma_wait3A_1106 : memref<1000x192xi32, #tpu.memory_space<hbm>>) dst(%dma_wait3A_1101 : memref<128x192xi32, #tpu.memory_space<vmem>>)
    %dma_wait3A_1107 = arith.constant 0 : i32
    %dma_wait3A_1108 = arith.constant 0 : i32
    %dma_wait3A_1109 = arith.constant 0 : i32
    %dma_wait3A_1110 = tpu.memref_slice %arg10[%dma_wait3A_1107, %dma_wait3A_1108, %dma_wait3A_1109] : memref<2x128x192xi32, #tpu.memory_space<vmem>> -> memref<1x128x192xi32, #tpu.memory_space<vmem>>
    %dma_wait3A_1111 = tpu.memref_squeeze %dma_wait3A_1110 : memref<1x128x192xi32, #tpu.memory_space<vmem>> -> memref<128x192xi32, #tpu.memory_space<vmem>>
    %dma_wait3A_1112 = arith.constant 0 : i32
    %dma_wait3A_1113 = tpu.memref_slice %arg5[%add3A_1060, %dma_wait3A_1112] : memref<20480x192xi32, #tpu.memory_space<hbm>> -> memref<128x192xi32, #tpu.memory_space<hbm>>
    %dma_wait3A_1114 = arith.constant 0 : i32
    %dma_wait3A_1115 = tpu.memref_slice %arg5[%add3A_1060, %dma_wait3A_1114] : memref<20480x192xi32, #tpu.memory_space<hbm>> -> memref<128x192xi32, #tpu.memory_space<hbm>>
    %dma_wait3A_1116 = arith.constant 0 : i32
    %dma_wait3A_1117 = arith.constant 0 : i32
    %dma_wait3A_1118 = tpu.memref_slice %arg10[%dma_wait3A_1107, %dma_wait3A_1116, %dma_wait3A_1117] : memref<2x128x192xi32, #tpu.memory_space<vmem>> -> memref<1x128x192xi32, #tpu.memory_space<vmem>>
    %dma_wait3A_1119 = tpu.memref_squeeze %dma_wait3A_1118 : memref<1x128x192xi32, #tpu.memory_space<vmem>> -> memref<128x192xi32, #tpu.memory_space<vmem>>
    tpu.wait_dma2 semaphore(%arg14 : memref<!tpu.dma_semaphore, #tpu.memory_space<semaphore_mem>>) src(%dma_wait3A_1119 : memref<128x192xi32, #tpu.memory_space<vmem>>) dst(%dma_wait3A_1115 : memref<128x192xi32, #tpu.memory_space<hbm>>)
    %dma_wait3A_1120 = arith.constant 0 : i32
    %dma_wait3A_1121 = arith.constant 0 : i32
    %dma_wait3A_1122 = arith.constant 0 : i32
    %dma_wait3A_1123 = tpu.memref_slice %arg11[%dma_wait3A_1120, %dma_wait3A_1121, %dma_wait3A_1122] : memref<2x128x192xi32, #tpu.memory_space<vmem>> -> memref<1x128x192xi32, #tpu.memory_space<vmem>>
    %dma_wait3A_1124 = tpu.memref_squeeze %dma_wait3A_1123 : memref<1x128x192xi32, #tpu.memory_space<vmem>> -> memref<128x192xi32, #tpu.memory_space<vmem>>
    %dma_wait3A_1125 = arith.constant 0 : i32
    %dma_wait3A_1126 = tpu.memref_slice %arg6[%add3A_1060, %dma_wait3A_1125] : memref<20480x192xi32, #tpu.memory_space<hbm>> -> memref<128x192xi32, #tpu.memory_space<hbm>>
    %dma_wait3A_1127 = arith.constant 0 : i32
    %dma_wait3A_1128 = tpu.memref_slice %arg6[%add3A_1060, %dma_wait3A_1127] : memref<20480x192xi32, #tpu.memory_space<hbm>> -> memref<128x192xi32, #tpu.memory_space<hbm>>
    %dma_wait3A_1129 = arith.constant 0 : i32
    %dma_wait3A_1130 = arith.constant 0 : i32
    %dma_wait3A_1131 = tpu.memref_slice %arg11[%dma_wait3A_1120, %dma_wait3A_1129, %dma_wait3A_1130] : memref<2x128x192xi32, #tpu.memory_space<vmem>> -> memref<1x128x192xi32, #tpu.memory_space<vmem>>
    %dma_wait3A_1132 = tpu.memref_squeeze %dma_wait3A_1131 : memref<1x128x192xi32, #tpu.memory_space<vmem>> -> memref<128x192xi32, #tpu.memory_space<vmem>>
    tpu.wait_dma2 semaphore(%arg14 : memref<!tpu.dma_semaphore, #tpu.memory_space<semaphore_mem>>) src(%dma_wait3A_1132 : memref<128x192xi32, #tpu.memory_space<vmem>>) dst(%dma_wait3A_1128 : memref<128x192xi32, #tpu.memory_space<hbm>>)
    %dma_start3A_1133 = arith.constant 0 : i32
    %dma_start3A_1134 = arith.constant 0 : i32
    %dma_start3A_1135 = arith.constant 0 : i32
    %dma_start3A_1136 = tpu.memref_slice %arg10[%dma_start3A_1133, %dma_start3A_1134, %dma_start3A_1135] : memref<2x128x192xi32, #tpu.memory_space<vmem>> -> memref<1x128x192xi32, #tpu.memory_space<vmem>>
    %dma_start3A_1137 = tpu.memref_squeeze %dma_start3A_1136 : memref<1x128x192xi32, #tpu.memory_space<vmem>> -> memref<128x192xi32, #tpu.memory_space<vmem>>
    %dma_start3A_1138 = arith.constant 256 : i32
    %dma_start3A_1139 = tpu.memref_slice %arg8[%dma_start3A_1138] : memref<640xi32, #tpu.memory_space<vmem>> -> memref<128xi32, #tpu.memory_space<vmem>>
    %dma_start3A_1140 = arith.constant 0 : i32
    %dma_start3A_1141 = arith.constant 0 : i32
    %dma_start3A_1142 = tpu.memref_slice %arg3[%dma_start3A_1140, %dma_start3A_1141] : memref<1000x192xi32, #tpu.memory_space<hbm>> -> memref<1000x192xi32, #tpu.memory_space<hbm>>
    tpu.enqueue_indirect_dma source(%dma_start3A_1142 : memref<1000x192xi32, #tpu.memory_space<hbm>>) target(%dma_start3A_1137 : memref<128x192xi32, #tpu.memory_space<vmem>>) offsets(%dma_start3A_1139 : memref<128xi32, #tpu.memory_space<vmem>>) semaphore(%arg12 : memref<!tpu.dma_semaphore, #tpu.memory_space<semaphore_mem>>)
    %dma_start3A_1143 = arith.constant 0 : i32
    %dma_start3A_1144 = arith.constant 0 : i32
    %dma_start3A_1145 = arith.constant 0 : i32
    %dma_start3A_1146 = tpu.memref_slice %arg11[%dma_start3A_1143, %dma_start3A_1144, %dma_start3A_1145] : memref<2x128x192xi32, #tpu.memory_space<vmem>> -> memref<1x128x192xi32, #tpu.memory_space<vmem>>
    %dma_start3A_1147 = tpu.memref_squeeze %dma_start3A_1146 : memref<1x128x192xi32, #tpu.memory_space<vmem>> -> memref<128x192xi32, #tpu.memory_space<vmem>>
    %dma_start3A_1148 = arith.constant 256 : i32
    %dma_start3A_1149 = tpu.memref_slice %arg9[%dma_start3A_1148] : memref<640xi32, #tpu.memory_space<vmem>> -> memref<128xi32, #tpu.memory_space<vmem>>
    %dma_start3A_1150 = arith.constant 0 : i32
    %dma_start3A_1151 = arith.constant 0 : i32
    %dma_start3A_1152 = tpu.memref_slice %arg4[%dma_start3A_1150, %dma_start3A_1151] : memref<1000x192xi32, #tpu.memory_space<hbm>> -> memref<1000x192xi32, #tpu.memory_space<hbm>>
    tpu.enqueue_indirect_dma source(%dma_start3A_1152 : memref<1000x192xi32, #tpu.memory_space<hbm>>) target(%dma_start3A_1147 : memref<128x192xi32, #tpu.memory_space<vmem>>) offsets(%dma_start3A_1149 : memref<128xi32, #tpu.memory_space<vmem>>) semaphore(%arg12 : memref<!tpu.dma_semaphore, #tpu.memory_space<semaphore_mem>>)
    %add3A_1153 = arith.constant 128 : i32
    %add3A_1154 = arith.addi %mul3A_2, %add3A_1153 : i32
    %dma_start3A_1155 = arith.constant 1 : i32
    %dma_start3A_1156 = arith.constant 0 : i32
    %dma_start3A_1157 = arith.constant 0 : i32
    %dma_start3A_1158 = tpu.memref_slice %arg10[%dma_start3A_1155, %dma_start3A_1156, %dma_start3A_1157] : memref<2x128x192xi32, #tpu.memory_space<vmem>> -> memref<1x128x192xi32, #tpu.memory_space<vmem>>
    %dma_start3A_1159 = tpu.memref_squeeze %dma_start3A_1158 : memref<1x128x192xi32, #tpu.memory_space<vmem>> -> memref<128x192xi32, #tpu.memory_space<vmem>>
    %dma_start3A_1160 = arith.constant 0 : i32
    %dma_start3A_1161 = tpu.memref_slice %arg5[%add3A_1154, %dma_start3A_1160] : memref<20480x192xi32, #tpu.memory_space<hbm>> -> memref<128x192xi32, #tpu.memory_space<hbm>>
    %dma_start3A_1162 = arith.constant 0 : i32
    %dma_start3A_1163 = tpu.memref_slice %arg5[%add3A_1154, %dma_start3A_1162] : memref<20480x192xi32, #tpu.memory_space<hbm>> -> memref<128x192xi32, #tpu.memory_space<hbm>>
    %dma_start3A_1164 = arith.constant 0 : i32
    %dma_start3A_1165 = arith.constant 0 : i32
    %dma_start3A_1166 = tpu.memref_slice %arg10[%dma_start3A_1155, %dma_start3A_1164, %dma_start3A_1165] : memref<2x128x192xi32, #tpu.memory_space<vmem>> -> memref<1x128x192xi32, #tpu.memory_space<vmem>>
    %dma_start3A_1167 = tpu.memref_squeeze %dma_start3A_1166 : memref<1x128x192xi32, #tpu.memory_space<vmem>> -> memref<128x192xi32, #tpu.memory_space<vmem>>
    tpu.enqueue_dma source(%dma_start3A_1167 : memref<128x192xi32, #tpu.memory_space<vmem>>) target(%dma_start3A_1163 : memref<128x192xi32, #tpu.memory_space<hbm>>) target_semaphore(%arg15 : memref<!tpu.dma_semaphore, #tpu.memory_space<semaphore_mem>>)
    %dma_start3A_1168 = arith.constant 1 : i32
    %dma_start3A_1169 = arith.constant 0 : i32
    %dma_start3A_1170 = arith.constant 0 : i32
    %dma_start3A_1171 = tpu.memref_slice %arg11[%dma_start3A_1168, %dma_start3A_1169, %dma_start3A_1170] : memref<2x128x192xi32, #tpu.memory_space<vmem>> -> memref<1x128x192xi32, #tpu.memory_space<vmem>>
    %dma_start3A_1172 = tpu.memref_squeeze %dma_start3A_1171 : memref<1x128x192xi32, #tpu.memory_space<vmem>> -> memref<128x192xi32, #tpu.memory_space<vmem>>
    %dma_start3A_1173 = arith.constant 0 : i32
    %dma_start3A_1174 = tpu.memref_slice %arg6[%add3A_1154, %dma_start3A_1173] : memref<20480x192xi32, #tpu.memory_space<hbm>> -> memref<128x192xi32, #tpu.memory_space<hbm>>
    %dma_start3A_1175 = arith.constant 0 : i32
    %dma_start3A_1176 = tpu.memref_slice %arg6[%add3A_1154, %dma_start3A_1175] : memref<20480x192xi32, #tpu.memory_space<hbm>> -> memref<128x192xi32, #tpu.memory_space<hbm>>
    %dma_start3A_1177 = arith.constant 0 : i32
    %dma_start3A_1178 = arith.constant 0 : i32
    %dma_start3A_1179 = tpu.memref_slice %arg11[%dma_start3A_1168, %dma_start3A_1177, %dma_start3A_1178] : memref<2x128x192xi32, #tpu.memory_space<vmem>> -> memref<1x128x192xi32, #tpu.memory_space<vmem>>
    %dma_start3A_1180 = tpu.memref_squeeze %dma_start3A_1179 : memref<1x128x192xi32, #tpu.memory_space<vmem>> -> memref<128x192xi32, #tpu.memory_space<vmem>>
    tpu.enqueue_dma source(%dma_start3A_1180 : memref<128x192xi32, #tpu.memory_space<vmem>>) target(%dma_start3A_1176 : memref<128x192xi32, #tpu.memory_space<hbm>>) target_semaphore(%arg15 : memref<!tpu.dma_semaphore, #tpu.memory_space<semaphore_mem>>)
    %dma_wait3A_1181 = arith.constant 0 : i32
    %dma_wait3A_1182 = arith.constant 0 : i32
    %dma_wait3A_1183 = arith.constant 0 : i32
    %dma_wait3A_1184 = tpu.memref_slice %arg10[%dma_wait3A_1181, %dma_wait3A_1182, %dma_wait3A_1183] : memref<2x128x192xi32, #tpu.memory_space<vmem>> -> memref<1x128x192xi32, #tpu.memory_space<vmem>>
    %dma_wait3A_1185 = tpu.memref_squeeze %dma_wait3A_1184 : memref<1x128x192xi32, #tpu.memory_space<vmem>> -> memref<128x192xi32, #tpu.memory_space<vmem>>
    %dma_wait3A_1186 = arith.constant 256 : i32
    %dma_wait3A_1187 = tpu.memref_slice %arg8[%dma_wait3A_1186] : memref<640xi32, #tpu.memory_space<vmem>> -> memref<128xi32, #tpu.memory_space<vmem>>
    %dma_wait3A_1188 = arith.constant 0 : i32
    %dma_wait3A_1189 = arith.constant 0 : i32
    %dma_wait3A_1190 = tpu.memref_slice %arg3[%dma_wait3A_1188, %dma_wait3A_1189] : memref<1000x192xi32, #tpu.memory_space<hbm>> -> memref<1000x192xi32, #tpu.memory_space<hbm>>
    tpu.wait_indirect_dma semaphore(%arg12 : memref<!tpu.dma_semaphore, #tpu.memory_space<semaphore_mem>>) src(%dma_wait3A_1190 : memref<1000x192xi32, #tpu.memory_space<hbm>>) dst(%dma_wait3A_1185 : memref<128x192xi32, #tpu.memory_space<vmem>>)
    %dma_wait3A_1191 = arith.constant 0 : i32
    %dma_wait3A_1192 = arith.constant 0 : i32
    %dma_wait3A_1193 = arith.constant 0 : i32
    %dma_wait3A_1194 = tpu.memref_slice %arg11[%dma_wait3A_1191, %dma_wait3A_1192, %dma_wait3A_1193] : memref<2x128x192xi32, #tpu.memory_space<vmem>> -> memref<1x128x192xi32, #tpu.memory_space<vmem>>
    %dma_wait3A_1195 = tpu.memref_squeeze %dma_wait3A_1194 : memref<1x128x192xi32, #tpu.memory_space<vmem>> -> memref<128x192xi32, #tpu.memory_space<vmem>>
    %dma_wait3A_1196 = arith.constant 256 : i32
    %dma_wait3A_1197 = tpu.memref_slice %arg9[%dma_wait3A_1196] : memref<640xi32, #tpu.memory_space<vmem>> -> memref<128xi32, #tpu.memory_space<vmem>>
    %dma_wait3A_1198 = arith.constant 0 : i32
    %dma_wait3A_1199 = arith.constant 0 : i32
    %dma_wait3A_1200 = tpu.memref_slice %arg4[%dma_wait3A_1198, %dma_wait3A_1199] : memref<1000x192xi32, #tpu.memory_space<hbm>> -> memref<1000x192xi32, #tpu.memory_space<hbm>>
    tpu.wait_indirect_dma semaphore(%arg12 : memref<!tpu.dma_semaphore, #tpu.memory_space<semaphore_mem>>) src(%dma_wait3A_1200 : memref<1000x192xi32, #tpu.memory_space<hbm>>) dst(%dma_wait3A_1195 : memref<128x192xi32, #tpu.memory_space<vmem>>)
    %dma_wait3A_1201 = arith.constant 1 : i32
    %dma_wait3A_1202 = arith.constant 0 : i32
    %dma_wait3A_1203 = arith.constant 0 : i32
    %dma_wait3A_1204 = tpu.memref_slice %arg10[%dma_wait3A_1201, %dma_wait3A_1202, %dma_wait3A_1203] : memref<2x128x192xi32, #tpu.memory_space<vmem>> -> memref<1x128x192xi32, #tpu.memory_space<vmem>>
    %dma_wait3A_1205 = tpu.memref_squeeze %dma_wait3A_1204 : memref<1x128x192xi32, #tpu.memory_space<vmem>> -> memref<128x192xi32, #tpu.memory_space<vmem>>
    %dma_wait3A_1206 = arith.constant 0 : i32
    %dma_wait3A_1207 = tpu.memref_slice %arg5[%add3A_1154, %dma_wait3A_1206] : memref<20480x192xi32, #tpu.memory_space<hbm>> -> memref<128x192xi32, #tpu.memory_space<hbm>>
    %dma_wait3A_1208 = arith.constant 0 : i32
    %dma_wait3A_1209 = tpu.memref_slice %arg5[%add3A_1154, %dma_wait3A_1208] : memref<20480x192xi32, #tpu.memory_space<hbm>> -> memref<128x192xi32, #tpu.memory_space<hbm>>
    %dma_wait3A_1210 = arith.constant 0 : i32
    %dma_wait3A_1211 = arith.constant 0 : i32
    %dma_wait3A_1212 = tpu.memref_slice %arg10[%dma_wait3A_1201, %dma_wait3A_1210, %dma_wait3A_1211] : memref<2x128x192xi32, #tpu.memory_space<vmem>> -> memref<1x128x192xi32, #tpu.memory_space<vmem>>
    %dma_wait3A_1213 = tpu.memref_squeeze %dma_wait3A_1212 : memref<1x128x192xi32, #tpu.memory_space<vmem>> -> memref<128x192xi32, #tpu.memory_space<vmem>>
    tpu.wait_dma2 semaphore(%arg15 : memref<!tpu.dma_semaphore, #tpu.memory_space<semaphore_mem>>) src(%dma_wait3A_1213 : memref<128x192xi32, #tpu.memory_space<vmem>>) dst(%dma_wait3A_1209 : memref<128x192xi32, #tpu.memory_space<hbm>>)
    %dma_wait3A_1214 = arith.constant 1 : i32
    %dma_wait3A_1215 = arith.constant 0 : i32
    %dma_wait3A_1216 = arith.constant 0 : i32
    %dma_wait3A_1217 = tpu.memref_slice %arg11[%dma_wait3A_1214, %dma_wait3A_1215, %dma_wait3A_1216] : memref<2x128x192xi32, #tpu.memory_space<vmem>> -> memref<1x128x192xi32, #tpu.memory_space<vmem>>
    %dma_wait3A_1218 = tpu.memref_squeeze %dma_wait3A_1217 : memref<1x128x192xi32, #tpu.memory_space<vmem>> -> memref<128x192xi32, #tpu.memory_space<vmem>>
    %dma_wait3A_1219 = arith.constant 0 : i32
    %dma_wait3A_1220 = tpu.memref_slice %arg6[%add3A_1154, %dma_wait3A_1219] : memref<20480x192xi32, #tpu.memory_space<hbm>> -> memref<128x192xi32, #tpu.memory_space<hbm>>
    %dma_wait3A_1221 = arith.constant 0 : i32
    %dma_wait3A_1222 = tpu.memref_slice %arg6[%add3A_1154, %dma_wait3A_1221] : memref<20480x192xi32, #tpu.memory_space<hbm>> -> memref<128x192xi32, #tpu.memory_space<hbm>>
    %dma_wait3A_1223 = arith.constant 0 : i32
    %dma_wait3A_1224 = arith.constant 0 : i32
    %dma_wait3A_1225 = tpu.memref_slice %arg11[%dma_wait3A_1214, %dma_wait3A_1223, %dma_wait3A_1224] : memref<2x128x192xi32, #tpu.memory_space<vmem>> -> memref<1x128x192xi32, #tpu.memory_space<vmem>>
    %dma_wait3A_1226 = tpu.memref_squeeze %dma_wait3A_1225 : memref<1x128x192xi32, #tpu.memory_space<vmem>> -> memref<128x192xi32, #tpu.memory_space<vmem>>
    tpu.wait_dma2 semaphore(%arg15 : memref<!tpu.dma_semaphore, #tpu.memory_space<semaphore_mem>>) src(%dma_wait3A_1226 : memref<128x192xi32, #tpu.memory_space<vmem>>) dst(%dma_wait3A_1222 : memref<128x192xi32, #tpu.memory_space<hbm>>)
    %dma_start3A_1227 = arith.constant 1 : i32
    %dma_start3A_1228 = arith.constant 0 : i32
    %dma_start3A_1229 = arith.constant 0 : i32
    %dma_start3A_1230 = tpu.memref_slice %arg10[%dma_start3A_1227, %dma_start3A_1228, %dma_start3A_1229] : memref<2x128x192xi32, #tpu.memory_space<vmem>> -> memref<1x128x192xi32, #tpu.memory_space<vmem>>
    %dma_start3A_1231 = tpu.memref_squeeze %dma_start3A_1230 : memref<1x128x192xi32, #tpu.memory_space<vmem>> -> memref<128x192xi32, #tpu.memory_space<vmem>>
    %dma_start3A_1232 = arith.constant 384 : i32
    %dma_start3A_1233 = tpu.memref_slice %arg8[%dma_start3A_1232] : memref<640xi32, #tpu.memory_space<vmem>> -> memref<128xi32, #tpu.memory_space<vmem>>
    %dma_start3A_1234 = arith.constant 0 : i32
    %dma_start3A_1235 = arith.constant 0 : i32
    %dma_start3A_1236 = tpu.memref_slice %arg3[%dma_start3A_1234, %dma_start3A_1235] : memref<1000x192xi32, #tpu.memory_space<hbm>> -> memref<1000x192xi32, #tpu.memory_space<hbm>>
    tpu.enqueue_indirect_dma source(%dma_start3A_1236 : memref<1000x192xi32, #tpu.memory_space<hbm>>) target(%dma_start3A_1231 : memref<128x192xi32, #tpu.memory_space<vmem>>) offsets(%dma_start3A_1233 : memref<128xi32, #tpu.memory_space<vmem>>) semaphore(%arg13 : memref<!tpu.dma_semaphore, #tpu.memory_space<semaphore_mem>>)
    %dma_start3A_1237 = arith.constant 1 : i32
    %dma_start3A_1238 = arith.constant 0 : i32
    %dma_start3A_1239 = arith.constant 0 : i32
    %dma_start3A_1240 = tpu.memref_slice %arg11[%dma_start3A_1237, %dma_start3A_1238, %dma_start3A_1239] : memref<2x128x192xi32, #tpu.memory_space<vmem>> -> memref<1x128x192xi32, #tpu.memory_space<vmem>>
    %dma_start3A_1241 = tpu.memref_squeeze %dma_start3A_1240 : memref<1x128x192xi32, #tpu.memory_space<vmem>> -> memref<128x192xi32, #tpu.memory_space<vmem>>
    %dma_start3A_1242 = arith.constant 384 : i32
    %dma_start3A_1243 = tpu.memref_slice %arg9[%dma_start3A_1242] : memref<640xi32, #tpu.memory_space<vmem>> -> memref<128xi32, #tpu.memory_space<vmem>>
    %dma_start3A_1244 = arith.constant 0 : i32
    %dma_start3A_1245 = arith.constant 0 : i32
    %dma_start3A_1246 = tpu.memref_slice %arg4[%dma_start3A_1244, %dma_start3A_1245] : memref<1000x192xi32, #tpu.memory_space<hbm>> -> memref<1000x192xi32, #tpu.memory_space<hbm>>
    tpu.enqueue_indirect_dma source(%dma_start3A_1246 : memref<1000x192xi32, #tpu.memory_space<hbm>>) target(%dma_start3A_1241 : memref<128x192xi32, #tpu.memory_space<vmem>>) offsets(%dma_start3A_1243 : memref<128xi32, #tpu.memory_space<vmem>>) semaphore(%arg13 : memref<!tpu.dma_semaphore, #tpu.memory_space<semaphore_mem>>)
    %add3A_1247 = arith.constant 256 : i32
    %add3A_1248 = arith.addi %mul3A_2, %add3A_1247 : i32
    %dma_start3A_1249 = arith.constant 0 : i32
    %dma_start3A_1250 = arith.constant 0 : i32
    %dma_start3A_1251 = arith.constant 0 : i32
    %dma_start3A_1252 = tpu.memref_slice %arg10[%dma_start3A_1249, %dma_start3A_1250, %dma_start3A_1251] : memref<2x128x192xi32, #tpu.memory_space<vmem>> -> memref<1x128x192xi32, #tpu.memory_space<vmem>>
    %dma_start3A_1253 = tpu.memref_squeeze %dma_start3A_1252 : memref<1x128x192xi32, #tpu.memory_space<vmem>> -> memref<128x192xi32, #tpu.memory_space<vmem>>
    %dma_start3A_1254 = arith.constant 0 : i32
    %dma_start3A_1255 = tpu.memref_slice %arg5[%add3A_1248, %dma_start3A_1254] : memref<20480x192xi32, #tpu.memory_space<hbm>> -> memref<128x192xi32, #tpu.memory_space<hbm>>
    %dma_start3A_1256 = arith.constant 0 : i32
    %dma_start3A_1257 = tpu.memref_slice %arg5[%add3A_1248, %dma_start3A_1256] : memref<20480x192xi32, #tpu.memory_space<hbm>> -> memref<128x192xi32, #tpu.memory_space<hbm>>
    %dma_start3A_1258 = arith.constant 0 : i32
    %dma_start3A_1259 = arith.constant 0 : i32
    %dma_start3A_1260 = tpu.memref_slice %arg10[%dma_start3A_1249, %dma_start3A_1258, %dma_start3A_1259] : memref<2x128x192xi32, #tpu.memory_space<vmem>> -> memref<1x128x192xi32, #tpu.memory_space<vmem>>
    %dma_start3A_1261 = tpu.memref_squeeze %dma_start3A_1260 : memref<1x128x192xi32, #tpu.memory_space<vmem>> -> memref<128x192xi32, #tpu.memory_space<vmem>>
    tpu.enqueue_dma source(%dma_start3A_1261 : memref<128x192xi32, #tpu.memory_space<vmem>>) target(%dma_start3A_1257 : memref<128x192xi32, #tpu.memory_space<hbm>>) target_semaphore(%arg14 : memref<!tpu.dma_semaphore, #tpu.memory_space<semaphore_mem>>)
    %dma_start3A_1262 = arith.constant 0 : i32
    %dma_start3A_1263 = arith.constant 0 : i32
    %dma_start3A_1264 = arith.constant 0 : i32
    %dma_start3A_1265 = tpu.memref_slice %arg11[%dma_start3A_1262, %dma_start3A_1263, %dma_start3A_1264] : memref<2x128x192xi32, #tpu.memory_space<vmem>> -> memref<1x128x192xi32, #tpu.memory_space<vmem>>
    %dma_start3A_1266 = tpu.memref_squeeze %dma_start3A_1265 : memref<1x128x192xi32, #tpu.memory_space<vmem>> -> memref<128x192xi32, #tpu.memory_space<vmem>>
    %dma_start3A_1267 = arith.constant 0 : i32
    %dma_start3A_1268 = tpu.memref_slice %arg6[%add3A_1248, %dma_start3A_1267] : memref<20480x192xi32, #tpu.memory_space<hbm>> -> memref<128x192xi32, #tpu.memory_space<hbm>>
    %dma_start3A_1269 = arith.constant 0 : i32
    %dma_start3A_1270 = tpu.memref_slice %arg6[%add3A_1248, %dma_start3A_1269] : memref<20480x192xi32, #tpu.memory_space<hbm>> -> memref<128x192xi32, #tpu.memory_space<hbm>>
    %dma_start3A_1271 = arith.constant 0 : i32
    %dma_start3A_1272 = arith.constant 0 : i32
    %dma_start3A_1273 = tpu.memref_slice %arg11[%dma_start3A_1262, %dma_start3A_1271, %dma_start3A_1272] : memref<2x128x192xi32, #tpu.memory_space<vmem>> -> memref<1x128x192xi32, #tpu.memory_space<vmem>>
    %dma_start3A_1274 = tpu.memref_squeeze %dma_start3A_1273 : memref<1x128x192xi32, #tpu.memory_space<vmem>> -> memref<128x192xi32, #tpu.memory_space<vmem>>
    tpu.enqueue_dma source(%dma_start3A_1274 : memref<128x192xi32, #tpu.memory_space<vmem>>) target(%dma_start3A_1270 : memref<128x192xi32, #tpu.memory_space<hbm>>) target_semaphore(%arg14 : memref<!tpu.dma_semaphore, #tpu.memory_space<semaphore_mem>>)
    %dma_wait3A_1275 = arith.constant 1 : i32
    %dma_wait3A_1276 = arith.constant 0 : i32
    %dma_wait3A_1277 = arith.constant 0 : i32
    %dma_wait3A_1278 = tpu.memref_slice %arg10[%dma_wait3A_1275, %dma_wait3A_1276, %dma_wait3A_1277] : memref<2x128x192xi32, #tpu.memory_space<vmem>> -> memref<1x128x192xi32, #tpu.memory_space<vmem>>
    %dma_wait3A_1279 = tpu.memref_squeeze %dma_wait3A_1278 : memref<1x128x192xi32, #tpu.memory_space<vmem>> -> memref<128x192xi32, #tpu.memory_space<vmem>>
    %dma_wait3A_1280 = arith.constant 384 : i32
    %dma_wait3A_1281 = tpu.memref_slice %arg8[%dma_wait3A_1280] : memref<640xi32, #tpu.memory_space<vmem>> -> memref<128xi32, #tpu.memory_space<vmem>>
    %dma_wait3A_1282 = arith.constant 0 : i32
    %dma_wait3A_1283 = arith.constant 0 : i32
    %dma_wait3A_1284 = tpu.memref_slice %arg3[%dma_wait3A_1282, %dma_wait3A_1283] : memref<1000x192xi32, #tpu.memory_space<hbm>> -> memref<1000x192xi32, #tpu.memory_space<hbm>>
    tpu.wait_indirect_dma semaphore(%arg13 : memref<!tpu.dma_semaphore, #tpu.memory_space<semaphore_mem>>) src(%dma_wait3A_1284 : memref<1000x192xi32, #tpu.memory_space<hbm>>) dst(%dma_wait3A_1279 : memref<128x192xi32, #tpu.memory_space<vmem>>)
    %dma_wait3A_1285 = arith.constant 1 : i32
    %dma_wait3A_1286 = arith.constant 0 : i32
    %dma_wait3A_1287 = arith.constant 0 : i32
    %dma_wait3A_1288 = tpu.memref_slice %arg11[%dma_wait3A_1285, %dma_wait3A_1286, %dma_wait3A_1287] : memref<2x128x192xi32, #tpu.memory_space<vmem>> -> memref<1x128x192xi32, #tpu.memory_space<vmem>>
    %dma_wait3A_1289 = tpu.memref_squeeze %dma_wait3A_1288 : memref<1x128x192xi32, #tpu.memory_space<vmem>> -> memref<128x192xi32, #tpu.memory_space<vmem>>
    %dma_wait3A_1290 = arith.constant 384 : i32
    %dma_wait3A_1291 = tpu.memref_slice %arg9[%dma_wait3A_1290] : memref<640xi32, #tpu.memory_space<vmem>> -> memref<128xi32, #tpu.memory_space<vmem>>
    %dma_wait3A_1292 = arith.constant 0 : i32
    %dma_wait3A_1293 = arith.constant 0 : i32
    %dma_wait3A_1294 = tpu.memref_slice %arg4[%dma_wait3A_1292, %dma_wait3A_1293] : memref<1000x192xi32, #tpu.memory_space<hbm>> -> memref<1000x192xi32, #tpu.memory_space<hbm>>
    tpu.wait_indirect_dma semaphore(%arg13 : memref<!tpu.dma_semaphore, #tpu.memory_space<semaphore_mem>>) src(%dma_wait3A_1294 : memref<1000x192xi32, #tpu.memory_space<hbm>>) dst(%dma_wait3A_1289 : memref<128x192xi32, #tpu.memory_space<vmem>>)
    %dma_wait3A_1295 = arith.constant 0 : i32
    %dma_wait3A_1296 = arith.constant 0 : i32
    %dma_wait3A_1297 = arith.constant 0 : i32
    %dma_wait3A_1298 = tpu.memref_slice %arg10[%dma_wait3A_1295, %dma_wait3A_1296, %dma_wait3A_1297] : memref<2x128x192xi32, #tpu.memory_space<vmem>> -> memref<1x128x192xi32, #tpu.memory_space<vmem>>
    %dma_wait3A_1299 = tpu.memref_squeeze %dma_wait3A_1298 : memref<1x128x192xi32, #tpu.memory_space<vmem>> -> memref<128x192xi32, #tpu.memory_space<vmem>>
    %dma_wait3A_1300 = arith.constant 0 : i32
    %dma_wait3A_1301 = tpu.memref_slice %arg5[%add3A_1248, %dma_wait3A_1300] : memref<20480x192xi32, #tpu.memory_space<hbm>> -> memref<128x192xi32, #tpu.memory_space<hbm>>
    %dma_wait3A_1302 = arith.constant 0 : i32
    %dma_wait3A_1303 = tpu.memref_slice %arg5[%add3A_1248, %dma_wait3A_1302] : memref<20480x192xi32, #tpu.memory_space<hbm>> -> memref<128x192xi32, #tpu.memory_space<hbm>>
    %dma_wait3A_1304 = arith.constant 0 : i32
    %dma_wait3A_1305 = arith.constant 0 : i32
    %dma_wait3A_1306 = tpu.memref_slice %arg10[%dma_wait3A_1295, %dma_wait3A_1304, %dma_wait3A_1305] : memref<2x128x192xi32, #tpu.memory_space<vmem>> -> memref<1x128x192xi32, #tpu.memory_space<vmem>>
    %dma_wait3A_1307 = tpu.memref_squeeze %dma_wait3A_1306 : memref<1x128x192xi32, #tpu.memory_space<vmem>> -> memref<128x192xi32, #tpu.memory_space<vmem>>
    tpu.wait_dma2 semaphore(%arg14 : memref<!tpu.dma_semaphore, #tpu.memory_space<semaphore_mem>>) src(%dma_wait3A_1307 : memref<128x192xi32, #tpu.memory_space<vmem>>) dst(%dma_wait3A_1303 : memref<128x192xi32, #tpu.memory_space<hbm>>)
    %dma_wait3A_1308 = arith.constant 0 : i32
    %dma_wait3A_1309 = arith.constant 0 : i32
    %dma_wait3A_1310 = arith.constant 0 : i32
    %dma_wait3A_1311 = tpu.memref_slice %arg11[%dma_wait3A_1308, %dma_wait3A_1309, %dma_wait3A_1310] : memref<2x128x192xi32, #tpu.memory_space<vmem>> -> memref<1x128x192xi32, #tpu.memory_space<vmem>>
    %dma_wait3A_1312 = tpu.memref_squeeze %dma_wait3A_1311 : memref<1x128x192xi32, #tpu.memory_space<vmem>> -> memref<128x192xi32, #tpu.memory_space<vmem>>
    %dma_wait3A_1313 = arith.constant 0 : i32
    %dma_wait3A_1314 = tpu.memref_slice %arg6[%add3A_1248, %dma_wait3A_1313] : memref<20480x192xi32, #tpu.memory_space<hbm>> -> memref<128x192xi32, #tpu.memory_space<hbm>>
    %dma_wait3A_1315 = arith.constant 0 : i32
    %dma_wait3A_1316 = tpu.memref_slice %arg6[%add3A_1248, %dma_wait3A_1315] : memref<20480x192xi32, #tpu.memory_space<hbm>> -> memref<128x192xi32, #tpu.memory_space<hbm>>
    %dma_wait3A_1317 = arith.constant 0 : i32
    %dma_wait3A_1318 = arith.constant 0 : i32
    %dma_wait3A_1319 = tpu.memref_slice %arg11[%dma_wait3A_1308, %dma_wait3A_1317, %dma_wait3A_1318] : memref<2x128x192xi32, #tpu.memory_space<vmem>> -> memref<1x128x192xi32, #tpu.memory_space<vmem>>
    %dma_wait3A_1320 = tpu.memref_squeeze %dma_wait3A_1319 : memref<1x128x192xi32, #tpu.memory_space<vmem>> -> memref<128x192xi32, #tpu.memory_space<vmem>>
    tpu.wait_dma2 semaphore(%arg14 : memref<!tpu.dma_semaphore, #tpu.memory_space<semaphore_mem>>) src(%dma_wait3A_1320 : memref<128x192xi32, #tpu.memory_space<vmem>>) dst(%dma_wait3A_1316 : memref<128x192xi32, #tpu.memory_space<hbm>>)
    %dma_start3A_1321 = arith.constant 0 : i32
    %dma_start3A_1322 = arith.constant 0 : i32
    %dma_start3A_1323 = arith.constant 0 : i32
    %dma_start3A_1324 = tpu.memref_slice %arg10[%dma_start3A_1321, %dma_start3A_1322, %dma_start3A_1323] : memref<2x128x192xi32, #tpu.memory_space<vmem>> -> memref<1x128x192xi32, #tpu.memory_space<vmem>>
    %dma_start3A_1325 = tpu.memref_squeeze %dma_start3A_1324 : memref<1x128x192xi32, #tpu.memory_space<vmem>> -> memref<128x192xi32, #tpu.memory_space<vmem>>
    %dma_start3A_1326 = arith.constant 512 : i32
    %dma_start3A_1327 = tpu.memref_slice %arg8[%dma_start3A_1326] : memref<640xi32, #tpu.memory_space<vmem>> -> memref<128xi32, #tpu.memory_space<vmem>>
    %dma_start3A_1328 = arith.constant 0 : i32
    %dma_start3A_1329 = arith.constant 0 : i32
    %dma_start3A_1330 = tpu.memref_slice %arg3[%dma_start3A_1328, %dma_start3A_1329] : memref<1000x192xi32, #tpu.memory_space<hbm>> -> memref<1000x192xi32, #tpu.memory_space<hbm>>
    tpu.enqueue_indirect_dma source(%dma_start3A_1330 : memref<1000x192xi32, #tpu.memory_space<hbm>>) target(%dma_start3A_1325 : memref<128x192xi32, #tpu.memory_space<vmem>>) offsets(%dma_start3A_1327 : memref<128xi32, #tpu.memory_space<vmem>>) semaphore(%arg12 : memref<!tpu.dma_semaphore, #tpu.memory_space<semaphore_mem>>)
    %dma_start3A_1331 = arith.constant 0 : i32
    %dma_start3A_1332 = arith.constant 0 : i32
    %dma_start3A_1333 = arith.constant 0 : i32
    %dma_start3A_1334 = tpu.memref_slice %arg11[%dma_start3A_1331, %dma_start3A_1332, %dma_start3A_1333] : memref<2x128x192xi32, #tpu.memory_space<vmem>> -> memref<1x128x192xi32, #tpu.memory_space<vmem>>
    %dma_start3A_1335 = tpu.memref_squeeze %dma_start3A_1334 : memref<1x128x192xi32, #tpu.memory_space<vmem>> -> memref<128x192xi32, #tpu.memory_space<vmem>>
    %dma_start3A_1336 = arith.constant 512 : i32
    %dma_start3A_1337 = tpu.memref_slice %arg9[%dma_start3A_1336] : memref<640xi32, #tpu.memory_space<vmem>> -> memref<128xi32, #tpu.memory_space<vmem>>
    %dma_start3A_1338 = arith.constant 0 : i32
    %dma_start3A_1339 = arith.constant 0 : i32
    %dma_start3A_1340 = tpu.memref_slice %arg4[%dma_start3A_1338, %dma_start3A_1339] : memref<1000x192xi32, #tpu.memory_space<hbm>> -> memref<1000x192xi32, #tpu.memory_space<hbm>>
    tpu.enqueue_indirect_dma source(%dma_start3A_1340 : memref<1000x192xi32, #tpu.memory_space<hbm>>) target(%dma_start3A_1335 : memref<128x192xi32, #tpu.memory_space<vmem>>) offsets(%dma_start3A_1337 : memref<128xi32, #tpu.memory_space<vmem>>) semaphore(%arg12 : memref<!tpu.dma_semaphore, #tpu.memory_space<semaphore_mem>>)
    %add3A_1341 = arith.constant 384 : i32
    %add3A_1342 = arith.addi %mul3A_2, %add3A_1341 : i32
    %dma_start3A_1343 = arith.constant 1 : i32
    %dma_start3A_1344 = arith.constant 0 : i32
    %dma_start3A_1345 = arith.constant 0 : i32
    %dma_start3A_1346 = tpu.memref_slice %arg10[%dma_start3A_1343, %dma_start3A_1344, %dma_start3A_1345] : memref<2x128x192xi32, #tpu.memory_space<vmem>> -> memref<1x128x192xi32, #tpu.memory_space<vmem>>
    %dma_start3A_1347 = tpu.memref_squeeze %dma_start3A_1346 : memref<1x128x192xi32, #tpu.memory_space<vmem>> -> memref<128x192xi32, #tpu.memory_space<vmem>>
    %dma_start3A_1348 = arith.constant 0 : i32
    %dma_start3A_1349 = tpu.memref_slice %arg5[%add3A_1342, %dma_start3A_1348] : memref<20480x192xi32, #tpu.memory_space<hbm>> -> memref<128x192xi32, #tpu.memory_space<hbm>>
    %dma_start3A_1350 = arith.constant 0 : i32
    %dma_start3A_1351 = tpu.memref_slice %arg5[%add3A_1342, %dma_start3A_1350] : memref<20480x192xi32, #tpu.memory_space<hbm>> -> memref<128x192xi32, #tpu.memory_space<hbm>>
    %dma_start3A_1352 = arith.constant 0 : i32
    %dma_start3A_1353 = arith.constant 0 : i32
    %dma_start3A_1354 = tpu.memref_slice %arg10[%dma_start3A_1343, %dma_start3A_1352, %dma_start3A_1353] : memref<2x128x192xi32, #tpu.memory_space<vmem>> -> memref<1x128x192xi32, #tpu.memory_space<vmem>>
    %dma_start3A_1355 = tpu.memref_squeeze %dma_start3A_1354 : memref<1x128x192xi32, #tpu.memory_space<vmem>> -> memref<128x192xi32, #tpu.memory_space<vmem>>
    tpu.enqueue_dma source(%dma_start3A_1355 : memref<128x192xi32, #tpu.memory_space<vmem>>) target(%dma_start3A_1351 : memref<128x192xi32, #tpu.memory_space<hbm>>) target_semaphore(%arg15 : memref<!tpu.dma_semaphore, #tpu.memory_space<semaphore_mem>>)
    %dma_start3A_1356 = arith.constant 1 : i32
    %dma_start3A_1357 = arith.constant 0 : i32
    %dma_start3A_1358 = arith.constant 0 : i32
    %dma_start3A_1359 = tpu.memref_slice %arg11[%dma_start3A_1356, %dma_start3A_1357, %dma_start3A_1358] : memref<2x128x192xi32, #tpu.memory_space<vmem>> -> memref<1x128x192xi32, #tpu.memory_space<vmem>>
    %dma_start3A_1360 = tpu.memref_squeeze %dma_start3A_1359 : memref<1x128x192xi32, #tpu.memory_space<vmem>> -> memref<128x192xi32, #tpu.memory_space<vmem>>
    %dma_start3A_1361 = arith.constant 0 : i32
    %dma_start3A_1362 = tpu.memref_slice %arg6[%add3A_1342, %dma_start3A_1361] : memref<20480x192xi32, #tpu.memory_space<hbm>> -> memref<128x192xi32, #tpu.memory_space<hbm>>
    %dma_start3A_1363 = arith.constant 0 : i32
    %dma_start3A_1364 = tpu.memref_slice %arg6[%add3A_1342, %dma_start3A_1363] : memref<20480x192xi32, #tpu.memory_space<hbm>> -> memref<128x192xi32, #tpu.memory_space<hbm>>
    %dma_start3A_1365 = arith.constant 0 : i32
    %dma_start3A_1366 = arith.constant 0 : i32
    %dma_start3A_1367 = tpu.memref_slice %arg11[%dma_start3A_1356, %dma_start3A_1365, %dma_start3A_1366] : memref<2x128x192xi32, #tpu.memory_space<vmem>> -> memref<1x128x192xi32, #tpu.memory_space<vmem>>
    %dma_start3A_1368 = tpu.memref_squeeze %dma_start3A_1367 : memref<1x128x192xi32, #tpu.memory_space<vmem>> -> memref<128x192xi32, #tpu.memory_space<vmem>>
    tpu.enqueue_dma source(%dma_start3A_1368 : memref<128x192xi32, #tpu.memory_space<vmem>>) target(%dma_start3A_1364 : memref<128x192xi32, #tpu.memory_space<hbm>>) target_semaphore(%arg15 : memref<!tpu.dma_semaphore, #tpu.memory_space<semaphore_mem>>)
    %dma_wait3A_1369 = arith.constant 0 : i32
    %dma_wait3A_1370 = arith.constant 0 : i32
    %dma_wait3A_1371 = arith.constant 0 : i32
    %dma_wait3A_1372 = tpu.memref_slice %arg10[%dma_wait3A_1369, %dma_wait3A_1370, %dma_wait3A_1371] : memref<2x128x192xi32, #tpu.memory_space<vmem>> -> memref<1x128x192xi32, #tpu.memory_space<vmem>>
    %dma_wait3A_1373 = tpu.memref_squeeze %dma_wait3A_1372 : memref<1x128x192xi32, #tpu.memory_space<vmem>> -> memref<128x192xi32, #tpu.memory_space<vmem>>
    %dma_wait3A_1374 = arith.constant 512 : i32
    %dma_wait3A_1375 = tpu.memref_slice %arg8[%dma_wait3A_1374] : memref<640xi32, #tpu.memory_space<vmem>> -> memref<128xi32, #tpu.memory_space<vmem>>
    %dma_wait3A_1376 = arith.constant 0 : i32
    %dma_wait3A_1377 = arith.constant 0 : i32
    %dma_wait3A_1378 = tpu.memref_slice %arg3[%dma_wait3A_1376, %dma_wait3A_1377] : memref<1000x192xi32, #tpu.memory_space<hbm>> -> memref<1000x192xi32, #tpu.memory_space<hbm>>
    tpu.wait_indirect_dma semaphore(%arg12 : memref<!tpu.dma_semaphore, #tpu.memory_space<semaphore_mem>>) src(%dma_wait3A_1378 : memref<1000x192xi32, #tpu.memory_space<hbm>>) dst(%dma_wait3A_1373 : memref<128x192xi32, #tpu.memory_space<vmem>>)
    %dma_wait3A_1379 = arith.constant 0 : i32
    %dma_wait3A_1380 = arith.constant 0 : i32
    %dma_wait3A_1381 = arith.constant 0 : i32
    %dma_wait3A_1382 = tpu.memref_slice %arg11[%dma_wait3A_1379, %dma_wait3A_1380, %dma_wait3A_1381] : memref<2x128x192xi32, #tpu.memory_space<vmem>> -> memref<1x128x192xi32, #tpu.memory_space<vmem>>
    %dma_wait3A_1383 = tpu.memref_squeeze %dma_wait3A_1382 : memref<1x128x192xi32, #tpu.memory_space<vmem>> -> memref<128x192xi32, #tpu.memory_space<vmem>>
    %dma_wait3A_1384 = arith.constant 512 : i32
    %dma_wait3A_1385 = tpu.memref_slice %arg9[%dma_wait3A_1384] : memref<640xi32, #tpu.memory_space<vmem>> -> memref<128xi32, #tpu.memory_space<vmem>>
    %dma_wait3A_1386 = arith.constant 0 : i32
    %dma_wait3A_1387 = arith.constant 0 : i32
    %dma_wait3A_1388 = tpu.memref_slice %arg4[%dma_wait3A_1386, %dma_wait3A_1387] : memref<1000x192xi32, #tpu.memory_space<hbm>> -> memref<1000x192xi32, #tpu.memory_space<hbm>>
    tpu.wait_indirect_dma semaphore(%arg12 : memref<!tpu.dma_semaphore, #tpu.memory_space<semaphore_mem>>) src(%dma_wait3A_1388 : memref<1000x192xi32, #tpu.memory_space<hbm>>) dst(%dma_wait3A_1383 : memref<128x192xi32, #tpu.memory_space<vmem>>)
    %add3A_1389 = arith.constant 512 : i32
    %add3A_1390 = arith.addi %mul3A_2, %add3A_1389 : i32
    %dma_start3A_1391 = arith.constant 0 : i32
    %dma_start3A_1392 = arith.constant 0 : i32
    %dma_start3A_1393 = arith.constant 0 : i32
    %dma_start3A_1394 = tpu.memref_slice %arg10[%dma_start3A_1391, %dma_start3A_1392, %dma_start3A_1393] : memref<2x128x192xi32, #tpu.memory_space<vmem>> -> memref<1x128x192xi32, #tpu.memory_space<vmem>>
    %dma_start3A_1395 = tpu.memref_squeeze %dma_start3A_1394 : memref<1x128x192xi32, #tpu.memory_space<vmem>> -> memref<128x192xi32, #tpu.memory_space<vmem>>
    %dma_start3A_1396 = arith.constant 0 : i32
    %dma_start3A_1397 = tpu.memref_slice %arg5[%add3A_1390, %dma_start3A_1396] : memref<20480x192xi32, #tpu.memory_space<hbm>> -> memref<128x192xi32, #tpu.memory_space<hbm>>
    %dma_start3A_1398 = arith.constant 0 : i32
    %dma_start3A_1399 = tpu.memref_slice %arg5[%add3A_1390, %dma_start3A_1398] : memref<20480x192xi32, #tpu.memory_space<hbm>> -> memref<128x192xi32, #tpu.memory_space<hbm>>
    %dma_start3A_1400 = arith.constant 0 : i32
    %dma_start3A_1401 = arith.constant 0 : i32
    %dma_start3A_1402 = tpu.memref_slice %arg10[%dma_start3A_1391, %dma_start3A_1400, %dma_start3A_1401] : memref<2x128x192xi32, #tpu.memory_space<vmem>> -> memref<1x128x192xi32, #tpu.memory_space<vmem>>
    %dma_start3A_1403 = tpu.memref_squeeze %dma_start3A_1402 : memref<1x128x192xi32, #tpu.memory_space<vmem>> -> memref<128x192xi32, #tpu.memory_space<vmem>>
    tpu.enqueue_dma source(%dma_start3A_1403 : memref<128x192xi32, #tpu.memory_space<vmem>>) target(%dma_start3A_1399 : memref<128x192xi32, #tpu.memory_space<hbm>>) target_semaphore(%arg14 : memref<!tpu.dma_semaphore, #tpu.memory_space<semaphore_mem>>)
    %dma_start3A_1404 = arith.constant 0 : i32
    %dma_start3A_1405 = arith.constant 0 : i32
    %dma_start3A_1406 = arith.constant 0 : i32
    %dma_start3A_1407 = tpu.memref_slice %arg11[%dma_start3A_1404, %dma_start3A_1405, %dma_start3A_1406] : memref<2x128x192xi32, #tpu.memory_space<vmem>> -> memref<1x128x192xi32, #tpu.memory_space<vmem>>
    %dma_start3A_1408 = tpu.memref_squeeze %dma_start3A_1407 : memref<1x128x192xi32, #tpu.memory_space<vmem>> -> memref<128x192xi32, #tpu.memory_space<vmem>>
    %dma_start3A_1409 = arith.constant 0 : i32
    %dma_start3A_1410 = tpu.memref_slice %arg6[%add3A_1390, %dma_start3A_1409] : memref<20480x192xi32, #tpu.memory_space<hbm>> -> memref<128x192xi32, #tpu.memory_space<hbm>>
    %dma_start3A_1411 = arith.constant 0 : i32
    %dma_start3A_1412 = tpu.memref_slice %arg6[%add3A_1390, %dma_start3A_1411] : memref<20480x192xi32, #tpu.memory_space<hbm>> -> memref<128x192xi32, #tpu.memory_space<hbm>>
    %dma_start3A_1413 = arith.constant 0 : i32
    %dma_start3A_1414 = arith.constant 0 : i32
    %dma_start3A_1415 = tpu.memref_slice %arg11[%dma_start3A_1404, %dma_start3A_1413, %dma_start3A_1414] : memref<2x128x192xi32, #tpu.memory_space<vmem>> -> memref<1x128x192xi32, #tpu.memory_space<vmem>>
    %dma_start3A_1416 = tpu.memref_squeeze %dma_start3A_1415 : memref<1x128x192xi32, #tpu.memory_space<vmem>> -> memref<128x192xi32, #tpu.memory_space<vmem>>
    tpu.enqueue_dma source(%dma_start3A_1416 : memref<128x192xi32, #tpu.memory_space<vmem>>) target(%dma_start3A_1412 : memref<128x192xi32, #tpu.memory_space<hbm>>) target_semaphore(%arg14 : memref<!tpu.dma_semaphore, #tpu.memory_space<semaphore_mem>>)
    %dma_wait3A_1417 = arith.constant 1 : i32
    %dma_wait3A_1418 = arith.constant 0 : i32
    %dma_wait3A_1419 = arith.constant 0 : i32
    %dma_wait3A_1420 = tpu.memref_slice %arg10[%dma_wait3A_1417, %dma_wait3A_1418, %dma_wait3A_1419] : memref<2x128x192xi32, #tpu.memory_space<vmem>> -> memref<1x128x192xi32, #tpu.memory_space<vmem>>
    %dma_wait3A_1421 = tpu.memref_squeeze %dma_wait3A_1420 : memref<1x128x192xi32, #tpu.memory_space<vmem>> -> memref<128x192xi32, #tpu.memory_space<vmem>>
    %dma_wait3A_1422 = arith.constant 0 : i32
    %dma_wait3A_1423 = tpu.memref_slice %arg5[%add3A_1342, %dma_wait3A_1422] : memref<20480x192xi32, #tpu.memory_space<hbm>> -> memref<128x192xi32, #tpu.memory_space<hbm>>
    %dma_wait3A_1424 = arith.constant 0 : i32
    %dma_wait3A_1425 = tpu.memref_slice %arg5[%add3A_1342, %dma_wait3A_1424] : memref<20480x192xi32, #tpu.memory_space<hbm>> -> memref<128x192xi32, #tpu.memory_space<hbm>>
    %dma_wait3A_1426 = arith.constant 0 : i32
    %dma_wait3A_1427 = arith.constant 0 : i32
    %dma_wait3A_1428 = tpu.memref_slice %arg10[%dma_wait3A_1417, %dma_wait3A_1426, %dma_wait3A_1427] : memref<2x128x192xi32, #tpu.memory_space<vmem>> -> memref<1x128x192xi32, #tpu.memory_space<vmem>>
    %dma_wait3A_1429 = tpu.memref_squeeze %dma_wait3A_1428 : memref<1x128x192xi32, #tpu.memory_space<vmem>> -> memref<128x192xi32, #tpu.memory_space<vmem>>
    tpu.wait_dma2 semaphore(%arg15 : memref<!tpu.dma_semaphore, #tpu.memory_space<semaphore_mem>>) src(%dma_wait3A_1429 : memref<128x192xi32, #tpu.memory_space<vmem>>) dst(%dma_wait3A_1425 : memref<128x192xi32, #tpu.memory_space<hbm>>)
    %dma_wait3A_1430 = arith.constant 1 : i32
    %dma_wait3A_1431 = arith.constant 0 : i32
    %dma_wait3A_1432 = arith.constant 0 : i32
    %dma_wait3A_1433 = tpu.memref_slice %arg11[%dma_wait3A_1430, %dma_wait3A_1431, %dma_wait3A_1432] : memref<2x128x192xi32, #tpu.memory_space<vmem>> -> memref<1x128x192xi32, #tpu.memory_space<vmem>>
    %dma_wait3A_1434 = tpu.memref_squeeze %dma_wait3A_1433 : memref<1x128x192xi32, #tpu.memory_space<vmem>> -> memref<128x192xi32, #tpu.memory_space<vmem>>
    %dma_wait3A_1435 = arith.constant 0 : i32
    %dma_wait3A_1436 = tpu.memref_slice %arg6[%add3A_1342, %dma_wait3A_1435] : memref<20480x192xi32, #tpu.memory_space<hbm>> -> memref<128x192xi32, #tpu.memory_space<hbm>>
    %dma_wait3A_1437 = arith.constant 0 : i32
    %dma_wait3A_1438 = tpu.memref_slice %arg6[%add3A_1342, %dma_wait3A_1437] : memref<20480x192xi32, #tpu.memory_space<hbm>> -> memref<128x192xi32, #tpu.memory_space<hbm>>
    %dma_wait3A_1439 = arith.constant 0 : i32
    %dma_wait3A_1440 = arith.constant 0 : i32
    %dma_wait3A_1441 = tpu.memref_slice %arg11[%dma_wait3A_1430, %dma_wait3A_1439, %dma_wait3A_1440] : memref<2x128x192xi32, #tpu.memory_space<vmem>> -> memref<1x128x192xi32, #tpu.memory_space<vmem>>
    %dma_wait3A_1442 = tpu.memref_squeeze %dma_wait3A_1441 : memref<1x128x192xi32, #tpu.memory_space<vmem>> -> memref<128x192xi32, #tpu.memory_space<vmem>>
    tpu.wait_dma2 semaphore(%arg15 : memref<!tpu.dma_semaphore, #tpu.memory_space<semaphore_mem>>) src(%dma_wait3A_1442 : memref<128x192xi32, #tpu.memory_space<vmem>>) dst(%dma_wait3A_1438 : memref<128x192xi32, #tpu.memory_space<hbm>>)
    %dma_wait3A_1443 = arith.constant 0 : i32
    %dma_wait3A_1444 = arith.constant 0 : i32
    %dma_wait3A_1445 = arith.constant 0 : i32
    %dma_wait3A_1446 = tpu.memref_slice %arg10[%dma_wait3A_1443, %dma_wait3A_1444, %dma_wait3A_1445] : memref<2x128x192xi32, #tpu.memory_space<vmem>> -> memref<1x128x192xi32, #tpu.memory_space<vmem>>
    %dma_wait3A_1447 = tpu.memref_squeeze %dma_wait3A_1446 : memref<1x128x192xi32, #tpu.memory_space<vmem>> -> memref<128x192xi32, #tpu.memory_space<vmem>>
    %dma_wait3A_1448 = arith.constant 0 : i32
    %dma_wait3A_1449 = tpu.memref_slice %arg5[%add3A_1390, %dma_wait3A_1448] : memref<20480x192xi32, #tpu.memory_space<hbm>> -> memref<128x192xi32, #tpu.memory_space<hbm>>
    %dma_wait3A_1450 = arith.constant 0 : i32
    %dma_wait3A_1451 = tpu.memref_slice %arg5[%add3A_1390, %dma_wait3A_1450] : memref<20480x192xi32, #tpu.memory_space<hbm>> -> memref<128x192xi32, #tpu.memory_space<hbm>>
    %dma_wait3A_1452 = arith.constant 0 : i32
    %dma_wait3A_1453 = arith.constant 0 : i32
    %dma_wait3A_1454 = tpu.memref_slice %arg10[%dma_wait3A_1443, %dma_wait3A_1452, %dma_wait3A_1453] : memref<2x128x192xi32, #tpu.memory_space<vmem>> -> memref<1x128x192xi32, #tpu.memory_space<vmem>>
    %dma_wait3A_1455 = tpu.memref_squeeze %dma_wait3A_1454 : memref<1x128x192xi32, #tpu.memory_space<vmem>> -> memref<128x192xi32, #tpu.memory_space<vmem>>
    tpu.wait_dma2 semaphore(%arg14 : memref<!tpu.dma_semaphore, #tpu.memory_space<semaphore_mem>>) src(%dma_wait3A_1455 : memref<128x192xi32, #tpu.memory_space<vmem>>) dst(%dma_wait3A_1451 : memref<128x192xi32, #tpu.memory_space<hbm>>)
    %dma_wait3A_1456 = arith.constant 0 : i32
    %dma_wait3A_1457 = arith.constant 0 : i32
    %dma_wait3A_1458 = arith.constant 0 : i32
    %dma_wait3A_1459 = tpu.memref_slice %arg11[%dma_wait3A_1456, %dma_wait3A_1457, %dma_wait3A_1458] : memref<2x128x192xi32, #tpu.memory_space<vmem>> -> memref<1x128x192xi32, #tpu.memory_space<vmem>>
    %dma_wait3A_1460 = tpu.memref_squeeze %dma_wait3A_1459 : memref<1x128x192xi32, #tpu.memory_space<vmem>> -> memref<128x192xi32, #tpu.memory_space<vmem>>
    %dma_wait3A_1461 = arith.constant 0 : i32
    %dma_wait3A_1462 = tpu.memref_slice %arg6[%add3A_1390, %dma_wait3A_1461] : memref<20480x192xi32, #tpu.memory_space<hbm>> -> memref<128x192xi32, #tpu.memory_space<hbm>>
    %dma_wait3A_1463 = arith.constant 0 : i32
    %dma_wait3A_1464 = tpu.memref_slice %arg6[%add3A_1390, %dma_wait3A_1463] : memref<20480x192xi32, #tpu.memory_space<hbm>> -> memref<128x192xi32, #tpu.memory_space<hbm>>
    %dma_wait3A_1465 = arith.constant 0 : i32
    %dma_wait3A_1466 = arith.constant 0 : i32
    %dma_wait3A_1467 = tpu.memref_slice %arg11[%dma_wait3A_1456, %dma_wait3A_1465, %dma_wait3A_1466] : memref<2x128x192xi32, #tpu.memory_space<vmem>> -> memref<1x128x192xi32, #tpu.memory_space<vmem>>
    %dma_wait3A_1468 = tpu.memref_squeeze %dma_wait3A_1467 : memref<1x128x192xi32, #tpu.memory_space<vmem>> -> memref<128x192xi32, #tpu.memory_space<vmem>>
    tpu.wait_dma2 semaphore(%arg14 : memref<!tpu.dma_semaphore, #tpu.memory_space<semaphore_mem>>) src(%dma_wait3A_1468 : memref<128x192xi32, #tpu.memory_space<vmem>>) dst(%dma_wait3A_1464 : memref<128x192xi32, #tpu.memory_space<hbm>>)
    return
  }
}

module attributes {stable_mosaic.version = 14 : i64} {
  func.func @_tc_body(%arg0: i32, %arg1: memref<1024x192xi32, #tpu.memory_space<vmem>>, %arg2: memref<1024x192xi32, #tpu.memory_space<vmem>>, %arg3: memref<4x16xf32, #tpu.memory_space<vmem>>, %arg4: memref<4xf32, #tpu.memory_space<smem>>, %arg5: memref<1024x128xf32, #tpu.memory_space<vmem>>) attributes {dimension_semantics = [#tpu.dimension_semantics<arbitrary>], iteration_bounds = array<i64: 20>, scalar_prefetch = 0 : i64, scratch_operands = 0 : i64, tpu.core_type = #tpu.core_type<tc>, window_params = [{transform_indices = @transform_0, window_bounds = array<i64: 1024, 192>}, {transform_indices = @transform_1, window_bounds = array<i64: 1024, 192>}, {pipeline_mode = #tpu.pipeline_mode<synchronous>, transform_indices = @transform_2, window_bounds = array<i64: 4, 16>}, {transform_indices = @transform_3, window_bounds = array<i64: 4>}, {transform_indices = @transform_4, window_bounds = array<i64: 1024, 128>}]} {
    %get3A = arith.constant 0 : index
    %get3A_0 = memref.load %arg4[%get3A] : memref<4xf32, #tpu.memory_space<smem>>
    %get3A_1 = arith.constant 1 : index
    %get3A_2 = memref.load %arg4[%get3A_1] : memref<4xf32, #tpu.memory_space<smem>>
    %get3A_3 = arith.constant 2 : index
    %get3A_4 = memref.load %arg4[%get3A_3] : memref<4xf32, #tpu.memory_space<smem>>
    %get3A_5 = arith.constant 0 : index
    %get3A_6 = arith.constant 0 : index
    %get3A_7 = vector.load %arg3[%get3A_5, %get3A_6] : memref<4x16xf32, #tpu.memory_space<vmem>>, vector<4x16xf32>
    %cos3A = math.cos %get3A_7 : vector<4x16xf32>
    %mul3A = vector.broadcast %get3A_0 : f32 to vector<4x16xf32>
    %mul3A_8 = arith.mulf %mul3A, %cos3A : vector<4x16xf32>
    %reshape3A = vector.shape_cast %mul3A_8 : vector<4x16xf32> to vector<4x16x1xf32>
    %get3A_9 = arith.constant 0 : index
    %get3A_10 = arith.constant 0 : index
    %get3A_11 = vector.load %arg1[%get3A_9, %get3A_10] : memref<1024x192xi32, #tpu.memory_space<vmem>>, vector<1024x192xi32>
    %transpose3A = tpu.transpose %get3A_11, [1, 0] : vector<1024x192xi32> -> vector<192x1024xi32>
    %get3A_12 = arith.constant 0 : index
    %get3A_13 = arith.constant 0 : index
    %get3A_14 = vector.load %arg2[%get3A_12, %get3A_13] : memref<1024x192xi32, #tpu.memory_space<vmem>>, vector<1024x192xi32>
    %transpose3A_15 = tpu.transpose %get3A_14, [1, 0] : vector<1024x192xi32> -> vector<192x1024xi32>
    %shift_left3A = arith.constant 24 : i32
    %shift_left3A_16 = vector.broadcast %shift_left3A : i32 to vector<192x1024xi32>
    %shift_left3A_17 = arith.shli %transpose3A, %shift_left3A_16 : vector<192x1024xi32>
    %shift_right_arithmetic3A = arith.constant 24 : i32
    %shift_right_arithmetic3A_18 = vector.broadcast %shift_right_arithmetic3A : i32 to vector<192x1024xi32>
    %shift_right_arithmetic3A_19 = arith.shrsi %shift_left3A_17, %shift_right_arithmetic3A_18 : vector<192x1024xi32>
    %convert_element_type3A = arith.sitofp %shift_right_arithmetic3A_19 : vector<192x1024xi32> to vector<192x1024xf32>
    %reshape3A_20 = vector.shape_cast %convert_element_type3A : vector<192x1024xf32> to vector<12x16x1024xf32>
    %slice3A = vector.extract_strided_slice %reshape3A_20 {offsets = [0, 0, 0], sizes = [1, 16, 1024], strides = [1, 1, 1]} : vector<12x16x1024xf32> to vector<1x16x1024xf32>
    %squeeze3A = vector.shape_cast %slice3A : vector<1x16x1024xf32> to vector<16x1024xf32>
    %sub3A = vector.broadcast %get3A_2 : f32 to vector<16x1024xf32>
    %sub3A_21 = arith.subf %squeeze3A, %sub3A : vector<16x1024xf32>
    %slice3A_22 = vector.extract_strided_slice %reshape3A {offsets = [0, 0, 0], sizes = [1, 16, 1], strides = [1, 1, 1]} : vector<4x16x1xf32> to vector<1x16x1xf32>
    %squeeze3A_23 = vector.shape_cast %slice3A_22 : vector<1x16x1xf32> to vector<16x1xf32>
    %mul3A_24 = vector.broadcast %squeeze3A_23 : vector<16x1xf32> to vector<16x1024xf32>
    %mul3A_25 = arith.mulf %sub3A_21, %mul3A_24 : vector<16x1024xf32>
    %slice3A_26 = vector.extract_strided_slice %reshape3A_20 {offsets = [1, 0, 0], sizes = [1, 16, 1024], strides = [1, 1, 1]} : vector<12x16x1024xf32> to vector<1x16x1024xf32>
    %squeeze3A_27 = vector.shape_cast %slice3A_26 : vector<1x16x1024xf32> to vector<16x1024xf32>
    %sub3A_28 = vector.broadcast %get3A_2 : f32 to vector<16x1024xf32>
    %sub3A_29 = arith.subf %squeeze3A_27, %sub3A_28 : vector<16x1024xf32>
    %slice3A_30 = vector.extract_strided_slice %reshape3A {offsets = [0, 0, 0], sizes = [1, 16, 1], strides = [1, 1, 1]} : vector<4x16x1xf32> to vector<1x16x1xf32>
    %squeeze3A_31 = vector.shape_cast %slice3A_30 : vector<1x16x1xf32> to vector<16x1xf32>
    %mul3A_32 = vector.broadcast %squeeze3A_31 : vector<16x1xf32> to vector<16x1024xf32>
    %mul3A_33 = arith.mulf %sub3A_29, %mul3A_32 : vector<16x1024xf32>
    %slice3A_34 = vector.extract_strided_slice %reshape3A_20 {offsets = [2, 0, 0], sizes = [1, 16, 1024], strides = [1, 1, 1]} : vector<12x16x1024xf32> to vector<1x16x1024xf32>
    %squeeze3A_35 = vector.shape_cast %slice3A_34 : vector<1x16x1024xf32> to vector<16x1024xf32>
    %sub3A_36 = vector.broadcast %get3A_2 : f32 to vector<16x1024xf32>
    %sub3A_37 = arith.subf %squeeze3A_35, %sub3A_36 : vector<16x1024xf32>
    %slice3A_38 = vector.extract_strided_slice %reshape3A {offsets = [0, 0, 0], sizes = [1, 16, 1], strides = [1, 1, 1]} : vector<4x16x1xf32> to vector<1x16x1xf32>
    %squeeze3A_39 = vector.shape_cast %slice3A_38 : vector<1x16x1xf32> to vector<16x1xf32>
    %mul3A_40 = vector.broadcast %squeeze3A_39 : vector<16x1xf32> to vector<16x1024xf32>
    %mul3A_41 = arith.mulf %sub3A_37, %mul3A_40 : vector<16x1024xf32>
    %slice3A_42 = vector.extract_strided_slice %reshape3A_20 {offsets = [3, 0, 0], sizes = [1, 16, 1024], strides = [1, 1, 1]} : vector<12x16x1024xf32> to vector<1x16x1024xf32>
    %squeeze3A_43 = vector.shape_cast %slice3A_42 : vector<1x16x1024xf32> to vector<16x1024xf32>
    %sub3A_44 = vector.broadcast %get3A_2 : f32 to vector<16x1024xf32>
    %sub3A_45 = arith.subf %squeeze3A_43, %sub3A_44 : vector<16x1024xf32>
    %slice3A_46 = vector.extract_strided_slice %reshape3A {offsets = [0, 0, 0], sizes = [1, 16, 1], strides = [1, 1, 1]} : vector<4x16x1xf32> to vector<1x16x1xf32>
    %squeeze3A_47 = vector.shape_cast %slice3A_46 : vector<1x16x1xf32> to vector<16x1xf32>
    %mul3A_48 = vector.broadcast %squeeze3A_47 : vector<16x1xf32> to vector<16x1024xf32>
    %mul3A_49 = arith.mulf %sub3A_45, %mul3A_48 : vector<16x1024xf32>
    %slice3A_50 = vector.extract_strided_slice %reshape3A_20 {offsets = [4, 0, 0], sizes = [1, 16, 1024], strides = [1, 1, 1]} : vector<12x16x1024xf32> to vector<1x16x1024xf32>
    %squeeze3A_51 = vector.shape_cast %slice3A_50 : vector<1x16x1024xf32> to vector<16x1024xf32>
    %sub3A_52 = vector.broadcast %get3A_2 : f32 to vector<16x1024xf32>
    %sub3A_53 = arith.subf %squeeze3A_51, %sub3A_52 : vector<16x1024xf32>
    %slice3A_54 = vector.extract_strided_slice %reshape3A {offsets = [0, 0, 0], sizes = [1, 16, 1], strides = [1, 1, 1]} : vector<4x16x1xf32> to vector<1x16x1xf32>
    %squeeze3A_55 = vector.shape_cast %slice3A_54 : vector<1x16x1xf32> to vector<16x1xf32>
    %mul3A_56 = vector.broadcast %squeeze3A_55 : vector<16x1xf32> to vector<16x1024xf32>
    %mul3A_57 = arith.mulf %sub3A_53, %mul3A_56 : vector<16x1024xf32>
    %slice3A_58 = vector.extract_strided_slice %reshape3A_20 {offsets = [5, 0, 0], sizes = [1, 16, 1024], strides = [1, 1, 1]} : vector<12x16x1024xf32> to vector<1x16x1024xf32>
    %squeeze3A_59 = vector.shape_cast %slice3A_58 : vector<1x16x1024xf32> to vector<16x1024xf32>
    %sub3A_60 = vector.broadcast %get3A_2 : f32 to vector<16x1024xf32>
    %sub3A_61 = arith.subf %squeeze3A_59, %sub3A_60 : vector<16x1024xf32>
    %slice3A_62 = vector.extract_strided_slice %reshape3A {offsets = [0, 0, 0], sizes = [1, 16, 1], strides = [1, 1, 1]} : vector<4x16x1xf32> to vector<1x16x1xf32>
    %squeeze3A_63 = vector.shape_cast %slice3A_62 : vector<1x16x1xf32> to vector<16x1xf32>
    %mul3A_64 = vector.broadcast %squeeze3A_63 : vector<16x1xf32> to vector<16x1024xf32>
    %mul3A_65 = arith.mulf %sub3A_61, %mul3A_64 : vector<16x1024xf32>
    %slice3A_66 = vector.extract_strided_slice %reshape3A_20 {offsets = [6, 0, 0], sizes = [1, 16, 1024], strides = [1, 1, 1]} : vector<12x16x1024xf32> to vector<1x16x1024xf32>
    %squeeze3A_67 = vector.shape_cast %slice3A_66 : vector<1x16x1024xf32> to vector<16x1024xf32>
    %sub3A_68 = vector.broadcast %get3A_2 : f32 to vector<16x1024xf32>
    %sub3A_69 = arith.subf %squeeze3A_67, %sub3A_68 : vector<16x1024xf32>
    %slice3A_70 = vector.extract_strided_slice %reshape3A {offsets = [0, 0, 0], sizes = [1, 16, 1], strides = [1, 1, 1]} : vector<4x16x1xf32> to vector<1x16x1xf32>
    %squeeze3A_71 = vector.shape_cast %slice3A_70 : vector<1x16x1xf32> to vector<16x1xf32>
    %mul3A_72 = vector.broadcast %squeeze3A_71 : vector<16x1xf32> to vector<16x1024xf32>
    %mul3A_73 = arith.mulf %sub3A_69, %mul3A_72 : vector<16x1024xf32>
    %slice3A_74 = vector.extract_strided_slice %reshape3A_20 {offsets = [7, 0, 0], sizes = [1, 16, 1024], strides = [1, 1, 1]} : vector<12x16x1024xf32> to vector<1x16x1024xf32>
    %squeeze3A_75 = vector.shape_cast %slice3A_74 : vector<1x16x1024xf32> to vector<16x1024xf32>
    %sub3A_76 = vector.broadcast %get3A_2 : f32 to vector<16x1024xf32>
    %sub3A_77 = arith.subf %squeeze3A_75, %sub3A_76 : vector<16x1024xf32>
    %slice3A_78 = vector.extract_strided_slice %reshape3A {offsets = [0, 0, 0], sizes = [1, 16, 1], strides = [1, 1, 1]} : vector<4x16x1xf32> to vector<1x16x1xf32>
    %squeeze3A_79 = vector.shape_cast %slice3A_78 : vector<1x16x1xf32> to vector<16x1xf32>
    %mul3A_80 = vector.broadcast %squeeze3A_79 : vector<16x1xf32> to vector<16x1024xf32>
    %mul3A_81 = arith.mulf %sub3A_77, %mul3A_80 : vector<16x1024xf32>
    %slice3A_82 = vector.extract_strided_slice %reshape3A_20 {offsets = [8, 0, 0], sizes = [1, 16, 1024], strides = [1, 1, 1]} : vector<12x16x1024xf32> to vector<1x16x1024xf32>
    %squeeze3A_83 = vector.shape_cast %slice3A_82 : vector<1x16x1024xf32> to vector<16x1024xf32>
    %sub3A_84 = vector.broadcast %get3A_2 : f32 to vector<16x1024xf32>
    %sub3A_85 = arith.subf %squeeze3A_83, %sub3A_84 : vector<16x1024xf32>
    %slice3A_86 = vector.extract_strided_slice %reshape3A {offsets = [0, 0, 0], sizes = [1, 16, 1], strides = [1, 1, 1]} : vector<4x16x1xf32> to vector<1x16x1xf32>
    %squeeze3A_87 = vector.shape_cast %slice3A_86 : vector<1x16x1xf32> to vector<16x1xf32>
    %mul3A_88 = vector.broadcast %squeeze3A_87 : vector<16x1xf32> to vector<16x1024xf32>
    %mul3A_89 = arith.mulf %sub3A_85, %mul3A_88 : vector<16x1024xf32>
    %slice3A_90 = vector.extract_strided_slice %reshape3A_20 {offsets = [9, 0, 0], sizes = [1, 16, 1024], strides = [1, 1, 1]} : vector<12x16x1024xf32> to vector<1x16x1024xf32>
    %squeeze3A_91 = vector.shape_cast %slice3A_90 : vector<1x16x1024xf32> to vector<16x1024xf32>
    %sub3A_92 = vector.broadcast %get3A_2 : f32 to vector<16x1024xf32>
    %sub3A_93 = arith.subf %squeeze3A_91, %sub3A_92 : vector<16x1024xf32>
    %slice3A_94 = vector.extract_strided_slice %reshape3A {offsets = [0, 0, 0], sizes = [1, 16, 1], strides = [1, 1, 1]} : vector<4x16x1xf32> to vector<1x16x1xf32>
    %squeeze3A_95 = vector.shape_cast %slice3A_94 : vector<1x16x1xf32> to vector<16x1xf32>
    %mul3A_96 = vector.broadcast %squeeze3A_95 : vector<16x1xf32> to vector<16x1024xf32>
    %mul3A_97 = arith.mulf %sub3A_93, %mul3A_96 : vector<16x1024xf32>
    %slice3A_98 = vector.extract_strided_slice %reshape3A_20 {offsets = [10, 0, 0], sizes = [1, 16, 1024], strides = [1, 1, 1]} : vector<12x16x1024xf32> to vector<1x16x1024xf32>
    %squeeze3A_99 = vector.shape_cast %slice3A_98 : vector<1x16x1024xf32> to vector<16x1024xf32>
    %sub3A_100 = vector.broadcast %get3A_2 : f32 to vector<16x1024xf32>
    %sub3A_101 = arith.subf %squeeze3A_99, %sub3A_100 : vector<16x1024xf32>
    %slice3A_102 = vector.extract_strided_slice %reshape3A {offsets = [0, 0, 0], sizes = [1, 16, 1], strides = [1, 1, 1]} : vector<4x16x1xf32> to vector<1x16x1xf32>
    %squeeze3A_103 = vector.shape_cast %slice3A_102 : vector<1x16x1xf32> to vector<16x1xf32>
    %mul3A_104 = vector.broadcast %squeeze3A_103 : vector<16x1xf32> to vector<16x1024xf32>
    %mul3A_105 = arith.mulf %sub3A_101, %mul3A_104 : vector<16x1024xf32>
    %slice3A_106 = vector.extract_strided_slice %reshape3A_20 {offsets = [11, 0, 0], sizes = [1, 16, 1024], strides = [1, 1, 1]} : vector<12x16x1024xf32> to vector<1x16x1024xf32>
    %squeeze3A_107 = vector.shape_cast %slice3A_106 : vector<1x16x1024xf32> to vector<16x1024xf32>
    %sub3A_108 = vector.broadcast %get3A_2 : f32 to vector<16x1024xf32>
    %sub3A_109 = arith.subf %squeeze3A_107, %sub3A_108 : vector<16x1024xf32>
    %slice3A_110 = vector.extract_strided_slice %reshape3A {offsets = [0, 0, 0], sizes = [1, 16, 1], strides = [1, 1, 1]} : vector<4x16x1xf32> to vector<1x16x1xf32>
    %squeeze3A_111 = vector.shape_cast %slice3A_110 : vector<1x16x1xf32> to vector<16x1xf32>
    %mul3A_112 = vector.broadcast %squeeze3A_111 : vector<16x1xf32> to vector<16x1024xf32>
    %mul3A_113 = arith.mulf %sub3A_109, %mul3A_112 : vector<16x1024xf32>
    %shift_left3A_114 = arith.constant 24 : i32
    %shift_left3A_115 = vector.broadcast %shift_left3A_114 : i32 to vector<192x1024xi32>
    %shift_left3A_116 = arith.shli %transpose3A_15, %shift_left3A_115 : vector<192x1024xi32>
    %shift_right_arithmetic3A_117 = arith.constant 24 : i32
    %shift_right_arithmetic3A_118 = vector.broadcast %shift_right_arithmetic3A_117 : i32 to vector<192x1024xi32>
    %shift_right_arithmetic3A_119 = arith.shrsi %shift_left3A_116, %shift_right_arithmetic3A_118 : vector<192x1024xi32>
    %convert_element_type3A_120 = arith.sitofp %shift_right_arithmetic3A_119 : vector<192x1024xi32> to vector<192x1024xf32>
    %reshape3A_121 = vector.shape_cast %convert_element_type3A_120 : vector<192x1024xf32> to vector<12x16x1024xf32>
    %slice3A_122 = vector.extract_strided_slice %reshape3A_121 {offsets = [0, 0, 0], sizes = [1, 16, 1024], strides = [1, 1, 1]} : vector<12x16x1024xf32> to vector<1x16x1024xf32>
    %squeeze3A_123 = vector.shape_cast %slice3A_122 : vector<1x16x1024xf32> to vector<16x1024xf32>
    %sub3A_124 = vector.broadcast %get3A_4 : f32 to vector<16x1024xf32>
    %sub3A_125 = arith.subf %squeeze3A_123, %sub3A_124 : vector<16x1024xf32>
    %slice3A_126 = vector.extract_strided_slice %reshape3A_121 {offsets = [1, 0, 0], sizes = [1, 16, 1024], strides = [1, 1, 1]} : vector<12x16x1024xf32> to vector<1x16x1024xf32>
    %squeeze3A_127 = vector.shape_cast %slice3A_126 : vector<1x16x1024xf32> to vector<16x1024xf32>
    %sub3A_128 = vector.broadcast %get3A_4 : f32 to vector<16x1024xf32>
    %sub3A_129 = arith.subf %squeeze3A_127, %sub3A_128 : vector<16x1024xf32>
    %slice3A_130 = vector.extract_strided_slice %reshape3A_121 {offsets = [2, 0, 0], sizes = [1, 16, 1024], strides = [1, 1, 1]} : vector<12x16x1024xf32> to vector<1x16x1024xf32>
    %squeeze3A_131 = vector.shape_cast %slice3A_130 : vector<1x16x1024xf32> to vector<16x1024xf32>
    %sub3A_132 = vector.broadcast %get3A_4 : f32 to vector<16x1024xf32>
    %sub3A_133 = arith.subf %squeeze3A_131, %sub3A_132 : vector<16x1024xf32>
    %slice3A_134 = vector.extract_strided_slice %reshape3A_121 {offsets = [3, 0, 0], sizes = [1, 16, 1024], strides = [1, 1, 1]} : vector<12x16x1024xf32> to vector<1x16x1024xf32>
    %squeeze3A_135 = vector.shape_cast %slice3A_134 : vector<1x16x1024xf32> to vector<16x1024xf32>
    %sub3A_136 = vector.broadcast %get3A_4 : f32 to vector<16x1024xf32>
    %sub3A_137 = arith.subf %squeeze3A_135, %sub3A_136 : vector<16x1024xf32>
    %slice3A_138 = vector.extract_strided_slice %reshape3A_121 {offsets = [4, 0, 0], sizes = [1, 16, 1024], strides = [1, 1, 1]} : vector<12x16x1024xf32> to vector<1x16x1024xf32>
    %squeeze3A_139 = vector.shape_cast %slice3A_138 : vector<1x16x1024xf32> to vector<16x1024xf32>
    %sub3A_140 = vector.broadcast %get3A_4 : f32 to vector<16x1024xf32>
    %sub3A_141 = arith.subf %squeeze3A_139, %sub3A_140 : vector<16x1024xf32>
    %slice3A_142 = vector.extract_strided_slice %reshape3A_121 {offsets = [5, 0, 0], sizes = [1, 16, 1024], strides = [1, 1, 1]} : vector<12x16x1024xf32> to vector<1x16x1024xf32>
    %squeeze3A_143 = vector.shape_cast %slice3A_142 : vector<1x16x1024xf32> to vector<16x1024xf32>
    %sub3A_144 = vector.broadcast %get3A_4 : f32 to vector<16x1024xf32>
    %sub3A_145 = arith.subf %squeeze3A_143, %sub3A_144 : vector<16x1024xf32>
    %slice3A_146 = vector.extract_strided_slice %reshape3A_121 {offsets = [6, 0, 0], sizes = [1, 16, 1024], strides = [1, 1, 1]} : vector<12x16x1024xf32> to vector<1x16x1024xf32>
    %squeeze3A_147 = vector.shape_cast %slice3A_146 : vector<1x16x1024xf32> to vector<16x1024xf32>
    %sub3A_148 = vector.broadcast %get3A_4 : f32 to vector<16x1024xf32>
    %sub3A_149 = arith.subf %squeeze3A_147, %sub3A_148 : vector<16x1024xf32>
    %slice3A_150 = vector.extract_strided_slice %reshape3A_121 {offsets = [7, 0, 0], sizes = [1, 16, 1024], strides = [1, 1, 1]} : vector<12x16x1024xf32> to vector<1x16x1024xf32>
    %squeeze3A_151 = vector.shape_cast %slice3A_150 : vector<1x16x1024xf32> to vector<16x1024xf32>
    %sub3A_152 = vector.broadcast %get3A_4 : f32 to vector<16x1024xf32>
    %sub3A_153 = arith.subf %squeeze3A_151, %sub3A_152 : vector<16x1024xf32>
    %slice3A_154 = vector.extract_strided_slice %reshape3A_121 {offsets = [8, 0, 0], sizes = [1, 16, 1024], strides = [1, 1, 1]} : vector<12x16x1024xf32> to vector<1x16x1024xf32>
    %squeeze3A_155 = vector.shape_cast %slice3A_154 : vector<1x16x1024xf32> to vector<16x1024xf32>
    %sub3A_156 = vector.broadcast %get3A_4 : f32 to vector<16x1024xf32>
    %sub3A_157 = arith.subf %squeeze3A_155, %sub3A_156 : vector<16x1024xf32>
    %slice3A_158 = vector.extract_strided_slice %reshape3A_121 {offsets = [9, 0, 0], sizes = [1, 16, 1024], strides = [1, 1, 1]} : vector<12x16x1024xf32> to vector<1x16x1024xf32>
    %squeeze3A_159 = vector.shape_cast %slice3A_158 : vector<1x16x1024xf32> to vector<16x1024xf32>
    %sub3A_160 = vector.broadcast %get3A_4 : f32 to vector<16x1024xf32>
    %sub3A_161 = arith.subf %squeeze3A_159, %sub3A_160 : vector<16x1024xf32>
    %slice3A_162 = vector.extract_strided_slice %reshape3A_121 {offsets = [10, 0, 0], sizes = [1, 16, 1024], strides = [1, 1, 1]} : vector<12x16x1024xf32> to vector<1x16x1024xf32>
    %squeeze3A_163 = vector.shape_cast %slice3A_162 : vector<1x16x1024xf32> to vector<16x1024xf32>
    %sub3A_164 = vector.broadcast %get3A_4 : f32 to vector<16x1024xf32>
    %sub3A_165 = arith.subf %squeeze3A_163, %sub3A_164 : vector<16x1024xf32>
    %shift_left3A_166 = arith.constant 16 : i32
    %shift_left3A_167 = vector.broadcast %shift_left3A_166 : i32 to vector<192x1024xi32>
    %shift_left3A_168 = arith.shli %transpose3A, %shift_left3A_167 : vector<192x1024xi32>
    %shift_right_arithmetic3A_169 = arith.constant 24 : i32
    %shift_right_arithmetic3A_170 = vector.broadcast %shift_right_arithmetic3A_169 : i32 to vector<192x1024xi32>
    %shift_right_arithmetic3A_171 = arith.shrsi %shift_left3A_168, %shift_right_arithmetic3A_170 : vector<192x1024xi32>
    %convert_element_type3A_172 = arith.sitofp %shift_right_arithmetic3A_171 : vector<192x1024xi32> to vector<192x1024xf32>
    %reshape3A_173 = vector.shape_cast %convert_element_type3A_172 : vector<192x1024xf32> to vector<12x16x1024xf32>
    %slice3A_174 = vector.extract_strided_slice %reshape3A_173 {offsets = [0, 0, 0], sizes = [1, 16, 1024], strides = [1, 1, 1]} : vector<12x16x1024xf32> to vector<1x16x1024xf32>
    %squeeze3A_175 = vector.shape_cast %slice3A_174 : vector<1x16x1024xf32> to vector<16x1024xf32>
    %sub3A_176 = vector.broadcast %get3A_2 : f32 to vector<16x1024xf32>
    %sub3A_177 = arith.subf %squeeze3A_175, %sub3A_176 : vector<16x1024xf32>
    %slice3A_178 = vector.extract_strided_slice %reshape3A {offsets = [1, 0, 0], sizes = [1, 16, 1], strides = [1, 1, 1]} : vector<4x16x1xf32> to vector<1x16x1xf32>
    %squeeze3A_179 = vector.shape_cast %slice3A_178 : vector<1x16x1xf32> to vector<16x1xf32>
    %mul3A_180 = vector.broadcast %squeeze3A_179 : vector<16x1xf32> to vector<16x1024xf32>
    %mul3A_181 = arith.mulf %sub3A_177, %mul3A_180 : vector<16x1024xf32>
    %slice3A_182 = vector.extract_strided_slice %reshape3A_173 {offsets = [1, 0, 0], sizes = [1, 16, 1024], strides = [1, 1, 1]} : vector<12x16x1024xf32> to vector<1x16x1024xf32>
    %squeeze3A_183 = vector.shape_cast %slice3A_182 : vector<1x16x1024xf32> to vector<16x1024xf32>
    %sub3A_184 = vector.broadcast %get3A_2 : f32 to vector<16x1024xf32>
    %sub3A_185 = arith.subf %squeeze3A_183, %sub3A_184 : vector<16x1024xf32>
    %slice3A_186 = vector.extract_strided_slice %reshape3A {offsets = [1, 0, 0], sizes = [1, 16, 1], strides = [1, 1, 1]} : vector<4x16x1xf32> to vector<1x16x1xf32>
    %squeeze3A_187 = vector.shape_cast %slice3A_186 : vector<1x16x1xf32> to vector<16x1xf32>
    %mul3A_188 = vector.broadcast %squeeze3A_187 : vector<16x1xf32> to vector<16x1024xf32>
    %mul3A_189 = arith.mulf %sub3A_185, %mul3A_188 : vector<16x1024xf32>
    %slice3A_190 = vector.extract_strided_slice %reshape3A_173 {offsets = [2, 0, 0], sizes = [1, 16, 1024], strides = [1, 1, 1]} : vector<12x16x1024xf32> to vector<1x16x1024xf32>
    %squeeze3A_191 = vector.shape_cast %slice3A_190 : vector<1x16x1024xf32> to vector<16x1024xf32>
    %sub3A_192 = vector.broadcast %get3A_2 : f32 to vector<16x1024xf32>
    %sub3A_193 = arith.subf %squeeze3A_191, %sub3A_192 : vector<16x1024xf32>
    %slice3A_194 = vector.extract_strided_slice %reshape3A {offsets = [1, 0, 0], sizes = [1, 16, 1], strides = [1, 1, 1]} : vector<4x16x1xf32> to vector<1x16x1xf32>
    %squeeze3A_195 = vector.shape_cast %slice3A_194 : vector<1x16x1xf32> to vector<16x1xf32>
    %mul3A_196 = vector.broadcast %squeeze3A_195 : vector<16x1xf32> to vector<16x1024xf32>
    %mul3A_197 = arith.mulf %sub3A_193, %mul3A_196 : vector<16x1024xf32>
    %slice3A_198 = vector.extract_strided_slice %reshape3A_173 {offsets = [3, 0, 0], sizes = [1, 16, 1024], strides = [1, 1, 1]} : vector<12x16x1024xf32> to vector<1x16x1024xf32>
    %squeeze3A_199 = vector.shape_cast %slice3A_198 : vector<1x16x1024xf32> to vector<16x1024xf32>
    %sub3A_200 = vector.broadcast %get3A_2 : f32 to vector<16x1024xf32>
    %sub3A_201 = arith.subf %squeeze3A_199, %sub3A_200 : vector<16x1024xf32>
    %slice3A_202 = vector.extract_strided_slice %reshape3A {offsets = [1, 0, 0], sizes = [1, 16, 1], strides = [1, 1, 1]} : vector<4x16x1xf32> to vector<1x16x1xf32>
    %squeeze3A_203 = vector.shape_cast %slice3A_202 : vector<1x16x1xf32> to vector<16x1xf32>
    %mul3A_204 = vector.broadcast %squeeze3A_203 : vector<16x1xf32> to vector<16x1024xf32>
    %mul3A_205 = arith.mulf %sub3A_201, %mul3A_204 : vector<16x1024xf32>
    %slice3A_206 = vector.extract_strided_slice %reshape3A_173 {offsets = [4, 0, 0], sizes = [1, 16, 1024], strides = [1, 1, 1]} : vector<12x16x1024xf32> to vector<1x16x1024xf32>
    %squeeze3A_207 = vector.shape_cast %slice3A_206 : vector<1x16x1024xf32> to vector<16x1024xf32>
    %sub3A_208 = vector.broadcast %get3A_2 : f32 to vector<16x1024xf32>
    %sub3A_209 = arith.subf %squeeze3A_207, %sub3A_208 : vector<16x1024xf32>
    %slice3A_210 = vector.extract_strided_slice %reshape3A {offsets = [1, 0, 0], sizes = [1, 16, 1], strides = [1, 1, 1]} : vector<4x16x1xf32> to vector<1x16x1xf32>
    %squeeze3A_211 = vector.shape_cast %slice3A_210 : vector<1x16x1xf32> to vector<16x1xf32>
    %mul3A_212 = vector.broadcast %squeeze3A_211 : vector<16x1xf32> to vector<16x1024xf32>
    %mul3A_213 = arith.mulf %sub3A_209, %mul3A_212 : vector<16x1024xf32>
    %slice3A_214 = vector.extract_strided_slice %reshape3A_173 {offsets = [5, 0, 0], sizes = [1, 16, 1024], strides = [1, 1, 1]} : vector<12x16x1024xf32> to vector<1x16x1024xf32>
    %squeeze3A_215 = vector.shape_cast %slice3A_214 : vector<1x16x1024xf32> to vector<16x1024xf32>
    %sub3A_216 = vector.broadcast %get3A_2 : f32 to vector<16x1024xf32>
    %sub3A_217 = arith.subf %squeeze3A_215, %sub3A_216 : vector<16x1024xf32>
    %slice3A_218 = vector.extract_strided_slice %reshape3A {offsets = [1, 0, 0], sizes = [1, 16, 1], strides = [1, 1, 1]} : vector<4x16x1xf32> to vector<1x16x1xf32>
    %squeeze3A_219 = vector.shape_cast %slice3A_218 : vector<1x16x1xf32> to vector<16x1xf32>
    %mul3A_220 = vector.broadcast %squeeze3A_219 : vector<16x1xf32> to vector<16x1024xf32>
    %mul3A_221 = arith.mulf %sub3A_217, %mul3A_220 : vector<16x1024xf32>
    %slice3A_222 = vector.extract_strided_slice %reshape3A_173 {offsets = [6, 0, 0], sizes = [1, 16, 1024], strides = [1, 1, 1]} : vector<12x16x1024xf32> to vector<1x16x1024xf32>
    %squeeze3A_223 = vector.shape_cast %slice3A_222 : vector<1x16x1024xf32> to vector<16x1024xf32>
    %sub3A_224 = vector.broadcast %get3A_2 : f32 to vector<16x1024xf32>
    %sub3A_225 = arith.subf %squeeze3A_223, %sub3A_224 : vector<16x1024xf32>
    %slice3A_226 = vector.extract_strided_slice %reshape3A {offsets = [1, 0, 0], sizes = [1, 16, 1], strides = [1, 1, 1]} : vector<4x16x1xf32> to vector<1x16x1xf32>
    %squeeze3A_227 = vector.shape_cast %slice3A_226 : vector<1x16x1xf32> to vector<16x1xf32>
    %mul3A_228 = vector.broadcast %squeeze3A_227 : vector<16x1xf32> to vector<16x1024xf32>
    %mul3A_229 = arith.mulf %sub3A_225, %mul3A_228 : vector<16x1024xf32>
    %slice3A_230 = vector.extract_strided_slice %reshape3A_173 {offsets = [7, 0, 0], sizes = [1, 16, 1024], strides = [1, 1, 1]} : vector<12x16x1024xf32> to vector<1x16x1024xf32>
    %squeeze3A_231 = vector.shape_cast %slice3A_230 : vector<1x16x1024xf32> to vector<16x1024xf32>
    %sub3A_232 = vector.broadcast %get3A_2 : f32 to vector<16x1024xf32>
    %sub3A_233 = arith.subf %squeeze3A_231, %sub3A_232 : vector<16x1024xf32>
    %slice3A_234 = vector.extract_strided_slice %reshape3A {offsets = [1, 0, 0], sizes = [1, 16, 1], strides = [1, 1, 1]} : vector<4x16x1xf32> to vector<1x16x1xf32>
    %squeeze3A_235 = vector.shape_cast %slice3A_234 : vector<1x16x1xf32> to vector<16x1xf32>
    %mul3A_236 = vector.broadcast %squeeze3A_235 : vector<16x1xf32> to vector<16x1024xf32>
    %mul3A_237 = arith.mulf %sub3A_233, %mul3A_236 : vector<16x1024xf32>
    %slice3A_238 = vector.extract_strided_slice %reshape3A_173 {offsets = [8, 0, 0], sizes = [1, 16, 1024], strides = [1, 1, 1]} : vector<12x16x1024xf32> to vector<1x16x1024xf32>
    %squeeze3A_239 = vector.shape_cast %slice3A_238 : vector<1x16x1024xf32> to vector<16x1024xf32>
    %sub3A_240 = vector.broadcast %get3A_2 : f32 to vector<16x1024xf32>
    %sub3A_241 = arith.subf %squeeze3A_239, %sub3A_240 : vector<16x1024xf32>
    %slice3A_242 = vector.extract_strided_slice %reshape3A {offsets = [1, 0, 0], sizes = [1, 16, 1], strides = [1, 1, 1]} : vector<4x16x1xf32> to vector<1x16x1xf32>
    %squeeze3A_243 = vector.shape_cast %slice3A_242 : vector<1x16x1xf32> to vector<16x1xf32>
    %mul3A_244 = vector.broadcast %squeeze3A_243 : vector<16x1xf32> to vector<16x1024xf32>
    %mul3A_245 = arith.mulf %sub3A_241, %mul3A_244 : vector<16x1024xf32>
    %slice3A_246 = vector.extract_strided_slice %reshape3A_173 {offsets = [9, 0, 0], sizes = [1, 16, 1024], strides = [1, 1, 1]} : vector<12x16x1024xf32> to vector<1x16x1024xf32>
    %squeeze3A_247 = vector.shape_cast %slice3A_246 : vector<1x16x1024xf32> to vector<16x1024xf32>
    %sub3A_248 = vector.broadcast %get3A_2 : f32 to vector<16x1024xf32>
    %sub3A_249 = arith.subf %squeeze3A_247, %sub3A_248 : vector<16x1024xf32>
    %slice3A_250 = vector.extract_strided_slice %reshape3A {offsets = [1, 0, 0], sizes = [1, 16, 1], strides = [1, 1, 1]} : vector<4x16x1xf32> to vector<1x16x1xf32>
    %squeeze3A_251 = vector.shape_cast %slice3A_250 : vector<1x16x1xf32> to vector<16x1xf32>
    %mul3A_252 = vector.broadcast %squeeze3A_251 : vector<16x1xf32> to vector<16x1024xf32>
    %mul3A_253 = arith.mulf %sub3A_249, %mul3A_252 : vector<16x1024xf32>
    %slice3A_254 = vector.extract_strided_slice %reshape3A_173 {offsets = [10, 0, 0], sizes = [1, 16, 1024], strides = [1, 1, 1]} : vector<12x16x1024xf32> to vector<1x16x1024xf32>
    %squeeze3A_255 = vector.shape_cast %slice3A_254 : vector<1x16x1024xf32> to vector<16x1024xf32>
    %sub3A_256 = vector.broadcast %get3A_2 : f32 to vector<16x1024xf32>
    %sub3A_257 = arith.subf %squeeze3A_255, %sub3A_256 : vector<16x1024xf32>
    %slice3A_258 = vector.extract_strided_slice %reshape3A {offsets = [1, 0, 0], sizes = [1, 16, 1], strides = [1, 1, 1]} : vector<4x16x1xf32> to vector<1x16x1xf32>
    %squeeze3A_259 = vector.shape_cast %slice3A_258 : vector<1x16x1xf32> to vector<16x1xf32>
    %mul3A_260 = vector.broadcast %squeeze3A_259 : vector<16x1xf32> to vector<16x1024xf32>
    %mul3A_261 = arith.mulf %sub3A_257, %mul3A_260 : vector<16x1024xf32>
    %slice3A_262 = vector.extract_strided_slice %reshape3A_173 {offsets = [11, 0, 0], sizes = [1, 16, 1024], strides = [1, 1, 1]} : vector<12x16x1024xf32> to vector<1x16x1024xf32>
    %squeeze3A_263 = vector.shape_cast %slice3A_262 : vector<1x16x1024xf32> to vector<16x1024xf32>
    %sub3A_264 = vector.broadcast %get3A_2 : f32 to vector<16x1024xf32>
    %sub3A_265 = arith.subf %squeeze3A_263, %sub3A_264 : vector<16x1024xf32>
    %slice3A_266 = vector.extract_strided_slice %reshape3A {offsets = [1, 0, 0], sizes = [1, 16, 1], strides = [1, 1, 1]} : vector<4x16x1xf32> to vector<1x16x1xf32>
    %squeeze3A_267 = vector.shape_cast %slice3A_266 : vector<1x16x1xf32> to vector<16x1xf32>
    %mul3A_268 = vector.broadcast %squeeze3A_267 : vector<16x1xf32> to vector<16x1024xf32>
    %mul3A_269 = arith.mulf %sub3A_265, %mul3A_268 : vector<16x1024xf32>
    %shift_left3A_270 = arith.constant 16 : i32
    %shift_left3A_271 = vector.broadcast %shift_left3A_270 : i32 to vector<192x1024xi32>
    %shift_left3A_272 = arith.shli %transpose3A_15, %shift_left3A_271 : vector<192x1024xi32>
    %shift_right_arithmetic3A_273 = arith.constant 24 : i32
    %shift_right_arithmetic3A_274 = vector.broadcast %shift_right_arithmetic3A_273 : i32 to vector<192x1024xi32>
    %shift_right_arithmetic3A_275 = arith.shrsi %shift_left3A_272, %shift_right_arithmetic3A_274 : vector<192x1024xi32>
    %convert_element_type3A_276 = arith.sitofp %shift_right_arithmetic3A_275 : vector<192x1024xi32> to vector<192x1024xf32>
    %reshape3A_277 = vector.shape_cast %convert_element_type3A_276 : vector<192x1024xf32> to vector<12x16x1024xf32>
    %slice3A_278 = vector.extract_strided_slice %reshape3A_277 {offsets = [0, 0, 0], sizes = [1, 16, 1024], strides = [1, 1, 1]} : vector<12x16x1024xf32> to vector<1x16x1024xf32>
    %squeeze3A_279 = vector.shape_cast %slice3A_278 : vector<1x16x1024xf32> to vector<16x1024xf32>
    %sub3A_280 = vector.broadcast %get3A_4 : f32 to vector<16x1024xf32>
    %sub3A_281 = arith.subf %squeeze3A_279, %sub3A_280 : vector<16x1024xf32>
    %slice3A_282 = vector.extract_strided_slice %reshape3A_277 {offsets = [1, 0, 0], sizes = [1, 16, 1024], strides = [1, 1, 1]} : vector<12x16x1024xf32> to vector<1x16x1024xf32>
    %squeeze3A_283 = vector.shape_cast %slice3A_282 : vector<1x16x1024xf32> to vector<16x1024xf32>
    %sub3A_284 = vector.broadcast %get3A_4 : f32 to vector<16x1024xf32>
    %sub3A_285 = arith.subf %squeeze3A_283, %sub3A_284 : vector<16x1024xf32>
    %slice3A_286 = vector.extract_strided_slice %reshape3A_277 {offsets = [2, 0, 0], sizes = [1, 16, 1024], strides = [1, 1, 1]} : vector<12x16x1024xf32> to vector<1x16x1024xf32>
    %squeeze3A_287 = vector.shape_cast %slice3A_286 : vector<1x16x1024xf32> to vector<16x1024xf32>
    %sub3A_288 = vector.broadcast %get3A_4 : f32 to vector<16x1024xf32>
    %sub3A_289 = arith.subf %squeeze3A_287, %sub3A_288 : vector<16x1024xf32>
    %slice3A_290 = vector.extract_strided_slice %reshape3A_277 {offsets = [3, 0, 0], sizes = [1, 16, 1024], strides = [1, 1, 1]} : vector<12x16x1024xf32> to vector<1x16x1024xf32>
    %squeeze3A_291 = vector.shape_cast %slice3A_290 : vector<1x16x1024xf32> to vector<16x1024xf32>
    %sub3A_292 = vector.broadcast %get3A_4 : f32 to vector<16x1024xf32>
    %sub3A_293 = arith.subf %squeeze3A_291, %sub3A_292 : vector<16x1024xf32>
    %slice3A_294 = vector.extract_strided_slice %reshape3A_277 {offsets = [4, 0, 0], sizes = [1, 16, 1024], strides = [1, 1, 1]} : vector<12x16x1024xf32> to vector<1x16x1024xf32>
    %squeeze3A_295 = vector.shape_cast %slice3A_294 : vector<1x16x1024xf32> to vector<16x1024xf32>
    %sub3A_296 = vector.broadcast %get3A_4 : f32 to vector<16x1024xf32>
    %sub3A_297 = arith.subf %squeeze3A_295, %sub3A_296 : vector<16x1024xf32>
    %slice3A_298 = vector.extract_strided_slice %reshape3A_277 {offsets = [5, 0, 0], sizes = [1, 16, 1024], strides = [1, 1, 1]} : vector<12x16x1024xf32> to vector<1x16x1024xf32>
    %squeeze3A_299 = vector.shape_cast %slice3A_298 : vector<1x16x1024xf32> to vector<16x1024xf32>
    %sub3A_300 = vector.broadcast %get3A_4 : f32 to vector<16x1024xf32>
    %sub3A_301 = arith.subf %squeeze3A_299, %sub3A_300 : vector<16x1024xf32>
    %slice3A_302 = vector.extract_strided_slice %reshape3A_277 {offsets = [6, 0, 0], sizes = [1, 16, 1024], strides = [1, 1, 1]} : vector<12x16x1024xf32> to vector<1x16x1024xf32>
    %squeeze3A_303 = vector.shape_cast %slice3A_302 : vector<1x16x1024xf32> to vector<16x1024xf32>
    %sub3A_304 = vector.broadcast %get3A_4 : f32 to vector<16x1024xf32>
    %sub3A_305 = arith.subf %squeeze3A_303, %sub3A_304 : vector<16x1024xf32>
    %slice3A_306 = vector.extract_strided_slice %reshape3A_277 {offsets = [7, 0, 0], sizes = [1, 16, 1024], strides = [1, 1, 1]} : vector<12x16x1024xf32> to vector<1x16x1024xf32>
    %squeeze3A_307 = vector.shape_cast %slice3A_306 : vector<1x16x1024xf32> to vector<16x1024xf32>
    %sub3A_308 = vector.broadcast %get3A_4 : f32 to vector<16x1024xf32>
    %sub3A_309 = arith.subf %squeeze3A_307, %sub3A_308 : vector<16x1024xf32>
    %slice3A_310 = vector.extract_strided_slice %reshape3A_277 {offsets = [8, 0, 0], sizes = [1, 16, 1024], strides = [1, 1, 1]} : vector<12x16x1024xf32> to vector<1x16x1024xf32>
    %squeeze3A_311 = vector.shape_cast %slice3A_310 : vector<1x16x1024xf32> to vector<16x1024xf32>
    %sub3A_312 = vector.broadcast %get3A_4 : f32 to vector<16x1024xf32>
    %sub3A_313 = arith.subf %squeeze3A_311, %sub3A_312 : vector<16x1024xf32>
    %slice3A_314 = vector.extract_strided_slice %reshape3A_277 {offsets = [9, 0, 0], sizes = [1, 16, 1024], strides = [1, 1, 1]} : vector<12x16x1024xf32> to vector<1x16x1024xf32>
    %squeeze3A_315 = vector.shape_cast %slice3A_314 : vector<1x16x1024xf32> to vector<16x1024xf32>
    %sub3A_316 = vector.broadcast %get3A_4 : f32 to vector<16x1024xf32>
    %sub3A_317 = arith.subf %squeeze3A_315, %sub3A_316 : vector<16x1024xf32>
    %slice3A_318 = vector.extract_strided_slice %reshape3A_277 {offsets = [10, 0, 0], sizes = [1, 16, 1024], strides = [1, 1, 1]} : vector<12x16x1024xf32> to vector<1x16x1024xf32>
    %squeeze3A_319 = vector.shape_cast %slice3A_318 : vector<1x16x1024xf32> to vector<16x1024xf32>
    %sub3A_320 = vector.broadcast %get3A_4 : f32 to vector<16x1024xf32>
    %sub3A_321 = arith.subf %squeeze3A_319, %sub3A_320 : vector<16x1024xf32>
    %shift_left3A_322 = arith.constant 8 : i32
    %shift_left3A_323 = vector.broadcast %shift_left3A_322 : i32 to vector<192x1024xi32>
    %shift_left3A_324 = arith.shli %transpose3A, %shift_left3A_323 : vector<192x1024xi32>
    %shift_right_arithmetic3A_325 = arith.constant 24 : i32
    %shift_right_arithmetic3A_326 = vector.broadcast %shift_right_arithmetic3A_325 : i32 to vector<192x1024xi32>
    %shift_right_arithmetic3A_327 = arith.shrsi %shift_left3A_324, %shift_right_arithmetic3A_326 : vector<192x1024xi32>
    %convert_element_type3A_328 = arith.sitofp %shift_right_arithmetic3A_327 : vector<192x1024xi32> to vector<192x1024xf32>
    %reshape3A_329 = vector.shape_cast %convert_element_type3A_328 : vector<192x1024xf32> to vector<12x16x1024xf32>
    %slice3A_330 = vector.extract_strided_slice %reshape3A_329 {offsets = [0, 0, 0], sizes = [1, 16, 1024], strides = [1, 1, 1]} : vector<12x16x1024xf32> to vector<1x16x1024xf32>
    %squeeze3A_331 = vector.shape_cast %slice3A_330 : vector<1x16x1024xf32> to vector<16x1024xf32>
    %sub3A_332 = vector.broadcast %get3A_2 : f32 to vector<16x1024xf32>
    %sub3A_333 = arith.subf %squeeze3A_331, %sub3A_332 : vector<16x1024xf32>
    %slice3A_334 = vector.extract_strided_slice %reshape3A {offsets = [2, 0, 0], sizes = [1, 16, 1], strides = [1, 1, 1]} : vector<4x16x1xf32> to vector<1x16x1xf32>
    %squeeze3A_335 = vector.shape_cast %slice3A_334 : vector<1x16x1xf32> to vector<16x1xf32>
    %mul3A_336 = vector.broadcast %squeeze3A_335 : vector<16x1xf32> to vector<16x1024xf32>
    %mul3A_337 = arith.mulf %sub3A_333, %mul3A_336 : vector<16x1024xf32>
    %slice3A_338 = vector.extract_strided_slice %reshape3A_329 {offsets = [1, 0, 0], sizes = [1, 16, 1024], strides = [1, 1, 1]} : vector<12x16x1024xf32> to vector<1x16x1024xf32>
    %squeeze3A_339 = vector.shape_cast %slice3A_338 : vector<1x16x1024xf32> to vector<16x1024xf32>
    %sub3A_340 = vector.broadcast %get3A_2 : f32 to vector<16x1024xf32>
    %sub3A_341 = arith.subf %squeeze3A_339, %sub3A_340 : vector<16x1024xf32>
    %slice3A_342 = vector.extract_strided_slice %reshape3A {offsets = [2, 0, 0], sizes = [1, 16, 1], strides = [1, 1, 1]} : vector<4x16x1xf32> to vector<1x16x1xf32>
    %squeeze3A_343 = vector.shape_cast %slice3A_342 : vector<1x16x1xf32> to vector<16x1xf32>
    %mul3A_344 = vector.broadcast %squeeze3A_343 : vector<16x1xf32> to vector<16x1024xf32>
    %mul3A_345 = arith.mulf %sub3A_341, %mul3A_344 : vector<16x1024xf32>
    %slice3A_346 = vector.extract_strided_slice %reshape3A_329 {offsets = [2, 0, 0], sizes = [1, 16, 1024], strides = [1, 1, 1]} : vector<12x16x1024xf32> to vector<1x16x1024xf32>
    %squeeze3A_347 = vector.shape_cast %slice3A_346 : vector<1x16x1024xf32> to vector<16x1024xf32>
    %sub3A_348 = vector.broadcast %get3A_2 : f32 to vector<16x1024xf32>
    %sub3A_349 = arith.subf %squeeze3A_347, %sub3A_348 : vector<16x1024xf32>
    %slice3A_350 = vector.extract_strided_slice %reshape3A {offsets = [2, 0, 0], sizes = [1, 16, 1], strides = [1, 1, 1]} : vector<4x16x1xf32> to vector<1x16x1xf32>
    %squeeze3A_351 = vector.shape_cast %slice3A_350 : vector<1x16x1xf32> to vector<16x1xf32>
    %mul3A_352 = vector.broadcast %squeeze3A_351 : vector<16x1xf32> to vector<16x1024xf32>
    %mul3A_353 = arith.mulf %sub3A_349, %mul3A_352 : vector<16x1024xf32>
    %slice3A_354 = vector.extract_strided_slice %reshape3A_329 {offsets = [3, 0, 0], sizes = [1, 16, 1024], strides = [1, 1, 1]} : vector<12x16x1024xf32> to vector<1x16x1024xf32>
    %squeeze3A_355 = vector.shape_cast %slice3A_354 : vector<1x16x1024xf32> to vector<16x1024xf32>
    %sub3A_356 = vector.broadcast %get3A_2 : f32 to vector<16x1024xf32>
    %sub3A_357 = arith.subf %squeeze3A_355, %sub3A_356 : vector<16x1024xf32>
    %slice3A_358 = vector.extract_strided_slice %reshape3A {offsets = [2, 0, 0], sizes = [1, 16, 1], strides = [1, 1, 1]} : vector<4x16x1xf32> to vector<1x16x1xf32>
    %squeeze3A_359 = vector.shape_cast %slice3A_358 : vector<1x16x1xf32> to vector<16x1xf32>
    %mul3A_360 = vector.broadcast %squeeze3A_359 : vector<16x1xf32> to vector<16x1024xf32>
    %mul3A_361 = arith.mulf %sub3A_357, %mul3A_360 : vector<16x1024xf32>
    %slice3A_362 = vector.extract_strided_slice %reshape3A_329 {offsets = [4, 0, 0], sizes = [1, 16, 1024], strides = [1, 1, 1]} : vector<12x16x1024xf32> to vector<1x16x1024xf32>
    %squeeze3A_363 = vector.shape_cast %slice3A_362 : vector<1x16x1024xf32> to vector<16x1024xf32>
    %sub3A_364 = vector.broadcast %get3A_2 : f32 to vector<16x1024xf32>
    %sub3A_365 = arith.subf %squeeze3A_363, %sub3A_364 : vector<16x1024xf32>
    %slice3A_366 = vector.extract_strided_slice %reshape3A {offsets = [2, 0, 0], sizes = [1, 16, 1], strides = [1, 1, 1]} : vector<4x16x1xf32> to vector<1x16x1xf32>
    %squeeze3A_367 = vector.shape_cast %slice3A_366 : vector<1x16x1xf32> to vector<16x1xf32>
    %mul3A_368 = vector.broadcast %squeeze3A_367 : vector<16x1xf32> to vector<16x1024xf32>
    %mul3A_369 = arith.mulf %sub3A_365, %mul3A_368 : vector<16x1024xf32>
    %slice3A_370 = vector.extract_strided_slice %reshape3A_329 {offsets = [5, 0, 0], sizes = [1, 16, 1024], strides = [1, 1, 1]} : vector<12x16x1024xf32> to vector<1x16x1024xf32>
    %squeeze3A_371 = vector.shape_cast %slice3A_370 : vector<1x16x1024xf32> to vector<16x1024xf32>
    %sub3A_372 = vector.broadcast %get3A_2 : f32 to vector<16x1024xf32>
    %sub3A_373 = arith.subf %squeeze3A_371, %sub3A_372 : vector<16x1024xf32>
    %slice3A_374 = vector.extract_strided_slice %reshape3A {offsets = [2, 0, 0], sizes = [1, 16, 1], strides = [1, 1, 1]} : vector<4x16x1xf32> to vector<1x16x1xf32>
    %squeeze3A_375 = vector.shape_cast %slice3A_374 : vector<1x16x1xf32> to vector<16x1xf32>
    %mul3A_376 = vector.broadcast %squeeze3A_375 : vector<16x1xf32> to vector<16x1024xf32>
    %mul3A_377 = arith.mulf %sub3A_373, %mul3A_376 : vector<16x1024xf32>
    %slice3A_378 = vector.extract_strided_slice %reshape3A_329 {offsets = [6, 0, 0], sizes = [1, 16, 1024], strides = [1, 1, 1]} : vector<12x16x1024xf32> to vector<1x16x1024xf32>
    %squeeze3A_379 = vector.shape_cast %slice3A_378 : vector<1x16x1024xf32> to vector<16x1024xf32>
    %sub3A_380 = vector.broadcast %get3A_2 : f32 to vector<16x1024xf32>
    %sub3A_381 = arith.subf %squeeze3A_379, %sub3A_380 : vector<16x1024xf32>
    %slice3A_382 = vector.extract_strided_slice %reshape3A {offsets = [2, 0, 0], sizes = [1, 16, 1], strides = [1, 1, 1]} : vector<4x16x1xf32> to vector<1x16x1xf32>
    %squeeze3A_383 = vector.shape_cast %slice3A_382 : vector<1x16x1xf32> to vector<16x1xf32>
    %mul3A_384 = vector.broadcast %squeeze3A_383 : vector<16x1xf32> to vector<16x1024xf32>
    %mul3A_385 = arith.mulf %sub3A_381, %mul3A_384 : vector<16x1024xf32>
    %slice3A_386 = vector.extract_strided_slice %reshape3A_329 {offsets = [7, 0, 0], sizes = [1, 16, 1024], strides = [1, 1, 1]} : vector<12x16x1024xf32> to vector<1x16x1024xf32>
    %squeeze3A_387 = vector.shape_cast %slice3A_386 : vector<1x16x1024xf32> to vector<16x1024xf32>
    %sub3A_388 = vector.broadcast %get3A_2 : f32 to vector<16x1024xf32>
    %sub3A_389 = arith.subf %squeeze3A_387, %sub3A_388 : vector<16x1024xf32>
    %slice3A_390 = vector.extract_strided_slice %reshape3A {offsets = [2, 0, 0], sizes = [1, 16, 1], strides = [1, 1, 1]} : vector<4x16x1xf32> to vector<1x16x1xf32>
    %squeeze3A_391 = vector.shape_cast %slice3A_390 : vector<1x16x1xf32> to vector<16x1xf32>
    %mul3A_392 = vector.broadcast %squeeze3A_391 : vector<16x1xf32> to vector<16x1024xf32>
    %mul3A_393 = arith.mulf %sub3A_389, %mul3A_392 : vector<16x1024xf32>
    %slice3A_394 = vector.extract_strided_slice %reshape3A_329 {offsets = [8, 0, 0], sizes = [1, 16, 1024], strides = [1, 1, 1]} : vector<12x16x1024xf32> to vector<1x16x1024xf32>
    %squeeze3A_395 = vector.shape_cast %slice3A_394 : vector<1x16x1024xf32> to vector<16x1024xf32>
    %sub3A_396 = vector.broadcast %get3A_2 : f32 to vector<16x1024xf32>
    %sub3A_397 = arith.subf %squeeze3A_395, %sub3A_396 : vector<16x1024xf32>
    %slice3A_398 = vector.extract_strided_slice %reshape3A {offsets = [2, 0, 0], sizes = [1, 16, 1], strides = [1, 1, 1]} : vector<4x16x1xf32> to vector<1x16x1xf32>
    %squeeze3A_399 = vector.shape_cast %slice3A_398 : vector<1x16x1xf32> to vector<16x1xf32>
    %mul3A_400 = vector.broadcast %squeeze3A_399 : vector<16x1xf32> to vector<16x1024xf32>
    %mul3A_401 = arith.mulf %sub3A_397, %mul3A_400 : vector<16x1024xf32>
    %slice3A_402 = vector.extract_strided_slice %reshape3A_329 {offsets = [9, 0, 0], sizes = [1, 16, 1024], strides = [1, 1, 1]} : vector<12x16x1024xf32> to vector<1x16x1024xf32>
    %squeeze3A_403 = vector.shape_cast %slice3A_402 : vector<1x16x1024xf32> to vector<16x1024xf32>
    %sub3A_404 = vector.broadcast %get3A_2 : f32 to vector<16x1024xf32>
    %sub3A_405 = arith.subf %squeeze3A_403, %sub3A_404 : vector<16x1024xf32>
    %slice3A_406 = vector.extract_strided_slice %reshape3A {offsets = [2, 0, 0], sizes = [1, 16, 1], strides = [1, 1, 1]} : vector<4x16x1xf32> to vector<1x16x1xf32>
    %squeeze3A_407 = vector.shape_cast %slice3A_406 : vector<1x16x1xf32> to vector<16x1xf32>
    %mul3A_408 = vector.broadcast %squeeze3A_407 : vector<16x1xf32> to vector<16x1024xf32>
    %mul3A_409 = arith.mulf %sub3A_405, %mul3A_408 : vector<16x1024xf32>
    %slice3A_410 = vector.extract_strided_slice %reshape3A_329 {offsets = [10, 0, 0], sizes = [1, 16, 1024], strides = [1, 1, 1]} : vector<12x16x1024xf32> to vector<1x16x1024xf32>
    %squeeze3A_411 = vector.shape_cast %slice3A_410 : vector<1x16x1024xf32> to vector<16x1024xf32>
    %sub3A_412 = vector.broadcast %get3A_2 : f32 to vector<16x1024xf32>
    %sub3A_413 = arith.subf %squeeze3A_411, %sub3A_412 : vector<16x1024xf32>
    %slice3A_414 = vector.extract_strided_slice %reshape3A {offsets = [2, 0, 0], sizes = [1, 16, 1], strides = [1, 1, 1]} : vector<4x16x1xf32> to vector<1x16x1xf32>
    %squeeze3A_415 = vector.shape_cast %slice3A_414 : vector<1x16x1xf32> to vector<16x1xf32>
    %mul3A_416 = vector.broadcast %squeeze3A_415 : vector<16x1xf32> to vector<16x1024xf32>
    %mul3A_417 = arith.mulf %sub3A_413, %mul3A_416 : vector<16x1024xf32>
    %slice3A_418 = vector.extract_strided_slice %reshape3A_329 {offsets = [11, 0, 0], sizes = [1, 16, 1024], strides = [1, 1, 1]} : vector<12x16x1024xf32> to vector<1x16x1024xf32>
    %squeeze3A_419 = vector.shape_cast %slice3A_418 : vector<1x16x1024xf32> to vector<16x1024xf32>
    %sub3A_420 = vector.broadcast %get3A_2 : f32 to vector<16x1024xf32>
    %sub3A_421 = arith.subf %squeeze3A_419, %sub3A_420 : vector<16x1024xf32>
    %slice3A_422 = vector.extract_strided_slice %reshape3A {offsets = [2, 0, 0], sizes = [1, 16, 1], strides = [1, 1, 1]} : vector<4x16x1xf32> to vector<1x16x1xf32>
    %squeeze3A_423 = vector.shape_cast %slice3A_422 : vector<1x16x1xf32> to vector<16x1xf32>
    %mul3A_424 = vector.broadcast %squeeze3A_423 : vector<16x1xf32> to vector<16x1024xf32>
    %mul3A_425 = arith.mulf %sub3A_421, %mul3A_424 : vector<16x1024xf32>
    %shift_left3A_426 = arith.constant 8 : i32
    %shift_left3A_427 = vector.broadcast %shift_left3A_426 : i32 to vector<192x1024xi32>
    %shift_left3A_428 = arith.shli %transpose3A_15, %shift_left3A_427 : vector<192x1024xi32>
    %shift_right_arithmetic3A_429 = arith.constant 24 : i32
    %shift_right_arithmetic3A_430 = vector.broadcast %shift_right_arithmetic3A_429 : i32 to vector<192x1024xi32>
    %shift_right_arithmetic3A_431 = arith.shrsi %shift_left3A_428, %shift_right_arithmetic3A_430 : vector<192x1024xi32>
    %convert_element_type3A_432 = arith.sitofp %shift_right_arithmetic3A_431 : vector<192x1024xi32> to vector<192x1024xf32>
    %reshape3A_433 = vector.shape_cast %convert_element_type3A_432 : vector<192x1024xf32> to vector<12x16x1024xf32>
    %slice3A_434 = vector.extract_strided_slice %reshape3A_433 {offsets = [0, 0, 0], sizes = [1, 16, 1024], strides = [1, 1, 1]} : vector<12x16x1024xf32> to vector<1x16x1024xf32>
    %squeeze3A_435 = vector.shape_cast %slice3A_434 : vector<1x16x1024xf32> to vector<16x1024xf32>
    %sub3A_436 = vector.broadcast %get3A_4 : f32 to vector<16x1024xf32>
    %sub3A_437 = arith.subf %squeeze3A_435, %sub3A_436 : vector<16x1024xf32>
    %slice3A_438 = vector.extract_strided_slice %reshape3A_433 {offsets = [1, 0, 0], sizes = [1, 16, 1024], strides = [1, 1, 1]} : vector<12x16x1024xf32> to vector<1x16x1024xf32>
    %squeeze3A_439 = vector.shape_cast %slice3A_438 : vector<1x16x1024xf32> to vector<16x1024xf32>
    %sub3A_440 = vector.broadcast %get3A_4 : f32 to vector<16x1024xf32>
    %sub3A_441 = arith.subf %squeeze3A_439, %sub3A_440 : vector<16x1024xf32>
    %slice3A_442 = vector.extract_strided_slice %reshape3A_433 {offsets = [2, 0, 0], sizes = [1, 16, 1024], strides = [1, 1, 1]} : vector<12x16x1024xf32> to vector<1x16x1024xf32>
    %squeeze3A_443 = vector.shape_cast %slice3A_442 : vector<1x16x1024xf32> to vector<16x1024xf32>
    %sub3A_444 = vector.broadcast %get3A_4 : f32 to vector<16x1024xf32>
    %sub3A_445 = arith.subf %squeeze3A_443, %sub3A_444 : vector<16x1024xf32>
    %slice3A_446 = vector.extract_strided_slice %reshape3A_433 {offsets = [3, 0, 0], sizes = [1, 16, 1024], strides = [1, 1, 1]} : vector<12x16x1024xf32> to vector<1x16x1024xf32>
    %squeeze3A_447 = vector.shape_cast %slice3A_446 : vector<1x16x1024xf32> to vector<16x1024xf32>
    %sub3A_448 = vector.broadcast %get3A_4 : f32 to vector<16x1024xf32>
    %sub3A_449 = arith.subf %squeeze3A_447, %sub3A_448 : vector<16x1024xf32>
    %slice3A_450 = vector.extract_strided_slice %reshape3A_433 {offsets = [4, 0, 0], sizes = [1, 16, 1024], strides = [1, 1, 1]} : vector<12x16x1024xf32> to vector<1x16x1024xf32>
    %squeeze3A_451 = vector.shape_cast %slice3A_450 : vector<1x16x1024xf32> to vector<16x1024xf32>
    %sub3A_452 = vector.broadcast %get3A_4 : f32 to vector<16x1024xf32>
    %sub3A_453 = arith.subf %squeeze3A_451, %sub3A_452 : vector<16x1024xf32>
    %slice3A_454 = vector.extract_strided_slice %reshape3A_433 {offsets = [5, 0, 0], sizes = [1, 16, 1024], strides = [1, 1, 1]} : vector<12x16x1024xf32> to vector<1x16x1024xf32>
    %squeeze3A_455 = vector.shape_cast %slice3A_454 : vector<1x16x1024xf32> to vector<16x1024xf32>
    %sub3A_456 = vector.broadcast %get3A_4 : f32 to vector<16x1024xf32>
    %sub3A_457 = arith.subf %squeeze3A_455, %sub3A_456 : vector<16x1024xf32>
    %slice3A_458 = vector.extract_strided_slice %reshape3A_433 {offsets = [6, 0, 0], sizes = [1, 16, 1024], strides = [1, 1, 1]} : vector<12x16x1024xf32> to vector<1x16x1024xf32>
    %squeeze3A_459 = vector.shape_cast %slice3A_458 : vector<1x16x1024xf32> to vector<16x1024xf32>
    %sub3A_460 = vector.broadcast %get3A_4 : f32 to vector<16x1024xf32>
    %sub3A_461 = arith.subf %squeeze3A_459, %sub3A_460 : vector<16x1024xf32>
    %slice3A_462 = vector.extract_strided_slice %reshape3A_433 {offsets = [7, 0, 0], sizes = [1, 16, 1024], strides = [1, 1, 1]} : vector<12x16x1024xf32> to vector<1x16x1024xf32>
    %squeeze3A_463 = vector.shape_cast %slice3A_462 : vector<1x16x1024xf32> to vector<16x1024xf32>
    %sub3A_464 = vector.broadcast %get3A_4 : f32 to vector<16x1024xf32>
    %sub3A_465 = arith.subf %squeeze3A_463, %sub3A_464 : vector<16x1024xf32>
    %slice3A_466 = vector.extract_strided_slice %reshape3A_433 {offsets = [8, 0, 0], sizes = [1, 16, 1024], strides = [1, 1, 1]} : vector<12x16x1024xf32> to vector<1x16x1024xf32>
    %squeeze3A_467 = vector.shape_cast %slice3A_466 : vector<1x16x1024xf32> to vector<16x1024xf32>
    %sub3A_468 = vector.broadcast %get3A_4 : f32 to vector<16x1024xf32>
    %sub3A_469 = arith.subf %squeeze3A_467, %sub3A_468 : vector<16x1024xf32>
    %slice3A_470 = vector.extract_strided_slice %reshape3A_433 {offsets = [9, 0, 0], sizes = [1, 16, 1024], strides = [1, 1, 1]} : vector<12x16x1024xf32> to vector<1x16x1024xf32>
    %squeeze3A_471 = vector.shape_cast %slice3A_470 : vector<1x16x1024xf32> to vector<16x1024xf32>
    %sub3A_472 = vector.broadcast %get3A_4 : f32 to vector<16x1024xf32>
    %sub3A_473 = arith.subf %squeeze3A_471, %sub3A_472 : vector<16x1024xf32>
    %slice3A_474 = vector.extract_strided_slice %reshape3A_433 {offsets = [10, 0, 0], sizes = [1, 16, 1024], strides = [1, 1, 1]} : vector<12x16x1024xf32> to vector<1x16x1024xf32>
    %squeeze3A_475 = vector.shape_cast %slice3A_474 : vector<1x16x1024xf32> to vector<16x1024xf32>
    %sub3A_476 = vector.broadcast %get3A_4 : f32 to vector<16x1024xf32>
    %sub3A_477 = arith.subf %squeeze3A_475, %sub3A_476 : vector<16x1024xf32>
    %shift_left3A_478 = arith.constant 0 : i32
    %shift_left3A_479 = vector.broadcast %shift_left3A_478 : i32 to vector<192x1024xi32>
    %shift_left3A_480 = arith.shli %transpose3A, %shift_left3A_479 : vector<192x1024xi32>
    %shift_right_arithmetic3A_481 = arith.constant 24 : i32
    %shift_right_arithmetic3A_482 = vector.broadcast %shift_right_arithmetic3A_481 : i32 to vector<192x1024xi32>
    %shift_right_arithmetic3A_483 = arith.shrsi %shift_left3A_480, %shift_right_arithmetic3A_482 : vector<192x1024xi32>
    %convert_element_type3A_484 = arith.sitofp %shift_right_arithmetic3A_483 : vector<192x1024xi32> to vector<192x1024xf32>
    %reshape3A_485 = vector.shape_cast %convert_element_type3A_484 : vector<192x1024xf32> to vector<12x16x1024xf32>
    %slice3A_486 = vector.extract_strided_slice %reshape3A_485 {offsets = [0, 0, 0], sizes = [1, 16, 1024], strides = [1, 1, 1]} : vector<12x16x1024xf32> to vector<1x16x1024xf32>
    %squeeze3A_487 = vector.shape_cast %slice3A_486 : vector<1x16x1024xf32> to vector<16x1024xf32>
    %sub3A_488 = vector.broadcast %get3A_2 : f32 to vector<16x1024xf32>
    %sub3A_489 = arith.subf %squeeze3A_487, %sub3A_488 : vector<16x1024xf32>
    %slice3A_490 = vector.extract_strided_slice %reshape3A {offsets = [3, 0, 0], sizes = [1, 16, 1], strides = [1, 1, 1]} : vector<4x16x1xf32> to vector<1x16x1xf32>
    %squeeze3A_491 = vector.shape_cast %slice3A_490 : vector<1x16x1xf32> to vector<16x1xf32>
    %mul3A_492 = vector.broadcast %squeeze3A_491 : vector<16x1xf32> to vector<16x1024xf32>
    %mul3A_493 = arith.mulf %sub3A_489, %mul3A_492 : vector<16x1024xf32>
    %slice3A_494 = vector.extract_strided_slice %reshape3A_485 {offsets = [1, 0, 0], sizes = [1, 16, 1024], strides = [1, 1, 1]} : vector<12x16x1024xf32> to vector<1x16x1024xf32>
    %squeeze3A_495 = vector.shape_cast %slice3A_494 : vector<1x16x1024xf32> to vector<16x1024xf32>
    %sub3A_496 = vector.broadcast %get3A_2 : f32 to vector<16x1024xf32>
    %sub3A_497 = arith.subf %squeeze3A_495, %sub3A_496 : vector<16x1024xf32>
    %slice3A_498 = vector.extract_strided_slice %reshape3A {offsets = [3, 0, 0], sizes = [1, 16, 1], strides = [1, 1, 1]} : vector<4x16x1xf32> to vector<1x16x1xf32>
    %squeeze3A_499 = vector.shape_cast %slice3A_498 : vector<1x16x1xf32> to vector<16x1xf32>
    %mul3A_500 = vector.broadcast %squeeze3A_499 : vector<16x1xf32> to vector<16x1024xf32>
    %mul3A_501 = arith.mulf %sub3A_497, %mul3A_500 : vector<16x1024xf32>
    %slice3A_502 = vector.extract_strided_slice %reshape3A_485 {offsets = [2, 0, 0], sizes = [1, 16, 1024], strides = [1, 1, 1]} : vector<12x16x1024xf32> to vector<1x16x1024xf32>
    %squeeze3A_503 = vector.shape_cast %slice3A_502 : vector<1x16x1024xf32> to vector<16x1024xf32>
    %sub3A_504 = vector.broadcast %get3A_2 : f32 to vector<16x1024xf32>
    %sub3A_505 = arith.subf %squeeze3A_503, %sub3A_504 : vector<16x1024xf32>
    %slice3A_506 = vector.extract_strided_slice %reshape3A {offsets = [3, 0, 0], sizes = [1, 16, 1], strides = [1, 1, 1]} : vector<4x16x1xf32> to vector<1x16x1xf32>
    %squeeze3A_507 = vector.shape_cast %slice3A_506 : vector<1x16x1xf32> to vector<16x1xf32>
    %mul3A_508 = vector.broadcast %squeeze3A_507 : vector<16x1xf32> to vector<16x1024xf32>
    %mul3A_509 = arith.mulf %sub3A_505, %mul3A_508 : vector<16x1024xf32>
    %slice3A_510 = vector.extract_strided_slice %reshape3A_485 {offsets = [3, 0, 0], sizes = [1, 16, 1024], strides = [1, 1, 1]} : vector<12x16x1024xf32> to vector<1x16x1024xf32>
    %squeeze3A_511 = vector.shape_cast %slice3A_510 : vector<1x16x1024xf32> to vector<16x1024xf32>
    %sub3A_512 = vector.broadcast %get3A_2 : f32 to vector<16x1024xf32>
    %sub3A_513 = arith.subf %squeeze3A_511, %sub3A_512 : vector<16x1024xf32>
    %slice3A_514 = vector.extract_strided_slice %reshape3A {offsets = [3, 0, 0], sizes = [1, 16, 1], strides = [1, 1, 1]} : vector<4x16x1xf32> to vector<1x16x1xf32>
    %squeeze3A_515 = vector.shape_cast %slice3A_514 : vector<1x16x1xf32> to vector<16x1xf32>
    %mul3A_516 = vector.broadcast %squeeze3A_515 : vector<16x1xf32> to vector<16x1024xf32>
    %mul3A_517 = arith.mulf %sub3A_513, %mul3A_516 : vector<16x1024xf32>
    %slice3A_518 = vector.extract_strided_slice %reshape3A_485 {offsets = [4, 0, 0], sizes = [1, 16, 1024], strides = [1, 1, 1]} : vector<12x16x1024xf32> to vector<1x16x1024xf32>
    %squeeze3A_519 = vector.shape_cast %slice3A_518 : vector<1x16x1024xf32> to vector<16x1024xf32>
    %sub3A_520 = vector.broadcast %get3A_2 : f32 to vector<16x1024xf32>
    %sub3A_521 = arith.subf %squeeze3A_519, %sub3A_520 : vector<16x1024xf32>
    %slice3A_522 = vector.extract_strided_slice %reshape3A {offsets = [3, 0, 0], sizes = [1, 16, 1], strides = [1, 1, 1]} : vector<4x16x1xf32> to vector<1x16x1xf32>
    %squeeze3A_523 = vector.shape_cast %slice3A_522 : vector<1x16x1xf32> to vector<16x1xf32>
    %mul3A_524 = vector.broadcast %squeeze3A_523 : vector<16x1xf32> to vector<16x1024xf32>
    %mul3A_525 = arith.mulf %sub3A_521, %mul3A_524 : vector<16x1024xf32>
    %slice3A_526 = vector.extract_strided_slice %reshape3A_485 {offsets = [5, 0, 0], sizes = [1, 16, 1024], strides = [1, 1, 1]} : vector<12x16x1024xf32> to vector<1x16x1024xf32>
    %squeeze3A_527 = vector.shape_cast %slice3A_526 : vector<1x16x1024xf32> to vector<16x1024xf32>
    %sub3A_528 = vector.broadcast %get3A_2 : f32 to vector<16x1024xf32>
    %sub3A_529 = arith.subf %squeeze3A_527, %sub3A_528 : vector<16x1024xf32>
    %slice3A_530 = vector.extract_strided_slice %reshape3A {offsets = [3, 0, 0], sizes = [1, 16, 1], strides = [1, 1, 1]} : vector<4x16x1xf32> to vector<1x16x1xf32>
    %squeeze3A_531 = vector.shape_cast %slice3A_530 : vector<1x16x1xf32> to vector<16x1xf32>
    %mul3A_532 = vector.broadcast %squeeze3A_531 : vector<16x1xf32> to vector<16x1024xf32>
    %mul3A_533 = arith.mulf %sub3A_529, %mul3A_532 : vector<16x1024xf32>
    %slice3A_534 = vector.extract_strided_slice %reshape3A_485 {offsets = [6, 0, 0], sizes = [1, 16, 1024], strides = [1, 1, 1]} : vector<12x16x1024xf32> to vector<1x16x1024xf32>
    %squeeze3A_535 = vector.shape_cast %slice3A_534 : vector<1x16x1024xf32> to vector<16x1024xf32>
    %sub3A_536 = vector.broadcast %get3A_2 : f32 to vector<16x1024xf32>
    %sub3A_537 = arith.subf %squeeze3A_535, %sub3A_536 : vector<16x1024xf32>
    %slice3A_538 = vector.extract_strided_slice %reshape3A {offsets = [3, 0, 0], sizes = [1, 16, 1], strides = [1, 1, 1]} : vector<4x16x1xf32> to vector<1x16x1xf32>
    %squeeze3A_539 = vector.shape_cast %slice3A_538 : vector<1x16x1xf32> to vector<16x1xf32>
    %mul3A_540 = vector.broadcast %squeeze3A_539 : vector<16x1xf32> to vector<16x1024xf32>
    %mul3A_541 = arith.mulf %sub3A_537, %mul3A_540 : vector<16x1024xf32>
    %slice3A_542 = vector.extract_strided_slice %reshape3A_485 {offsets = [7, 0, 0], sizes = [1, 16, 1024], strides = [1, 1, 1]} : vector<12x16x1024xf32> to vector<1x16x1024xf32>
    %squeeze3A_543 = vector.shape_cast %slice3A_542 : vector<1x16x1024xf32> to vector<16x1024xf32>
    %sub3A_544 = vector.broadcast %get3A_2 : f32 to vector<16x1024xf32>
    %sub3A_545 = arith.subf %squeeze3A_543, %sub3A_544 : vector<16x1024xf32>
    %slice3A_546 = vector.extract_strided_slice %reshape3A {offsets = [3, 0, 0], sizes = [1, 16, 1], strides = [1, 1, 1]} : vector<4x16x1xf32> to vector<1x16x1xf32>
    %squeeze3A_547 = vector.shape_cast %slice3A_546 : vector<1x16x1xf32> to vector<16x1xf32>
    %mul3A_548 = vector.broadcast %squeeze3A_547 : vector<16x1xf32> to vector<16x1024xf32>
    %mul3A_549 = arith.mulf %sub3A_545, %mul3A_548 : vector<16x1024xf32>
    %slice3A_550 = vector.extract_strided_slice %reshape3A_485 {offsets = [8, 0, 0], sizes = [1, 16, 1024], strides = [1, 1, 1]} : vector<12x16x1024xf32> to vector<1x16x1024xf32>
    %squeeze3A_551 = vector.shape_cast %slice3A_550 : vector<1x16x1024xf32> to vector<16x1024xf32>
    %sub3A_552 = vector.broadcast %get3A_2 : f32 to vector<16x1024xf32>
    %sub3A_553 = arith.subf %squeeze3A_551, %sub3A_552 : vector<16x1024xf32>
    %slice3A_554 = vector.extract_strided_slice %reshape3A {offsets = [3, 0, 0], sizes = [1, 16, 1], strides = [1, 1, 1]} : vector<4x16x1xf32> to vector<1x16x1xf32>
    %squeeze3A_555 = vector.shape_cast %slice3A_554 : vector<1x16x1xf32> to vector<16x1xf32>
    %mul3A_556 = vector.broadcast %squeeze3A_555 : vector<16x1xf32> to vector<16x1024xf32>
    %mul3A_557 = arith.mulf %sub3A_553, %mul3A_556 : vector<16x1024xf32>
    %slice3A_558 = vector.extract_strided_slice %reshape3A_485 {offsets = [9, 0, 0], sizes = [1, 16, 1024], strides = [1, 1, 1]} : vector<12x16x1024xf32> to vector<1x16x1024xf32>
    %squeeze3A_559 = vector.shape_cast %slice3A_558 : vector<1x16x1024xf32> to vector<16x1024xf32>
    %sub3A_560 = vector.broadcast %get3A_2 : f32 to vector<16x1024xf32>
    %sub3A_561 = arith.subf %squeeze3A_559, %sub3A_560 : vector<16x1024xf32>
    %slice3A_562 = vector.extract_strided_slice %reshape3A {offsets = [3, 0, 0], sizes = [1, 16, 1], strides = [1, 1, 1]} : vector<4x16x1xf32> to vector<1x16x1xf32>
    %squeeze3A_563 = vector.shape_cast %slice3A_562 : vector<1x16x1xf32> to vector<16x1xf32>
    %mul3A_564 = vector.broadcast %squeeze3A_563 : vector<16x1xf32> to vector<16x1024xf32>
    %mul3A_565 = arith.mulf %sub3A_561, %mul3A_564 : vector<16x1024xf32>
    %slice3A_566 = vector.extract_strided_slice %reshape3A_485 {offsets = [10, 0, 0], sizes = [1, 16, 1024], strides = [1, 1, 1]} : vector<12x16x1024xf32> to vector<1x16x1024xf32>
    %squeeze3A_567 = vector.shape_cast %slice3A_566 : vector<1x16x1024xf32> to vector<16x1024xf32>
    %sub3A_568 = vector.broadcast %get3A_2 : f32 to vector<16x1024xf32>
    %sub3A_569 = arith.subf %squeeze3A_567, %sub3A_568 : vector<16x1024xf32>
    %slice3A_570 = vector.extract_strided_slice %reshape3A {offsets = [3, 0, 0], sizes = [1, 16, 1], strides = [1, 1, 1]} : vector<4x16x1xf32> to vector<1x16x1xf32>
    %squeeze3A_571 = vector.shape_cast %slice3A_570 : vector<1x16x1xf32> to vector<16x1xf32>
    %mul3A_572 = vector.broadcast %squeeze3A_571 : vector<16x1xf32> to vector<16x1024xf32>
    %mul3A_573 = arith.mulf %sub3A_569, %mul3A_572 : vector<16x1024xf32>
    %slice3A_574 = vector.extract_strided_slice %reshape3A_485 {offsets = [11, 0, 0], sizes = [1, 16, 1024], strides = [1, 1, 1]} : vector<12x16x1024xf32> to vector<1x16x1024xf32>
    %squeeze3A_575 = vector.shape_cast %slice3A_574 : vector<1x16x1024xf32> to vector<16x1024xf32>
    %sub3A_576 = vector.broadcast %get3A_2 : f32 to vector<16x1024xf32>
    %sub3A_577 = arith.subf %squeeze3A_575, %sub3A_576 : vector<16x1024xf32>
    %slice3A_578 = vector.extract_strided_slice %reshape3A {offsets = [3, 0, 0], sizes = [1, 16, 1], strides = [1, 1, 1]} : vector<4x16x1xf32> to vector<1x16x1xf32>
    %squeeze3A_579 = vector.shape_cast %slice3A_578 : vector<1x16x1xf32> to vector<16x1xf32>
    %mul3A_580 = vector.broadcast %squeeze3A_579 : vector<16x1xf32> to vector<16x1024xf32>
    %mul3A_581 = arith.mulf %sub3A_577, %mul3A_580 : vector<16x1024xf32>
    %shift_left3A_582 = arith.constant 0 : i32
    %shift_left3A_583 = vector.broadcast %shift_left3A_582 : i32 to vector<192x1024xi32>
    %shift_left3A_584 = arith.shli %transpose3A_15, %shift_left3A_583 : vector<192x1024xi32>
    %shift_right_arithmetic3A_585 = arith.constant 24 : i32
    %shift_right_arithmetic3A_586 = vector.broadcast %shift_right_arithmetic3A_585 : i32 to vector<192x1024xi32>
    %shift_right_arithmetic3A_587 = arith.shrsi %shift_left3A_584, %shift_right_arithmetic3A_586 : vector<192x1024xi32>
    %convert_element_type3A_588 = arith.sitofp %shift_right_arithmetic3A_587 : vector<192x1024xi32> to vector<192x1024xf32>
    %reshape3A_589 = vector.shape_cast %convert_element_type3A_588 : vector<192x1024xf32> to vector<12x16x1024xf32>
    %slice3A_590 = vector.extract_strided_slice %reshape3A_589 {offsets = [0, 0, 0], sizes = [1, 16, 1024], strides = [1, 1, 1]} : vector<12x16x1024xf32> to vector<1x16x1024xf32>
    %squeeze3A_591 = vector.shape_cast %slice3A_590 : vector<1x16x1024xf32> to vector<16x1024xf32>
    %sub3A_592 = vector.broadcast %get3A_4 : f32 to vector<16x1024xf32>
    %sub3A_593 = arith.subf %squeeze3A_591, %sub3A_592 : vector<16x1024xf32>
    %slice3A_594 = vector.extract_strided_slice %reshape3A_589 {offsets = [1, 0, 0], sizes = [1, 16, 1024], strides = [1, 1, 1]} : vector<12x16x1024xf32> to vector<1x16x1024xf32>
    %squeeze3A_595 = vector.shape_cast %slice3A_594 : vector<1x16x1024xf32> to vector<16x1024xf32>
    %sub3A_596 = vector.broadcast %get3A_4 : f32 to vector<16x1024xf32>
    %sub3A_597 = arith.subf %squeeze3A_595, %sub3A_596 : vector<16x1024xf32>
    %slice3A_598 = vector.extract_strided_slice %reshape3A_589 {offsets = [2, 0, 0], sizes = [1, 16, 1024], strides = [1, 1, 1]} : vector<12x16x1024xf32> to vector<1x16x1024xf32>
    %squeeze3A_599 = vector.shape_cast %slice3A_598 : vector<1x16x1024xf32> to vector<16x1024xf32>
    %sub3A_600 = vector.broadcast %get3A_4 : f32 to vector<16x1024xf32>
    %sub3A_601 = arith.subf %squeeze3A_599, %sub3A_600 : vector<16x1024xf32>
    %slice3A_602 = vector.extract_strided_slice %reshape3A_589 {offsets = [3, 0, 0], sizes = [1, 16, 1024], strides = [1, 1, 1]} : vector<12x16x1024xf32> to vector<1x16x1024xf32>
    %squeeze3A_603 = vector.shape_cast %slice3A_602 : vector<1x16x1024xf32> to vector<16x1024xf32>
    %sub3A_604 = vector.broadcast %get3A_4 : f32 to vector<16x1024xf32>
    %sub3A_605 = arith.subf %squeeze3A_603, %sub3A_604 : vector<16x1024xf32>
    %slice3A_606 = vector.extract_strided_slice %reshape3A_589 {offsets = [4, 0, 0], sizes = [1, 16, 1024], strides = [1, 1, 1]} : vector<12x16x1024xf32> to vector<1x16x1024xf32>
    %squeeze3A_607 = vector.shape_cast %slice3A_606 : vector<1x16x1024xf32> to vector<16x1024xf32>
    %sub3A_608 = vector.broadcast %get3A_4 : f32 to vector<16x1024xf32>
    %sub3A_609 = arith.subf %squeeze3A_607, %sub3A_608 : vector<16x1024xf32>
    %slice3A_610 = vector.extract_strided_slice %reshape3A_589 {offsets = [5, 0, 0], sizes = [1, 16, 1024], strides = [1, 1, 1]} : vector<12x16x1024xf32> to vector<1x16x1024xf32>
    %squeeze3A_611 = vector.shape_cast %slice3A_610 : vector<1x16x1024xf32> to vector<16x1024xf32>
    %sub3A_612 = vector.broadcast %get3A_4 : f32 to vector<16x1024xf32>
    %sub3A_613 = arith.subf %squeeze3A_611, %sub3A_612 : vector<16x1024xf32>
    %slice3A_614 = vector.extract_strided_slice %reshape3A_589 {offsets = [6, 0, 0], sizes = [1, 16, 1024], strides = [1, 1, 1]} : vector<12x16x1024xf32> to vector<1x16x1024xf32>
    %squeeze3A_615 = vector.shape_cast %slice3A_614 : vector<1x16x1024xf32> to vector<16x1024xf32>
    %sub3A_616 = vector.broadcast %get3A_4 : f32 to vector<16x1024xf32>
    %sub3A_617 = arith.subf %squeeze3A_615, %sub3A_616 : vector<16x1024xf32>
    %slice3A_618 = vector.extract_strided_slice %reshape3A_589 {offsets = [7, 0, 0], sizes = [1, 16, 1024], strides = [1, 1, 1]} : vector<12x16x1024xf32> to vector<1x16x1024xf32>
    %squeeze3A_619 = vector.shape_cast %slice3A_618 : vector<1x16x1024xf32> to vector<16x1024xf32>
    %sub3A_620 = vector.broadcast %get3A_4 : f32 to vector<16x1024xf32>
    %sub3A_621 = arith.subf %squeeze3A_619, %sub3A_620 : vector<16x1024xf32>
    %slice3A_622 = vector.extract_strided_slice %reshape3A_589 {offsets = [8, 0, 0], sizes = [1, 16, 1024], strides = [1, 1, 1]} : vector<12x16x1024xf32> to vector<1x16x1024xf32>
    %squeeze3A_623 = vector.shape_cast %slice3A_622 : vector<1x16x1024xf32> to vector<16x1024xf32>
    %sub3A_624 = vector.broadcast %get3A_4 : f32 to vector<16x1024xf32>
    %sub3A_625 = arith.subf %squeeze3A_623, %sub3A_624 : vector<16x1024xf32>
    %slice3A_626 = vector.extract_strided_slice %reshape3A_589 {offsets = [9, 0, 0], sizes = [1, 16, 1024], strides = [1, 1, 1]} : vector<12x16x1024xf32> to vector<1x16x1024xf32>
    %squeeze3A_627 = vector.shape_cast %slice3A_626 : vector<1x16x1024xf32> to vector<16x1024xf32>
    %sub3A_628 = vector.broadcast %get3A_4 : f32 to vector<16x1024xf32>
    %sub3A_629 = arith.subf %squeeze3A_627, %sub3A_628 : vector<16x1024xf32>
    %slice3A_630 = vector.extract_strided_slice %reshape3A_589 {offsets = [10, 0, 0], sizes = [1, 16, 1024], strides = [1, 1, 1]} : vector<12x16x1024xf32> to vector<1x16x1024xf32>
    %squeeze3A_631 = vector.shape_cast %slice3A_630 : vector<1x16x1024xf32> to vector<16x1024xf32>
    %sub3A_632 = vector.broadcast %get3A_4 : f32 to vector<16x1024xf32>
    %sub3A_633 = arith.subf %squeeze3A_631, %sub3A_632 : vector<16x1024xf32>
    %mul3A_634 = arith.mulf %mul3A_25, %sub3A_125 : vector<16x1024xf32>
    %mul3A_635 = arith.mulf %mul3A_181, %sub3A_281 : vector<16x1024xf32>
    %mul3A_636 = arith.mulf %mul3A_337, %sub3A_437 : vector<16x1024xf32>
    %mul3A_637 = arith.mulf %mul3A_493, %sub3A_593 : vector<16x1024xf32>
    %add3A = arith.addf %mul3A_634, %mul3A_635 : vector<16x1024xf32>
    %add3A_638 = arith.addf %mul3A_636, %mul3A_637 : vector<16x1024xf32>
    %add3A_639 = arith.addf %add3A, %add3A_638 : vector<16x1024xf32>
    %reduce_sum3A = arith.constant dense<0.000000e+00> : vector<1024xf32>
    %reduce_sum3A_640 = vector.multi_reduction <add>, %add3A_639, %reduce_sum3A [0] : vector<16x1024xf32> to vector<1024xf32>
    %broadcast_in_dim3A = vector.shape_cast %reduce_sum3A_640 : vector<1024xf32> to vector<1x1024xf32>
    %mul3A_641 = arith.mulf %mul3A_25, %sub3A_129 : vector<16x1024xf32>
    %mul3A_642 = arith.mulf %mul3A_181, %sub3A_285 : vector<16x1024xf32>
    %mul3A_643 = arith.mulf %mul3A_337, %sub3A_441 : vector<16x1024xf32>
    %mul3A_644 = arith.mulf %mul3A_493, %sub3A_597 : vector<16x1024xf32>
    %add3A_645 = arith.addf %mul3A_641, %mul3A_642 : vector<16x1024xf32>
    %add3A_646 = arith.addf %mul3A_643, %mul3A_644 : vector<16x1024xf32>
    %add3A_647 = arith.addf %add3A_645, %add3A_646 : vector<16x1024xf32>
    %reduce_sum3A_648 = arith.constant dense<0.000000e+00> : vector<1024xf32>
    %reduce_sum3A_649 = vector.multi_reduction <add>, %add3A_647, %reduce_sum3A_648 [0] : vector<16x1024xf32> to vector<1024xf32>
    %broadcast_in_dim3A_650 = vector.shape_cast %reduce_sum3A_649 : vector<1024xf32> to vector<1x1024xf32>
    %mul3A_651 = arith.mulf %mul3A_25, %sub3A_133 : vector<16x1024xf32>
    %mul3A_652 = arith.mulf %mul3A_181, %sub3A_289 : vector<16x1024xf32>
    %mul3A_653 = arith.mulf %mul3A_337, %sub3A_445 : vector<16x1024xf32>
    %mul3A_654 = arith.mulf %mul3A_493, %sub3A_601 : vector<16x1024xf32>
    %add3A_655 = arith.addf %mul3A_651, %mul3A_652 : vector<16x1024xf32>
    %add3A_656 = arith.addf %mul3A_653, %mul3A_654 : vector<16x1024xf32>
    %add3A_657 = arith.addf %add3A_655, %add3A_656 : vector<16x1024xf32>
    %reduce_sum3A_658 = arith.constant dense<0.000000e+00> : vector<1024xf32>
    %reduce_sum3A_659 = vector.multi_reduction <add>, %add3A_657, %reduce_sum3A_658 [0] : vector<16x1024xf32> to vector<1024xf32>
    %broadcast_in_dim3A_660 = vector.shape_cast %reduce_sum3A_659 : vector<1024xf32> to vector<1x1024xf32>
    %mul3A_661 = arith.mulf %mul3A_25, %sub3A_137 : vector<16x1024xf32>
    %mul3A_662 = arith.mulf %mul3A_181, %sub3A_293 : vector<16x1024xf32>
    %mul3A_663 = arith.mulf %mul3A_337, %sub3A_449 : vector<16x1024xf32>
    %mul3A_664 = arith.mulf %mul3A_493, %sub3A_605 : vector<16x1024xf32>
    %add3A_665 = arith.addf %mul3A_661, %mul3A_662 : vector<16x1024xf32>
    %add3A_666 = arith.addf %mul3A_663, %mul3A_664 : vector<16x1024xf32>
    %add3A_667 = arith.addf %add3A_665, %add3A_666 : vector<16x1024xf32>
    %reduce_sum3A_668 = arith.constant dense<0.000000e+00> : vector<1024xf32>
    %reduce_sum3A_669 = vector.multi_reduction <add>, %add3A_667, %reduce_sum3A_668 [0] : vector<16x1024xf32> to vector<1024xf32>
    %broadcast_in_dim3A_670 = vector.shape_cast %reduce_sum3A_669 : vector<1024xf32> to vector<1x1024xf32>
    %mul3A_671 = arith.mulf %mul3A_25, %sub3A_141 : vector<16x1024xf32>
    %mul3A_672 = arith.mulf %mul3A_181, %sub3A_297 : vector<16x1024xf32>
    %mul3A_673 = arith.mulf %mul3A_337, %sub3A_453 : vector<16x1024xf32>
    %mul3A_674 = arith.mulf %mul3A_493, %sub3A_609 : vector<16x1024xf32>
    %add3A_675 = arith.addf %mul3A_671, %mul3A_672 : vector<16x1024xf32>
    %add3A_676 = arith.addf %mul3A_673, %mul3A_674 : vector<16x1024xf32>
    %add3A_677 = arith.addf %add3A_675, %add3A_676 : vector<16x1024xf32>
    %reduce_sum3A_678 = arith.constant dense<0.000000e+00> : vector<1024xf32>
    %reduce_sum3A_679 = vector.multi_reduction <add>, %add3A_677, %reduce_sum3A_678 [0] : vector<16x1024xf32> to vector<1024xf32>
    %broadcast_in_dim3A_680 = vector.shape_cast %reduce_sum3A_679 : vector<1024xf32> to vector<1x1024xf32>
    %mul3A_681 = arith.mulf %mul3A_25, %sub3A_145 : vector<16x1024xf32>
    %mul3A_682 = arith.mulf %mul3A_181, %sub3A_301 : vector<16x1024xf32>
    %mul3A_683 = arith.mulf %mul3A_337, %sub3A_457 : vector<16x1024xf32>
    %mul3A_684 = arith.mulf %mul3A_493, %sub3A_613 : vector<16x1024xf32>
    %add3A_685 = arith.addf %mul3A_681, %mul3A_682 : vector<16x1024xf32>
    %add3A_686 = arith.addf %mul3A_683, %mul3A_684 : vector<16x1024xf32>
    %add3A_687 = arith.addf %add3A_685, %add3A_686 : vector<16x1024xf32>
    %reduce_sum3A_688 = arith.constant dense<0.000000e+00> : vector<1024xf32>
    %reduce_sum3A_689 = vector.multi_reduction <add>, %add3A_687, %reduce_sum3A_688 [0] : vector<16x1024xf32> to vector<1024xf32>
    %broadcast_in_dim3A_690 = vector.shape_cast %reduce_sum3A_689 : vector<1024xf32> to vector<1x1024xf32>
    %mul3A_691 = arith.mulf %mul3A_25, %sub3A_149 : vector<16x1024xf32>
    %mul3A_692 = arith.mulf %mul3A_181, %sub3A_305 : vector<16x1024xf32>
    %mul3A_693 = arith.mulf %mul3A_337, %sub3A_461 : vector<16x1024xf32>
    %mul3A_694 = arith.mulf %mul3A_493, %sub3A_617 : vector<16x1024xf32>
    %add3A_695 = arith.addf %mul3A_691, %mul3A_692 : vector<16x1024xf32>
    %add3A_696 = arith.addf %mul3A_693, %mul3A_694 : vector<16x1024xf32>
    %add3A_697 = arith.addf %add3A_695, %add3A_696 : vector<16x1024xf32>
    %reduce_sum3A_698 = arith.constant dense<0.000000e+00> : vector<1024xf32>
    %reduce_sum3A_699 = vector.multi_reduction <add>, %add3A_697, %reduce_sum3A_698 [0] : vector<16x1024xf32> to vector<1024xf32>
    %broadcast_in_dim3A_700 = vector.shape_cast %reduce_sum3A_699 : vector<1024xf32> to vector<1x1024xf32>
    %mul3A_701 = arith.mulf %mul3A_25, %sub3A_153 : vector<16x1024xf32>
    %mul3A_702 = arith.mulf %mul3A_181, %sub3A_309 : vector<16x1024xf32>
    %mul3A_703 = arith.mulf %mul3A_337, %sub3A_465 : vector<16x1024xf32>
    %mul3A_704 = arith.mulf %mul3A_493, %sub3A_621 : vector<16x1024xf32>
    %add3A_705 = arith.addf %mul3A_701, %mul3A_702 : vector<16x1024xf32>
    %add3A_706 = arith.addf %mul3A_703, %mul3A_704 : vector<16x1024xf32>
    %add3A_707 = arith.addf %add3A_705, %add3A_706 : vector<16x1024xf32>
    %reduce_sum3A_708 = arith.constant dense<0.000000e+00> : vector<1024xf32>
    %reduce_sum3A_709 = vector.multi_reduction <add>, %add3A_707, %reduce_sum3A_708 [0] : vector<16x1024xf32> to vector<1024xf32>
    %broadcast_in_dim3A_710 = vector.shape_cast %reduce_sum3A_709 : vector<1024xf32> to vector<1x1024xf32>
    %mul3A_711 = arith.mulf %mul3A_25, %sub3A_157 : vector<16x1024xf32>
    %mul3A_712 = arith.mulf %mul3A_181, %sub3A_313 : vector<16x1024xf32>
    %mul3A_713 = arith.mulf %mul3A_337, %sub3A_469 : vector<16x1024xf32>
    %mul3A_714 = arith.mulf %mul3A_493, %sub3A_625 : vector<16x1024xf32>
    %add3A_715 = arith.addf %mul3A_711, %mul3A_712 : vector<16x1024xf32>
    %add3A_716 = arith.addf %mul3A_713, %mul3A_714 : vector<16x1024xf32>
    %add3A_717 = arith.addf %add3A_715, %add3A_716 : vector<16x1024xf32>
    %reduce_sum3A_718 = arith.constant dense<0.000000e+00> : vector<1024xf32>
    %reduce_sum3A_719 = vector.multi_reduction <add>, %add3A_717, %reduce_sum3A_718 [0] : vector<16x1024xf32> to vector<1024xf32>
    %broadcast_in_dim3A_720 = vector.shape_cast %reduce_sum3A_719 : vector<1024xf32> to vector<1x1024xf32>
    %mul3A_721 = arith.mulf %mul3A_25, %sub3A_161 : vector<16x1024xf32>
    %mul3A_722 = arith.mulf %mul3A_181, %sub3A_317 : vector<16x1024xf32>
    %mul3A_723 = arith.mulf %mul3A_337, %sub3A_473 : vector<16x1024xf32>
    %mul3A_724 = arith.mulf %mul3A_493, %sub3A_629 : vector<16x1024xf32>
    %add3A_725 = arith.addf %mul3A_721, %mul3A_722 : vector<16x1024xf32>
    %add3A_726 = arith.addf %mul3A_723, %mul3A_724 : vector<16x1024xf32>
    %add3A_727 = arith.addf %add3A_725, %add3A_726 : vector<16x1024xf32>
    %reduce_sum3A_728 = arith.constant dense<0.000000e+00> : vector<1024xf32>
    %reduce_sum3A_729 = vector.multi_reduction <add>, %add3A_727, %reduce_sum3A_728 [0] : vector<16x1024xf32> to vector<1024xf32>
    %broadcast_in_dim3A_730 = vector.shape_cast %reduce_sum3A_729 : vector<1024xf32> to vector<1x1024xf32>
    %mul3A_731 = arith.mulf %mul3A_25, %sub3A_165 : vector<16x1024xf32>
    %mul3A_732 = arith.mulf %mul3A_181, %sub3A_321 : vector<16x1024xf32>
    %mul3A_733 = arith.mulf %mul3A_337, %sub3A_477 : vector<16x1024xf32>
    %mul3A_734 = arith.mulf %mul3A_493, %sub3A_633 : vector<16x1024xf32>
    %add3A_735 = arith.addf %mul3A_731, %mul3A_732 : vector<16x1024xf32>
    %add3A_736 = arith.addf %mul3A_733, %mul3A_734 : vector<16x1024xf32>
    %add3A_737 = arith.addf %add3A_735, %add3A_736 : vector<16x1024xf32>
    %reduce_sum3A_738 = arith.constant dense<0.000000e+00> : vector<1024xf32>
    %reduce_sum3A_739 = vector.multi_reduction <add>, %add3A_737, %reduce_sum3A_738 [0] : vector<16x1024xf32> to vector<1024xf32>
    %broadcast_in_dim3A_740 = vector.shape_cast %reduce_sum3A_739 : vector<1024xf32> to vector<1x1024xf32>
    %mul3A_741 = arith.mulf %mul3A_33, %sub3A_125 : vector<16x1024xf32>
    %mul3A_742 = arith.mulf %mul3A_189, %sub3A_281 : vector<16x1024xf32>
    %mul3A_743 = arith.mulf %mul3A_345, %sub3A_437 : vector<16x1024xf32>
    %mul3A_744 = arith.mulf %mul3A_501, %sub3A_593 : vector<16x1024xf32>
    %add3A_745 = arith.addf %mul3A_741, %mul3A_742 : vector<16x1024xf32>
    %add3A_746 = arith.addf %mul3A_743, %mul3A_744 : vector<16x1024xf32>
    %add3A_747 = arith.addf %add3A_745, %add3A_746 : vector<16x1024xf32>
    %reduce_sum3A_748 = arith.constant dense<0.000000e+00> : vector<1024xf32>
    %reduce_sum3A_749 = vector.multi_reduction <add>, %add3A_747, %reduce_sum3A_748 [0] : vector<16x1024xf32> to vector<1024xf32>
    %broadcast_in_dim3A_750 = vector.shape_cast %reduce_sum3A_749 : vector<1024xf32> to vector<1x1024xf32>
    %mul3A_751 = arith.mulf %mul3A_33, %sub3A_129 : vector<16x1024xf32>
    %mul3A_752 = arith.mulf %mul3A_189, %sub3A_285 : vector<16x1024xf32>
    %mul3A_753 = arith.mulf %mul3A_345, %sub3A_441 : vector<16x1024xf32>
    %mul3A_754 = arith.mulf %mul3A_501, %sub3A_597 : vector<16x1024xf32>
    %add3A_755 = arith.addf %mul3A_751, %mul3A_752 : vector<16x1024xf32>
    %add3A_756 = arith.addf %mul3A_753, %mul3A_754 : vector<16x1024xf32>
    %add3A_757 = arith.addf %add3A_755, %add3A_756 : vector<16x1024xf32>
    %reduce_sum3A_758 = arith.constant dense<0.000000e+00> : vector<1024xf32>
    %reduce_sum3A_759 = vector.multi_reduction <add>, %add3A_757, %reduce_sum3A_758 [0] : vector<16x1024xf32> to vector<1024xf32>
    %broadcast_in_dim3A_760 = vector.shape_cast %reduce_sum3A_759 : vector<1024xf32> to vector<1x1024xf32>
    %mul3A_761 = arith.mulf %mul3A_33, %sub3A_133 : vector<16x1024xf32>
    %mul3A_762 = arith.mulf %mul3A_189, %sub3A_289 : vector<16x1024xf32>
    %mul3A_763 = arith.mulf %mul3A_345, %sub3A_445 : vector<16x1024xf32>
    %mul3A_764 = arith.mulf %mul3A_501, %sub3A_601 : vector<16x1024xf32>
    %add3A_765 = arith.addf %mul3A_761, %mul3A_762 : vector<16x1024xf32>
    %add3A_766 = arith.addf %mul3A_763, %mul3A_764 : vector<16x1024xf32>
    %add3A_767 = arith.addf %add3A_765, %add3A_766 : vector<16x1024xf32>
    %reduce_sum3A_768 = arith.constant dense<0.000000e+00> : vector<1024xf32>
    %reduce_sum3A_769 = vector.multi_reduction <add>, %add3A_767, %reduce_sum3A_768 [0] : vector<16x1024xf32> to vector<1024xf32>
    %broadcast_in_dim3A_770 = vector.shape_cast %reduce_sum3A_769 : vector<1024xf32> to vector<1x1024xf32>
    %mul3A_771 = arith.mulf %mul3A_33, %sub3A_137 : vector<16x1024xf32>
    %mul3A_772 = arith.mulf %mul3A_189, %sub3A_293 : vector<16x1024xf32>
    %mul3A_773 = arith.mulf %mul3A_345, %sub3A_449 : vector<16x1024xf32>
    %mul3A_774 = arith.mulf %mul3A_501, %sub3A_605 : vector<16x1024xf32>
    %add3A_775 = arith.addf %mul3A_771, %mul3A_772 : vector<16x1024xf32>
    %add3A_776 = arith.addf %mul3A_773, %mul3A_774 : vector<16x1024xf32>
    %add3A_777 = arith.addf %add3A_775, %add3A_776 : vector<16x1024xf32>
    %reduce_sum3A_778 = arith.constant dense<0.000000e+00> : vector<1024xf32>
    %reduce_sum3A_779 = vector.multi_reduction <add>, %add3A_777, %reduce_sum3A_778 [0] : vector<16x1024xf32> to vector<1024xf32>
    %broadcast_in_dim3A_780 = vector.shape_cast %reduce_sum3A_779 : vector<1024xf32> to vector<1x1024xf32>
    %mul3A_781 = arith.mulf %mul3A_33, %sub3A_141 : vector<16x1024xf32>
    %mul3A_782 = arith.mulf %mul3A_189, %sub3A_297 : vector<16x1024xf32>
    %mul3A_783 = arith.mulf %mul3A_345, %sub3A_453 : vector<16x1024xf32>
    %mul3A_784 = arith.mulf %mul3A_501, %sub3A_609 : vector<16x1024xf32>
    %add3A_785 = arith.addf %mul3A_781, %mul3A_782 : vector<16x1024xf32>
    %add3A_786 = arith.addf %mul3A_783, %mul3A_784 : vector<16x1024xf32>
    %add3A_787 = arith.addf %add3A_785, %add3A_786 : vector<16x1024xf32>
    %reduce_sum3A_788 = arith.constant dense<0.000000e+00> : vector<1024xf32>
    %reduce_sum3A_789 = vector.multi_reduction <add>, %add3A_787, %reduce_sum3A_788 [0] : vector<16x1024xf32> to vector<1024xf32>
    %broadcast_in_dim3A_790 = vector.shape_cast %reduce_sum3A_789 : vector<1024xf32> to vector<1x1024xf32>
    %mul3A_791 = arith.mulf %mul3A_33, %sub3A_145 : vector<16x1024xf32>
    %mul3A_792 = arith.mulf %mul3A_189, %sub3A_301 : vector<16x1024xf32>
    %mul3A_793 = arith.mulf %mul3A_345, %sub3A_457 : vector<16x1024xf32>
    %mul3A_794 = arith.mulf %mul3A_501, %sub3A_613 : vector<16x1024xf32>
    %add3A_795 = arith.addf %mul3A_791, %mul3A_792 : vector<16x1024xf32>
    %add3A_796 = arith.addf %mul3A_793, %mul3A_794 : vector<16x1024xf32>
    %add3A_797 = arith.addf %add3A_795, %add3A_796 : vector<16x1024xf32>
    %reduce_sum3A_798 = arith.constant dense<0.000000e+00> : vector<1024xf32>
    %reduce_sum3A_799 = vector.multi_reduction <add>, %add3A_797, %reduce_sum3A_798 [0] : vector<16x1024xf32> to vector<1024xf32>
    %broadcast_in_dim3A_800 = vector.shape_cast %reduce_sum3A_799 : vector<1024xf32> to vector<1x1024xf32>
    %mul3A_801 = arith.mulf %mul3A_33, %sub3A_149 : vector<16x1024xf32>
    %mul3A_802 = arith.mulf %mul3A_189, %sub3A_305 : vector<16x1024xf32>
    %mul3A_803 = arith.mulf %mul3A_345, %sub3A_461 : vector<16x1024xf32>
    %mul3A_804 = arith.mulf %mul3A_501, %sub3A_617 : vector<16x1024xf32>
    %add3A_805 = arith.addf %mul3A_801, %mul3A_802 : vector<16x1024xf32>
    %add3A_806 = arith.addf %mul3A_803, %mul3A_804 : vector<16x1024xf32>
    %add3A_807 = arith.addf %add3A_805, %add3A_806 : vector<16x1024xf32>
    %reduce_sum3A_808 = arith.constant dense<0.000000e+00> : vector<1024xf32>
    %reduce_sum3A_809 = vector.multi_reduction <add>, %add3A_807, %reduce_sum3A_808 [0] : vector<16x1024xf32> to vector<1024xf32>
    %broadcast_in_dim3A_810 = vector.shape_cast %reduce_sum3A_809 : vector<1024xf32> to vector<1x1024xf32>
    %mul3A_811 = arith.mulf %mul3A_33, %sub3A_153 : vector<16x1024xf32>
    %mul3A_812 = arith.mulf %mul3A_189, %sub3A_309 : vector<16x1024xf32>
    %mul3A_813 = arith.mulf %mul3A_345, %sub3A_465 : vector<16x1024xf32>
    %mul3A_814 = arith.mulf %mul3A_501, %sub3A_621 : vector<16x1024xf32>
    %add3A_815 = arith.addf %mul3A_811, %mul3A_812 : vector<16x1024xf32>
    %add3A_816 = arith.addf %mul3A_813, %mul3A_814 : vector<16x1024xf32>
    %add3A_817 = arith.addf %add3A_815, %add3A_816 : vector<16x1024xf32>
    %reduce_sum3A_818 = arith.constant dense<0.000000e+00> : vector<1024xf32>
    %reduce_sum3A_819 = vector.multi_reduction <add>, %add3A_817, %reduce_sum3A_818 [0] : vector<16x1024xf32> to vector<1024xf32>
    %broadcast_in_dim3A_820 = vector.shape_cast %reduce_sum3A_819 : vector<1024xf32> to vector<1x1024xf32>
    %mul3A_821 = arith.mulf %mul3A_33, %sub3A_157 : vector<16x1024xf32>
    %mul3A_822 = arith.mulf %mul3A_189, %sub3A_313 : vector<16x1024xf32>
    %mul3A_823 = arith.mulf %mul3A_345, %sub3A_469 : vector<16x1024xf32>
    %mul3A_824 = arith.mulf %mul3A_501, %sub3A_625 : vector<16x1024xf32>
    %add3A_825 = arith.addf %mul3A_821, %mul3A_822 : vector<16x1024xf32>
    %add3A_826 = arith.addf %mul3A_823, %mul3A_824 : vector<16x1024xf32>
    %add3A_827 = arith.addf %add3A_825, %add3A_826 : vector<16x1024xf32>
    %reduce_sum3A_828 = arith.constant dense<0.000000e+00> : vector<1024xf32>
    %reduce_sum3A_829 = vector.multi_reduction <add>, %add3A_827, %reduce_sum3A_828 [0] : vector<16x1024xf32> to vector<1024xf32>
    %broadcast_in_dim3A_830 = vector.shape_cast %reduce_sum3A_829 : vector<1024xf32> to vector<1x1024xf32>
    %mul3A_831 = arith.mulf %mul3A_33, %sub3A_161 : vector<16x1024xf32>
    %mul3A_832 = arith.mulf %mul3A_189, %sub3A_317 : vector<16x1024xf32>
    %mul3A_833 = arith.mulf %mul3A_345, %sub3A_473 : vector<16x1024xf32>
    %mul3A_834 = arith.mulf %mul3A_501, %sub3A_629 : vector<16x1024xf32>
    %add3A_835 = arith.addf %mul3A_831, %mul3A_832 : vector<16x1024xf32>
    %add3A_836 = arith.addf %mul3A_833, %mul3A_834 : vector<16x1024xf32>
    %add3A_837 = arith.addf %add3A_835, %add3A_836 : vector<16x1024xf32>
    %reduce_sum3A_838 = arith.constant dense<0.000000e+00> : vector<1024xf32>
    %reduce_sum3A_839 = vector.multi_reduction <add>, %add3A_837, %reduce_sum3A_838 [0] : vector<16x1024xf32> to vector<1024xf32>
    %broadcast_in_dim3A_840 = vector.shape_cast %reduce_sum3A_839 : vector<1024xf32> to vector<1x1024xf32>
    %mul3A_841 = arith.mulf %mul3A_33, %sub3A_165 : vector<16x1024xf32>
    %mul3A_842 = arith.mulf %mul3A_189, %sub3A_321 : vector<16x1024xf32>
    %mul3A_843 = arith.mulf %mul3A_345, %sub3A_477 : vector<16x1024xf32>
    %mul3A_844 = arith.mulf %mul3A_501, %sub3A_633 : vector<16x1024xf32>
    %add3A_845 = arith.addf %mul3A_841, %mul3A_842 : vector<16x1024xf32>
    %add3A_846 = arith.addf %mul3A_843, %mul3A_844 : vector<16x1024xf32>
    %add3A_847 = arith.addf %add3A_845, %add3A_846 : vector<16x1024xf32>
    %reduce_sum3A_848 = arith.constant dense<0.000000e+00> : vector<1024xf32>
    %reduce_sum3A_849 = vector.multi_reduction <add>, %add3A_847, %reduce_sum3A_848 [0] : vector<16x1024xf32> to vector<1024xf32>
    %broadcast_in_dim3A_850 = vector.shape_cast %reduce_sum3A_849 : vector<1024xf32> to vector<1x1024xf32>
    %mul3A_851 = arith.mulf %mul3A_41, %sub3A_125 : vector<16x1024xf32>
    %mul3A_852 = arith.mulf %mul3A_197, %sub3A_281 : vector<16x1024xf32>
    %mul3A_853 = arith.mulf %mul3A_353, %sub3A_437 : vector<16x1024xf32>
    %mul3A_854 = arith.mulf %mul3A_509, %sub3A_593 : vector<16x1024xf32>
    %add3A_855 = arith.addf %mul3A_851, %mul3A_852 : vector<16x1024xf32>
    %add3A_856 = arith.addf %mul3A_853, %mul3A_854 : vector<16x1024xf32>
    %add3A_857 = arith.addf %add3A_855, %add3A_856 : vector<16x1024xf32>
    %reduce_sum3A_858 = arith.constant dense<0.000000e+00> : vector<1024xf32>
    %reduce_sum3A_859 = vector.multi_reduction <add>, %add3A_857, %reduce_sum3A_858 [0] : vector<16x1024xf32> to vector<1024xf32>
    %broadcast_in_dim3A_860 = vector.shape_cast %reduce_sum3A_859 : vector<1024xf32> to vector<1x1024xf32>
    %mul3A_861 = arith.mulf %mul3A_41, %sub3A_129 : vector<16x1024xf32>
    %mul3A_862 = arith.mulf %mul3A_197, %sub3A_285 : vector<16x1024xf32>
    %mul3A_863 = arith.mulf %mul3A_353, %sub3A_441 : vector<16x1024xf32>
    %mul3A_864 = arith.mulf %mul3A_509, %sub3A_597 : vector<16x1024xf32>
    %add3A_865 = arith.addf %mul3A_861, %mul3A_862 : vector<16x1024xf32>
    %add3A_866 = arith.addf %mul3A_863, %mul3A_864 : vector<16x1024xf32>
    %add3A_867 = arith.addf %add3A_865, %add3A_866 : vector<16x1024xf32>
    %reduce_sum3A_868 = arith.constant dense<0.000000e+00> : vector<1024xf32>
    %reduce_sum3A_869 = vector.multi_reduction <add>, %add3A_867, %reduce_sum3A_868 [0] : vector<16x1024xf32> to vector<1024xf32>
    %broadcast_in_dim3A_870 = vector.shape_cast %reduce_sum3A_869 : vector<1024xf32> to vector<1x1024xf32>
    %mul3A_871 = arith.mulf %mul3A_41, %sub3A_133 : vector<16x1024xf32>
    %mul3A_872 = arith.mulf %mul3A_197, %sub3A_289 : vector<16x1024xf32>
    %mul3A_873 = arith.mulf %mul3A_353, %sub3A_445 : vector<16x1024xf32>
    %mul3A_874 = arith.mulf %mul3A_509, %sub3A_601 : vector<16x1024xf32>
    %add3A_875 = arith.addf %mul3A_871, %mul3A_872 : vector<16x1024xf32>
    %add3A_876 = arith.addf %mul3A_873, %mul3A_874 : vector<16x1024xf32>
    %add3A_877 = arith.addf %add3A_875, %add3A_876 : vector<16x1024xf32>
    %reduce_sum3A_878 = arith.constant dense<0.000000e+00> : vector<1024xf32>
    %reduce_sum3A_879 = vector.multi_reduction <add>, %add3A_877, %reduce_sum3A_878 [0] : vector<16x1024xf32> to vector<1024xf32>
    %broadcast_in_dim3A_880 = vector.shape_cast %reduce_sum3A_879 : vector<1024xf32> to vector<1x1024xf32>
    %mul3A_881 = arith.mulf %mul3A_41, %sub3A_137 : vector<16x1024xf32>
    %mul3A_882 = arith.mulf %mul3A_197, %sub3A_293 : vector<16x1024xf32>
    %mul3A_883 = arith.mulf %mul3A_353, %sub3A_449 : vector<16x1024xf32>
    %mul3A_884 = arith.mulf %mul3A_509, %sub3A_605 : vector<16x1024xf32>
    %add3A_885 = arith.addf %mul3A_881, %mul3A_882 : vector<16x1024xf32>
    %add3A_886 = arith.addf %mul3A_883, %mul3A_884 : vector<16x1024xf32>
    %add3A_887 = arith.addf %add3A_885, %add3A_886 : vector<16x1024xf32>
    %reduce_sum3A_888 = arith.constant dense<0.000000e+00> : vector<1024xf32>
    %reduce_sum3A_889 = vector.multi_reduction <add>, %add3A_887, %reduce_sum3A_888 [0] : vector<16x1024xf32> to vector<1024xf32>
    %broadcast_in_dim3A_890 = vector.shape_cast %reduce_sum3A_889 : vector<1024xf32> to vector<1x1024xf32>
    %mul3A_891 = arith.mulf %mul3A_41, %sub3A_141 : vector<16x1024xf32>
    %mul3A_892 = arith.mulf %mul3A_197, %sub3A_297 : vector<16x1024xf32>
    %mul3A_893 = arith.mulf %mul3A_353, %sub3A_453 : vector<16x1024xf32>
    %mul3A_894 = arith.mulf %mul3A_509, %sub3A_609 : vector<16x1024xf32>
    %add3A_895 = arith.addf %mul3A_891, %mul3A_892 : vector<16x1024xf32>
    %add3A_896 = arith.addf %mul3A_893, %mul3A_894 : vector<16x1024xf32>
    %add3A_897 = arith.addf %add3A_895, %add3A_896 : vector<16x1024xf32>
    %reduce_sum3A_898 = arith.constant dense<0.000000e+00> : vector<1024xf32>
    %reduce_sum3A_899 = vector.multi_reduction <add>, %add3A_897, %reduce_sum3A_898 [0] : vector<16x1024xf32> to vector<1024xf32>
    %broadcast_in_dim3A_900 = vector.shape_cast %reduce_sum3A_899 : vector<1024xf32> to vector<1x1024xf32>
    %mul3A_901 = arith.mulf %mul3A_41, %sub3A_145 : vector<16x1024xf32>
    %mul3A_902 = arith.mulf %mul3A_197, %sub3A_301 : vector<16x1024xf32>
    %mul3A_903 = arith.mulf %mul3A_353, %sub3A_457 : vector<16x1024xf32>
    %mul3A_904 = arith.mulf %mul3A_509, %sub3A_613 : vector<16x1024xf32>
    %add3A_905 = arith.addf %mul3A_901, %mul3A_902 : vector<16x1024xf32>
    %add3A_906 = arith.addf %mul3A_903, %mul3A_904 : vector<16x1024xf32>
    %add3A_907 = arith.addf %add3A_905, %add3A_906 : vector<16x1024xf32>
    %reduce_sum3A_908 = arith.constant dense<0.000000e+00> : vector<1024xf32>
    %reduce_sum3A_909 = vector.multi_reduction <add>, %add3A_907, %reduce_sum3A_908 [0] : vector<16x1024xf32> to vector<1024xf32>
    %broadcast_in_dim3A_910 = vector.shape_cast %reduce_sum3A_909 : vector<1024xf32> to vector<1x1024xf32>
    %mul3A_911 = arith.mulf %mul3A_41, %sub3A_149 : vector<16x1024xf32>
    %mul3A_912 = arith.mulf %mul3A_197, %sub3A_305 : vector<16x1024xf32>
    %mul3A_913 = arith.mulf %mul3A_353, %sub3A_461 : vector<16x1024xf32>
    %mul3A_914 = arith.mulf %mul3A_509, %sub3A_617 : vector<16x1024xf32>
    %add3A_915 = arith.addf %mul3A_911, %mul3A_912 : vector<16x1024xf32>
    %add3A_916 = arith.addf %mul3A_913, %mul3A_914 : vector<16x1024xf32>
    %add3A_917 = arith.addf %add3A_915, %add3A_916 : vector<16x1024xf32>
    %reduce_sum3A_918 = arith.constant dense<0.000000e+00> : vector<1024xf32>
    %reduce_sum3A_919 = vector.multi_reduction <add>, %add3A_917, %reduce_sum3A_918 [0] : vector<16x1024xf32> to vector<1024xf32>
    %broadcast_in_dim3A_920 = vector.shape_cast %reduce_sum3A_919 : vector<1024xf32> to vector<1x1024xf32>
    %mul3A_921 = arith.mulf %mul3A_41, %sub3A_153 : vector<16x1024xf32>
    %mul3A_922 = arith.mulf %mul3A_197, %sub3A_309 : vector<16x1024xf32>
    %mul3A_923 = arith.mulf %mul3A_353, %sub3A_465 : vector<16x1024xf32>
    %mul3A_924 = arith.mulf %mul3A_509, %sub3A_621 : vector<16x1024xf32>
    %add3A_925 = arith.addf %mul3A_921, %mul3A_922 : vector<16x1024xf32>
    %add3A_926 = arith.addf %mul3A_923, %mul3A_924 : vector<16x1024xf32>
    %add3A_927 = arith.addf %add3A_925, %add3A_926 : vector<16x1024xf32>
    %reduce_sum3A_928 = arith.constant dense<0.000000e+00> : vector<1024xf32>
    %reduce_sum3A_929 = vector.multi_reduction <add>, %add3A_927, %reduce_sum3A_928 [0] : vector<16x1024xf32> to vector<1024xf32>
    %broadcast_in_dim3A_930 = vector.shape_cast %reduce_sum3A_929 : vector<1024xf32> to vector<1x1024xf32>
    %mul3A_931 = arith.mulf %mul3A_41, %sub3A_157 : vector<16x1024xf32>
    %mul3A_932 = arith.mulf %mul3A_197, %sub3A_313 : vector<16x1024xf32>
    %mul3A_933 = arith.mulf %mul3A_353, %sub3A_469 : vector<16x1024xf32>
    %mul3A_934 = arith.mulf %mul3A_509, %sub3A_625 : vector<16x1024xf32>
    %add3A_935 = arith.addf %mul3A_931, %mul3A_932 : vector<16x1024xf32>
    %add3A_936 = arith.addf %mul3A_933, %mul3A_934 : vector<16x1024xf32>
    %add3A_937 = arith.addf %add3A_935, %add3A_936 : vector<16x1024xf32>
    %reduce_sum3A_938 = arith.constant dense<0.000000e+00> : vector<1024xf32>
    %reduce_sum3A_939 = vector.multi_reduction <add>, %add3A_937, %reduce_sum3A_938 [0] : vector<16x1024xf32> to vector<1024xf32>
    %broadcast_in_dim3A_940 = vector.shape_cast %reduce_sum3A_939 : vector<1024xf32> to vector<1x1024xf32>
    %mul3A_941 = arith.mulf %mul3A_41, %sub3A_161 : vector<16x1024xf32>
    %mul3A_942 = arith.mulf %mul3A_197, %sub3A_317 : vector<16x1024xf32>
    %mul3A_943 = arith.mulf %mul3A_353, %sub3A_473 : vector<16x1024xf32>
    %mul3A_944 = arith.mulf %mul3A_509, %sub3A_629 : vector<16x1024xf32>
    %add3A_945 = arith.addf %mul3A_941, %mul3A_942 : vector<16x1024xf32>
    %add3A_946 = arith.addf %mul3A_943, %mul3A_944 : vector<16x1024xf32>
    %add3A_947 = arith.addf %add3A_945, %add3A_946 : vector<16x1024xf32>
    %reduce_sum3A_948 = arith.constant dense<0.000000e+00> : vector<1024xf32>
    %reduce_sum3A_949 = vector.multi_reduction <add>, %add3A_947, %reduce_sum3A_948 [0] : vector<16x1024xf32> to vector<1024xf32>
    %broadcast_in_dim3A_950 = vector.shape_cast %reduce_sum3A_949 : vector<1024xf32> to vector<1x1024xf32>
    %mul3A_951 = arith.mulf %mul3A_41, %sub3A_165 : vector<16x1024xf32>
    %mul3A_952 = arith.mulf %mul3A_197, %sub3A_321 : vector<16x1024xf32>
    %mul3A_953 = arith.mulf %mul3A_353, %sub3A_477 : vector<16x1024xf32>
    %mul3A_954 = arith.mulf %mul3A_509, %sub3A_633 : vector<16x1024xf32>
    %add3A_955 = arith.addf %mul3A_951, %mul3A_952 : vector<16x1024xf32>
    %add3A_956 = arith.addf %mul3A_953, %mul3A_954 : vector<16x1024xf32>
    %add3A_957 = arith.addf %add3A_955, %add3A_956 : vector<16x1024xf32>
    %reduce_sum3A_958 = arith.constant dense<0.000000e+00> : vector<1024xf32>
    %reduce_sum3A_959 = vector.multi_reduction <add>, %add3A_957, %reduce_sum3A_958 [0] : vector<16x1024xf32> to vector<1024xf32>
    %broadcast_in_dim3A_960 = vector.shape_cast %reduce_sum3A_959 : vector<1024xf32> to vector<1x1024xf32>
    %mul3A_961 = arith.mulf %mul3A_49, %sub3A_125 : vector<16x1024xf32>
    %mul3A_962 = arith.mulf %mul3A_205, %sub3A_281 : vector<16x1024xf32>
    %mul3A_963 = arith.mulf %mul3A_361, %sub3A_437 : vector<16x1024xf32>
    %mul3A_964 = arith.mulf %mul3A_517, %sub3A_593 : vector<16x1024xf32>
    %add3A_965 = arith.addf %mul3A_961, %mul3A_962 : vector<16x1024xf32>
    %add3A_966 = arith.addf %mul3A_963, %mul3A_964 : vector<16x1024xf32>
    %add3A_967 = arith.addf %add3A_965, %add3A_966 : vector<16x1024xf32>
    %reduce_sum3A_968 = arith.constant dense<0.000000e+00> : vector<1024xf32>
    %reduce_sum3A_969 = vector.multi_reduction <add>, %add3A_967, %reduce_sum3A_968 [0] : vector<16x1024xf32> to vector<1024xf32>
    %broadcast_in_dim3A_970 = vector.shape_cast %reduce_sum3A_969 : vector<1024xf32> to vector<1x1024xf32>
    %mul3A_971 = arith.mulf %mul3A_49, %sub3A_129 : vector<16x1024xf32>
    %mul3A_972 = arith.mulf %mul3A_205, %sub3A_285 : vector<16x1024xf32>
    %mul3A_973 = arith.mulf %mul3A_361, %sub3A_441 : vector<16x1024xf32>
    %mul3A_974 = arith.mulf %mul3A_517, %sub3A_597 : vector<16x1024xf32>
    %add3A_975 = arith.addf %mul3A_971, %mul3A_972 : vector<16x1024xf32>
    %add3A_976 = arith.addf %mul3A_973, %mul3A_974 : vector<16x1024xf32>
    %add3A_977 = arith.addf %add3A_975, %add3A_976 : vector<16x1024xf32>
    %reduce_sum3A_978 = arith.constant dense<0.000000e+00> : vector<1024xf32>
    %reduce_sum3A_979 = vector.multi_reduction <add>, %add3A_977, %reduce_sum3A_978 [0] : vector<16x1024xf32> to vector<1024xf32>
    %broadcast_in_dim3A_980 = vector.shape_cast %reduce_sum3A_979 : vector<1024xf32> to vector<1x1024xf32>
    %mul3A_981 = arith.mulf %mul3A_49, %sub3A_133 : vector<16x1024xf32>
    %mul3A_982 = arith.mulf %mul3A_205, %sub3A_289 : vector<16x1024xf32>
    %mul3A_983 = arith.mulf %mul3A_361, %sub3A_445 : vector<16x1024xf32>
    %mul3A_984 = arith.mulf %mul3A_517, %sub3A_601 : vector<16x1024xf32>
    %add3A_985 = arith.addf %mul3A_981, %mul3A_982 : vector<16x1024xf32>
    %add3A_986 = arith.addf %mul3A_983, %mul3A_984 : vector<16x1024xf32>
    %add3A_987 = arith.addf %add3A_985, %add3A_986 : vector<16x1024xf32>
    %reduce_sum3A_988 = arith.constant dense<0.000000e+00> : vector<1024xf32>
    %reduce_sum3A_989 = vector.multi_reduction <add>, %add3A_987, %reduce_sum3A_988 [0] : vector<16x1024xf32> to vector<1024xf32>
    %broadcast_in_dim3A_990 = vector.shape_cast %reduce_sum3A_989 : vector<1024xf32> to vector<1x1024xf32>
    %mul3A_991 = arith.mulf %mul3A_49, %sub3A_137 : vector<16x1024xf32>
    %mul3A_992 = arith.mulf %mul3A_205, %sub3A_293 : vector<16x1024xf32>
    %mul3A_993 = arith.mulf %mul3A_361, %sub3A_449 : vector<16x1024xf32>
    %mul3A_994 = arith.mulf %mul3A_517, %sub3A_605 : vector<16x1024xf32>
    %add3A_995 = arith.addf %mul3A_991, %mul3A_992 : vector<16x1024xf32>
    %add3A_996 = arith.addf %mul3A_993, %mul3A_994 : vector<16x1024xf32>
    %add3A_997 = arith.addf %add3A_995, %add3A_996 : vector<16x1024xf32>
    %reduce_sum3A_998 = arith.constant dense<0.000000e+00> : vector<1024xf32>
    %reduce_sum3A_999 = vector.multi_reduction <add>, %add3A_997, %reduce_sum3A_998 [0] : vector<16x1024xf32> to vector<1024xf32>
    %broadcast_in_dim3A_1000 = vector.shape_cast %reduce_sum3A_999 : vector<1024xf32> to vector<1x1024xf32>
    %mul3A_1001 = arith.mulf %mul3A_49, %sub3A_141 : vector<16x1024xf32>
    %mul3A_1002 = arith.mulf %mul3A_205, %sub3A_297 : vector<16x1024xf32>
    %mul3A_1003 = arith.mulf %mul3A_361, %sub3A_453 : vector<16x1024xf32>
    %mul3A_1004 = arith.mulf %mul3A_517, %sub3A_609 : vector<16x1024xf32>
    %add3A_1005 = arith.addf %mul3A_1001, %mul3A_1002 : vector<16x1024xf32>
    %add3A_1006 = arith.addf %mul3A_1003, %mul3A_1004 : vector<16x1024xf32>
    %add3A_1007 = arith.addf %add3A_1005, %add3A_1006 : vector<16x1024xf32>
    %reduce_sum3A_1008 = arith.constant dense<0.000000e+00> : vector<1024xf32>
    %reduce_sum3A_1009 = vector.multi_reduction <add>, %add3A_1007, %reduce_sum3A_1008 [0] : vector<16x1024xf32> to vector<1024xf32>
    %broadcast_in_dim3A_1010 = vector.shape_cast %reduce_sum3A_1009 : vector<1024xf32> to vector<1x1024xf32>
    %mul3A_1011 = arith.mulf %mul3A_49, %sub3A_145 : vector<16x1024xf32>
    %mul3A_1012 = arith.mulf %mul3A_205, %sub3A_301 : vector<16x1024xf32>
    %mul3A_1013 = arith.mulf %mul3A_361, %sub3A_457 : vector<16x1024xf32>
    %mul3A_1014 = arith.mulf %mul3A_517, %sub3A_613 : vector<16x1024xf32>
    %add3A_1015 = arith.addf %mul3A_1011, %mul3A_1012 : vector<16x1024xf32>
    %add3A_1016 = arith.addf %mul3A_1013, %mul3A_1014 : vector<16x1024xf32>
    %add3A_1017 = arith.addf %add3A_1015, %add3A_1016 : vector<16x1024xf32>
    %reduce_sum3A_1018 = arith.constant dense<0.000000e+00> : vector<1024xf32>
    %reduce_sum3A_1019 = vector.multi_reduction <add>, %add3A_1017, %reduce_sum3A_1018 [0] : vector<16x1024xf32> to vector<1024xf32>
    %broadcast_in_dim3A_1020 = vector.shape_cast %reduce_sum3A_1019 : vector<1024xf32> to vector<1x1024xf32>
    %mul3A_1021 = arith.mulf %mul3A_49, %sub3A_149 : vector<16x1024xf32>
    %mul3A_1022 = arith.mulf %mul3A_205, %sub3A_305 : vector<16x1024xf32>
    %mul3A_1023 = arith.mulf %mul3A_361, %sub3A_461 : vector<16x1024xf32>
    %mul3A_1024 = arith.mulf %mul3A_517, %sub3A_617 : vector<16x1024xf32>
    %add3A_1025 = arith.addf %mul3A_1021, %mul3A_1022 : vector<16x1024xf32>
    %add3A_1026 = arith.addf %mul3A_1023, %mul3A_1024 : vector<16x1024xf32>
    %add3A_1027 = arith.addf %add3A_1025, %add3A_1026 : vector<16x1024xf32>
    %reduce_sum3A_1028 = arith.constant dense<0.000000e+00> : vector<1024xf32>
    %reduce_sum3A_1029 = vector.multi_reduction <add>, %add3A_1027, %reduce_sum3A_1028 [0] : vector<16x1024xf32> to vector<1024xf32>
    %broadcast_in_dim3A_1030 = vector.shape_cast %reduce_sum3A_1029 : vector<1024xf32> to vector<1x1024xf32>
    %mul3A_1031 = arith.mulf %mul3A_49, %sub3A_153 : vector<16x1024xf32>
    %mul3A_1032 = arith.mulf %mul3A_205, %sub3A_309 : vector<16x1024xf32>
    %mul3A_1033 = arith.mulf %mul3A_361, %sub3A_465 : vector<16x1024xf32>
    %mul3A_1034 = arith.mulf %mul3A_517, %sub3A_621 : vector<16x1024xf32>
    %add3A_1035 = arith.addf %mul3A_1031, %mul3A_1032 : vector<16x1024xf32>
    %add3A_1036 = arith.addf %mul3A_1033, %mul3A_1034 : vector<16x1024xf32>
    %add3A_1037 = arith.addf %add3A_1035, %add3A_1036 : vector<16x1024xf32>
    %reduce_sum3A_1038 = arith.constant dense<0.000000e+00> : vector<1024xf32>
    %reduce_sum3A_1039 = vector.multi_reduction <add>, %add3A_1037, %reduce_sum3A_1038 [0] : vector<16x1024xf32> to vector<1024xf32>
    %broadcast_in_dim3A_1040 = vector.shape_cast %reduce_sum3A_1039 : vector<1024xf32> to vector<1x1024xf32>
    %mul3A_1041 = arith.mulf %mul3A_49, %sub3A_157 : vector<16x1024xf32>
    %mul3A_1042 = arith.mulf %mul3A_205, %sub3A_313 : vector<16x1024xf32>
    %mul3A_1043 = arith.mulf %mul3A_361, %sub3A_469 : vector<16x1024xf32>
    %mul3A_1044 = arith.mulf %mul3A_517, %sub3A_625 : vector<16x1024xf32>
    %add3A_1045 = arith.addf %mul3A_1041, %mul3A_1042 : vector<16x1024xf32>
    %add3A_1046 = arith.addf %mul3A_1043, %mul3A_1044 : vector<16x1024xf32>
    %add3A_1047 = arith.addf %add3A_1045, %add3A_1046 : vector<16x1024xf32>
    %reduce_sum3A_1048 = arith.constant dense<0.000000e+00> : vector<1024xf32>
    %reduce_sum3A_1049 = vector.multi_reduction <add>, %add3A_1047, %reduce_sum3A_1048 [0] : vector<16x1024xf32> to vector<1024xf32>
    %broadcast_in_dim3A_1050 = vector.shape_cast %reduce_sum3A_1049 : vector<1024xf32> to vector<1x1024xf32>
    %mul3A_1051 = arith.mulf %mul3A_49, %sub3A_161 : vector<16x1024xf32>
    %mul3A_1052 = arith.mulf %mul3A_205, %sub3A_317 : vector<16x1024xf32>
    %mul3A_1053 = arith.mulf %mul3A_361, %sub3A_473 : vector<16x1024xf32>
    %mul3A_1054 = arith.mulf %mul3A_517, %sub3A_629 : vector<16x1024xf32>
    %add3A_1055 = arith.addf %mul3A_1051, %mul3A_1052 : vector<16x1024xf32>
    %add3A_1056 = arith.addf %mul3A_1053, %mul3A_1054 : vector<16x1024xf32>
    %add3A_1057 = arith.addf %add3A_1055, %add3A_1056 : vector<16x1024xf32>
    %reduce_sum3A_1058 = arith.constant dense<0.000000e+00> : vector<1024xf32>
    %reduce_sum3A_1059 = vector.multi_reduction <add>, %add3A_1057, %reduce_sum3A_1058 [0] : vector<16x1024xf32> to vector<1024xf32>
    %broadcast_in_dim3A_1060 = vector.shape_cast %reduce_sum3A_1059 : vector<1024xf32> to vector<1x1024xf32>
    %mul3A_1061 = arith.mulf %mul3A_49, %sub3A_165 : vector<16x1024xf32>
    %mul3A_1062 = arith.mulf %mul3A_205, %sub3A_321 : vector<16x1024xf32>
    %mul3A_1063 = arith.mulf %mul3A_361, %sub3A_477 : vector<16x1024xf32>
    %mul3A_1064 = arith.mulf %mul3A_517, %sub3A_633 : vector<16x1024xf32>
    %add3A_1065 = arith.addf %mul3A_1061, %mul3A_1062 : vector<16x1024xf32>
    %add3A_1066 = arith.addf %mul3A_1063, %mul3A_1064 : vector<16x1024xf32>
    %add3A_1067 = arith.addf %add3A_1065, %add3A_1066 : vector<16x1024xf32>
    %reduce_sum3A_1068 = arith.constant dense<0.000000e+00> : vector<1024xf32>
    %reduce_sum3A_1069 = vector.multi_reduction <add>, %add3A_1067, %reduce_sum3A_1068 [0] : vector<16x1024xf32> to vector<1024xf32>
    %broadcast_in_dim3A_1070 = vector.shape_cast %reduce_sum3A_1069 : vector<1024xf32> to vector<1x1024xf32>
    %mul3A_1071 = arith.mulf %mul3A_57, %sub3A_125 : vector<16x1024xf32>
    %mul3A_1072 = arith.mulf %mul3A_213, %sub3A_281 : vector<16x1024xf32>
    %mul3A_1073 = arith.mulf %mul3A_369, %sub3A_437 : vector<16x1024xf32>
    %mul3A_1074 = arith.mulf %mul3A_525, %sub3A_593 : vector<16x1024xf32>
    %add3A_1075 = arith.addf %mul3A_1071, %mul3A_1072 : vector<16x1024xf32>
    %add3A_1076 = arith.addf %mul3A_1073, %mul3A_1074 : vector<16x1024xf32>
    %add3A_1077 = arith.addf %add3A_1075, %add3A_1076 : vector<16x1024xf32>
    %reduce_sum3A_1078 = arith.constant dense<0.000000e+00> : vector<1024xf32>
    %reduce_sum3A_1079 = vector.multi_reduction <add>, %add3A_1077, %reduce_sum3A_1078 [0] : vector<16x1024xf32> to vector<1024xf32>
    %broadcast_in_dim3A_1080 = vector.shape_cast %reduce_sum3A_1079 : vector<1024xf32> to vector<1x1024xf32>
    %mul3A_1081 = arith.mulf %mul3A_57, %sub3A_129 : vector<16x1024xf32>
    %mul3A_1082 = arith.mulf %mul3A_213, %sub3A_285 : vector<16x1024xf32>
    %mul3A_1083 = arith.mulf %mul3A_369, %sub3A_441 : vector<16x1024xf32>
    %mul3A_1084 = arith.mulf %mul3A_525, %sub3A_597 : vector<16x1024xf32>
    %add3A_1085 = arith.addf %mul3A_1081, %mul3A_1082 : vector<16x1024xf32>
    %add3A_1086 = arith.addf %mul3A_1083, %mul3A_1084 : vector<16x1024xf32>
    %add3A_1087 = arith.addf %add3A_1085, %add3A_1086 : vector<16x1024xf32>
    %reduce_sum3A_1088 = arith.constant dense<0.000000e+00> : vector<1024xf32>
    %reduce_sum3A_1089 = vector.multi_reduction <add>, %add3A_1087, %reduce_sum3A_1088 [0] : vector<16x1024xf32> to vector<1024xf32>
    %broadcast_in_dim3A_1090 = vector.shape_cast %reduce_sum3A_1089 : vector<1024xf32> to vector<1x1024xf32>
    %mul3A_1091 = arith.mulf %mul3A_57, %sub3A_133 : vector<16x1024xf32>
    %mul3A_1092 = arith.mulf %mul3A_213, %sub3A_289 : vector<16x1024xf32>
    %mul3A_1093 = arith.mulf %mul3A_369, %sub3A_445 : vector<16x1024xf32>
    %mul3A_1094 = arith.mulf %mul3A_525, %sub3A_601 : vector<16x1024xf32>
    %add3A_1095 = arith.addf %mul3A_1091, %mul3A_1092 : vector<16x1024xf32>
    %add3A_1096 = arith.addf %mul3A_1093, %mul3A_1094 : vector<16x1024xf32>
    %add3A_1097 = arith.addf %add3A_1095, %add3A_1096 : vector<16x1024xf32>
    %reduce_sum3A_1098 = arith.constant dense<0.000000e+00> : vector<1024xf32>
    %reduce_sum3A_1099 = vector.multi_reduction <add>, %add3A_1097, %reduce_sum3A_1098 [0] : vector<16x1024xf32> to vector<1024xf32>
    %broadcast_in_dim3A_1100 = vector.shape_cast %reduce_sum3A_1099 : vector<1024xf32> to vector<1x1024xf32>
    %mul3A_1101 = arith.mulf %mul3A_57, %sub3A_137 : vector<16x1024xf32>
    %mul3A_1102 = arith.mulf %mul3A_213, %sub3A_293 : vector<16x1024xf32>
    %mul3A_1103 = arith.mulf %mul3A_369, %sub3A_449 : vector<16x1024xf32>
    %mul3A_1104 = arith.mulf %mul3A_525, %sub3A_605 : vector<16x1024xf32>
    %add3A_1105 = arith.addf %mul3A_1101, %mul3A_1102 : vector<16x1024xf32>
    %add3A_1106 = arith.addf %mul3A_1103, %mul3A_1104 : vector<16x1024xf32>
    %add3A_1107 = arith.addf %add3A_1105, %add3A_1106 : vector<16x1024xf32>
    %reduce_sum3A_1108 = arith.constant dense<0.000000e+00> : vector<1024xf32>
    %reduce_sum3A_1109 = vector.multi_reduction <add>, %add3A_1107, %reduce_sum3A_1108 [0] : vector<16x1024xf32> to vector<1024xf32>
    %broadcast_in_dim3A_1110 = vector.shape_cast %reduce_sum3A_1109 : vector<1024xf32> to vector<1x1024xf32>
    %mul3A_1111 = arith.mulf %mul3A_57, %sub3A_141 : vector<16x1024xf32>
    %mul3A_1112 = arith.mulf %mul3A_213, %sub3A_297 : vector<16x1024xf32>
    %mul3A_1113 = arith.mulf %mul3A_369, %sub3A_453 : vector<16x1024xf32>
    %mul3A_1114 = arith.mulf %mul3A_525, %sub3A_609 : vector<16x1024xf32>
    %add3A_1115 = arith.addf %mul3A_1111, %mul3A_1112 : vector<16x1024xf32>
    %add3A_1116 = arith.addf %mul3A_1113, %mul3A_1114 : vector<16x1024xf32>
    %add3A_1117 = arith.addf %add3A_1115, %add3A_1116 : vector<16x1024xf32>
    %reduce_sum3A_1118 = arith.constant dense<0.000000e+00> : vector<1024xf32>
    %reduce_sum3A_1119 = vector.multi_reduction <add>, %add3A_1117, %reduce_sum3A_1118 [0] : vector<16x1024xf32> to vector<1024xf32>
    %broadcast_in_dim3A_1120 = vector.shape_cast %reduce_sum3A_1119 : vector<1024xf32> to vector<1x1024xf32>
    %mul3A_1121 = arith.mulf %mul3A_57, %sub3A_145 : vector<16x1024xf32>
    %mul3A_1122 = arith.mulf %mul3A_213, %sub3A_301 : vector<16x1024xf32>
    %mul3A_1123 = arith.mulf %mul3A_369, %sub3A_457 : vector<16x1024xf32>
    %mul3A_1124 = arith.mulf %mul3A_525, %sub3A_613 : vector<16x1024xf32>
    %add3A_1125 = arith.addf %mul3A_1121, %mul3A_1122 : vector<16x1024xf32>
    %add3A_1126 = arith.addf %mul3A_1123, %mul3A_1124 : vector<16x1024xf32>
    %add3A_1127 = arith.addf %add3A_1125, %add3A_1126 : vector<16x1024xf32>
    %reduce_sum3A_1128 = arith.constant dense<0.000000e+00> : vector<1024xf32>
    %reduce_sum3A_1129 = vector.multi_reduction <add>, %add3A_1127, %reduce_sum3A_1128 [0] : vector<16x1024xf32> to vector<1024xf32>
    %broadcast_in_dim3A_1130 = vector.shape_cast %reduce_sum3A_1129 : vector<1024xf32> to vector<1x1024xf32>
    %mul3A_1131 = arith.mulf %mul3A_57, %sub3A_149 : vector<16x1024xf32>
    %mul3A_1132 = arith.mulf %mul3A_213, %sub3A_305 : vector<16x1024xf32>
    %mul3A_1133 = arith.mulf %mul3A_369, %sub3A_461 : vector<16x1024xf32>
    %mul3A_1134 = arith.mulf %mul3A_525, %sub3A_617 : vector<16x1024xf32>
    %add3A_1135 = arith.addf %mul3A_1131, %mul3A_1132 : vector<16x1024xf32>
    %add3A_1136 = arith.addf %mul3A_1133, %mul3A_1134 : vector<16x1024xf32>
    %add3A_1137 = arith.addf %add3A_1135, %add3A_1136 : vector<16x1024xf32>
    %reduce_sum3A_1138 = arith.constant dense<0.000000e+00> : vector<1024xf32>
    %reduce_sum3A_1139 = vector.multi_reduction <add>, %add3A_1137, %reduce_sum3A_1138 [0] : vector<16x1024xf32> to vector<1024xf32>
    %broadcast_in_dim3A_1140 = vector.shape_cast %reduce_sum3A_1139 : vector<1024xf32> to vector<1x1024xf32>
    %mul3A_1141 = arith.mulf %mul3A_57, %sub3A_153 : vector<16x1024xf32>
    %mul3A_1142 = arith.mulf %mul3A_213, %sub3A_309 : vector<16x1024xf32>
    %mul3A_1143 = arith.mulf %mul3A_369, %sub3A_465 : vector<16x1024xf32>
    %mul3A_1144 = arith.mulf %mul3A_525, %sub3A_621 : vector<16x1024xf32>
    %add3A_1145 = arith.addf %mul3A_1141, %mul3A_1142 : vector<16x1024xf32>
    %add3A_1146 = arith.addf %mul3A_1143, %mul3A_1144 : vector<16x1024xf32>
    %add3A_1147 = arith.addf %add3A_1145, %add3A_1146 : vector<16x1024xf32>
    %reduce_sum3A_1148 = arith.constant dense<0.000000e+00> : vector<1024xf32>
    %reduce_sum3A_1149 = vector.multi_reduction <add>, %add3A_1147, %reduce_sum3A_1148 [0] : vector<16x1024xf32> to vector<1024xf32>
    %broadcast_in_dim3A_1150 = vector.shape_cast %reduce_sum3A_1149 : vector<1024xf32> to vector<1x1024xf32>
    %mul3A_1151 = arith.mulf %mul3A_57, %sub3A_157 : vector<16x1024xf32>
    %mul3A_1152 = arith.mulf %mul3A_213, %sub3A_313 : vector<16x1024xf32>
    %mul3A_1153 = arith.mulf %mul3A_369, %sub3A_469 : vector<16x1024xf32>
    %mul3A_1154 = arith.mulf %mul3A_525, %sub3A_625 : vector<16x1024xf32>
    %add3A_1155 = arith.addf %mul3A_1151, %mul3A_1152 : vector<16x1024xf32>
    %add3A_1156 = arith.addf %mul3A_1153, %mul3A_1154 : vector<16x1024xf32>
    %add3A_1157 = arith.addf %add3A_1155, %add3A_1156 : vector<16x1024xf32>
    %reduce_sum3A_1158 = arith.constant dense<0.000000e+00> : vector<1024xf32>
    %reduce_sum3A_1159 = vector.multi_reduction <add>, %add3A_1157, %reduce_sum3A_1158 [0] : vector<16x1024xf32> to vector<1024xf32>
    %broadcast_in_dim3A_1160 = vector.shape_cast %reduce_sum3A_1159 : vector<1024xf32> to vector<1x1024xf32>
    %mul3A_1161 = arith.mulf %mul3A_57, %sub3A_161 : vector<16x1024xf32>
    %mul3A_1162 = arith.mulf %mul3A_213, %sub3A_317 : vector<16x1024xf32>
    %mul3A_1163 = arith.mulf %mul3A_369, %sub3A_473 : vector<16x1024xf32>
    %mul3A_1164 = arith.mulf %mul3A_525, %sub3A_629 : vector<16x1024xf32>
    %add3A_1165 = arith.addf %mul3A_1161, %mul3A_1162 : vector<16x1024xf32>
    %add3A_1166 = arith.addf %mul3A_1163, %mul3A_1164 : vector<16x1024xf32>
    %add3A_1167 = arith.addf %add3A_1165, %add3A_1166 : vector<16x1024xf32>
    %reduce_sum3A_1168 = arith.constant dense<0.000000e+00> : vector<1024xf32>
    %reduce_sum3A_1169 = vector.multi_reduction <add>, %add3A_1167, %reduce_sum3A_1168 [0] : vector<16x1024xf32> to vector<1024xf32>
    %broadcast_in_dim3A_1170 = vector.shape_cast %reduce_sum3A_1169 : vector<1024xf32> to vector<1x1024xf32>
    %mul3A_1171 = arith.mulf %mul3A_57, %sub3A_165 : vector<16x1024xf32>
    %mul3A_1172 = arith.mulf %mul3A_213, %sub3A_321 : vector<16x1024xf32>
    %mul3A_1173 = arith.mulf %mul3A_369, %sub3A_477 : vector<16x1024xf32>
    %mul3A_1174 = arith.mulf %mul3A_525, %sub3A_633 : vector<16x1024xf32>
    %add3A_1175 = arith.addf %mul3A_1171, %mul3A_1172 : vector<16x1024xf32>
    %add3A_1176 = arith.addf %mul3A_1173, %mul3A_1174 : vector<16x1024xf32>
    %add3A_1177 = arith.addf %add3A_1175, %add3A_1176 : vector<16x1024xf32>
    %reduce_sum3A_1178 = arith.constant dense<0.000000e+00> : vector<1024xf32>
    %reduce_sum3A_1179 = vector.multi_reduction <add>, %add3A_1177, %reduce_sum3A_1178 [0] : vector<16x1024xf32> to vector<1024xf32>
    %broadcast_in_dim3A_1180 = vector.shape_cast %reduce_sum3A_1179 : vector<1024xf32> to vector<1x1024xf32>
    %mul3A_1181 = arith.mulf %mul3A_65, %sub3A_125 : vector<16x1024xf32>
    %mul3A_1182 = arith.mulf %mul3A_221, %sub3A_281 : vector<16x1024xf32>
    %mul3A_1183 = arith.mulf %mul3A_377, %sub3A_437 : vector<16x1024xf32>
    %mul3A_1184 = arith.mulf %mul3A_533, %sub3A_593 : vector<16x1024xf32>
    %add3A_1185 = arith.addf %mul3A_1181, %mul3A_1182 : vector<16x1024xf32>
    %add3A_1186 = arith.addf %mul3A_1183, %mul3A_1184 : vector<16x1024xf32>
    %add3A_1187 = arith.addf %add3A_1185, %add3A_1186 : vector<16x1024xf32>
    %reduce_sum3A_1188 = arith.constant dense<0.000000e+00> : vector<1024xf32>
    %reduce_sum3A_1189 = vector.multi_reduction <add>, %add3A_1187, %reduce_sum3A_1188 [0] : vector<16x1024xf32> to vector<1024xf32>
    %broadcast_in_dim3A_1190 = vector.shape_cast %reduce_sum3A_1189 : vector<1024xf32> to vector<1x1024xf32>
    %mul3A_1191 = arith.mulf %mul3A_65, %sub3A_129 : vector<16x1024xf32>
    %mul3A_1192 = arith.mulf %mul3A_221, %sub3A_285 : vector<16x1024xf32>
    %mul3A_1193 = arith.mulf %mul3A_377, %sub3A_441 : vector<16x1024xf32>
    %mul3A_1194 = arith.mulf %mul3A_533, %sub3A_597 : vector<16x1024xf32>
    %add3A_1195 = arith.addf %mul3A_1191, %mul3A_1192 : vector<16x1024xf32>
    %add3A_1196 = arith.addf %mul3A_1193, %mul3A_1194 : vector<16x1024xf32>
    %add3A_1197 = arith.addf %add3A_1195, %add3A_1196 : vector<16x1024xf32>
    %reduce_sum3A_1198 = arith.constant dense<0.000000e+00> : vector<1024xf32>
    %reduce_sum3A_1199 = vector.multi_reduction <add>, %add3A_1197, %reduce_sum3A_1198 [0] : vector<16x1024xf32> to vector<1024xf32>
    %broadcast_in_dim3A_1200 = vector.shape_cast %reduce_sum3A_1199 : vector<1024xf32> to vector<1x1024xf32>
    %mul3A_1201 = arith.mulf %mul3A_65, %sub3A_133 : vector<16x1024xf32>
    %mul3A_1202 = arith.mulf %mul3A_221, %sub3A_289 : vector<16x1024xf32>
    %mul3A_1203 = arith.mulf %mul3A_377, %sub3A_445 : vector<16x1024xf32>
    %mul3A_1204 = arith.mulf %mul3A_533, %sub3A_601 : vector<16x1024xf32>
    %add3A_1205 = arith.addf %mul3A_1201, %mul3A_1202 : vector<16x1024xf32>
    %add3A_1206 = arith.addf %mul3A_1203, %mul3A_1204 : vector<16x1024xf32>
    %add3A_1207 = arith.addf %add3A_1205, %add3A_1206 : vector<16x1024xf32>
    %reduce_sum3A_1208 = arith.constant dense<0.000000e+00> : vector<1024xf32>
    %reduce_sum3A_1209 = vector.multi_reduction <add>, %add3A_1207, %reduce_sum3A_1208 [0] : vector<16x1024xf32> to vector<1024xf32>
    %broadcast_in_dim3A_1210 = vector.shape_cast %reduce_sum3A_1209 : vector<1024xf32> to vector<1x1024xf32>
    %mul3A_1211 = arith.mulf %mul3A_65, %sub3A_137 : vector<16x1024xf32>
    %mul3A_1212 = arith.mulf %mul3A_221, %sub3A_293 : vector<16x1024xf32>
    %mul3A_1213 = arith.mulf %mul3A_377, %sub3A_449 : vector<16x1024xf32>
    %mul3A_1214 = arith.mulf %mul3A_533, %sub3A_605 : vector<16x1024xf32>
    %add3A_1215 = arith.addf %mul3A_1211, %mul3A_1212 : vector<16x1024xf32>
    %add3A_1216 = arith.addf %mul3A_1213, %mul3A_1214 : vector<16x1024xf32>
    %add3A_1217 = arith.addf %add3A_1215, %add3A_1216 : vector<16x1024xf32>
    %reduce_sum3A_1218 = arith.constant dense<0.000000e+00> : vector<1024xf32>
    %reduce_sum3A_1219 = vector.multi_reduction <add>, %add3A_1217, %reduce_sum3A_1218 [0] : vector<16x1024xf32> to vector<1024xf32>
    %broadcast_in_dim3A_1220 = vector.shape_cast %reduce_sum3A_1219 : vector<1024xf32> to vector<1x1024xf32>
    %mul3A_1221 = arith.mulf %mul3A_65, %sub3A_141 : vector<16x1024xf32>
    %mul3A_1222 = arith.mulf %mul3A_221, %sub3A_297 : vector<16x1024xf32>
    %mul3A_1223 = arith.mulf %mul3A_377, %sub3A_453 : vector<16x1024xf32>
    %mul3A_1224 = arith.mulf %mul3A_533, %sub3A_609 : vector<16x1024xf32>
    %add3A_1225 = arith.addf %mul3A_1221, %mul3A_1222 : vector<16x1024xf32>
    %add3A_1226 = arith.addf %mul3A_1223, %mul3A_1224 : vector<16x1024xf32>
    %add3A_1227 = arith.addf %add3A_1225, %add3A_1226 : vector<16x1024xf32>
    %reduce_sum3A_1228 = arith.constant dense<0.000000e+00> : vector<1024xf32>
    %reduce_sum3A_1229 = vector.multi_reduction <add>, %add3A_1227, %reduce_sum3A_1228 [0] : vector<16x1024xf32> to vector<1024xf32>
    %broadcast_in_dim3A_1230 = vector.shape_cast %reduce_sum3A_1229 : vector<1024xf32> to vector<1x1024xf32>
    %mul3A_1231 = arith.mulf %mul3A_65, %sub3A_145 : vector<16x1024xf32>
    %mul3A_1232 = arith.mulf %mul3A_221, %sub3A_301 : vector<16x1024xf32>
    %mul3A_1233 = arith.mulf %mul3A_377, %sub3A_457 : vector<16x1024xf32>
    %mul3A_1234 = arith.mulf %mul3A_533, %sub3A_613 : vector<16x1024xf32>
    %add3A_1235 = arith.addf %mul3A_1231, %mul3A_1232 : vector<16x1024xf32>
    %add3A_1236 = arith.addf %mul3A_1233, %mul3A_1234 : vector<16x1024xf32>
    %add3A_1237 = arith.addf %add3A_1235, %add3A_1236 : vector<16x1024xf32>
    %reduce_sum3A_1238 = arith.constant dense<0.000000e+00> : vector<1024xf32>
    %reduce_sum3A_1239 = vector.multi_reduction <add>, %add3A_1237, %reduce_sum3A_1238 [0] : vector<16x1024xf32> to vector<1024xf32>
    %broadcast_in_dim3A_1240 = vector.shape_cast %reduce_sum3A_1239 : vector<1024xf32> to vector<1x1024xf32>
    %mul3A_1241 = arith.mulf %mul3A_65, %sub3A_149 : vector<16x1024xf32>
    %mul3A_1242 = arith.mulf %mul3A_221, %sub3A_305 : vector<16x1024xf32>
    %mul3A_1243 = arith.mulf %mul3A_377, %sub3A_461 : vector<16x1024xf32>
    %mul3A_1244 = arith.mulf %mul3A_533, %sub3A_617 : vector<16x1024xf32>
    %add3A_1245 = arith.addf %mul3A_1241, %mul3A_1242 : vector<16x1024xf32>
    %add3A_1246 = arith.addf %mul3A_1243, %mul3A_1244 : vector<16x1024xf32>
    %add3A_1247 = arith.addf %add3A_1245, %add3A_1246 : vector<16x1024xf32>
    %reduce_sum3A_1248 = arith.constant dense<0.000000e+00> : vector<1024xf32>
    %reduce_sum3A_1249 = vector.multi_reduction <add>, %add3A_1247, %reduce_sum3A_1248 [0] : vector<16x1024xf32> to vector<1024xf32>
    %broadcast_in_dim3A_1250 = vector.shape_cast %reduce_sum3A_1249 : vector<1024xf32> to vector<1x1024xf32>
    %mul3A_1251 = arith.mulf %mul3A_65, %sub3A_153 : vector<16x1024xf32>
    %mul3A_1252 = arith.mulf %mul3A_221, %sub3A_309 : vector<16x1024xf32>
    %mul3A_1253 = arith.mulf %mul3A_377, %sub3A_465 : vector<16x1024xf32>
    %mul3A_1254 = arith.mulf %mul3A_533, %sub3A_621 : vector<16x1024xf32>
    %add3A_1255 = arith.addf %mul3A_1251, %mul3A_1252 : vector<16x1024xf32>
    %add3A_1256 = arith.addf %mul3A_1253, %mul3A_1254 : vector<16x1024xf32>
    %add3A_1257 = arith.addf %add3A_1255, %add3A_1256 : vector<16x1024xf32>
    %reduce_sum3A_1258 = arith.constant dense<0.000000e+00> : vector<1024xf32>
    %reduce_sum3A_1259 = vector.multi_reduction <add>, %add3A_1257, %reduce_sum3A_1258 [0] : vector<16x1024xf32> to vector<1024xf32>
    %broadcast_in_dim3A_1260 = vector.shape_cast %reduce_sum3A_1259 : vector<1024xf32> to vector<1x1024xf32>
    %mul3A_1261 = arith.mulf %mul3A_65, %sub3A_157 : vector<16x1024xf32>
    %mul3A_1262 = arith.mulf %mul3A_221, %sub3A_313 : vector<16x1024xf32>
    %mul3A_1263 = arith.mulf %mul3A_377, %sub3A_469 : vector<16x1024xf32>
    %mul3A_1264 = arith.mulf %mul3A_533, %sub3A_625 : vector<16x1024xf32>
    %add3A_1265 = arith.addf %mul3A_1261, %mul3A_1262 : vector<16x1024xf32>
    %add3A_1266 = arith.addf %mul3A_1263, %mul3A_1264 : vector<16x1024xf32>
    %add3A_1267 = arith.addf %add3A_1265, %add3A_1266 : vector<16x1024xf32>
    %reduce_sum3A_1268 = arith.constant dense<0.000000e+00> : vector<1024xf32>
    %reduce_sum3A_1269 = vector.multi_reduction <add>, %add3A_1267, %reduce_sum3A_1268 [0] : vector<16x1024xf32> to vector<1024xf32>
    %broadcast_in_dim3A_1270 = vector.shape_cast %reduce_sum3A_1269 : vector<1024xf32> to vector<1x1024xf32>
    %mul3A_1271 = arith.mulf %mul3A_65, %sub3A_161 : vector<16x1024xf32>
    %mul3A_1272 = arith.mulf %mul3A_221, %sub3A_317 : vector<16x1024xf32>
    %mul3A_1273 = arith.mulf %mul3A_377, %sub3A_473 : vector<16x1024xf32>
    %mul3A_1274 = arith.mulf %mul3A_533, %sub3A_629 : vector<16x1024xf32>
    %add3A_1275 = arith.addf %mul3A_1271, %mul3A_1272 : vector<16x1024xf32>
    %add3A_1276 = arith.addf %mul3A_1273, %mul3A_1274 : vector<16x1024xf32>
    %add3A_1277 = arith.addf %add3A_1275, %add3A_1276 : vector<16x1024xf32>
    %reduce_sum3A_1278 = arith.constant dense<0.000000e+00> : vector<1024xf32>
    %reduce_sum3A_1279 = vector.multi_reduction <add>, %add3A_1277, %reduce_sum3A_1278 [0] : vector<16x1024xf32> to vector<1024xf32>
    %broadcast_in_dim3A_1280 = vector.shape_cast %reduce_sum3A_1279 : vector<1024xf32> to vector<1x1024xf32>
    %mul3A_1281 = arith.mulf %mul3A_65, %sub3A_165 : vector<16x1024xf32>
    %mul3A_1282 = arith.mulf %mul3A_221, %sub3A_321 : vector<16x1024xf32>
    %mul3A_1283 = arith.mulf %mul3A_377, %sub3A_477 : vector<16x1024xf32>
    %mul3A_1284 = arith.mulf %mul3A_533, %sub3A_633 : vector<16x1024xf32>
    %add3A_1285 = arith.addf %mul3A_1281, %mul3A_1282 : vector<16x1024xf32>
    %add3A_1286 = arith.addf %mul3A_1283, %mul3A_1284 : vector<16x1024xf32>
    %add3A_1287 = arith.addf %add3A_1285, %add3A_1286 : vector<16x1024xf32>
    %reduce_sum3A_1288 = arith.constant dense<0.000000e+00> : vector<1024xf32>
    %reduce_sum3A_1289 = vector.multi_reduction <add>, %add3A_1287, %reduce_sum3A_1288 [0] : vector<16x1024xf32> to vector<1024xf32>
    %broadcast_in_dim3A_1290 = vector.shape_cast %reduce_sum3A_1289 : vector<1024xf32> to vector<1x1024xf32>
    %mul3A_1291 = arith.mulf %mul3A_73, %sub3A_125 : vector<16x1024xf32>
    %mul3A_1292 = arith.mulf %mul3A_229, %sub3A_281 : vector<16x1024xf32>
    %mul3A_1293 = arith.mulf %mul3A_385, %sub3A_437 : vector<16x1024xf32>
    %mul3A_1294 = arith.mulf %mul3A_541, %sub3A_593 : vector<16x1024xf32>
    %add3A_1295 = arith.addf %mul3A_1291, %mul3A_1292 : vector<16x1024xf32>
    %add3A_1296 = arith.addf %mul3A_1293, %mul3A_1294 : vector<16x1024xf32>
    %add3A_1297 = arith.addf %add3A_1295, %add3A_1296 : vector<16x1024xf32>
    %reduce_sum3A_1298 = arith.constant dense<0.000000e+00> : vector<1024xf32>
    %reduce_sum3A_1299 = vector.multi_reduction <add>, %add3A_1297, %reduce_sum3A_1298 [0] : vector<16x1024xf32> to vector<1024xf32>
    %broadcast_in_dim3A_1300 = vector.shape_cast %reduce_sum3A_1299 : vector<1024xf32> to vector<1x1024xf32>
    %mul3A_1301 = arith.mulf %mul3A_73, %sub3A_129 : vector<16x1024xf32>
    %mul3A_1302 = arith.mulf %mul3A_229, %sub3A_285 : vector<16x1024xf32>
    %mul3A_1303 = arith.mulf %mul3A_385, %sub3A_441 : vector<16x1024xf32>
    %mul3A_1304 = arith.mulf %mul3A_541, %sub3A_597 : vector<16x1024xf32>
    %add3A_1305 = arith.addf %mul3A_1301, %mul3A_1302 : vector<16x1024xf32>
    %add3A_1306 = arith.addf %mul3A_1303, %mul3A_1304 : vector<16x1024xf32>
    %add3A_1307 = arith.addf %add3A_1305, %add3A_1306 : vector<16x1024xf32>
    %reduce_sum3A_1308 = arith.constant dense<0.000000e+00> : vector<1024xf32>
    %reduce_sum3A_1309 = vector.multi_reduction <add>, %add3A_1307, %reduce_sum3A_1308 [0] : vector<16x1024xf32> to vector<1024xf32>
    %broadcast_in_dim3A_1310 = vector.shape_cast %reduce_sum3A_1309 : vector<1024xf32> to vector<1x1024xf32>
    %mul3A_1311 = arith.mulf %mul3A_73, %sub3A_133 : vector<16x1024xf32>
    %mul3A_1312 = arith.mulf %mul3A_229, %sub3A_289 : vector<16x1024xf32>
    %mul3A_1313 = arith.mulf %mul3A_385, %sub3A_445 : vector<16x1024xf32>
    %mul3A_1314 = arith.mulf %mul3A_541, %sub3A_601 : vector<16x1024xf32>
    %add3A_1315 = arith.addf %mul3A_1311, %mul3A_1312 : vector<16x1024xf32>
    %add3A_1316 = arith.addf %mul3A_1313, %mul3A_1314 : vector<16x1024xf32>
    %add3A_1317 = arith.addf %add3A_1315, %add3A_1316 : vector<16x1024xf32>
    %reduce_sum3A_1318 = arith.constant dense<0.000000e+00> : vector<1024xf32>
    %reduce_sum3A_1319 = vector.multi_reduction <add>, %add3A_1317, %reduce_sum3A_1318 [0] : vector<16x1024xf32> to vector<1024xf32>
    %broadcast_in_dim3A_1320 = vector.shape_cast %reduce_sum3A_1319 : vector<1024xf32> to vector<1x1024xf32>
    %mul3A_1321 = arith.mulf %mul3A_73, %sub3A_137 : vector<16x1024xf32>
    %mul3A_1322 = arith.mulf %mul3A_229, %sub3A_293 : vector<16x1024xf32>
    %mul3A_1323 = arith.mulf %mul3A_385, %sub3A_449 : vector<16x1024xf32>
    %mul3A_1324 = arith.mulf %mul3A_541, %sub3A_605 : vector<16x1024xf32>
    %add3A_1325 = arith.addf %mul3A_1321, %mul3A_1322 : vector<16x1024xf32>
    %add3A_1326 = arith.addf %mul3A_1323, %mul3A_1324 : vector<16x1024xf32>
    %add3A_1327 = arith.addf %add3A_1325, %add3A_1326 : vector<16x1024xf32>
    %reduce_sum3A_1328 = arith.constant dense<0.000000e+00> : vector<1024xf32>
    %reduce_sum3A_1329 = vector.multi_reduction <add>, %add3A_1327, %reduce_sum3A_1328 [0] : vector<16x1024xf32> to vector<1024xf32>
    %broadcast_in_dim3A_1330 = vector.shape_cast %reduce_sum3A_1329 : vector<1024xf32> to vector<1x1024xf32>
    %mul3A_1331 = arith.mulf %mul3A_73, %sub3A_141 : vector<16x1024xf32>
    %mul3A_1332 = arith.mulf %mul3A_229, %sub3A_297 : vector<16x1024xf32>
    %mul3A_1333 = arith.mulf %mul3A_385, %sub3A_453 : vector<16x1024xf32>
    %mul3A_1334 = arith.mulf %mul3A_541, %sub3A_609 : vector<16x1024xf32>
    %add3A_1335 = arith.addf %mul3A_1331, %mul3A_1332 : vector<16x1024xf32>
    %add3A_1336 = arith.addf %mul3A_1333, %mul3A_1334 : vector<16x1024xf32>
    %add3A_1337 = arith.addf %add3A_1335, %add3A_1336 : vector<16x1024xf32>
    %reduce_sum3A_1338 = arith.constant dense<0.000000e+00> : vector<1024xf32>
    %reduce_sum3A_1339 = vector.multi_reduction <add>, %add3A_1337, %reduce_sum3A_1338 [0] : vector<16x1024xf32> to vector<1024xf32>
    %broadcast_in_dim3A_1340 = vector.shape_cast %reduce_sum3A_1339 : vector<1024xf32> to vector<1x1024xf32>
    %mul3A_1341 = arith.mulf %mul3A_73, %sub3A_145 : vector<16x1024xf32>
    %mul3A_1342 = arith.mulf %mul3A_229, %sub3A_301 : vector<16x1024xf32>
    %mul3A_1343 = arith.mulf %mul3A_385, %sub3A_457 : vector<16x1024xf32>
    %mul3A_1344 = arith.mulf %mul3A_541, %sub3A_613 : vector<16x1024xf32>
    %add3A_1345 = arith.addf %mul3A_1341, %mul3A_1342 : vector<16x1024xf32>
    %add3A_1346 = arith.addf %mul3A_1343, %mul3A_1344 : vector<16x1024xf32>
    %add3A_1347 = arith.addf %add3A_1345, %add3A_1346 : vector<16x1024xf32>
    %reduce_sum3A_1348 = arith.constant dense<0.000000e+00> : vector<1024xf32>
    %reduce_sum3A_1349 = vector.multi_reduction <add>, %add3A_1347, %reduce_sum3A_1348 [0] : vector<16x1024xf32> to vector<1024xf32>
    %broadcast_in_dim3A_1350 = vector.shape_cast %reduce_sum3A_1349 : vector<1024xf32> to vector<1x1024xf32>
    %mul3A_1351 = arith.mulf %mul3A_73, %sub3A_149 : vector<16x1024xf32>
    %mul3A_1352 = arith.mulf %mul3A_229, %sub3A_305 : vector<16x1024xf32>
    %mul3A_1353 = arith.mulf %mul3A_385, %sub3A_461 : vector<16x1024xf32>
    %mul3A_1354 = arith.mulf %mul3A_541, %sub3A_617 : vector<16x1024xf32>
    %add3A_1355 = arith.addf %mul3A_1351, %mul3A_1352 : vector<16x1024xf32>
    %add3A_1356 = arith.addf %mul3A_1353, %mul3A_1354 : vector<16x1024xf32>
    %add3A_1357 = arith.addf %add3A_1355, %add3A_1356 : vector<16x1024xf32>
    %reduce_sum3A_1358 = arith.constant dense<0.000000e+00> : vector<1024xf32>
    %reduce_sum3A_1359 = vector.multi_reduction <add>, %add3A_1357, %reduce_sum3A_1358 [0] : vector<16x1024xf32> to vector<1024xf32>
    %broadcast_in_dim3A_1360 = vector.shape_cast %reduce_sum3A_1359 : vector<1024xf32> to vector<1x1024xf32>
    %mul3A_1361 = arith.mulf %mul3A_73, %sub3A_153 : vector<16x1024xf32>
    %mul3A_1362 = arith.mulf %mul3A_229, %sub3A_309 : vector<16x1024xf32>
    %mul3A_1363 = arith.mulf %mul3A_385, %sub3A_465 : vector<16x1024xf32>
    %mul3A_1364 = arith.mulf %mul3A_541, %sub3A_621 : vector<16x1024xf32>
    %add3A_1365 = arith.addf %mul3A_1361, %mul3A_1362 : vector<16x1024xf32>
    %add3A_1366 = arith.addf %mul3A_1363, %mul3A_1364 : vector<16x1024xf32>
    %add3A_1367 = arith.addf %add3A_1365, %add3A_1366 : vector<16x1024xf32>
    %reduce_sum3A_1368 = arith.constant dense<0.000000e+00> : vector<1024xf32>
    %reduce_sum3A_1369 = vector.multi_reduction <add>, %add3A_1367, %reduce_sum3A_1368 [0] : vector<16x1024xf32> to vector<1024xf32>
    %broadcast_in_dim3A_1370 = vector.shape_cast %reduce_sum3A_1369 : vector<1024xf32> to vector<1x1024xf32>
    %mul3A_1371 = arith.mulf %mul3A_73, %sub3A_157 : vector<16x1024xf32>
    %mul3A_1372 = arith.mulf %mul3A_229, %sub3A_313 : vector<16x1024xf32>
    %mul3A_1373 = arith.mulf %mul3A_385, %sub3A_469 : vector<16x1024xf32>
    %mul3A_1374 = arith.mulf %mul3A_541, %sub3A_625 : vector<16x1024xf32>
    %add3A_1375 = arith.addf %mul3A_1371, %mul3A_1372 : vector<16x1024xf32>
    %add3A_1376 = arith.addf %mul3A_1373, %mul3A_1374 : vector<16x1024xf32>
    %add3A_1377 = arith.addf %add3A_1375, %add3A_1376 : vector<16x1024xf32>
    %reduce_sum3A_1378 = arith.constant dense<0.000000e+00> : vector<1024xf32>
    %reduce_sum3A_1379 = vector.multi_reduction <add>, %add3A_1377, %reduce_sum3A_1378 [0] : vector<16x1024xf32> to vector<1024xf32>
    %broadcast_in_dim3A_1380 = vector.shape_cast %reduce_sum3A_1379 : vector<1024xf32> to vector<1x1024xf32>
    %mul3A_1381 = arith.mulf %mul3A_73, %sub3A_161 : vector<16x1024xf32>
    %mul3A_1382 = arith.mulf %mul3A_229, %sub3A_317 : vector<16x1024xf32>
    %mul3A_1383 = arith.mulf %mul3A_385, %sub3A_473 : vector<16x1024xf32>
    %mul3A_1384 = arith.mulf %mul3A_541, %sub3A_629 : vector<16x1024xf32>
    %add3A_1385 = arith.addf %mul3A_1381, %mul3A_1382 : vector<16x1024xf32>
    %add3A_1386 = arith.addf %mul3A_1383, %mul3A_1384 : vector<16x1024xf32>
    %add3A_1387 = arith.addf %add3A_1385, %add3A_1386 : vector<16x1024xf32>
    %reduce_sum3A_1388 = arith.constant dense<0.000000e+00> : vector<1024xf32>
    %reduce_sum3A_1389 = vector.multi_reduction <add>, %add3A_1387, %reduce_sum3A_1388 [0] : vector<16x1024xf32> to vector<1024xf32>
    %broadcast_in_dim3A_1390 = vector.shape_cast %reduce_sum3A_1389 : vector<1024xf32> to vector<1x1024xf32>
    %mul3A_1391 = arith.mulf %mul3A_73, %sub3A_165 : vector<16x1024xf32>
    %mul3A_1392 = arith.mulf %mul3A_229, %sub3A_321 : vector<16x1024xf32>
    %mul3A_1393 = arith.mulf %mul3A_385, %sub3A_477 : vector<16x1024xf32>
    %mul3A_1394 = arith.mulf %mul3A_541, %sub3A_633 : vector<16x1024xf32>
    %add3A_1395 = arith.addf %mul3A_1391, %mul3A_1392 : vector<16x1024xf32>
    %add3A_1396 = arith.addf %mul3A_1393, %mul3A_1394 : vector<16x1024xf32>
    %add3A_1397 = arith.addf %add3A_1395, %add3A_1396 : vector<16x1024xf32>
    %reduce_sum3A_1398 = arith.constant dense<0.000000e+00> : vector<1024xf32>
    %reduce_sum3A_1399 = vector.multi_reduction <add>, %add3A_1397, %reduce_sum3A_1398 [0] : vector<16x1024xf32> to vector<1024xf32>
    %broadcast_in_dim3A_1400 = vector.shape_cast %reduce_sum3A_1399 : vector<1024xf32> to vector<1x1024xf32>
    %mul3A_1401 = arith.mulf %mul3A_81, %sub3A_125 : vector<16x1024xf32>
    %mul3A_1402 = arith.mulf %mul3A_237, %sub3A_281 : vector<16x1024xf32>
    %mul3A_1403 = arith.mulf %mul3A_393, %sub3A_437 : vector<16x1024xf32>
    %mul3A_1404 = arith.mulf %mul3A_549, %sub3A_593 : vector<16x1024xf32>
    %add3A_1405 = arith.addf %mul3A_1401, %mul3A_1402 : vector<16x1024xf32>
    %add3A_1406 = arith.addf %mul3A_1403, %mul3A_1404 : vector<16x1024xf32>
    %add3A_1407 = arith.addf %add3A_1405, %add3A_1406 : vector<16x1024xf32>
    %reduce_sum3A_1408 = arith.constant dense<0.000000e+00> : vector<1024xf32>
    %reduce_sum3A_1409 = vector.multi_reduction <add>, %add3A_1407, %reduce_sum3A_1408 [0] : vector<16x1024xf32> to vector<1024xf32>
    %broadcast_in_dim3A_1410 = vector.shape_cast %reduce_sum3A_1409 : vector<1024xf32> to vector<1x1024xf32>
    %mul3A_1411 = arith.mulf %mul3A_81, %sub3A_129 : vector<16x1024xf32>
    %mul3A_1412 = arith.mulf %mul3A_237, %sub3A_285 : vector<16x1024xf32>
    %mul3A_1413 = arith.mulf %mul3A_393, %sub3A_441 : vector<16x1024xf32>
    %mul3A_1414 = arith.mulf %mul3A_549, %sub3A_597 : vector<16x1024xf32>
    %add3A_1415 = arith.addf %mul3A_1411, %mul3A_1412 : vector<16x1024xf32>
    %add3A_1416 = arith.addf %mul3A_1413, %mul3A_1414 : vector<16x1024xf32>
    %add3A_1417 = arith.addf %add3A_1415, %add3A_1416 : vector<16x1024xf32>
    %reduce_sum3A_1418 = arith.constant dense<0.000000e+00> : vector<1024xf32>
    %reduce_sum3A_1419 = vector.multi_reduction <add>, %add3A_1417, %reduce_sum3A_1418 [0] : vector<16x1024xf32> to vector<1024xf32>
    %broadcast_in_dim3A_1420 = vector.shape_cast %reduce_sum3A_1419 : vector<1024xf32> to vector<1x1024xf32>
    %mul3A_1421 = arith.mulf %mul3A_81, %sub3A_133 : vector<16x1024xf32>
    %mul3A_1422 = arith.mulf %mul3A_237, %sub3A_289 : vector<16x1024xf32>
    %mul3A_1423 = arith.mulf %mul3A_393, %sub3A_445 : vector<16x1024xf32>
    %mul3A_1424 = arith.mulf %mul3A_549, %sub3A_601 : vector<16x1024xf32>
    %add3A_1425 = arith.addf %mul3A_1421, %mul3A_1422 : vector<16x1024xf32>
    %add3A_1426 = arith.addf %mul3A_1423, %mul3A_1424 : vector<16x1024xf32>
    %add3A_1427 = arith.addf %add3A_1425, %add3A_1426 : vector<16x1024xf32>
    %reduce_sum3A_1428 = arith.constant dense<0.000000e+00> : vector<1024xf32>
    %reduce_sum3A_1429 = vector.multi_reduction <add>, %add3A_1427, %reduce_sum3A_1428 [0] : vector<16x1024xf32> to vector<1024xf32>
    %broadcast_in_dim3A_1430 = vector.shape_cast %reduce_sum3A_1429 : vector<1024xf32> to vector<1x1024xf32>
    %mul3A_1431 = arith.mulf %mul3A_81, %sub3A_137 : vector<16x1024xf32>
    %mul3A_1432 = arith.mulf %mul3A_237, %sub3A_293 : vector<16x1024xf32>
    %mul3A_1433 = arith.mulf %mul3A_393, %sub3A_449 : vector<16x1024xf32>
    %mul3A_1434 = arith.mulf %mul3A_549, %sub3A_605 : vector<16x1024xf32>
    %add3A_1435 = arith.addf %mul3A_1431, %mul3A_1432 : vector<16x1024xf32>
    %add3A_1436 = arith.addf %mul3A_1433, %mul3A_1434 : vector<16x1024xf32>
    %add3A_1437 = arith.addf %add3A_1435, %add3A_1436 : vector<16x1024xf32>
    %reduce_sum3A_1438 = arith.constant dense<0.000000e+00> : vector<1024xf32>
    %reduce_sum3A_1439 = vector.multi_reduction <add>, %add3A_1437, %reduce_sum3A_1438 [0] : vector<16x1024xf32> to vector<1024xf32>
    %broadcast_in_dim3A_1440 = vector.shape_cast %reduce_sum3A_1439 : vector<1024xf32> to vector<1x1024xf32>
    %mul3A_1441 = arith.mulf %mul3A_81, %sub3A_141 : vector<16x1024xf32>
    %mul3A_1442 = arith.mulf %mul3A_237, %sub3A_297 : vector<16x1024xf32>
    %mul3A_1443 = arith.mulf %mul3A_393, %sub3A_453 : vector<16x1024xf32>
    %mul3A_1444 = arith.mulf %mul3A_549, %sub3A_609 : vector<16x1024xf32>
    %add3A_1445 = arith.addf %mul3A_1441, %mul3A_1442 : vector<16x1024xf32>
    %add3A_1446 = arith.addf %mul3A_1443, %mul3A_1444 : vector<16x1024xf32>
    %add3A_1447 = arith.addf %add3A_1445, %add3A_1446 : vector<16x1024xf32>
    %reduce_sum3A_1448 = arith.constant dense<0.000000e+00> : vector<1024xf32>
    %reduce_sum3A_1449 = vector.multi_reduction <add>, %add3A_1447, %reduce_sum3A_1448 [0] : vector<16x1024xf32> to vector<1024xf32>
    %broadcast_in_dim3A_1450 = vector.shape_cast %reduce_sum3A_1449 : vector<1024xf32> to vector<1x1024xf32>
    %mul3A_1451 = arith.mulf %mul3A_81, %sub3A_145 : vector<16x1024xf32>
    %mul3A_1452 = arith.mulf %mul3A_237, %sub3A_301 : vector<16x1024xf32>
    %mul3A_1453 = arith.mulf %mul3A_393, %sub3A_457 : vector<16x1024xf32>
    %mul3A_1454 = arith.mulf %mul3A_549, %sub3A_613 : vector<16x1024xf32>
    %add3A_1455 = arith.addf %mul3A_1451, %mul3A_1452 : vector<16x1024xf32>
    %add3A_1456 = arith.addf %mul3A_1453, %mul3A_1454 : vector<16x1024xf32>
    %add3A_1457 = arith.addf %add3A_1455, %add3A_1456 : vector<16x1024xf32>
    %reduce_sum3A_1458 = arith.constant dense<0.000000e+00> : vector<1024xf32>
    %reduce_sum3A_1459 = vector.multi_reduction <add>, %add3A_1457, %reduce_sum3A_1458 [0] : vector<16x1024xf32> to vector<1024xf32>
    %broadcast_in_dim3A_1460 = vector.shape_cast %reduce_sum3A_1459 : vector<1024xf32> to vector<1x1024xf32>
    %mul3A_1461 = arith.mulf %mul3A_81, %sub3A_149 : vector<16x1024xf32>
    %mul3A_1462 = arith.mulf %mul3A_237, %sub3A_305 : vector<16x1024xf32>
    %mul3A_1463 = arith.mulf %mul3A_393, %sub3A_461 : vector<16x1024xf32>
    %mul3A_1464 = arith.mulf %mul3A_549, %sub3A_617 : vector<16x1024xf32>
    %add3A_1465 = arith.addf %mul3A_1461, %mul3A_1462 : vector<16x1024xf32>
    %add3A_1466 = arith.addf %mul3A_1463, %mul3A_1464 : vector<16x1024xf32>
    %add3A_1467 = arith.addf %add3A_1465, %add3A_1466 : vector<16x1024xf32>
    %reduce_sum3A_1468 = arith.constant dense<0.000000e+00> : vector<1024xf32>
    %reduce_sum3A_1469 = vector.multi_reduction <add>, %add3A_1467, %reduce_sum3A_1468 [0] : vector<16x1024xf32> to vector<1024xf32>
    %broadcast_in_dim3A_1470 = vector.shape_cast %reduce_sum3A_1469 : vector<1024xf32> to vector<1x1024xf32>
    %mul3A_1471 = arith.mulf %mul3A_81, %sub3A_153 : vector<16x1024xf32>
    %mul3A_1472 = arith.mulf %mul3A_237, %sub3A_309 : vector<16x1024xf32>
    %mul3A_1473 = arith.mulf %mul3A_393, %sub3A_465 : vector<16x1024xf32>
    %mul3A_1474 = arith.mulf %mul3A_549, %sub3A_621 : vector<16x1024xf32>
    %add3A_1475 = arith.addf %mul3A_1471, %mul3A_1472 : vector<16x1024xf32>
    %add3A_1476 = arith.addf %mul3A_1473, %mul3A_1474 : vector<16x1024xf32>
    %add3A_1477 = arith.addf %add3A_1475, %add3A_1476 : vector<16x1024xf32>
    %reduce_sum3A_1478 = arith.constant dense<0.000000e+00> : vector<1024xf32>
    %reduce_sum3A_1479 = vector.multi_reduction <add>, %add3A_1477, %reduce_sum3A_1478 [0] : vector<16x1024xf32> to vector<1024xf32>
    %broadcast_in_dim3A_1480 = vector.shape_cast %reduce_sum3A_1479 : vector<1024xf32> to vector<1x1024xf32>
    %mul3A_1481 = arith.mulf %mul3A_81, %sub3A_157 : vector<16x1024xf32>
    %mul3A_1482 = arith.mulf %mul3A_237, %sub3A_313 : vector<16x1024xf32>
    %mul3A_1483 = arith.mulf %mul3A_393, %sub3A_469 : vector<16x1024xf32>
    %mul3A_1484 = arith.mulf %mul3A_549, %sub3A_625 : vector<16x1024xf32>
    %add3A_1485 = arith.addf %mul3A_1481, %mul3A_1482 : vector<16x1024xf32>
    %add3A_1486 = arith.addf %mul3A_1483, %mul3A_1484 : vector<16x1024xf32>
    %add3A_1487 = arith.addf %add3A_1485, %add3A_1486 : vector<16x1024xf32>
    %reduce_sum3A_1488 = arith.constant dense<0.000000e+00> : vector<1024xf32>
    %reduce_sum3A_1489 = vector.multi_reduction <add>, %add3A_1487, %reduce_sum3A_1488 [0] : vector<16x1024xf32> to vector<1024xf32>
    %broadcast_in_dim3A_1490 = vector.shape_cast %reduce_sum3A_1489 : vector<1024xf32> to vector<1x1024xf32>
    %mul3A_1491 = arith.mulf %mul3A_81, %sub3A_161 : vector<16x1024xf32>
    %mul3A_1492 = arith.mulf %mul3A_237, %sub3A_317 : vector<16x1024xf32>
    %mul3A_1493 = arith.mulf %mul3A_393, %sub3A_473 : vector<16x1024xf32>
    %mul3A_1494 = arith.mulf %mul3A_549, %sub3A_629 : vector<16x1024xf32>
    %add3A_1495 = arith.addf %mul3A_1491, %mul3A_1492 : vector<16x1024xf32>
    %add3A_1496 = arith.addf %mul3A_1493, %mul3A_1494 : vector<16x1024xf32>
    %add3A_1497 = arith.addf %add3A_1495, %add3A_1496 : vector<16x1024xf32>
    %reduce_sum3A_1498 = arith.constant dense<0.000000e+00> : vector<1024xf32>
    %reduce_sum3A_1499 = vector.multi_reduction <add>, %add3A_1497, %reduce_sum3A_1498 [0] : vector<16x1024xf32> to vector<1024xf32>
    %broadcast_in_dim3A_1500 = vector.shape_cast %reduce_sum3A_1499 : vector<1024xf32> to vector<1x1024xf32>
    %mul3A_1501 = arith.mulf %mul3A_81, %sub3A_165 : vector<16x1024xf32>
    %mul3A_1502 = arith.mulf %mul3A_237, %sub3A_321 : vector<16x1024xf32>
    %mul3A_1503 = arith.mulf %mul3A_393, %sub3A_477 : vector<16x1024xf32>
    %mul3A_1504 = arith.mulf %mul3A_549, %sub3A_633 : vector<16x1024xf32>
    %add3A_1505 = arith.addf %mul3A_1501, %mul3A_1502 : vector<16x1024xf32>
    %add3A_1506 = arith.addf %mul3A_1503, %mul3A_1504 : vector<16x1024xf32>
    %add3A_1507 = arith.addf %add3A_1505, %add3A_1506 : vector<16x1024xf32>
    %reduce_sum3A_1508 = arith.constant dense<0.000000e+00> : vector<1024xf32>
    %reduce_sum3A_1509 = vector.multi_reduction <add>, %add3A_1507, %reduce_sum3A_1508 [0] : vector<16x1024xf32> to vector<1024xf32>
    %broadcast_in_dim3A_1510 = vector.shape_cast %reduce_sum3A_1509 : vector<1024xf32> to vector<1x1024xf32>
    %mul3A_1511 = arith.mulf %mul3A_89, %sub3A_125 : vector<16x1024xf32>
    %mul3A_1512 = arith.mulf %mul3A_245, %sub3A_281 : vector<16x1024xf32>
    %mul3A_1513 = arith.mulf %mul3A_401, %sub3A_437 : vector<16x1024xf32>
    %mul3A_1514 = arith.mulf %mul3A_557, %sub3A_593 : vector<16x1024xf32>
    %add3A_1515 = arith.addf %mul3A_1511, %mul3A_1512 : vector<16x1024xf32>
    %add3A_1516 = arith.addf %mul3A_1513, %mul3A_1514 : vector<16x1024xf32>
    %add3A_1517 = arith.addf %add3A_1515, %add3A_1516 : vector<16x1024xf32>
    %reduce_sum3A_1518 = arith.constant dense<0.000000e+00> : vector<1024xf32>
    %reduce_sum3A_1519 = vector.multi_reduction <add>, %add3A_1517, %reduce_sum3A_1518 [0] : vector<16x1024xf32> to vector<1024xf32>
    %broadcast_in_dim3A_1520 = vector.shape_cast %reduce_sum3A_1519 : vector<1024xf32> to vector<1x1024xf32>
    %mul3A_1521 = arith.mulf %mul3A_89, %sub3A_129 : vector<16x1024xf32>
    %mul3A_1522 = arith.mulf %mul3A_245, %sub3A_285 : vector<16x1024xf32>
    %mul3A_1523 = arith.mulf %mul3A_401, %sub3A_441 : vector<16x1024xf32>
    %mul3A_1524 = arith.mulf %mul3A_557, %sub3A_597 : vector<16x1024xf32>
    %add3A_1525 = arith.addf %mul3A_1521, %mul3A_1522 : vector<16x1024xf32>
    %add3A_1526 = arith.addf %mul3A_1523, %mul3A_1524 : vector<16x1024xf32>
    %add3A_1527 = arith.addf %add3A_1525, %add3A_1526 : vector<16x1024xf32>
    %reduce_sum3A_1528 = arith.constant dense<0.000000e+00> : vector<1024xf32>
    %reduce_sum3A_1529 = vector.multi_reduction <add>, %add3A_1527, %reduce_sum3A_1528 [0] : vector<16x1024xf32> to vector<1024xf32>
    %broadcast_in_dim3A_1530 = vector.shape_cast %reduce_sum3A_1529 : vector<1024xf32> to vector<1x1024xf32>
    %mul3A_1531 = arith.mulf %mul3A_89, %sub3A_133 : vector<16x1024xf32>
    %mul3A_1532 = arith.mulf %mul3A_245, %sub3A_289 : vector<16x1024xf32>
    %mul3A_1533 = arith.mulf %mul3A_401, %sub3A_445 : vector<16x1024xf32>
    %mul3A_1534 = arith.mulf %mul3A_557, %sub3A_601 : vector<16x1024xf32>
    %add3A_1535 = arith.addf %mul3A_1531, %mul3A_1532 : vector<16x1024xf32>
    %add3A_1536 = arith.addf %mul3A_1533, %mul3A_1534 : vector<16x1024xf32>
    %add3A_1537 = arith.addf %add3A_1535, %add3A_1536 : vector<16x1024xf32>
    %reduce_sum3A_1538 = arith.constant dense<0.000000e+00> : vector<1024xf32>
    %reduce_sum3A_1539 = vector.multi_reduction <add>, %add3A_1537, %reduce_sum3A_1538 [0] : vector<16x1024xf32> to vector<1024xf32>
    %broadcast_in_dim3A_1540 = vector.shape_cast %reduce_sum3A_1539 : vector<1024xf32> to vector<1x1024xf32>
    %mul3A_1541 = arith.mulf %mul3A_89, %sub3A_137 : vector<16x1024xf32>
    %mul3A_1542 = arith.mulf %mul3A_245, %sub3A_293 : vector<16x1024xf32>
    %mul3A_1543 = arith.mulf %mul3A_401, %sub3A_449 : vector<16x1024xf32>
    %mul3A_1544 = arith.mulf %mul3A_557, %sub3A_605 : vector<16x1024xf32>
    %add3A_1545 = arith.addf %mul3A_1541, %mul3A_1542 : vector<16x1024xf32>
    %add3A_1546 = arith.addf %mul3A_1543, %mul3A_1544 : vector<16x1024xf32>
    %add3A_1547 = arith.addf %add3A_1545, %add3A_1546 : vector<16x1024xf32>
    %reduce_sum3A_1548 = arith.constant dense<0.000000e+00> : vector<1024xf32>
    %reduce_sum3A_1549 = vector.multi_reduction <add>, %add3A_1547, %reduce_sum3A_1548 [0] : vector<16x1024xf32> to vector<1024xf32>
    %broadcast_in_dim3A_1550 = vector.shape_cast %reduce_sum3A_1549 : vector<1024xf32> to vector<1x1024xf32>
    %mul3A_1551 = arith.mulf %mul3A_89, %sub3A_141 : vector<16x1024xf32>
    %mul3A_1552 = arith.mulf %mul3A_245, %sub3A_297 : vector<16x1024xf32>
    %mul3A_1553 = arith.mulf %mul3A_401, %sub3A_453 : vector<16x1024xf32>
    %mul3A_1554 = arith.mulf %mul3A_557, %sub3A_609 : vector<16x1024xf32>
    %add3A_1555 = arith.addf %mul3A_1551, %mul3A_1552 : vector<16x1024xf32>
    %add3A_1556 = arith.addf %mul3A_1553, %mul3A_1554 : vector<16x1024xf32>
    %add3A_1557 = arith.addf %add3A_1555, %add3A_1556 : vector<16x1024xf32>
    %reduce_sum3A_1558 = arith.constant dense<0.000000e+00> : vector<1024xf32>
    %reduce_sum3A_1559 = vector.multi_reduction <add>, %add3A_1557, %reduce_sum3A_1558 [0] : vector<16x1024xf32> to vector<1024xf32>
    %broadcast_in_dim3A_1560 = vector.shape_cast %reduce_sum3A_1559 : vector<1024xf32> to vector<1x1024xf32>
    %mul3A_1561 = arith.mulf %mul3A_89, %sub3A_145 : vector<16x1024xf32>
    %mul3A_1562 = arith.mulf %mul3A_245, %sub3A_301 : vector<16x1024xf32>
    %mul3A_1563 = arith.mulf %mul3A_401, %sub3A_457 : vector<16x1024xf32>
    %mul3A_1564 = arith.mulf %mul3A_557, %sub3A_613 : vector<16x1024xf32>
    %add3A_1565 = arith.addf %mul3A_1561, %mul3A_1562 : vector<16x1024xf32>
    %add3A_1566 = arith.addf %mul3A_1563, %mul3A_1564 : vector<16x1024xf32>
    %add3A_1567 = arith.addf %add3A_1565, %add3A_1566 : vector<16x1024xf32>
    %reduce_sum3A_1568 = arith.constant dense<0.000000e+00> : vector<1024xf32>
    %reduce_sum3A_1569 = vector.multi_reduction <add>, %add3A_1567, %reduce_sum3A_1568 [0] : vector<16x1024xf32> to vector<1024xf32>
    %broadcast_in_dim3A_1570 = vector.shape_cast %reduce_sum3A_1569 : vector<1024xf32> to vector<1x1024xf32>
    %mul3A_1571 = arith.mulf %mul3A_89, %sub3A_149 : vector<16x1024xf32>
    %mul3A_1572 = arith.mulf %mul3A_245, %sub3A_305 : vector<16x1024xf32>
    %mul3A_1573 = arith.mulf %mul3A_401, %sub3A_461 : vector<16x1024xf32>
    %mul3A_1574 = arith.mulf %mul3A_557, %sub3A_617 : vector<16x1024xf32>
    %add3A_1575 = arith.addf %mul3A_1571, %mul3A_1572 : vector<16x1024xf32>
    %add3A_1576 = arith.addf %mul3A_1573, %mul3A_1574 : vector<16x1024xf32>
    %add3A_1577 = arith.addf %add3A_1575, %add3A_1576 : vector<16x1024xf32>
    %reduce_sum3A_1578 = arith.constant dense<0.000000e+00> : vector<1024xf32>
    %reduce_sum3A_1579 = vector.multi_reduction <add>, %add3A_1577, %reduce_sum3A_1578 [0] : vector<16x1024xf32> to vector<1024xf32>
    %broadcast_in_dim3A_1580 = vector.shape_cast %reduce_sum3A_1579 : vector<1024xf32> to vector<1x1024xf32>
    %mul3A_1581 = arith.mulf %mul3A_89, %sub3A_153 : vector<16x1024xf32>
    %mul3A_1582 = arith.mulf %mul3A_245, %sub3A_309 : vector<16x1024xf32>
    %mul3A_1583 = arith.mulf %mul3A_401, %sub3A_465 : vector<16x1024xf32>
    %mul3A_1584 = arith.mulf %mul3A_557, %sub3A_621 : vector<16x1024xf32>
    %add3A_1585 = arith.addf %mul3A_1581, %mul3A_1582 : vector<16x1024xf32>
    %add3A_1586 = arith.addf %mul3A_1583, %mul3A_1584 : vector<16x1024xf32>
    %add3A_1587 = arith.addf %add3A_1585, %add3A_1586 : vector<16x1024xf32>
    %reduce_sum3A_1588 = arith.constant dense<0.000000e+00> : vector<1024xf32>
    %reduce_sum3A_1589 = vector.multi_reduction <add>, %add3A_1587, %reduce_sum3A_1588 [0] : vector<16x1024xf32> to vector<1024xf32>
    %broadcast_in_dim3A_1590 = vector.shape_cast %reduce_sum3A_1589 : vector<1024xf32> to vector<1x1024xf32>
    %mul3A_1591 = arith.mulf %mul3A_89, %sub3A_157 : vector<16x1024xf32>
    %mul3A_1592 = arith.mulf %mul3A_245, %sub3A_313 : vector<16x1024xf32>
    %mul3A_1593 = arith.mulf %mul3A_401, %sub3A_469 : vector<16x1024xf32>
    %mul3A_1594 = arith.mulf %mul3A_557, %sub3A_625 : vector<16x1024xf32>
    %add3A_1595 = arith.addf %mul3A_1591, %mul3A_1592 : vector<16x1024xf32>
    %add3A_1596 = arith.addf %mul3A_1593, %mul3A_1594 : vector<16x1024xf32>
    %add3A_1597 = arith.addf %add3A_1595, %add3A_1596 : vector<16x1024xf32>
    %reduce_sum3A_1598 = arith.constant dense<0.000000e+00> : vector<1024xf32>
    %reduce_sum3A_1599 = vector.multi_reduction <add>, %add3A_1597, %reduce_sum3A_1598 [0] : vector<16x1024xf32> to vector<1024xf32>
    %broadcast_in_dim3A_1600 = vector.shape_cast %reduce_sum3A_1599 : vector<1024xf32> to vector<1x1024xf32>
    %mul3A_1601 = arith.mulf %mul3A_89, %sub3A_161 : vector<16x1024xf32>
    %mul3A_1602 = arith.mulf %mul3A_245, %sub3A_317 : vector<16x1024xf32>
    %mul3A_1603 = arith.mulf %mul3A_401, %sub3A_473 : vector<16x1024xf32>
    %mul3A_1604 = arith.mulf %mul3A_557, %sub3A_629 : vector<16x1024xf32>
    %add3A_1605 = arith.addf %mul3A_1601, %mul3A_1602 : vector<16x1024xf32>
    %add3A_1606 = arith.addf %mul3A_1603, %mul3A_1604 : vector<16x1024xf32>
    %add3A_1607 = arith.addf %add3A_1605, %add3A_1606 : vector<16x1024xf32>
    %reduce_sum3A_1608 = arith.constant dense<0.000000e+00> : vector<1024xf32>
    %reduce_sum3A_1609 = vector.multi_reduction <add>, %add3A_1607, %reduce_sum3A_1608 [0] : vector<16x1024xf32> to vector<1024xf32>
    %broadcast_in_dim3A_1610 = vector.shape_cast %reduce_sum3A_1609 : vector<1024xf32> to vector<1x1024xf32>
    %mul3A_1611 = arith.mulf %mul3A_89, %sub3A_165 : vector<16x1024xf32>
    %mul3A_1612 = arith.mulf %mul3A_245, %sub3A_321 : vector<16x1024xf32>
    %mul3A_1613 = arith.mulf %mul3A_401, %sub3A_477 : vector<16x1024xf32>
    %mul3A_1614 = arith.mulf %mul3A_557, %sub3A_633 : vector<16x1024xf32>
    %add3A_1615 = arith.addf %mul3A_1611, %mul3A_1612 : vector<16x1024xf32>
    %add3A_1616 = arith.addf %mul3A_1613, %mul3A_1614 : vector<16x1024xf32>
    %add3A_1617 = arith.addf %add3A_1615, %add3A_1616 : vector<16x1024xf32>
    %reduce_sum3A_1618 = arith.constant dense<0.000000e+00> : vector<1024xf32>
    %reduce_sum3A_1619 = vector.multi_reduction <add>, %add3A_1617, %reduce_sum3A_1618 [0] : vector<16x1024xf32> to vector<1024xf32>
    %broadcast_in_dim3A_1620 = vector.shape_cast %reduce_sum3A_1619 : vector<1024xf32> to vector<1x1024xf32>
    %mul3A_1621 = arith.mulf %mul3A_97, %sub3A_125 : vector<16x1024xf32>
    %mul3A_1622 = arith.mulf %mul3A_253, %sub3A_281 : vector<16x1024xf32>
    %mul3A_1623 = arith.mulf %mul3A_409, %sub3A_437 : vector<16x1024xf32>
    %mul3A_1624 = arith.mulf %mul3A_565, %sub3A_593 : vector<16x1024xf32>
    %add3A_1625 = arith.addf %mul3A_1621, %mul3A_1622 : vector<16x1024xf32>
    %add3A_1626 = arith.addf %mul3A_1623, %mul3A_1624 : vector<16x1024xf32>
    %add3A_1627 = arith.addf %add3A_1625, %add3A_1626 : vector<16x1024xf32>
    %reduce_sum3A_1628 = arith.constant dense<0.000000e+00> : vector<1024xf32>
    %reduce_sum3A_1629 = vector.multi_reduction <add>, %add3A_1627, %reduce_sum3A_1628 [0] : vector<16x1024xf32> to vector<1024xf32>
    %broadcast_in_dim3A_1630 = vector.shape_cast %reduce_sum3A_1629 : vector<1024xf32> to vector<1x1024xf32>
    %mul3A_1631 = arith.mulf %mul3A_97, %sub3A_129 : vector<16x1024xf32>
    %mul3A_1632 = arith.mulf %mul3A_253, %sub3A_285 : vector<16x1024xf32>
    %mul3A_1633 = arith.mulf %mul3A_409, %sub3A_441 : vector<16x1024xf32>
    %mul3A_1634 = arith.mulf %mul3A_565, %sub3A_597 : vector<16x1024xf32>
    %add3A_1635 = arith.addf %mul3A_1631, %mul3A_1632 : vector<16x1024xf32>
    %add3A_1636 = arith.addf %mul3A_1633, %mul3A_1634 : vector<16x1024xf32>
    %add3A_1637 = arith.addf %add3A_1635, %add3A_1636 : vector<16x1024xf32>
    %reduce_sum3A_1638 = arith.constant dense<0.000000e+00> : vector<1024xf32>
    %reduce_sum3A_1639 = vector.multi_reduction <add>, %add3A_1637, %reduce_sum3A_1638 [0] : vector<16x1024xf32> to vector<1024xf32>
    %broadcast_in_dim3A_1640 = vector.shape_cast %reduce_sum3A_1639 : vector<1024xf32> to vector<1x1024xf32>
    %mul3A_1641 = arith.mulf %mul3A_97, %sub3A_133 : vector<16x1024xf32>
    %mul3A_1642 = arith.mulf %mul3A_253, %sub3A_289 : vector<16x1024xf32>
    %mul3A_1643 = arith.mulf %mul3A_409, %sub3A_445 : vector<16x1024xf32>
    %mul3A_1644 = arith.mulf %mul3A_565, %sub3A_601 : vector<16x1024xf32>
    %add3A_1645 = arith.addf %mul3A_1641, %mul3A_1642 : vector<16x1024xf32>
    %add3A_1646 = arith.addf %mul3A_1643, %mul3A_1644 : vector<16x1024xf32>
    %add3A_1647 = arith.addf %add3A_1645, %add3A_1646 : vector<16x1024xf32>
    %reduce_sum3A_1648 = arith.constant dense<0.000000e+00> : vector<1024xf32>
    %reduce_sum3A_1649 = vector.multi_reduction <add>, %add3A_1647, %reduce_sum3A_1648 [0] : vector<16x1024xf32> to vector<1024xf32>
    %broadcast_in_dim3A_1650 = vector.shape_cast %reduce_sum3A_1649 : vector<1024xf32> to vector<1x1024xf32>
    %mul3A_1651 = arith.mulf %mul3A_97, %sub3A_137 : vector<16x1024xf32>
    %mul3A_1652 = arith.mulf %mul3A_253, %sub3A_293 : vector<16x1024xf32>
    %mul3A_1653 = arith.mulf %mul3A_409, %sub3A_449 : vector<16x1024xf32>
    %mul3A_1654 = arith.mulf %mul3A_565, %sub3A_605 : vector<16x1024xf32>
    %add3A_1655 = arith.addf %mul3A_1651, %mul3A_1652 : vector<16x1024xf32>
    %add3A_1656 = arith.addf %mul3A_1653, %mul3A_1654 : vector<16x1024xf32>
    %add3A_1657 = arith.addf %add3A_1655, %add3A_1656 : vector<16x1024xf32>
    %reduce_sum3A_1658 = arith.constant dense<0.000000e+00> : vector<1024xf32>
    %reduce_sum3A_1659 = vector.multi_reduction <add>, %add3A_1657, %reduce_sum3A_1658 [0] : vector<16x1024xf32> to vector<1024xf32>
    %broadcast_in_dim3A_1660 = vector.shape_cast %reduce_sum3A_1659 : vector<1024xf32> to vector<1x1024xf32>
    %mul3A_1661 = arith.mulf %mul3A_97, %sub3A_141 : vector<16x1024xf32>
    %mul3A_1662 = arith.mulf %mul3A_253, %sub3A_297 : vector<16x1024xf32>
    %mul3A_1663 = arith.mulf %mul3A_409, %sub3A_453 : vector<16x1024xf32>
    %mul3A_1664 = arith.mulf %mul3A_565, %sub3A_609 : vector<16x1024xf32>
    %add3A_1665 = arith.addf %mul3A_1661, %mul3A_1662 : vector<16x1024xf32>
    %add3A_1666 = arith.addf %mul3A_1663, %mul3A_1664 : vector<16x1024xf32>
    %add3A_1667 = arith.addf %add3A_1665, %add3A_1666 : vector<16x1024xf32>
    %reduce_sum3A_1668 = arith.constant dense<0.000000e+00> : vector<1024xf32>
    %reduce_sum3A_1669 = vector.multi_reduction <add>, %add3A_1667, %reduce_sum3A_1668 [0] : vector<16x1024xf32> to vector<1024xf32>
    %broadcast_in_dim3A_1670 = vector.shape_cast %reduce_sum3A_1669 : vector<1024xf32> to vector<1x1024xf32>
    %mul3A_1671 = arith.mulf %mul3A_97, %sub3A_145 : vector<16x1024xf32>
    %mul3A_1672 = arith.mulf %mul3A_253, %sub3A_301 : vector<16x1024xf32>
    %mul3A_1673 = arith.mulf %mul3A_409, %sub3A_457 : vector<16x1024xf32>
    %mul3A_1674 = arith.mulf %mul3A_565, %sub3A_613 : vector<16x1024xf32>
    %add3A_1675 = arith.addf %mul3A_1671, %mul3A_1672 : vector<16x1024xf32>
    %add3A_1676 = arith.addf %mul3A_1673, %mul3A_1674 : vector<16x1024xf32>
    %add3A_1677 = arith.addf %add3A_1675, %add3A_1676 : vector<16x1024xf32>
    %reduce_sum3A_1678 = arith.constant dense<0.000000e+00> : vector<1024xf32>
    %reduce_sum3A_1679 = vector.multi_reduction <add>, %add3A_1677, %reduce_sum3A_1678 [0] : vector<16x1024xf32> to vector<1024xf32>
    %broadcast_in_dim3A_1680 = vector.shape_cast %reduce_sum3A_1679 : vector<1024xf32> to vector<1x1024xf32>
    %mul3A_1681 = arith.mulf %mul3A_97, %sub3A_149 : vector<16x1024xf32>
    %mul3A_1682 = arith.mulf %mul3A_253, %sub3A_305 : vector<16x1024xf32>
    %mul3A_1683 = arith.mulf %mul3A_409, %sub3A_461 : vector<16x1024xf32>
    %mul3A_1684 = arith.mulf %mul3A_565, %sub3A_617 : vector<16x1024xf32>
    %add3A_1685 = arith.addf %mul3A_1681, %mul3A_1682 : vector<16x1024xf32>
    %add3A_1686 = arith.addf %mul3A_1683, %mul3A_1684 : vector<16x1024xf32>
    %add3A_1687 = arith.addf %add3A_1685, %add3A_1686 : vector<16x1024xf32>
    %reduce_sum3A_1688 = arith.constant dense<0.000000e+00> : vector<1024xf32>
    %reduce_sum3A_1689 = vector.multi_reduction <add>, %add3A_1687, %reduce_sum3A_1688 [0] : vector<16x1024xf32> to vector<1024xf32>
    %broadcast_in_dim3A_1690 = vector.shape_cast %reduce_sum3A_1689 : vector<1024xf32> to vector<1x1024xf32>
    %mul3A_1691 = arith.mulf %mul3A_97, %sub3A_153 : vector<16x1024xf32>
    %mul3A_1692 = arith.mulf %mul3A_253, %sub3A_309 : vector<16x1024xf32>
    %mul3A_1693 = arith.mulf %mul3A_409, %sub3A_465 : vector<16x1024xf32>
    %mul3A_1694 = arith.mulf %mul3A_565, %sub3A_621 : vector<16x1024xf32>
    %add3A_1695 = arith.addf %mul3A_1691, %mul3A_1692 : vector<16x1024xf32>
    %add3A_1696 = arith.addf %mul3A_1693, %mul3A_1694 : vector<16x1024xf32>
    %add3A_1697 = arith.addf %add3A_1695, %add3A_1696 : vector<16x1024xf32>
    %reduce_sum3A_1698 = arith.constant dense<0.000000e+00> : vector<1024xf32>
    %reduce_sum3A_1699 = vector.multi_reduction <add>, %add3A_1697, %reduce_sum3A_1698 [0] : vector<16x1024xf32> to vector<1024xf32>
    %broadcast_in_dim3A_1700 = vector.shape_cast %reduce_sum3A_1699 : vector<1024xf32> to vector<1x1024xf32>
    %mul3A_1701 = arith.mulf %mul3A_97, %sub3A_157 : vector<16x1024xf32>
    %mul3A_1702 = arith.mulf %mul3A_253, %sub3A_313 : vector<16x1024xf32>
    %mul3A_1703 = arith.mulf %mul3A_409, %sub3A_469 : vector<16x1024xf32>
    %mul3A_1704 = arith.mulf %mul3A_565, %sub3A_625 : vector<16x1024xf32>
    %add3A_1705 = arith.addf %mul3A_1701, %mul3A_1702 : vector<16x1024xf32>
    %add3A_1706 = arith.addf %mul3A_1703, %mul3A_1704 : vector<16x1024xf32>
    %add3A_1707 = arith.addf %add3A_1705, %add3A_1706 : vector<16x1024xf32>
    %reduce_sum3A_1708 = arith.constant dense<0.000000e+00> : vector<1024xf32>
    %reduce_sum3A_1709 = vector.multi_reduction <add>, %add3A_1707, %reduce_sum3A_1708 [0] : vector<16x1024xf32> to vector<1024xf32>
    %broadcast_in_dim3A_1710 = vector.shape_cast %reduce_sum3A_1709 : vector<1024xf32> to vector<1x1024xf32>
    %mul3A_1711 = arith.mulf %mul3A_97, %sub3A_161 : vector<16x1024xf32>
    %mul3A_1712 = arith.mulf %mul3A_253, %sub3A_317 : vector<16x1024xf32>
    %mul3A_1713 = arith.mulf %mul3A_409, %sub3A_473 : vector<16x1024xf32>
    %mul3A_1714 = arith.mulf %mul3A_565, %sub3A_629 : vector<16x1024xf32>
    %add3A_1715 = arith.addf %mul3A_1711, %mul3A_1712 : vector<16x1024xf32>
    %add3A_1716 = arith.addf %mul3A_1713, %mul3A_1714 : vector<16x1024xf32>
    %add3A_1717 = arith.addf %add3A_1715, %add3A_1716 : vector<16x1024xf32>
    %reduce_sum3A_1718 = arith.constant dense<0.000000e+00> : vector<1024xf32>
    %reduce_sum3A_1719 = vector.multi_reduction <add>, %add3A_1717, %reduce_sum3A_1718 [0] : vector<16x1024xf32> to vector<1024xf32>
    %broadcast_in_dim3A_1720 = vector.shape_cast %reduce_sum3A_1719 : vector<1024xf32> to vector<1x1024xf32>
    %mul3A_1721 = arith.mulf %mul3A_97, %sub3A_165 : vector<16x1024xf32>
    %mul3A_1722 = arith.mulf %mul3A_253, %sub3A_321 : vector<16x1024xf32>
    %mul3A_1723 = arith.mulf %mul3A_409, %sub3A_477 : vector<16x1024xf32>
    %mul3A_1724 = arith.mulf %mul3A_565, %sub3A_633 : vector<16x1024xf32>
    %add3A_1725 = arith.addf %mul3A_1721, %mul3A_1722 : vector<16x1024xf32>
    %add3A_1726 = arith.addf %mul3A_1723, %mul3A_1724 : vector<16x1024xf32>
    %add3A_1727 = arith.addf %add3A_1725, %add3A_1726 : vector<16x1024xf32>
    %reduce_sum3A_1728 = arith.constant dense<0.000000e+00> : vector<1024xf32>
    %reduce_sum3A_1729 = vector.multi_reduction <add>, %add3A_1727, %reduce_sum3A_1728 [0] : vector<16x1024xf32> to vector<1024xf32>
    %broadcast_in_dim3A_1730 = vector.shape_cast %reduce_sum3A_1729 : vector<1024xf32> to vector<1x1024xf32>
    %mul3A_1731 = arith.mulf %mul3A_105, %sub3A_125 : vector<16x1024xf32>
    %mul3A_1732 = arith.mulf %mul3A_261, %sub3A_281 : vector<16x1024xf32>
    %mul3A_1733 = arith.mulf %mul3A_417, %sub3A_437 : vector<16x1024xf32>
    %mul3A_1734 = arith.mulf %mul3A_573, %sub3A_593 : vector<16x1024xf32>
    %add3A_1735 = arith.addf %mul3A_1731, %mul3A_1732 : vector<16x1024xf32>
    %add3A_1736 = arith.addf %mul3A_1733, %mul3A_1734 : vector<16x1024xf32>
    %add3A_1737 = arith.addf %add3A_1735, %add3A_1736 : vector<16x1024xf32>
    %reduce_sum3A_1738 = arith.constant dense<0.000000e+00> : vector<1024xf32>
    %reduce_sum3A_1739 = vector.multi_reduction <add>, %add3A_1737, %reduce_sum3A_1738 [0] : vector<16x1024xf32> to vector<1024xf32>
    %broadcast_in_dim3A_1740 = vector.shape_cast %reduce_sum3A_1739 : vector<1024xf32> to vector<1x1024xf32>
    %mul3A_1741 = arith.mulf %mul3A_105, %sub3A_129 : vector<16x1024xf32>
    %mul3A_1742 = arith.mulf %mul3A_261, %sub3A_285 : vector<16x1024xf32>
    %mul3A_1743 = arith.mulf %mul3A_417, %sub3A_441 : vector<16x1024xf32>
    %mul3A_1744 = arith.mulf %mul3A_573, %sub3A_597 : vector<16x1024xf32>
    %add3A_1745 = arith.addf %mul3A_1741, %mul3A_1742 : vector<16x1024xf32>
    %add3A_1746 = arith.addf %mul3A_1743, %mul3A_1744 : vector<16x1024xf32>
    %add3A_1747 = arith.addf %add3A_1745, %add3A_1746 : vector<16x1024xf32>
    %reduce_sum3A_1748 = arith.constant dense<0.000000e+00> : vector<1024xf32>
    %reduce_sum3A_1749 = vector.multi_reduction <add>, %add3A_1747, %reduce_sum3A_1748 [0] : vector<16x1024xf32> to vector<1024xf32>
    %broadcast_in_dim3A_1750 = vector.shape_cast %reduce_sum3A_1749 : vector<1024xf32> to vector<1x1024xf32>
    %mul3A_1751 = arith.mulf %mul3A_105, %sub3A_133 : vector<16x1024xf32>
    %mul3A_1752 = arith.mulf %mul3A_261, %sub3A_289 : vector<16x1024xf32>
    %mul3A_1753 = arith.mulf %mul3A_417, %sub3A_445 : vector<16x1024xf32>
    %mul3A_1754 = arith.mulf %mul3A_573, %sub3A_601 : vector<16x1024xf32>
    %add3A_1755 = arith.addf %mul3A_1751, %mul3A_1752 : vector<16x1024xf32>
    %add3A_1756 = arith.addf %mul3A_1753, %mul3A_1754 : vector<16x1024xf32>
    %add3A_1757 = arith.addf %add3A_1755, %add3A_1756 : vector<16x1024xf32>
    %reduce_sum3A_1758 = arith.constant dense<0.000000e+00> : vector<1024xf32>
    %reduce_sum3A_1759 = vector.multi_reduction <add>, %add3A_1757, %reduce_sum3A_1758 [0] : vector<16x1024xf32> to vector<1024xf32>
    %broadcast_in_dim3A_1760 = vector.shape_cast %reduce_sum3A_1759 : vector<1024xf32> to vector<1x1024xf32>
    %mul3A_1761 = arith.mulf %mul3A_105, %sub3A_137 : vector<16x1024xf32>
    %mul3A_1762 = arith.mulf %mul3A_261, %sub3A_293 : vector<16x1024xf32>
    %mul3A_1763 = arith.mulf %mul3A_417, %sub3A_449 : vector<16x1024xf32>
    %mul3A_1764 = arith.mulf %mul3A_573, %sub3A_605 : vector<16x1024xf32>
    %add3A_1765 = arith.addf %mul3A_1761, %mul3A_1762 : vector<16x1024xf32>
    %add3A_1766 = arith.addf %mul3A_1763, %mul3A_1764 : vector<16x1024xf32>
    %add3A_1767 = arith.addf %add3A_1765, %add3A_1766 : vector<16x1024xf32>
    %reduce_sum3A_1768 = arith.constant dense<0.000000e+00> : vector<1024xf32>
    %reduce_sum3A_1769 = vector.multi_reduction <add>, %add3A_1767, %reduce_sum3A_1768 [0] : vector<16x1024xf32> to vector<1024xf32>
    %broadcast_in_dim3A_1770 = vector.shape_cast %reduce_sum3A_1769 : vector<1024xf32> to vector<1x1024xf32>
    %mul3A_1771 = arith.mulf %mul3A_105, %sub3A_141 : vector<16x1024xf32>
    %mul3A_1772 = arith.mulf %mul3A_261, %sub3A_297 : vector<16x1024xf32>
    %mul3A_1773 = arith.mulf %mul3A_417, %sub3A_453 : vector<16x1024xf32>
    %mul3A_1774 = arith.mulf %mul3A_573, %sub3A_609 : vector<16x1024xf32>
    %add3A_1775 = arith.addf %mul3A_1771, %mul3A_1772 : vector<16x1024xf32>
    %add3A_1776 = arith.addf %mul3A_1773, %mul3A_1774 : vector<16x1024xf32>
    %add3A_1777 = arith.addf %add3A_1775, %add3A_1776 : vector<16x1024xf32>
    %reduce_sum3A_1778 = arith.constant dense<0.000000e+00> : vector<1024xf32>
    %reduce_sum3A_1779 = vector.multi_reduction <add>, %add3A_1777, %reduce_sum3A_1778 [0] : vector<16x1024xf32> to vector<1024xf32>
    %broadcast_in_dim3A_1780 = vector.shape_cast %reduce_sum3A_1779 : vector<1024xf32> to vector<1x1024xf32>
    %mul3A_1781 = arith.mulf %mul3A_105, %sub3A_145 : vector<16x1024xf32>
    %mul3A_1782 = arith.mulf %mul3A_261, %sub3A_301 : vector<16x1024xf32>
    %mul3A_1783 = arith.mulf %mul3A_417, %sub3A_457 : vector<16x1024xf32>
    %mul3A_1784 = arith.mulf %mul3A_573, %sub3A_613 : vector<16x1024xf32>
    %add3A_1785 = arith.addf %mul3A_1781, %mul3A_1782 : vector<16x1024xf32>
    %add3A_1786 = arith.addf %mul3A_1783, %mul3A_1784 : vector<16x1024xf32>
    %add3A_1787 = arith.addf %add3A_1785, %add3A_1786 : vector<16x1024xf32>
    %reduce_sum3A_1788 = arith.constant dense<0.000000e+00> : vector<1024xf32>
    %reduce_sum3A_1789 = vector.multi_reduction <add>, %add3A_1787, %reduce_sum3A_1788 [0] : vector<16x1024xf32> to vector<1024xf32>
    %broadcast_in_dim3A_1790 = vector.shape_cast %reduce_sum3A_1789 : vector<1024xf32> to vector<1x1024xf32>
    %mul3A_1791 = arith.mulf %mul3A_105, %sub3A_149 : vector<16x1024xf32>
    %mul3A_1792 = arith.mulf %mul3A_261, %sub3A_305 : vector<16x1024xf32>
    %mul3A_1793 = arith.mulf %mul3A_417, %sub3A_461 : vector<16x1024xf32>
    %mul3A_1794 = arith.mulf %mul3A_573, %sub3A_617 : vector<16x1024xf32>
    %add3A_1795 = arith.addf %mul3A_1791, %mul3A_1792 : vector<16x1024xf32>
    %add3A_1796 = arith.addf %mul3A_1793, %mul3A_1794 : vector<16x1024xf32>
    %add3A_1797 = arith.addf %add3A_1795, %add3A_1796 : vector<16x1024xf32>
    %reduce_sum3A_1798 = arith.constant dense<0.000000e+00> : vector<1024xf32>
    %reduce_sum3A_1799 = vector.multi_reduction <add>, %add3A_1797, %reduce_sum3A_1798 [0] : vector<16x1024xf32> to vector<1024xf32>
    %broadcast_in_dim3A_1800 = vector.shape_cast %reduce_sum3A_1799 : vector<1024xf32> to vector<1x1024xf32>
    %mul3A_1801 = arith.mulf %mul3A_105, %sub3A_153 : vector<16x1024xf32>
    %mul3A_1802 = arith.mulf %mul3A_261, %sub3A_309 : vector<16x1024xf32>
    %mul3A_1803 = arith.mulf %mul3A_417, %sub3A_465 : vector<16x1024xf32>
    %mul3A_1804 = arith.mulf %mul3A_573, %sub3A_621 : vector<16x1024xf32>
    %add3A_1805 = arith.addf %mul3A_1801, %mul3A_1802 : vector<16x1024xf32>
    %add3A_1806 = arith.addf %mul3A_1803, %mul3A_1804 : vector<16x1024xf32>
    %add3A_1807 = arith.addf %add3A_1805, %add3A_1806 : vector<16x1024xf32>
    %reduce_sum3A_1808 = arith.constant dense<0.000000e+00> : vector<1024xf32>
    %reduce_sum3A_1809 = vector.multi_reduction <add>, %add3A_1807, %reduce_sum3A_1808 [0] : vector<16x1024xf32> to vector<1024xf32>
    %broadcast_in_dim3A_1810 = vector.shape_cast %reduce_sum3A_1809 : vector<1024xf32> to vector<1x1024xf32>
    %mul3A_1811 = arith.mulf %mul3A_105, %sub3A_157 : vector<16x1024xf32>
    %mul3A_1812 = arith.mulf %mul3A_261, %sub3A_313 : vector<16x1024xf32>
    %mul3A_1813 = arith.mulf %mul3A_417, %sub3A_469 : vector<16x1024xf32>
    %mul3A_1814 = arith.mulf %mul3A_573, %sub3A_625 : vector<16x1024xf32>
    %add3A_1815 = arith.addf %mul3A_1811, %mul3A_1812 : vector<16x1024xf32>
    %add3A_1816 = arith.addf %mul3A_1813, %mul3A_1814 : vector<16x1024xf32>
    %add3A_1817 = arith.addf %add3A_1815, %add3A_1816 : vector<16x1024xf32>
    %reduce_sum3A_1818 = arith.constant dense<0.000000e+00> : vector<1024xf32>
    %reduce_sum3A_1819 = vector.multi_reduction <add>, %add3A_1817, %reduce_sum3A_1818 [0] : vector<16x1024xf32> to vector<1024xf32>
    %broadcast_in_dim3A_1820 = vector.shape_cast %reduce_sum3A_1819 : vector<1024xf32> to vector<1x1024xf32>
    %mul3A_1821 = arith.mulf %mul3A_105, %sub3A_161 : vector<16x1024xf32>
    %mul3A_1822 = arith.mulf %mul3A_261, %sub3A_317 : vector<16x1024xf32>
    %mul3A_1823 = arith.mulf %mul3A_417, %sub3A_473 : vector<16x1024xf32>
    %mul3A_1824 = arith.mulf %mul3A_573, %sub3A_629 : vector<16x1024xf32>
    %add3A_1825 = arith.addf %mul3A_1821, %mul3A_1822 : vector<16x1024xf32>
    %add3A_1826 = arith.addf %mul3A_1823, %mul3A_1824 : vector<16x1024xf32>
    %add3A_1827 = arith.addf %add3A_1825, %add3A_1826 : vector<16x1024xf32>
    %reduce_sum3A_1828 = arith.constant dense<0.000000e+00> : vector<1024xf32>
    %reduce_sum3A_1829 = vector.multi_reduction <add>, %add3A_1827, %reduce_sum3A_1828 [0] : vector<16x1024xf32> to vector<1024xf32>
    %broadcast_in_dim3A_1830 = vector.shape_cast %reduce_sum3A_1829 : vector<1024xf32> to vector<1x1024xf32>
    %mul3A_1831 = arith.mulf %mul3A_105, %sub3A_165 : vector<16x1024xf32>
    %mul3A_1832 = arith.mulf %mul3A_261, %sub3A_321 : vector<16x1024xf32>
    %mul3A_1833 = arith.mulf %mul3A_417, %sub3A_477 : vector<16x1024xf32>
    %mul3A_1834 = arith.mulf %mul3A_573, %sub3A_633 : vector<16x1024xf32>
    %add3A_1835 = arith.addf %mul3A_1831, %mul3A_1832 : vector<16x1024xf32>
    %add3A_1836 = arith.addf %mul3A_1833, %mul3A_1834 : vector<16x1024xf32>
    %add3A_1837 = arith.addf %add3A_1835, %add3A_1836 : vector<16x1024xf32>
    %reduce_sum3A_1838 = arith.constant dense<0.000000e+00> : vector<1024xf32>
    %reduce_sum3A_1839 = vector.multi_reduction <add>, %add3A_1837, %reduce_sum3A_1838 [0] : vector<16x1024xf32> to vector<1024xf32>
    %broadcast_in_dim3A_1840 = vector.shape_cast %reduce_sum3A_1839 : vector<1024xf32> to vector<1x1024xf32>
    %mul3A_1841 = arith.mulf %mul3A_113, %sub3A_125 : vector<16x1024xf32>
    %mul3A_1842 = arith.mulf %mul3A_269, %sub3A_281 : vector<16x1024xf32>
    %mul3A_1843 = arith.mulf %mul3A_425, %sub3A_437 : vector<16x1024xf32>
    %mul3A_1844 = arith.mulf %mul3A_581, %sub3A_593 : vector<16x1024xf32>
    %add3A_1845 = arith.addf %mul3A_1841, %mul3A_1842 : vector<16x1024xf32>
    %add3A_1846 = arith.addf %mul3A_1843, %mul3A_1844 : vector<16x1024xf32>
    %add3A_1847 = arith.addf %add3A_1845, %add3A_1846 : vector<16x1024xf32>
    %reduce_sum3A_1848 = arith.constant dense<0.000000e+00> : vector<1024xf32>
    %reduce_sum3A_1849 = vector.multi_reduction <add>, %add3A_1847, %reduce_sum3A_1848 [0] : vector<16x1024xf32> to vector<1024xf32>
    %broadcast_in_dim3A_1850 = vector.shape_cast %reduce_sum3A_1849 : vector<1024xf32> to vector<1x1024xf32>
    %mul3A_1851 = arith.mulf %mul3A_113, %sub3A_129 : vector<16x1024xf32>
    %mul3A_1852 = arith.mulf %mul3A_269, %sub3A_285 : vector<16x1024xf32>
    %mul3A_1853 = arith.mulf %mul3A_425, %sub3A_441 : vector<16x1024xf32>
    %mul3A_1854 = arith.mulf %mul3A_581, %sub3A_597 : vector<16x1024xf32>
    %add3A_1855 = arith.addf %mul3A_1851, %mul3A_1852 : vector<16x1024xf32>
    %add3A_1856 = arith.addf %mul3A_1853, %mul3A_1854 : vector<16x1024xf32>
    %add3A_1857 = arith.addf %add3A_1855, %add3A_1856 : vector<16x1024xf32>
    %reduce_sum3A_1858 = arith.constant dense<0.000000e+00> : vector<1024xf32>
    %reduce_sum3A_1859 = vector.multi_reduction <add>, %add3A_1857, %reduce_sum3A_1858 [0] : vector<16x1024xf32> to vector<1024xf32>
    %broadcast_in_dim3A_1860 = vector.shape_cast %reduce_sum3A_1859 : vector<1024xf32> to vector<1x1024xf32>
    %mul3A_1861 = arith.mulf %mul3A_113, %sub3A_133 : vector<16x1024xf32>
    %mul3A_1862 = arith.mulf %mul3A_269, %sub3A_289 : vector<16x1024xf32>
    %mul3A_1863 = arith.mulf %mul3A_425, %sub3A_445 : vector<16x1024xf32>
    %mul3A_1864 = arith.mulf %mul3A_581, %sub3A_601 : vector<16x1024xf32>
    %add3A_1865 = arith.addf %mul3A_1861, %mul3A_1862 : vector<16x1024xf32>
    %add3A_1866 = arith.addf %mul3A_1863, %mul3A_1864 : vector<16x1024xf32>
    %add3A_1867 = arith.addf %add3A_1865, %add3A_1866 : vector<16x1024xf32>
    %reduce_sum3A_1868 = arith.constant dense<0.000000e+00> : vector<1024xf32>
    %reduce_sum3A_1869 = vector.multi_reduction <add>, %add3A_1867, %reduce_sum3A_1868 [0] : vector<16x1024xf32> to vector<1024xf32>
    %broadcast_in_dim3A_1870 = vector.shape_cast %reduce_sum3A_1869 : vector<1024xf32> to vector<1x1024xf32>
    %mul3A_1871 = arith.mulf %mul3A_113, %sub3A_137 : vector<16x1024xf32>
    %mul3A_1872 = arith.mulf %mul3A_269, %sub3A_293 : vector<16x1024xf32>
    %mul3A_1873 = arith.mulf %mul3A_425, %sub3A_449 : vector<16x1024xf32>
    %mul3A_1874 = arith.mulf %mul3A_581, %sub3A_605 : vector<16x1024xf32>
    %add3A_1875 = arith.addf %mul3A_1871, %mul3A_1872 : vector<16x1024xf32>
    %add3A_1876 = arith.addf %mul3A_1873, %mul3A_1874 : vector<16x1024xf32>
    %add3A_1877 = arith.addf %add3A_1875, %add3A_1876 : vector<16x1024xf32>
    %reduce_sum3A_1878 = arith.constant dense<0.000000e+00> : vector<1024xf32>
    %reduce_sum3A_1879 = vector.multi_reduction <add>, %add3A_1877, %reduce_sum3A_1878 [0] : vector<16x1024xf32> to vector<1024xf32>
    %broadcast_in_dim3A_1880 = vector.shape_cast %reduce_sum3A_1879 : vector<1024xf32> to vector<1x1024xf32>
    %mul3A_1881 = arith.mulf %mul3A_113, %sub3A_141 : vector<16x1024xf32>
    %mul3A_1882 = arith.mulf %mul3A_269, %sub3A_297 : vector<16x1024xf32>
    %mul3A_1883 = arith.mulf %mul3A_425, %sub3A_453 : vector<16x1024xf32>
    %mul3A_1884 = arith.mulf %mul3A_581, %sub3A_609 : vector<16x1024xf32>
    %add3A_1885 = arith.addf %mul3A_1881, %mul3A_1882 : vector<16x1024xf32>
    %add3A_1886 = arith.addf %mul3A_1883, %mul3A_1884 : vector<16x1024xf32>
    %add3A_1887 = arith.addf %add3A_1885, %add3A_1886 : vector<16x1024xf32>
    %reduce_sum3A_1888 = arith.constant dense<0.000000e+00> : vector<1024xf32>
    %reduce_sum3A_1889 = vector.multi_reduction <add>, %add3A_1887, %reduce_sum3A_1888 [0] : vector<16x1024xf32> to vector<1024xf32>
    %broadcast_in_dim3A_1890 = vector.shape_cast %reduce_sum3A_1889 : vector<1024xf32> to vector<1x1024xf32>
    %mul3A_1891 = arith.mulf %mul3A_113, %sub3A_145 : vector<16x1024xf32>
    %mul3A_1892 = arith.mulf %mul3A_269, %sub3A_301 : vector<16x1024xf32>
    %mul3A_1893 = arith.mulf %mul3A_425, %sub3A_457 : vector<16x1024xf32>
    %mul3A_1894 = arith.mulf %mul3A_581, %sub3A_613 : vector<16x1024xf32>
    %add3A_1895 = arith.addf %mul3A_1891, %mul3A_1892 : vector<16x1024xf32>
    %add3A_1896 = arith.addf %mul3A_1893, %mul3A_1894 : vector<16x1024xf32>
    %add3A_1897 = arith.addf %add3A_1895, %add3A_1896 : vector<16x1024xf32>
    %reduce_sum3A_1898 = arith.constant dense<0.000000e+00> : vector<1024xf32>
    %reduce_sum3A_1899 = vector.multi_reduction <add>, %add3A_1897, %reduce_sum3A_1898 [0] : vector<16x1024xf32> to vector<1024xf32>
    %broadcast_in_dim3A_1900 = vector.shape_cast %reduce_sum3A_1899 : vector<1024xf32> to vector<1x1024xf32>
    %mul3A_1901 = arith.mulf %mul3A_113, %sub3A_149 : vector<16x1024xf32>
    %mul3A_1902 = arith.mulf %mul3A_269, %sub3A_305 : vector<16x1024xf32>
    %mul3A_1903 = arith.mulf %mul3A_425, %sub3A_461 : vector<16x1024xf32>
    %mul3A_1904 = arith.mulf %mul3A_581, %sub3A_617 : vector<16x1024xf32>
    %add3A_1905 = arith.addf %mul3A_1901, %mul3A_1902 : vector<16x1024xf32>
    %add3A_1906 = arith.addf %mul3A_1903, %mul3A_1904 : vector<16x1024xf32>
    %add3A_1907 = arith.addf %add3A_1905, %add3A_1906 : vector<16x1024xf32>
    %reduce_sum3A_1908 = arith.constant dense<0.000000e+00> : vector<1024xf32>
    %reduce_sum3A_1909 = vector.multi_reduction <add>, %add3A_1907, %reduce_sum3A_1908 [0] : vector<16x1024xf32> to vector<1024xf32>
    %broadcast_in_dim3A_1910 = vector.shape_cast %reduce_sum3A_1909 : vector<1024xf32> to vector<1x1024xf32>
    %concatenate3A = tpu.concatenate %broadcast_in_dim3A, %broadcast_in_dim3A_650, %broadcast_in_dim3A_660, %broadcast_in_dim3A_670, %broadcast_in_dim3A_680, %broadcast_in_dim3A_690, %broadcast_in_dim3A_700, %broadcast_in_dim3A_710, %broadcast_in_dim3A_720, %broadcast_in_dim3A_730, %broadcast_in_dim3A_740, %broadcast_in_dim3A_750, %broadcast_in_dim3A_760, %broadcast_in_dim3A_770, %broadcast_in_dim3A_780, %broadcast_in_dim3A_790, %broadcast_in_dim3A_800, %broadcast_in_dim3A_810, %broadcast_in_dim3A_820, %broadcast_in_dim3A_830, %broadcast_in_dim3A_840, %broadcast_in_dim3A_850, %broadcast_in_dim3A_860, %broadcast_in_dim3A_870, %broadcast_in_dim3A_880, %broadcast_in_dim3A_890, %broadcast_in_dim3A_900, %broadcast_in_dim3A_910, %broadcast_in_dim3A_920, %broadcast_in_dim3A_930, %broadcast_in_dim3A_940, %broadcast_in_dim3A_950, %broadcast_in_dim3A_960, %broadcast_in_dim3A_970, %broadcast_in_dim3A_980, %broadcast_in_dim3A_990, %broadcast_in_dim3A_1000, %broadcast_in_dim3A_1010, %broadcast_in_dim3A_1020, %broadcast_in_dim3A_1030, %broadcast_in_dim3A_1040, %broadcast_in_dim3A_1050, %broadcast_in_dim3A_1060, %broadcast_in_dim3A_1070, %broadcast_in_dim3A_1080, %broadcast_in_dim3A_1090, %broadcast_in_dim3A_1100, %broadcast_in_dim3A_1110, %broadcast_in_dim3A_1120, %broadcast_in_dim3A_1130, %broadcast_in_dim3A_1140, %broadcast_in_dim3A_1150, %broadcast_in_dim3A_1160, %broadcast_in_dim3A_1170, %broadcast_in_dim3A_1180, %broadcast_in_dim3A_1190, %broadcast_in_dim3A_1200, %broadcast_in_dim3A_1210, %broadcast_in_dim3A_1220, %broadcast_in_dim3A_1230, %broadcast_in_dim3A_1240, %broadcast_in_dim3A_1250, %broadcast_in_dim3A_1260, %broadcast_in_dim3A_1270, %broadcast_in_dim3A_1280, %broadcast_in_dim3A_1290, %broadcast_in_dim3A_1300, %broadcast_in_dim3A_1310, %broadcast_in_dim3A_1320, %broadcast_in_dim3A_1330, %broadcast_in_dim3A_1340, %broadcast_in_dim3A_1350, %broadcast_in_dim3A_1360, %broadcast_in_dim3A_1370, %broadcast_in_dim3A_1380, %broadcast_in_dim3A_1390, %broadcast_in_dim3A_1400, %broadcast_in_dim3A_1410, %broadcast_in_dim3A_1420, %broadcast_in_dim3A_1430, %broadcast_in_dim3A_1440, %broadcast_in_dim3A_1450, %broadcast_in_dim3A_1460, %broadcast_in_dim3A_1470, %broadcast_in_dim3A_1480, %broadcast_in_dim3A_1490, %broadcast_in_dim3A_1500, %broadcast_in_dim3A_1510, %broadcast_in_dim3A_1520, %broadcast_in_dim3A_1530, %broadcast_in_dim3A_1540, %broadcast_in_dim3A_1550, %broadcast_in_dim3A_1560, %broadcast_in_dim3A_1570, %broadcast_in_dim3A_1580, %broadcast_in_dim3A_1590, %broadcast_in_dim3A_1600, %broadcast_in_dim3A_1610, %broadcast_in_dim3A_1620, %broadcast_in_dim3A_1630, %broadcast_in_dim3A_1640, %broadcast_in_dim3A_1650, %broadcast_in_dim3A_1660, %broadcast_in_dim3A_1670, %broadcast_in_dim3A_1680, %broadcast_in_dim3A_1690, %broadcast_in_dim3A_1700, %broadcast_in_dim3A_1710, %broadcast_in_dim3A_1720, %broadcast_in_dim3A_1730, %broadcast_in_dim3A_1740, %broadcast_in_dim3A_1750, %broadcast_in_dim3A_1760, %broadcast_in_dim3A_1770, %broadcast_in_dim3A_1780, %broadcast_in_dim3A_1790, %broadcast_in_dim3A_1800, %broadcast_in_dim3A_1810, %broadcast_in_dim3A_1820, %broadcast_in_dim3A_1830, %broadcast_in_dim3A_1840, %broadcast_in_dim3A_1850, %broadcast_in_dim3A_1860, %broadcast_in_dim3A_1870, %broadcast_in_dim3A_1880, %broadcast_in_dim3A_1890, %broadcast_in_dim3A_1900, %broadcast_in_dim3A_1910 in 0 : vector<1x1024xf32>, vector<1x1024xf32>, vector<1x1024xf32>, vector<1x1024xf32>, vector<1x1024xf32>, vector<1x1024xf32>, vector<1x1024xf32>, vector<1x1024xf32>, vector<1x1024xf32>, vector<1x1024xf32>, vector<1x1024xf32>, vector<1x1024xf32>, vector<1x1024xf32>, vector<1x1024xf32>, vector<1x1024xf32>, vector<1x1024xf32>, vector<1x1024xf32>, vector<1x1024xf32>, vector<1x1024xf32>, vector<1x1024xf32>, vector<1x1024xf32>, vector<1x1024xf32>, vector<1x1024xf32>, vector<1x1024xf32>, vector<1x1024xf32>, vector<1x1024xf32>, vector<1x1024xf32>, vector<1x1024xf32>, vector<1x1024xf32>, vector<1x1024xf32>, vector<1x1024xf32>, vector<1x1024xf32>, vector<1x1024xf32>, vector<1x1024xf32>, vector<1x1024xf32>, vector<1x1024xf32>, vector<1x1024xf32>, vector<1x1024xf32>, vector<1x1024xf32>, vector<1x1024xf32>, vector<1x1024xf32>, vector<1x1024xf32>, vector<1x1024xf32>, vector<1x1024xf32>, vector<1x1024xf32>, vector<1x1024xf32>, vector<1x1024xf32>, vector<1x1024xf32>, vector<1x1024xf32>, vector<1x1024xf32>, vector<1x1024xf32>, vector<1x1024xf32>, vector<1x1024xf32>, vector<1x1024xf32>, vector<1x1024xf32>, vector<1x1024xf32>, vector<1x1024xf32>, vector<1x1024xf32>, vector<1x1024xf32>, vector<1x1024xf32>, vector<1x1024xf32>, vector<1x1024xf32>, vector<1x1024xf32>, vector<1x1024xf32>, vector<1x1024xf32>, vector<1x1024xf32>, vector<1x1024xf32>, vector<1x1024xf32>, vector<1x1024xf32>, vector<1x1024xf32>, vector<1x1024xf32>, vector<1x1024xf32>, vector<1x1024xf32>, vector<1x1024xf32>, vector<1x1024xf32>, vector<1x1024xf32>, vector<1x1024xf32>, vector<1x1024xf32>, vector<1x1024xf32>, vector<1x1024xf32>, vector<1x1024xf32>, vector<1x1024xf32>, vector<1x1024xf32>, vector<1x1024xf32>, vector<1x1024xf32>, vector<1x1024xf32>, vector<1x1024xf32>, vector<1x1024xf32>, vector<1x1024xf32>, vector<1x1024xf32>, vector<1x1024xf32>, vector<1x1024xf32>, vector<1x1024xf32>, vector<1x1024xf32>, vector<1x1024xf32>, vector<1x1024xf32>, vector<1x1024xf32>, vector<1x1024xf32>, vector<1x1024xf32>, vector<1x1024xf32>, vector<1x1024xf32>, vector<1x1024xf32>, vector<1x1024xf32>, vector<1x1024xf32>, vector<1x1024xf32>, vector<1x1024xf32>, vector<1x1024xf32>, vector<1x1024xf32>, vector<1x1024xf32>, vector<1x1024xf32>, vector<1x1024xf32>, vector<1x1024xf32>, vector<1x1024xf32>, vector<1x1024xf32>, vector<1x1024xf32>, vector<1x1024xf32>, vector<1x1024xf32>, vector<1x1024xf32>, vector<1x1024xf32>, vector<1x1024xf32>, vector<1x1024xf32>, vector<1x1024xf32>, vector<1x1024xf32>, vector<1x1024xf32>, vector<1x1024xf32>, vector<1x1024xf32>, vector<1x1024xf32>, vector<1x1024xf32> -> vector<128x1024xf32>
    %transpose3A_1911 = tpu.transpose %concatenate3A, [1, 0] : vector<128x1024xf32> -> vector<1024x128xf32>
    %swap3A = arith.constant 0 : index
    %swap3A_1912 = arith.constant 0 : index
    %swap3A_1913 = vector.load %arg5[%swap3A, %swap3A_1912] : memref<1024x128xf32, #tpu.memory_space<vmem>>, vector<1024x128xf32>
    tpu.vector_store %arg5[%swap3A, %swap3A_1912], %transpose3A_1911 {strides = array<i32>} : memref<1024x128xf32, #tpu.memory_space<vmem>>, vector<1024x128xf32>,
    return
  }
  func.func @transform_0(%arg0: i32) -> (i32, i32) {
    %c0_i32 = arith.constant 0 : i32
    %c0_i32_0 = arith.constant 0 : i32
    return %arg0, %c0_i32 : i32, i32
  }
  func.func @transform_1(%arg0: i32) -> (i32, i32) {
    %c0_i32 = arith.constant 0 : i32
    %c0_i32_0 = arith.constant 0 : i32
    return %arg0, %c0_i32 : i32, i32
  }
  func.func @transform_2(%arg0: i32) -> (i32, i32) {
    %c0_i32 = arith.constant 0 : i32
    %c0_i32_0 = arith.constant 0 : i32
    %c0_i32_1 = arith.constant 0 : i32
    return %c0_i32, %c0_i32_0 : i32, i32
  }
  func.func @transform_3(%arg0: i32) -> i32 {
    %c0_i32 = arith.constant 0 : i32
    %c0_i32_0 = arith.constant 0 : i32
    return %c0_i32 : i32
  }
  func.func @transform_4(%arg0: i32) -> (i32, i32) {
    %c0_i32 = arith.constant 0 : i32
    %c0_i32_0 = arith.constant 0 : i32
    return %arg0, %c0_i32 : i32, i32
  }
}

</mosaic_0001>

<sc_bundles>
// kernel: kernel.4.cloned.1.call-start
scs
__scs_entry_jumppad:
0x0: {  	(pc) =	sbr.rel $0x88, $3  }
0x1: {  	(tag) =	ssettag $0x0;
	lr =	simm.s32 $0x1  }
0x2: {  	[smem:$0x3F99] =	sst lr;
	_ =	strace $0xD0000000  }
0x3: {  	_ = 	snop  }
0x4: {  	_ = 	snop  }
0x5: {  	_ = 	snop  }
0x6: {  	_ = 	snop  }
0x7: {  	_ = 	snop  }
__scs_overlays_trampoline_lowered:
0x8: {  	[smem:$0x3FA8] =	sst s0  }
0x9: {  	[smem:$0x3FA9] =	sst s1  }
0xa: {  	[smem:$0x3FAA] =	sst s2  }
0xb: {  	[smem:$0x3FAB] =	sst s3  }
0xc: {  	[smem:$0x3FAC] =	sst s4  }
0xd: {  	[smem:$0x3FAD] =	sst s5  }
0xe: {  	[smem:$0x3FAE] =	sst s6  }
0xf: {  	[smem:$0x3FAF] =	sst s7  }
0x10: {  	[smem:$0x3FB0] =	sst s8  }
0x11: {  	[smem:$0x3FB1] =	sst s9;
	s0 =	simm.s32 @!p0 $0x0  }
0x12: {  	s1 =	sld [smem:$0x3F97];
	s0 =	simm.s32 @p0 $0x1  }
0x13: {  	[smem:$0x3FB2] =	sst s0;
	s0 =	simm.s32 @!p1 $0x0  }
0x14: {  	s2 =	sld [smem:$0x3F96];
	s0 =	simm.s32 @p1 $0x1  }
0x15: {  	[smem:$0x3FB3] =	sst s0;
	s0 =	simm.s32 @!p2 $0x0  }
0x16: {  	s3 =	sld [smem:$0x3FDB];
	s0 =	simm.s32 @p2 $0x1  }
0x17: {  	s4 =	simm.s32 $0x1BF5;
	[smem:$0x3FB5] =	sst s0  }
0x18: {  	s0 =	sld [smem:$0x3F98];
	_ =	swait.ge [sflag:s4], $0x0  }
0x19: {  	s7 =	sld [smem:$0x3F99]  }
0x1a: {  	s8 =	sadd.s32 $0xFFFFE003, lr  }
0x1b: {  	s9 =	sadd.s32 $0xFFFFFEF7, lr;
	s5 =	simm.s32 $0xFFFFFFFF;
	p2 =	slt.u32 s8, $0xFFFFF086  }
0x1c: {  	p1 =	slt.u32 s9, $0xF7A;
	s5 =	simm.s32 @!p2 $0x0  }
0x1d: {  	s5 =	simm.s32 @p1 $0x1;
	p0 =	seq.s32 s7, s2  }
0x1e: {  	s7 =	smul.u32 @!p0 $0xF7A, s2;
	p2 =	seq.s32 @!p0 s5, $0x0  }
0x1f: {  	s9 =	smul.u32 $0xF7A, s1;
	s8 =	simm.s32 @!p0 $0x1BF5;
	p2 =	por !p2, p0  }
0x20: {  	[sflag:s8] =	ssyncset.s32 @!p0 $0xFFFFF086;
	s6 =	sadd.s32 @!p0 s3, s7;
	s7 =	simm.s32 @!p0 $0x108  }
0x21: {  	s3 =	sadd.s32 s3, s9;
	s6 =	sadd.s32 @!p0 $0x88, s6;
	s7 =	simm.s32 @p2 $0x1082  }
0x22: {  	[simem:s7], [sflag:s8] =	dma.local @!p0 [hbm:s6], $0xF7A  }
0x23: {  	s9 =	sor.u32 $0xD0000000, s2;
	s6 =	simm.s32 $0x108;
	_ =	swait.ge @!p0 [sflag:s8], $0x0  }
0x24: {  	s3 =	sadd.s32 $0x88, s3;
	s6 =	simm.s32 @!p1 $0x1082;
	[sflag:s4] =	ssyncset.s32 $0xFFFFF086  }
0x25: {  	[simem:s6], [sflag:s4] =	dma.local [hbm:s3], $0xF7A  }
0x26: {  	[smem:$0x3F99] =	sst s1;
	(tag) =	ssettag s2;
	_ =	strace s9  }
0x27: {  	s1 =	sld [smem:$0x3FA9]  }
0x28: {  	s2 =	sld [smem:$0x3FAA]  }
0x29: {  	s4 =	sld [smem:$0x3FAC]  }
0x2a: {  	p0 =	seq.s32 s5, $0x0;
	s5 =	sld [smem:$0x3FAD]  }
0x2b: {  	s6 =	sld [smem:$0x3FAE]  }
0x2c: {  	s7 =	sld [smem:$0x3FAF]  }
0x2d: {  	s3 =	simm.s32 $0x108;
	s8 =	sld [smem:$0x3FB0]  }
0x2e: {  	s3 =	simm.s32 @!p0 $0x1082;
	s9 =	sld [smem:$0x3FB1]  }
0x2f: {  	lr =	sadd.s32 s0, s3;
	s0 =	sld [smem:$0x3FA8]  }
0x30: {  	s3 =	sld [smem:$0x3FAB]  }
0x31: {  	[smem:$0x3FB4] =	sst s10  }
0x32: {  	s10 =	sld [smem:$0x3FB2];
	_ =	sdelay $0x3  }
0x33: {  	p0 =	seq.s32 s10, $0x1;
	s10 =	sld [smem:$0x3FB4];
	_ =	sdelay $0x3  }
0x34: {  	[smem:$0x3FB4] =	sst s10  }
0x35: {  	s10 =	sld [smem:$0x3FB3];
	_ =	sdelay $0x3  }
0x36: {  	p1 =	seq.s32 s10, $0x1;
	s10 =	sld [smem:$0x3FB4];
	_ =	sdelay $0x3  }
0x37: {  	[smem:$0x3FB4] =	sst s10  }
0x38: {  	s10 =	sld [smem:$0x3FB5]  }
0x39: {  	_ = 	snop;
	(pc) =	sbr.ind lr, $3  }
0x3a: {  	_ = 	snop  }
0x3b: {  	_ = 	snop  }
0x3c: {  	p2 =	seq.s32 s10, $0x1;
	s10 =	sld [smem:$0x3FB4]  }
0x3d: {  	_ =	shalt  }
0x3e: {  	_ =	shalt  }
0x3f: {  	_ =	shalt  }
0x40: {  	_ =	shalt  }
0x41: {  	_ =	shalt  }
0x42: {  	_ =	shalt  }
0x43: {  	_ =	shalt  }
0x44: {  	_ =	shalt  }
0x45: {  	_ =	shalt  }
0x46: {  	_ =	shalt  }
0x47: {  	_ =	shalt  }
0x48: {  	_ =	shalt  }
0x49: {  	_ =	shalt  }
0x4a: {  	_ =	shalt  }
0x4b: {  	_ =	shalt  }
0x4c: {  	_ =	shalt  }
0x4d: {  	_ =	shalt  }
0x4e: {  	_ =	shalt  }
0x4f: {  	_ =	shalt  }
0x50: {  	_ =	shalt  }
0x51: {  	_ =	shalt  }
0x52: {  	_ =	shalt  }
0x53: {  	_ =	shalt  }
0x54: {  	_ =	shalt  }
0x55: {  	_ =	shalt  }
0x56: {  	_ =	shalt  }
0x57: {  	_ =	shalt  }
0x58: {  	_ =	shalt  }
0x59: {  	_ =	shalt  }
0x5a: {  	_ =	shalt  }
0x5b: {  	_ =	shalt  }
0x5c: {  	_ =	shalt  }
0x5d: {  	_ =	shalt  }
0x5e: {  	_ =	shalt  }
0x5f: {  	_ =	shalt  }
0x60: {  	_ =	shalt  }
0x61: {  	_ =	shalt  }
0x62: {  	_ =	shalt  }
0x63: {  	_ =	shalt  }
0x64: {  	_ =	shalt  }
0x65: {  	_ =	shalt  }
0x66: {  	_ =	shalt  }
0x67: {  	_ =	shalt  }
0x68: {  	_ =	shalt  }
0x69: {  	_ =	shalt  }
0x6a: {  	_ =	shalt  }
0x6b: {  	_ =	shalt  }
0x6c: {  	_ =	shalt  }
0x6d: {  	_ =	shalt  }
0x6e: {  	_ =	shalt  }
0x6f: {  	_ =	shalt  }
0x70: {  	_ =	shalt  }
0x71: {  	_ =	shalt  }
0x72: {  	_ =	shalt  }
0x73: {  	_ =	shalt  }
0x74: {  	_ =	shalt  }
0x75: {  	_ =	shalt  }
0x76: {  	_ =	shalt  }
0x77: {  	_ =	shalt  }
0x78: {  	_ =	shalt  }
0x79: {  	_ =	shalt  }
0x7a: {  	_ =	shalt  }
0x7b: {  	_ =	shalt  }
0x7c: {  	_ =	shalt  }
0x7d: {  	_ =	shalt  }
0x7e: {  	_ =	shalt  }
0x7f: {  	_ =	shalt  }
0x80: {  	_ =	shalt  }
0x81: {  	_ =	shalt  }
0x82: {  	_ =	shalt  }
0x83: {  	_ =	shalt  }
0x84: {  	_ =	shalt  }
0x85: {  	_ =	shalt  }
0x86: {  	_ =	shalt  }
0x87: {  	_ =	shalt  }
.Lfunc_end0:
.L_simem_size_0:
called_computation_lowered:
.L_overlay_start_0:
0x88: {  	s2 =	sld [smem:$0x3FD9]  }
0x89: {  	s3 =	sld [smem:$0x3FFE];
	_ =	sdelay $0x1  }
0x8a: {  	s1 =	srdreg.scid  }
0x8b: {  	s0 =	sand.u32 $0x1, s1  }
0x8c: {  	s17 =	sshll.u32 s0, $0xA;
	s2 =	sadd.s32 s3, s2  }
0x8d: {  	s2 =	sadd.s32 s2, s17  }
0x8e: {  	[smem:$0x3FC0] =	sst s2  }
0x8f: {  	_ = 	snop  }
0x90: {  	s2 =	sld [smem:$0x3FD0];
	(tm) =	ssettm $0x1  }
0x91: {  	s18 =	sld [smem:$0x3FFB];
	_ =	sdelay $0x3  }
0x92: {  	_ =	strace s18  }
0x93: {  	s3 =	sld [smem:$0x3FFC];
	_ =	sdelay $0x3  }
0x94: {  	_ =	strace s3  }
0x95: {  	s3 =	sld [smem:$0x3FFD];
	_ =	sdelay $0x3  }
0x96: {  	_ =	strace s3  }
0x97: {  	_ =	strace $0x8FFFFFFF  }
0x98: {  	s19 =	sld [smem:$0x3FDB];
	_ =	sdelay $0x1  }
0x99: {  	s4 =	simm.s32 $_scs_section_size  }
0x9a: {  	s5 =	simm.s32 $_size__tile_overlayer_lowered;
	s6 =	simm.s32 $_tile_overlayer_lowered  }
0x9b: {  	s22 =	simm.s32 $0x1BFF;
	s21 =	sshll.u32 s6, $0x1;
	s3 =	sadd.s32 s4, s19  }
0x9c: {  	s7 =	simm.s32 $0x0;
	s20 =	sshll.u32 s5, $0x1;
	s5 =	sadd.s32 s21, s3  }
0x9d: {  	[timem:s7], [sflag:s22] =	dma.local [hbm:s5], s20  }
0x9e: {  	_ =	swait.ge [sflag:s22], s20  }
0x9f: {  	s4 =	ssub.s32 $0x0, s20;
	[sflag:s22] =	ssyncset.done $0x0  }
0xa0: {  	[sflag:s22] =	ssyncadd.s32 s4;
	_ =	sdelay $0x1  }
0xa1: {  	s23 =	simm.s32 $0x1B8B  }
0xa2: {  	_ =	swait.ge [sflag:s23], $0x1  }
0xa3: {  	[sflag:s23] =	ssyncset.done $0x0  }
0xa4: {  	s25 =	simm.s32 $0x1B8E;
	s24 =	sld [smem:$0x3FFE];
	[sflag:s23] =	ssyncadd.s32 $0xFFFFFFFF  }
0xa5: {  	s26 =	simm.s32 $execute0_lowered;
	[smem:$0x3FD2] =	sst s25  }
0xa6: {  	s5 =	sshll.u32 s26, $0x1;
	_ =	strace $0x80000046;
	[dreg:$0x1] =	wrdreg $0xFFFFFFFF  }
0xa7: {  	s28 =	simm.s32 $_size_execute0_lowered;
	s3 =	sadd.s32 s3, s5;
	[dreg:$0x0] =	wrdreg $0x0  }
0xa8: {  	s5 =	sshll.u32 s28, $0x1;
	[dreg:$0x2] =	wrdreg s3  }
0xa9: {  	[dreg:$0x3] =	wrdreg s5  }
0xaa: {  	[dreg:$0x4] =	wrdreg $0xC0  }
0xab: {  	_ =	task [dreg:s7], $0x5FFFF  }
0xac: {  	[dreg:$0x1] =	wrdreg $0xFFFFFFFF  }
0xad: {  	[dreg:$0x0] =	wrdreg $0x60  }
0xae: {  	[dreg:$0x2] =	wrdreg s24  }
0xaf: {  	[dreg:$0x3] =	wrdreg s2  }
0xb0: {  	[dreg:$0x4] =	wrdreg $0x9  }
0xb1: {  	_ =	task.clear_ibuf [dreg:s7], $0x5FFFF;
	_ =	strace $0x90000046  }
0xb2: {  	s29 =	simm.s32 $0x9;
	_ =	strace $0x80000048  }
0xb3: {  	_ =	swait.ge [sflag:s29], $0x1  }
0xb4: {  	[sflag:s29] =	ssyncadd.s32 $0xFFFFFFFF  }
0xb5: {  	_ =	strace $0x90000048  }
0xb6: {  	_ =	sfence  }
0xb7: {  	s30 =	sld [smem:$0x0];
	_ =	sdelay $0x2  }
0xb8: {  	s31 =	sshll.u32 s1, $0xD;
	s1 =	sshrl.u32 s1, $0x2  }
0xb9: {  	s3 =	sand.u32 $0x4000, s31;
	s1 =	sadd.s32 s1, s30  }
0xba: {  	s0 =	sor.u32 s3, s0;
	s1 =	sshll.u32 s1, $0x11  }
0xbb: {  	s0 =	sor.u32 s1, s0  }
0xbc: {  	s0 =	sadd.s32 $0x8F2B, s0  }
0xbd: {  	[sflag:s0] =	ssyncadd.remote.s32 $0x1  }
0xbe: {  	_ =	sfence.sel $0xFFFF  }
0xbf: {  	[dreg:$0x0] =	wrdreg $0xFFFFFFFF;
	(pc) =	sbr.abs _section_cstart, $3  }
0xc0: {  	[dreg:$0x1] =	wrdreg $0xFFFFFFFF  }
0xc1: {  	_ =	task.clear_ibuf [dreg:s7], $0x2FFFF;
	_ =	strace $0x9FFFFFFF  }
0xc2: {  	(tm) =	ssettm $0x7FFFFFFF  }
0xc3: {  	_ =	shalt  }
tec
execute0_lowered:
.L_overlay_start_1:
0x0: {  	(tag) =	ssettag $0x1  }
0x1: {  	s1 =	rddreg [dreg:$0x0];
	s3 =	srdreg.scid  }
0x2: {  	s0 =	stileid.u32;
	s2 =	rddreg [dreg:$0x1]  }
0x3: {  	s13 =	simm.s32 $0x80;
	s15 =	simm.s32 $0x780;
	s16 =	simm.s32 $0x500  }
0x4: {  	s17 =	simm.s32 $0xC780;
	s18 =	simm.s32 $0x1;
	s28 =	simm.s32 $0x4  }
0x5: {  	s29 =	simm.s32 $0x400;
	s5 =	sand.u32 $0x1, s3;
	s4 =	sshll.u32 s0, $0x1  }
0x6: {  	s30 =	simm.s32 $0x680;
	s31 =	simm.s32 $0x480;
	s6 =	sor.u32 s5, s4  }
0x7: {  	s3 =	simm.s32 $0x0;
	s9 =	sadd.s32 $0x7EE00, s1;
	s4 =	smul.u32 $0x50, s6  }
0x8: {  	[smem:$0x7FF] =	sst s3;
	s5 =	ssub.s32 $0x2, s5;
	s8 =	smul.u32 $0x3C00, s6  }
0x9: {  	_ =	strace $0x80000047;
	s6 =	smul.u32 $0x1E000, s6;
	s10 =	sshrl.u32 s5, $0x1  }
0xa: {  	s12 =	ssub.s32 s5, s10;
	s7 =	sadd.s32 s4, s1;
	s4 =	sadd.s32 $0x600, s1  }
0xb: {  	s1 =	sadd.s32 $0x6E00, s1;
	s19 =	sadd.s32 s9, s8;
	s11 =	sshrl.u32 s6, $0x3  }
0xc: {  	s7 =	sadd.s32 $0x6400, s7;
	[dreg:$0x4] =	wrdreg s19;
	s20 =	sadd.s32 s1, s8  }
0xd: {  	s21 =	sadd.s32 $0xC00, s11;
	s24 =	sadd.s32 $0x1800, s11;
	s25 =	sadd.s32 $0x2400, s11  }
0xe: {  	s26 =	sadd.s32 $0x3000, s11;
	s11 =	smax.u32 s12, $0x1;
	[dreg:$0x3] =	wrdreg s7  }
0xf: {  	s12 =	simm.s32 $0x5;
	s19 =	simm.s32 $0x300;
	[dreg:$0x5] =	wrdreg s20  }
0x10: {  	s22 =	sadd.s32 s9, s21;
	s23 =	sadd.s32 s1, s21;
	s5 =	sadd.s32 s9, s24  }
0x11: {  	s6 =	sadd.s32 s1, s24;
	s7 =	sadd.s32 s9, s25;
	s8 =	sadd.s32 s1, s25  }
0x12: {  	s9 =	sadd.s32 s9, s26;
	s10 =	sadd.s32 s1, s26;
	s20 =	simm.s32 $0x6780  }
0x13: {  	s21 =	simm.s32 $0x580;
	s24 =	simm.s32 $0x3;
	s25 =	simm.s32 $0x380  }
0x14: {  	s26 =	simm.s32 $0x600;
	s1 =	simm.s32 $0x700;
	[dreg:$0x6] =	wrdreg s22  }
0x15: {  	v0 =	vimm.s32 $0x0;
	[dreg:$0x7] =	wrdreg s23;
	s22 =	simm.s32 $0x12780;
	s23 =	simm.s32 $0x2  }
.LBB2_1:
0x16: {  	s0 =	rddreg [dreg:$0x3]  }
0x17: {  	[tilespmem:s3], [sflag:$0x5] =	stream.linear.gather [hbm4b:s0+s3], $0x280, $0x38;
	[tilespmem:$0x18780] =	vst v63  }
0x18: {  	_ =	swait.ge [sflag:s12], $0x280  }
0x19: {  	[sflag:s12] =	ssyncset.done $0x0  }
0x1a: {  	[sflag:s12] =	ssyncadd.s32 $0xFFFFFD80  }
0x1b: {  	v2 =	vld [tilespmem:$0x0]  }
0x1c: {  	v5 =	vld [tilespmem:$0x10]  }
0x1d: {  	v9 =	vld [tilespmem:$0x30]  }
0x1e: {  	v12 =	vld [tilespmem:$0x40]  }
0x1f: {  	v14 =	vld [tilespmem:$0x50]  }
0x20: {  	v40 =	vld [tilespmem:$0x60]  }
0x21: {  	v17 =	vld [tilespmem:$0x70]  }
0x22: {  	v52 =	vld [tilespmem:$0x80]  }
0x23: {  	v60 =	vld [tilespmem:$0x90]  }
0x24: {  	v1 =	vcvt.s32.f32 v2;
	v4 =	vcvt.s32.f32 v5  }
0x25: {  	v10 =	vcvt.s32.f32 v9;
	v33 =	vcvt.s32.f32 v12  }
0x26: {  	v16 =	vcvt.s32.f32 v14;
	v19 =	vcvt.s32.f32 v40  }
0x27: {  	v47 =	vcvt.s32.f32 v17;
	v61 =	vcvt.s32.f32 v52  }
0x28: {  	v24 =	vcvt.s32.f32 v60;
	v1 =	vmul.f32 $1.000000050e-03, v1  }
0x29: {  	v4 =	vmul.f32 $1.000000050e-03, v4;
	v29 =	vmul.f32 $1.000000050e-03, v10  }
0x2a: {  	v39 =	vmul.f32 $1.000000050e-03, v16;
	v48 =	vmul.f32 $1.000000050e-03, v19  }
0x2b: {  	v21 =	vmul.f32 $1.000000050e-03, v47;
	v1 =	vtrunc.f32 v1  }
0x2c: {  	v4 =	vtrunc.f32 v4;
	v32 =	vtrunc.f32 v29  }
0x2d: {  	v43 =	vtrunc.f32 v39;
	v51 =	vtrunc.f32 v48  }
0x2e: {  	v54 =	vtrunc.f32 v21;
	v29 =	vmul.f32 $1.000000050e-03, v24  }
0x2f: {  	v25 =	vld [tilespmem:$0xA0];
	v1 =	vcvt.f32.s32 v1;
	v4 =	vcvt.f32.s32 v4  }
0x30: {  	v8 =	vld [tilespmem:$0x20];
	v22 =	vcvt.f32.s32 v51;
	v56 =	vcvt.f32.s32 v54  }
0x31: {  	v19 =	vtrunc.f32 v29;
	v3 =	vmul.u32 $0x3E8, v1;
	v7 =	vmul.u32 $0x3E8, v4  }
0x32: {  	v58 =	vmul.u32 $0x3E8, v22;
	v59 =	vmul.u32 $0x3E8, v56;
	v19 =	vcvt.f32.s32 v19  }
0x33: {  	v24 =	vld [tilespmem:$0xB0];
	vm0 =	vgt.s32 v3, v2;
	vm10 =	vgt.s32 v7, v5;
	v7 =	vmul.f32 $1.000000050e-03, v33  }
0x34: {  	v33 =	vcvt.s32.f32 v25;
	v3 =	vsel vm0, $0xFFFFFFFF, v0;
	v30 =	vsel vm10, $0xFFFFFFFF, v0  }
0x35: {  	v1 =	vadd.s32 v1, v3;
	v3 =	vcvt.s32.f32 v8;
	v4 =	vadd.s32 v4, v30  }
0x36: {  	v7 =	vtrunc.f32 v7;
	v6 =	vmul.u32 $0x3E8, v1;
	v11 =	vmul.u32 $0x3E8, v4  }
0x37: {  	vm8 =	vgt.s32 v58, v40;
	v7 =	vcvt.f32.s32 v7;
	v3 =	vmul.f32 $1.000000050e-03, v3  }
0x38: {  	v39 =	vcvt.s32.f32 v24;
	v6 =	vadd.s32 $0x3E8, v6;
	v11 =	vadd.s32 $0x3E8, v11  }
0x39: {  	v37 =	vmul.u32 $0x3E8, v7;
	v3 =	vtrunc.f32 v3;
	vm9 =	vle.s32 v6, v2  }
0x3a: {  	vm12 =	vle.s32 v11, v5;
	v11 =	vcvt.f32.s32 v43;
	v3 =	vcvt.f32.s32 v3  }
0x3b: {  	v62 =	vsel vm8, $0xFFFFFFFF, v0;
	v6 =	vsel vm9, $0x1, v0;
	v15 =	vsel vm12, $0x1, v0  }
0x3c: {  	vm15 =	vgt.s32 v37, v12;
	v18 =	vmul.u32 $0x3E8, v11;
	v31 =	vmul.u32 $0x3E8, v3  }
0x3d: {  	vm9 =	vgt.s32 v59, v17;
	v1 =	vadd.s32 v6, v1;
	v6 =	vcvt.f32.s32 v32  }
0x3e: {  	vm6 =	vgt.s32 v18, v14;
	v18 =	vmul.f32 $1.000000050e-03, v61;
	vm11 =	vgt.s32 v31, v8  }
0x3f: {  	v34 =	vmul.u32 $0xFFFFFC18, v1;
	v20 =	vsel vm6, $0xFFFFFFFF, v0;
	v13 =	vsel vm11, $0xFFFFFFFF, v0  }
0x40: {  	v50 =	vadd.s32 v11, v20;
	v18 =	vtrunc.f32 v18;
	v13 =	vadd.s32 v3, v13  }
0x41: {  	v3 =	vmul.u32 $0x3E8, v6;
	v53 =	vmul.u32 $0x3E8, v50;
	v18 =	vcvt.f32.s32 v18  }
0x42: {  	v42 =	vsel vm15, $0xFFFFFFFF, v0;
	v2 =	vadd.s32 v2, v34;
	v35 =	vmul.u32 $0x3E8, v13  }
0x43: {  	v29 =	vld [tilespmem:$0xC0];
	vm13 =	vgt.s32 v3, v9;
	v57 =	vadd.s32 $0x3E8, v53;
	v31 =	vmul.u32 $0x3E8, v18  }
0x44: {  	v3 =	vadd.s32 $0x3E8, v35;
	v36 =	vsel vm13, $0xFFFFFFFF, v0;
	vm7 =	vle.s32 v57, v14  }
0x45: {  	vm14 =	vle.s32 v3, v8;
	v3 =	vadd.s32 v15, v4;
	v6 =	vadd.s32 v6, v36  }
0x46: {  	vm12 =	vgt.s32 v31, v52;
	v38 =	vsel vm14, $0x1, v0;
	v10 =	vmul.u32 $0x3E8, v6  }
0x47: {  	v36 =	vmul.u32 $0x3E8, v19;
	v4 =	vadd.s32 v38, v13;
	v13 =	vadd.s32 v7, v42  }
0x48: {  	v31 =	vcvt.s32.f32 v29;
	v10 =	vadd.s32 $0x3E8, v10;
	v44 =	vmul.u32 $0x3E8, v13  }
0x49: {  	v41 =	vmul.u32 $0xFFFFFC18, v3;
	v35 =	vsel vm12, $0xFFFFFFFF, v0;
	vm4 =	vle.s32 v10, v9  }
0x4a: {  	vm13 =	vgt.s32 v36, v60;
	v46 =	vsel vm4, $0x1, v0;
	v10 =	vadd.s32 $0x3E8, v44  }
0x4b: {  	v7 =	vadd.s32 v5, v41;
	v5 =	vadd.s32 v46, v6;
	vm5 =	vle.s32 v10, v12  }
0x4c: {  	v47 =	vmul.f32 $1.000000050e-03, v31;
	v31 =	vld [tilespmem:$0xE0];
	v10 =	vsel vm5, $0x1, v0;
	v49 =	vmul.u32 $0xFFFFFC18, v5  }
0x4d: {  	v45 =	vmul.u32 $0xFFFFFC18, v4;
	v6 =	vadd.s32 v10, v13;
	v13 =	vadd.s32 v22, v62  }
0x4e: {  	v55 =	vmul.u32 $0xFFFFFC18, v6;
	v10 =	vadd.s32 v9, v49;
	v9 =	vsel vm7, $0x1, v0  }
0x4f: {  	v11 =	vadd.s32 v8, v45;
	v22 =	vmul.u32 $0x3E8, v13;
	v9 =	vadd.s32 v9, v50  }
0x50: {  	v8 =	vadd.s32 v12, v55;
	v12 =	vsel vm9, $0xFFFFFFFF, v0;
	v63 =	vmul.u32 $0xFFFFFC18, v9  }
0x51: {  	v27 =	vadd.s32 $0x3E8, v22;
	v22 =	vmul.f32 $1.000000050e-03, v33;
	v33 =	vcvt.s32.f32 v31  }
0x52: {  	v16 =	vadd.s32 v56, v12;
	vm10 =	vle.s32 v27, v40;
	v27 =	vsel vm13, $0xFFFFFFFF, v0  }
0x53: {  	v23 =	vmul.u32 $0x3E8, v16;
	v12 =	vadd.s32 v14, v63;
	v30 =	vsel vm10, $0x1, v0  }
0x54: {  	v38 =	vtrunc.f32 v22;
	v19 =	vadd.s32 v19, v27;
	v22 =	vmul.f32 $1.000000050e-03, v39  }
0x55: {  	v36 =	vld [tilespmem:$0x100];
	v55 =	vmul.f32 $1.000000050e-03, v33;
	v14 =	vadd.s32 v30, v13;
	v27 =	vmul.u32 $0x3E8, v19  }
0x56: {  	v28 =	vadd.s32 $0x3E8, v23;
	v34 =	vmul.u32 $0xFFFFFC18, v14;
	v22 =	vtrunc.f32 v22  }
0x57: {  	v30 =	vld [tilespmem:$0xD0];
	v58 =	vtrunc.f32 v55;
	vm11 =	vle.s32 v28, v17;
	v22 =	vcvt.f32.s32 v22  }
0x58: {  	v32 =	vsel vm11, $0x1, v0;
	v15 =	vadd.s32 v40, v34;
	v40 =	vadd.s32 $0x3E8, v27  }
0x59: {  	v13 =	vadd.s32 v32, v16;
	v16 =	vadd.s32 v18, v35;
	v18 =	vcvt.f32.s32 v38  }
0x5a: {  	v34 =	vld [tilespmem:$0xF0];
	vm4 =	vle.s32 v40, v60;
	v42 =	vmul.u32 $0x3E8, v22;
	v38 =	vcvt.s32.f32 v36  }
0x5b: {  	v37 =	vmul.u32 $0xFFFFFC18, v13;
	v26 =	vmul.u32 $0x3E8, v16;
	v23 =	vsel vm4, $0x1, v0  }
0x5c: {  	v48 =	vcvt.s32.f32 v30;
	v28 =	vmul.u32 $0x3E8, v18;
	vm5 =	vgt.s32 v42, v24  }
0x5d: {  	v26 =	vadd.s32 $0x3E8, v26;
	v17 =	vadd.s32 v17, v37;
	v46 =	vsel vm5, $0xFFFFFFFF, v0  }
0x5e: {  	v50 =	vmul.f32 $1.000000050e-03, v48;
	vm14 =	vle.s32 v26, v52;
	vm15 =	vgt.s32 v28, v25  }
0x5f: {  	v28 =	vtrunc.f32 v47;
	v59 =	vcvt.s32.f32 v34;
	v26 =	vsel vm14, $0x1, v0  }
0x60: {  	v41 =	vsel vm15, $0xFFFFFFFF, v0;
	v49 =	vcvt.f32.s32 v28;
	v28 =	vtrunc.f32 v50  }
0x61: {  	v16 =	vadd.s32 v26, v16;
	v27 =	vadd.s32 v18, v41;
	v18 =	vadd.s32 v23, v19  }
0x62: {  	v23 =	vadd.s32 v22, v46;
	v54 =	vcvt.f32.s32 v28;
	v28 =	vmul.f32 $1.000000050e-03, v59  }
0x63: {  	v26 =	vmul.u32 $0xFFFFFC18, v16;
	v43 =	vmul.u32 $0x3E8, v27;
	v44 =	vmul.u32 $0xFFFFFC18, v18  }
0x64: {  	v32 =	vmul.u32 $0x3E8, v23;
	v53 =	vmul.u32 $0x3E8, v49;
	v57 =	vmul.u32 $0x3E8, v54  }
0x65: {  	v28 =	vtrunc.f32 v28;
	v19 =	vadd.s32 v52, v26;
	v45 =	vadd.s32 $0x3E8, v43  }
0x66: {  	v22 =	vadd.s32 v60, v44;
	v52 =	vadd.s32 $0x3E8, v32;
	vm8 =	vgt.s32 v53, v29  }
0x67: {  	v28 =	vcvt.f32.s32 v28;
	v43 =	vmul.f32 $1.000000050e-03, v38;
	vm6 =	vle.s32 v45, v25  }
0x68: {  	vm7 =	vle.s32 v52, v24;
	v56 =	vsel vm8, $0xFFFFFFFF, v0;
	vm9 =	vgt.s32 v57, v30  }
0x69: {  	v20 =	vsel vm6, $0x1, v0;
	v26 =	vsel vm7, $0x1, v0;
	v35 =	vsel vm9, $0xFFFFFFFF, v0  }
0x6a: {  	v41 =	vmul.u32 $0x3E8, v28;
	v20 =	vadd.s32 v20, v27;
	v23 =	vadd.s32 v26, v23  }
0x6b: {  	v26 =	vadd.s32 v49, v56;
	v27 =	vcvt.f32.s32 v58;
	v35 =	vadd.s32 v54, v35  }
0x6c: {  	v51 =	vmul.u32 $0xFFFFFC18, v20;
	v60 =	vmul.u32 $0x3E8, v26;
	v61 =	vmul.u32 $0xFFFFFC18, v23  }
0x6d: {  	v63 =	vmul.u32 $0x3E8, v35;
	vm13 =	vgt.s32 v41, v34;
	v62 =	vmul.u32 $0x3E8, v27  }
0x6e: {  	v45 =	vsel vm13, $0xFFFFFFFF, v0;
	v21 =	vadd.s32 v25, v51;
	v33 =	vadd.s32 $0x3E8, v60  }
0x6f: {  	v24 =	vadd.s32 v24, v61;
	v39 =	vadd.s32 $0x3E8, v63;
	v28 =	vadd.s32 v28, v45  }
0x70: {  	vm10 =	vle.s32 v33, v29;
	vm11 =	vgt.s32 v62, v31;
	vm12 =	vle.s32 v39, v30  }
0x71: {  	v39 =	vld [tilespmem:$0x120];
	v33 =	vtrunc.f32 v43;
	v37 =	vsel vm10, $0x1, v0;
	v40 =	vsel vm11, $0xFFFFFFFF, v0  }
0x72: {  	v33 =	vcvt.f32.s32 v33;
	v25 =	vadd.s32 v37, v26;
	v27 =	vadd.s32 v27, v40  }
0x73: {  	v42 =	vsel vm12, $0x1, v0;
	v37 =	vld [tilespmem:$0x110];
	v32 =	vmul.u32 $0x3E8, v27;
	v44 =	vmul.u32 $0xFFFFFC18, v25  }
0x74: {  	v46 =	vmul.u32 $0x3E8, v28;
	v26 =	vadd.s32 v42, v35;
	v40 =	vmul.u32 $0x3E8, v33  }
0x75: {  	[tilespmem:$0x5A0] =	vst v21;
	v21 =	vld [tilespmem:$0x210];
	v47 =	vmul.u32 $0xFFFFFC18, v26;
	v32 =	vadd.s32 $0x3E8, v32;
	v29 =	vadd.s32 v29, v44  }
0x76: {  	v49 =	vcvt.s32.f32 v39;
	vm4 =	vgt.s32 v40, v36;
	vm14 =	vle.s32 v32, v31  }
0x77: {  	v32 =	vadd.s32 $0x3E8, v46;
	v42 =	vsel vm4, $0xFFFFFFFF, v0;
	v48 =	vsel vm14, $0x1, v0  }
0x78: {  	v44 =	vld [tilespmem:$0x140];
	v41 =	vcvt.s32.f32 v37;
	vm15 =	vle.s32 v32, v34;
	v32 =	vmul.f32 $1.000000050e-03, v49  }
0x79: {  	v53 =	vadd.s32 v33, v42;
	v33 =	vadd.s32 v30, v47;
	v27 =	vadd.s32 v48, v27  }
0x7a: {  	v42 =	vld [tilespmem:$0x130];
	v50 =	vsel vm15, $0x1, v0;
	v55 =	vmul.u32 $0x3E8, v53;
	[tilespmem:$0x5D0] =	vst v33;
	v33 =	vcvt.s32.f32 v21  }
0x7b: {  	v51 =	vmul.f32 $1.000000050e-03, v41;
	v28 =	vadd.s32 v50, v28;
	v32 =	vtrunc.f32 v32  }
0x7c: {  	v52 =	vmul.u32 $0xFFFFFC18, v27;
	v56 =	vmul.u32 $0xFFFFFC18, v28;
	v57 =	vcvt.f32.s32 v32  }
0x7d: {  	v58 =	vadd.s32 $0x3E8, v55;
	v46 =	vcvt.s32.f32 v44;
	v54 =	vtrunc.f32 v51  }
0x7e: {  	v32 =	vadd.s32 v31, v52;
	vm5 =	vle.s32 v58, v36;
	v43 =	vcvt.f32.s32 v54  }
0x7f: {  	v60 =	vmul.u32 $0x3E8, v57;
	v31 =	vsel vm5, $0x1, v0;
	v61 =	vcvt.s32.f32 v42  }
0x80: {  	v30 =	vadd.s32 v34, v56;
	v31 =	vadd.s32 v31, v53;
	v59 =	vmul.u32 $0x3E8, v43  }
0x81: {  	v47 =	vld [tilespmem:$0x150];
	vm7 =	vgt.s32 v60, v39;
	v40 =	vmul.f32 $1.000000050e-03, v61;
	v63 =	vmul.u32 $0xFFFFFC18, v31  }
0x82: {  	v49 =	vmul.f32 $1.000000050e-03, v46;
	v34 =	vsel vm7, $0xFFFFFFFF, v0;
	vm6 =	vgt.s32 v59, v37  }
0x83: {  	v46 =	vld [tilespmem:$0x160];
	v45 =	vadd.s32 v57, v34;
	v40 =	vtrunc.f32 v40;
	v34 =	vadd.s32 v36, v63  }
0x84: {  	v36 =	vtrunc.f32 v49;
	v62 =	vsel vm6, $0xFFFFFFFF, v0;
	v35 =	vmul.u32 $0x3E8, v45  }
0x85: {  	v40 =	vcvt.f32.s32 v40;
	v53 =	vcvt.f32.s32 v36;
	v38 =	vadd.s32 v43, v62  }
0x86: {  	v54 =	vcvt.s32.f32 v47;
	v43 =	vmul.u32 $0x3E8, v38;
	v35 =	vadd.s32 $0x3E8, v35  }
0x87: {  	v51 =	vmul.u32 $0x3E8, v40;
	v56 =	vmul.u32 $0x3E8, v53;
	vm9 =	vle.s32 v35, v39  }
0x88: {  	v59 =	vcvt.s32.f32 v46;
	v48 =	vadd.s32 $0x3E8, v43;
	v52 =	vsel vm9, $0x1, v0  }
0x89: {  	vm10 =	vgt.s32 v51, v42;
	v43 =	vmul.f32 $1.000000050e-03, v54;
	vm11 =	vgt.s32 v56, v44  }
0x8a: {  	vm8 =	vle.s32 v48, v37;
	v36 =	vadd.s32 v52, v45;
	v55 =	vsel vm10, $0xFFFFFFFF, v0  }
0x8b: {  	v51 =	vld [tilespmem:$0x170];
	v49 =	vsel vm11, $0xFFFFFFFF, v0;
	v50 =	vsel vm8, $0x1, v0;
	v45 =	vmul.u32 $0xFFFFFC18, v36  }
0x8c: {  	v58 =	vtrunc.f32 v43;
	v41 =	vadd.s32 v53, v49;
	v43 =	vmul.f32 $1.000000050e-03, v59  }
0x8d: {  	v35 =	vadd.s32 v50, v38;
	v38 =	vadd.s32 v40, v55;
	v40 =	vcvt.f32.s32 v58  }
0x8e: {  	v49 =	vmul.u32 $0x3E8, v41;
	v48 =	vmul.u32 $0xFFFFFC18, v35;
	v57 =	vmul.u32 $0x3E8, v38  }
0x8f: {  	v39 =	vadd.s32 v39, v45;
	v43 =	vtrunc.f32 v43;
	v50 =	vmul.u32 $0x3E8, v40  }
0x90: {  	v60 =	vadd.s32 $0x3E8, v49;
	v43 =	vcvt.f32.s32 v43;
	v53 =	vcvt.s32.f32 v51  }
0x91: {  	v37 =	vadd.s32 v37, v48;
	v48 =	vadd.s32 $0x3E8, v57;
	vm14 =	vle.s32 v60, v44  }
0x92: {  	vm12 =	vle.s32 v48, v42;
	vm13 =	vgt.s32 v50, v47;
	v52 =	vmul.u32 $0x3E8, v43  }
0x93: {  	v50 =	vld [tilespmem:$0x180];
	v59 =	vmul.f32 $1.000000050e-03, v53;
	v48 =	vsel vm12, $0x1, v0;
	v61 =	vsel vm13, $0xFFFFFFFF, v0  }
0x94: {  	v45 =	vsel vm14, $0x1, v0;
	v38 =	vadd.s32 v48, v38;
	v49 =	vadd.s32 v40, v61  }
0x95: {  	v53 =	vld [tilespmem:$0x190];
	v40 =	vadd.s32 v45, v41;
	vm15 =	vgt.s32 v52, v46;
	v52 =	vtrunc.f32 v59  }
0x96: {  	v48 =	vmul.u32 $0xFFFFFC18, v38;
	v62 =	vmul.u32 $0x3E8, v49;
	v58 =	vsel vm15, $0xFFFFFFFF, v0  }
0x97: {  	v63 =	vmul.u32 $0xFFFFFC18, v40;
	v61 =	vcvt.f32.s32 v52;
	v45 =	vadd.s32 v43, v58  }
0x98: {  	v41 =	vadd.s32 v42, v48;
	v57 =	vadd.s32 $0x3E8, v62;
	v60 =	vcvt.s32.f32 v50  }
0x99: {  	v54 =	vmul.u32 $0x3E8, v45;
	v55 =	vmul.u32 $0x3E8, v61;
	vm4 =	vle.s32 v57, v47  }
0x9a: {  	v44 =	vadd.s32 v44, v63;
	v57 =	vcvt.s32.f32 v53;
	v42 =	vsel vm4, $0x1, v0  }
0x9b: {  	v43 =	vmul.f32 $1.000000050e-03, v60;
	v63 =	vadd.s32 $0x3E8, v54;
	v54 =	vld [tilespmem:$0x1A0];
	vm6 =	vgt.s32 v55, v51  }
0x9c: {  	v55 =	vld [tilespmem:$0x1C0];
	v42 =	vadd.s32 v42, v49;
	v58 =	vmul.f32 $1.000000050e-03, v57;
	v59 =	vsel vm6, $0xFFFFFFFF, v0  }
0x9d: {  	[tilespmem:$0x3A0] =	vst v36;
	v36 =	vld [tilespmem:$0x270];
	vm5 =	vle.s32 v63, v46;
	v62 =	vmul.u32 $0xFFFFFC18, v42;
	v48 =	vadd.s32 v61, v59  }
0x9e: {  	v56 =	vtrunc.f32 v43;
	v61 =	vtrunc.f32 v58;
	v63 =	vmul.u32 $0x3E8, v48  }
0x9f: {  	v43 =	vadd.s32 v47, v62;
	v47 =	vcvt.f32.s32 v56;
	v56 =	vsel vm5, $0x1, v0  }
0xa0: {  	v49 =	vcvt.f32.s32 v61;
	v45 =	vadd.s32 v56, v45;
	v62 =	vcvt.s32.f32 v54  }
0xa1: {  	v56 =	vadd.s32 $0x3E8, v63;
	v57 =	vcvt.s32.f32 v55;
	v60 =	vmul.u32 $0x3E8, v47  }
0xa2: {  	[tilespmem:$0x650] =	vst v43;
	v43 =	vcvt.s32.f32 v36;
	vm8 =	vle.s32 v56, v51;
	v52 =	vmul.f32 $1.000000050e-03, v62  }
0xa3: {  	v62 =	vmul.u32 $0x3E8, v49;
	v59 =	vsel vm8, $0x1, v0;
	vm7 =	vgt.s32 v60, v50  }
0xa4: {  	v58 =	vld [tilespmem:$0x1B0];
	v60 =	vmul.u32 $0xFFFFFC18, v45;
	v61 =	vsel vm7, $0xFFFFFFFF, v0;
	v52 =	vtrunc.f32 v52  }
0xa5: {  	[tilespmem:$0x280] =	vst v1;
	vm9 =	vgt.s32 v62, v53;
	v47 =	vadd.s32 v47, v61;
	v52 =	vcvt.f32.s32 v52  }
0xa6: {  	[tilespmem:$0x500] =	vst v2;
	v1 =	vadd.s32 v46, v60;
	v60 =	vsel vm9, $0xFFFFFFFF, v0;
	v63 =	vmul.u32 $0x3E8, v47  }
0xa7: {  	[tilespmem:$0x290] =	vst v3;
	v3 =	vadd.s32 v59, v48;
	v46 =	vadd.s32 v49, v60;
	v61 =	vmul.u32 $0x3E8, v52  }
0xa8: {  	[tilespmem:$0x2E0] =	vst v14;
	v14 =	vld [tilespmem:$0x1E0];
	v48 =	vmul.u32 $0xFFFFFC18, v3;
	v62 =	vmul.u32 $0x3E8, v46;
	v2 =	vadd.s32 $0x3E8, v63  }
0xa9: {  	v63 =	vcvt.s32.f32 v58;
	vm10 =	vle.s32 v2, v50;
	vm11 =	vgt.s32 v61, v54  }
0xaa: {  	[tilespmem:$0x510] =	vst v7;
	v7 =	vadd.s32 $0x3E8, v62;
	v62 =	vmul.f32 $1.000000050e-03, v57;
	v2 =	vsel vm10, $0x1, v0  }
0xab: {  	v49 =	vmul.f32 $1.000000050e-03, v63;
	v56 =	vsel vm11, $0xFFFFFFFF, v0;
	vm12 =	vle.s32 v7, v53  }
0xac: {  	v7 =	vadd.s32 v51, v48;
	v2 =	vadd.s32 v2, v47;
	v59 =	vadd.s32 v52, v56  }
0xad: {  	[tilespmem:$0x520] =	vst v11;
	v48 =	vld [tilespmem:$0x1D0];
	v63 =	vsel vm12, $0x1, v0;
	v52 =	vtrunc.f32 v62;
	v47 =	vcvt.s32.f32 v14  }
0xae: {  	[tilespmem:$0x2B0] =	vst v5;
	v60 =	vmul.u32 $0xFFFFFC18, v2;
	v11 =	vtrunc.f32 v49;
	v61 =	vmul.u32 $0x3E8, v59  }
0xaf: {  	[tilespmem:$0x2C0] =	vst v6;
	v5 =	vadd.s32 v63, v46;
	v56 =	vcvt.f32.s32 v52;
	v11 =	vcvt.f32.s32 v11  }
0xb0: {  	[tilespmem:$0x2F0] =	vst v13;
	v46 =	vld [tilespmem:$0x1F0];
	v57 =	vmul.u32 $0xFFFFFC18, v5;
	v13 =	vmul.f32 $1.000000050e-03, v47;
	v6 =	vadd.s32 $0x3E8, v61  }
0xb1: {  	[tilespmem:$0x2A0] =	vst v4;
	v4 =	vadd.s32 v50, v60;
	v51 =	vmul.u32 $0x3E8, v11;
	vm13 =	vle.s32 v6, v54  }
0xb2: {  	[tilespmem:$0x2D0] =	vst v9;
	v61 =	vcvt.s32.f32 v48;
	v9 =	vadd.s32 v53, v57;
	v52 =	vtrunc.f32 v13  }
0xb3: {  	[tilespmem:$0x530] =	vst v10;
	v6 =	vsel vm13, $0x1, v0;
	v57 =	vcvt.f32.s32 v52;
	vm14 =	vgt.s32 v51, v58  }
0xb4: {  	[tilespmem:$0x560] =	vst v15;
	v13 =	vld [tilespmem:$0x200];
	v6 =	vadd.s32 v6, v59;
	v59 =	vmul.u32 $0x3E8, v56;
	v15 =	vmul.f32 $1.000000050e-03, v61  }
0xb5: {  	[tilespmem:$0x540] =	vst v8;
	v50 =	vcvt.s32.f32 v46;
	v8 =	vsel vm14, $0xFFFFFFFF, v0;
	v60 =	vmul.u32 $0xFFFFFC18, v6  }
0xb6: {  	[tilespmem:$0x550] =	vst v12;
	v61 =	vmul.u32 $0x3E8, v57;
	v11 =	vadd.s32 v11, v8;
	vm15 =	vgt.s32 v59, v55  }
0xb7: {  	[tilespmem:$0x570] =	vst v17;
	v15 =	vtrunc.f32 v15;
	v53 =	vmul.f32 $1.000000050e-03, v50;
	v62 =	vmul.u32 $0x3E8, v11  }
0xb8: {  	[tilespmem:$0x300] =	vst v16;
	v8 =	vadd.s32 v54, v60;
	v63 =	vsel vm15, $0xFFFFFFFF, v0;
	v15 =	vcvt.f32.s32 v15  }
0xb9: {  	[tilespmem:$0x350] =	vst v26;
	vm7 =	vgt.s32 v61, v14;
	v26 =	vcvt.s32.f32 v13;
	v12 =	vadd.s32 v56, v63  }
0xba: {  	[tilespmem:$0x340] =	vst v25;
	v60 =	vtrunc.f32 v53;
	v25 =	vsel vm7, $0xFFFFFFFF, v0;
	v10 =	vadd.s32 $0x3E8, v62  }
0xbb: {  	[tilespmem:$0x310] =	vst v18;
	v49 =	vmul.u32 $0x3E8, v12;
	v56 =	vmul.u32 $0x3E8, v15;
	v18 =	vadd.s32 v57, v25  }
0xbc: {  	[tilespmem:$0x360] =	vst v27;
	v16 =	vmul.f32 $1.000000050e-03, v26;
	vm4 =	vle.s32 v10, v58;
	v27 =	vmul.u32 $0x3E8, v18  }
0xbd: {  	[tilespmem:$0x580] =	vst v19;
	v10 =	vsel vm4, $0x1, v0;
	v51 =	vadd.s32 $0x3E8, v49;
	vm6 =	vgt.s32 v56, v48  }
0xbe: {  	[tilespmem:$0x370] =	vst v28;
	v28 =	vld [tilespmem:$0x240];
	v16 =	vtrunc.f32 v16;
	v10 =	vadd.s32 v10, v11;
	vm5 =	vle.s32 v51, v55  }
0xbf: {  	[tilespmem:$0x590] =	vst v22;
	v63 =	vsel vm6, $0xFFFFFFFF, v0;
	v22 =	vadd.s32 $0x3E8, v27;
	v16 =	vcvt.f32.s32 v16  }
0xc0: {  	[tilespmem:$0x320] =	vst v20;
	v54 =	vsel vm5, $0x1, v0;
	v59 =	vmul.u32 $0xFFFFFC18, v10;
	v15 =	vadd.s32 v15, v63  }
0xc1: {  	vm10 =	vle.s32 v22, v14;
	[tilespmem:$0x430] =	vst v10;
	v10 =	vmul.f32 $1.000000050e-03, v43;
	v11 =	vadd.s32 v54, v12  }
0xc2: {  	[tilespmem:$0x390] =	vst v35;
	v12 =	vcvt.f32.s32 v60;
	v20 =	vmul.u32 $0x3E8, v15;
	v35 =	vsel vm10, $0x1, v0  }
0xc3: {  	[tilespmem:$0x610] =	vst v37;
	v37 =	vmul.u32 $0x3E8, v16;
	v60 =	vcvt.s32.f32 v28;
	v17 =	vadd.s32 v58, v59  }
0xc4: {  	[tilespmem:$0x5B0] =	vst v24;
	v62 =	vmul.u32 $0xFFFFFC18, v11;
	v24 =	vmul.u32 $0x3E8, v12;
	v20 =	vadd.s32 $0x3E8, v20  }
0xc5: {  	[tilespmem:$0x330] =	vst v23;
	v18 =	vadd.s32 v35, v18;
	v10 =	vtrunc.f32 v10;
	vm9 =	vle.s32 v20, v48  }
0xc6: {  	[tilespmem:$0x5F0] =	vst v30;
	v30 =	vld [tilespmem:$0x250];
	vm12 =	vgt.s32 v37, v13;
	vm8 =	vgt.s32 v24, v46;
	v20 =	vsel vm9, $0x1, v0  }
0xc7: {  	[tilespmem:$0x5C0] =	vst v29;
	v47 =	vmul.u32 $0xFFFFFC18, v18;
	v29 =	vsel vm8, $0xFFFFFFFF, v0;
	v15 =	vadd.s32 v20, v15;
	v20 =	vld [tilespmem:$0x220]  }
0xc8: {  	[tilespmem:$0x600] =	vst v34;
	v63 =	vmul.f32 $1.000000050e-03, v60;
	v12 =	vadd.s32 v12, v29;
	v34 =	vmul.u32 $0xFFFFFC18, v15  }
0xc9: {  	[tilespmem:$0x5E0] =	vst v32;
	v10 =	vcvt.f32.s32 v10;
	v19 =	vadd.s32 v55, v62;
	v23 =	vmul.u32 $0x3E8, v12  }
0xca: {  	[tilespmem:$0x380] =	vst v31;
	v14 =	vadd.s32 v14, v47;
	v29 =	vld [tilespmem:$0x260];
	v24 =	vadd.s32 v48, v34;
	v48 =	vsel vm12, $0xFFFFFFFF, v0  }
0xcb: {  	[tilespmem:$0x620] =	vst v39;
	v32 =	vadd.s32 $0x3E8, v23;
	v23 =	vmul.f32 $1.000000050e-03, v33;
	v16 =	vadd.s32 v16, v48  }
0xcc: {  	[tilespmem:$0x3B0] =	vst v38;
	v33 =	vcvt.s32.f32 v30;
	vm11 =	vle.s32 v32, v46;
	v39 =	vcvt.s32.f32 v20  }
0xcd: {  	[tilespmem:$0x3C0] =	vst v40;
	v50 =	vmul.u32 $0x3E8, v16;
	v22 =	vsel vm11, $0x1, v0;
	v23 =	vtrunc.f32 v23  }
0xce: {  	[tilespmem:$0x690] =	vst v9;
	v9 =	vmul.f32 $1.000000050e-03, v33;
	v12 =	vadd.s32 v22, v12;
	v23 =	vcvt.f32.s32 v23  }
0xcf: {  	[tilespmem:$0x630] =	vst v41;
	v25 =	vmul.f32 $1.000000050e-03, v39;
	v26 =	vadd.s32 $0x3E8, v50;
	v39 =	vcvt.s32.f32 v29  }
0xd0: {  	[tilespmem:$0x640] =	vst v44;
	v22 =	vld [tilespmem:$0x230];
	v49 =	vmul.u32 $0xFFFFFC18, v12;
	vm14 =	vle.s32 v26, v13;
	v9 =	vtrunc.f32 v9  }
0xd1: {  	[tilespmem:$0x3D0] =	vst v42;
	v51 =	vmul.u32 $0x3E8, v23;
	v25 =	vtrunc.f32 v25;
	v55 =	vsel vm14, $0x1, v0  }
0xd2: {  	[tilespmem:$0x3E0] =	vst v45;
	v41 =	vcvt.f32.s32 v9;
	v42 =	vmul.f32 $1.000000050e-03, v39;
	v27 =	vadd.s32 v46, v49  }
0xd3: {  	[tilespmem:$0x660] =	vst v1;
	v25 =	vcvt.f32.s32 v25;
	v1 =	vadd.s32 v55, v16;
	vm13 =	vgt.s32 v51, v21  }
0xd4: {  	[tilespmem:$0x3F0] =	vst v3;
	v3 =	vmul.u32 $0xFFFFFC18, v1;
	v47 =	vmul.u32 $0x3E8, v41;
	v9 =	vtrunc.f32 v42  }
0xd5: {  	[tilespmem:$0x670] =	vst v7;
	v52 =	vcvt.s32.f32 v22;
	v53 =	vsel vm13, $0xFFFFFFFF, v0;
	v56 =	vmul.u32 $0x3E8, v25  }
0xd6: {  	[tilespmem:$0x400] =	vst v2;
	v9 =	vcvt.f32.s32 v9;
	v23 =	vadd.s32 v23, v53;
	v3 =	vadd.s32 v13, v3  }
0xd7: {  	[tilespmem:$0x410] =	vst v5;
	vm9 =	vgt.s32 v47, v30;
	v54 =	vmul.f32 $1.000000050e-03, v52;
	v57 =	vmul.u32 $0x3E8, v23  }
0xd8: {  	[tilespmem:$0x680] =	vst v4;
	vm15 =	vgt.s32 v56, v20;
	v49 =	vsel vm9, $0xFFFFFFFF, v0;
	v50 =	vmul.u32 $0x3E8, v9  }
0xd9: {  	[tilespmem:$0x480] =	vst v1;
	v52 =	vmul.u32 $0x3E8, v10;
	v59 =	vsel vm15, $0xFFFFFFFF, v0;
	v1 =	vadd.s32 v41, v49  }
0xda: {  	[tilespmem:$0x420] =	vst v6;
	v26 =	vtrunc.f32 v54;
	v58 =	vadd.s32 $0x3E8, v57;
	v2 =	vadd.s32 v25, v59  }
0xdb: {  	[tilespmem:$0x6A0] =	vst v8;
	v25 =	vtrunc.f32 v63;
	vm11 =	vgt.s32 v50, v29;
	v54 =	vmul.u32 $0x3E8, v1  }
0xdc: {  	[tilespmem:$0x440] =	vst v11;
	vm12 =	vgt.s32 v52, v36;
	v26 =	vcvt.f32.s32 v26;
	vm4 =	vle.s32 v58, v21  }
0xdd: {  	[tilespmem:$0x6B0] =	vst v17;
	v16 =	vmul.u32 $0x3E8, v2;
	v32 =	vcvt.f32.s32 v25;
	v55 =	vsel vm11, $0xFFFFFFFF, v0  }
0xde: {  	[tilespmem:$0x460] =	vst v18;
	v58 =	vsel vm12, $0xFFFFFFFF, v0;
	v62 =	vsel vm4, $0x1, v0;
	v56 =	vadd.s32 v9, v55  }
0xdf: {  	[tilespmem:$0x6C0] =	vst v19;
	v61 =	vmul.u32 $0x3E8, v26;
	v4 =	vadd.s32 v62, v23;
	v23 =	vadd.s32 $0x3E8, v16  }
0xe0: {  	[tilespmem:$0x6E0] =	vst v14;
	v38 =	vmul.u32 $0x3E8, v32;
	v34 =	vmul.u32 $0xFFFFFC18, v4;
	vm6 =	vle.s32 v23, v20  }
0xe1: {  	[tilespmem:$0x450] =	vst v15;
	v57 =	vmul.u32 $0x3E8, v56;
	vm5 =	vgt.s32 v61, v22;
	v37 =	vsel vm6, $0x1, v0  }
0xe2: {  	[tilespmem:$0x6D0] =	vst v24;
	vm7 =	vgt.s32 v38, v28;
	v7 =	vsel vm5, $0xFFFFFFFF, v0;
	v8 =	vadd.s32 v21, v34  }
0xe3: {  	[tilespmem:$0x470] =	vst v12;
	v2 =	vadd.s32 v37, v2;
	v40 =	vsel vm7, $0xFFFFFFFF, v0;
	v31 =	vadd.s32 v26, v7  }
0xe4: {  	v7 =	vadd.s32 v32, v40;
	v44 =	vmul.u32 $0xFFFFFC18, v2;
	[tilespmem:$0x4A0] =	vst v2;
	v2 =	vadd.s32 $0x3E8, v54  }
0xe5: {  	[tilespmem:$0x710] =	vst v8;
	v8 =	vadd.s32 v10, v58;
	v35 =	vmul.u32 $0x3E8, v31;
	v46 =	vmul.u32 $0x3E8, v7  }
0xe6: {  	[tilespmem:$0x6F0] =	vst v27;
	vm13 =	vle.s32 v2, v30;
	v60 =	vmul.u32 $0x3E8, v8;
	v11 =	vadd.s32 v20, v44  }
0xe7: {  	[tilespmem:$0x700] =	vst v3;
	v2 =	vsel vm13, $0x1, v0;
	v5 =	vadd.s32 $0x3E8, v35;
	v48 =	vadd.s32 $0x3E8, v46  }
0xe8: {  	[tilespmem:$0x490] =	vst v4;
	v1 =	vadd.s32 v2, v1;
	v62 =	vadd.s32 $0x3E8, v60;
	vm8 =	vle.s32 v5, v22  }
0xe9: {  	[tilespmem:$0x720] =	vst v11;
	vm10 =	vle.s32 v48, v28;
	v5 =	vadd.s32 $0x3E8, v57;
	v45 =	vsel vm8, $0x1, v0  }
0xea: {  	v2 =	vmul.u32 $0xFFFFFC18, v1;
	[tilespmem:$0x4D0] =	vst v1;
	v3 =	vsel vm10, $0x1, v0;
	v6 =	vadd.s32 v45, v31  }
0xeb: {  	vm15 =	vle.s32 v62, v36;
	vm14 =	vle.s32 v5, v29;
	v3 =	vadd.s32 v3, v7;
	[tilespmem:$0x4B0] =	vst v6  }
0xec: {  	v63 =	vsel vm15, $0x1, v0;
	v1 =	vadd.s32 v30, v2;
	v51 =	vmul.u32 $0xFFFFFC18, v6;
	[tilespmem:$0x4C0] =	vst v3  }
0xed: {  	v59 =	vmul.u32 $0xFFFFFC18, v3;
	v3 =	vsel vm14, $0x1, v0;
	[tilespmem:$0x750] =	vst v1;
	v1 =	vadd.s32 v63, v8  }
0xee: {  	v3 =	vadd.s32 v3, v56;
	[tilespmem:$0x4F0] =	vst v1  }
0xef: {  	v53 =	vadd.s32 v22, v51;
	v2 =	vmul.u32 $0xFFFFFC18, v3;
	[tilespmem:$0x4E0] =	vst v3  }
0xf0: {  	v61 =	vadd.s32 v28, v59;
	v3 =	vmul.u32 $0xFFFFFC18, v1;
	[tilespmem:$0x730] =	vst v53  }
0xf1: {  	[tilespmem:$0x740] =	vst v61;
	v2 =	vadd.s32 v29, v2  }
0xf2: {  	v1 =	vadd.s32 v36, v3;
	[tilespmem:$0x760] =	vst v2  }
0xf3: {  	s14 =	simm.s32 $0x280;
	[tilespmem:$0x770] =	vst v1  }
0xf4: {  	[tilespmem:s15], [sflag:$0x1] =	stream.indirect.gather [hbm4b:s2+s13], $0xC0, s14, s13, $0xb8;
	[tilespmem:$0x18780] =	vst v63  }
0xf5: {  	_ = 	snop  }
0xf6: {  	[tilespmem:s17], [sflag:$0x1] =	stream.indirect.gather [hbm4b:s4+s13], $0xC0, s16, s13, $0xb8;
	[tilespmem:$0x18780] =	vst v63  }
0xf7: {  	_ =	swait.ge [sflag:s18], $0x6000  }
0xf8: {  	[sflag:s18] =	ssyncset.done $0x0  }
0xf9: {  	[sflag:s18] =	ssyncadd.s32 $0xFFFFA000  }
0xfa: {  	_ =	swait.ge [sflag:s18], $0x6000  }
0xfb: {  	[sflag:s18] =	ssyncset.done $0x0  }
0xfc: {  	[sflag:s18] =	ssyncadd.s32 $0xFFFFA000  }
0xfd: {  	[tilespmem:s20], [sflag:$0x2] =	stream.indirect.gather [hbm4b:s2+s13], $0xC0, s19, s13, $0xb8;
	[tilespmem:$0x18780] =	vst v63  }
0xfe: {  	_ = 	snop  }
0xff: {  	[tilespmem:s22], [sflag:$0x2] =	stream.indirect.gather [hbm4b:s4+s13], $0xC0, s21, s13, $0xb8;
	[tilespmem:$0x18780] =	vst v63  }
0x100: {  	s0 =	rddreg [dreg:$0x4]  }
0x101: {  	[hbm4b:s0+s3] =	stream.linear.scatter [tilespmem:s15], [sflag:$0x3], $0x6000, $0x38;
	[tilespmem:$0x18780] =	vst v63  }
0x102: {  	s14 =	rddreg [dreg:$0x5]  }
0x103: {  	[hbm4b:s14+s3] =	stream.linear.scatter [tilespmem:s17], [sflag:$0x3], $0x6000, $0x38;
	[tilespmem:$0x18780] =	vst v63  }
0x104: {  	_ =	swait.ge [sflag:s23], $0x6000  }
0x105: {  	[sflag:s23] =	ssyncset.done $0x0  }
0x106: {  	[sflag:s23] =	ssyncadd.s32 $0xFFFFA000  }
0x107: {  	_ =	swait.ge [sflag:s23], $0x6000  }
0x108: {  	[sflag:s23] =	ssyncset.done $0x0  }
0x109: {  	[sflag:s23] =	ssyncadd.s32 $0xFFFFA000  }
0x10a: {  	_ =	swait.ge [sflag:s24], $0x6000  }
0x10b: {  	[sflag:s24] =	ssyncset.done $0x0  }
0x10c: {  	[sflag:s24] =	ssyncadd.s32 $0xFFFFA000  }
0x10d: {  	_ =	swait.ge [sflag:s24], $0x6000  }
0x10e: {  	[sflag:s24] =	ssyncset.done $0x0  }
0x10f: {  	[sflag:s24] =	ssyncadd.s32 $0xFFFFA000  }
0x110: {  	[tilespmem:s15], [sflag:$0x1] =	stream.indirect.gather [hbm4b:s2+s13], $0xC0, s25, s13, $0xb8;
	[tilespmem:$0x18780] =	vst v63  }
0x111: {  	_ = 	snop  }
0x112: {  	[tilespmem:s17], [sflag:$0x1] =	stream.indirect.gather [hbm4b:s4+s13], $0xC0, s26, s13, $0xb8;
	[tilespmem:$0x18780] =	vst v63  }
0x113: {  	s0 =	rddreg [dreg:$0x6]  }
0x114: {  	[hbm4b:s0+s3] =	stream.linear.scatter [tilespmem:s20], [sflag:$0x4], $0x6000, $0x38;
	[tilespmem:$0x18780] =	vst v63  }
0x115: {  	s14 =	rddreg [dreg:$0x7]  }
0x116: {  	[hbm4b:s14+s3] =	stream.linear.scatter [tilespmem:s22], [sflag:$0x4], $0x6000, $0x38;
	[tilespmem:$0x18780] =	vst v63  }
0x117: {  	_ =	swait.ge [sflag:s18], $0x6000  }
0x118: {  	[sflag:s18] =	ssyncset.done $0x0  }
0x119: {  	[sflag:s18] =	ssyncadd.s32 $0xFFFFA000  }
0x11a: {  	_ =	swait.ge [sflag:s18], $0x6000  }
0x11b: {  	[sflag:s18] =	ssyncset.done $0x0  }
0x11c: {  	[sflag:s18] =	ssyncadd.s32 $0xFFFFA000  }
0x11d: {  	_ =	swait.ge [sflag:s28], $0x6000  }
0x11e: {  	[sflag:s28] =	ssyncset.done $0x0  }
0x11f: {  	[sflag:s28] =	ssyncadd.s32 $0xFFFFA000  }
0x120: {  	_ =	swait.ge [sflag:s28], $0x6000  }
0x121: {  	[sflag:s28] =	ssyncset.done $0x0  }
0x122: {  	[sflag:s28] =	ssyncadd.s32 $0xFFFFA000  }
0x123: {  	[tilespmem:s20], [sflag:$0x2] =	stream.indirect.gather [hbm4b:s2+s13], $0xC0, s29, s13, $0xb8;
	[tilespmem:$0x18780] =	vst v63  }
0x124: {  	_ = 	snop  }
0x125: {  	[tilespmem:s22], [sflag:$0x2] =	stream.indirect.gather [hbm4b:s4+s13], $0xC0, s30, s13, $0xb8;
	[tilespmem:$0x18780] =	vst v63  }
0x126: {  	_ = 	snop  }
0x127: {  	[hbm4b:s5+s3] =	stream.linear.scatter [tilespmem:s15], [sflag:$0x3], $0x6000, $0x38;
	[tilespmem:$0x18780] =	vst v63  }
0x128: {  	_ = 	snop  }
0x129: {  	[hbm4b:s6+s3] =	stream.linear.scatter [tilespmem:s17], [sflag:$0x3], $0x6000, $0x38;
	[tilespmem:$0x18780] =	vst v63  }
0x12a: {  	_ =	swait.ge [sflag:s23], $0x6000  }
0x12b: {  	[sflag:s23] =	ssyncset.done $0x0  }
0x12c: {  	[sflag:s23] =	ssyncadd.s32 $0xFFFFA000  }
0x12d: {  	_ =	swait.ge [sflag:s23], $0x6000  }
0x12e: {  	[sflag:s23] =	ssyncset.done $0x0  }
0x12f: {  	[sflag:s23] =	ssyncadd.s32 $0xFFFFA000  }
0x130: {  	_ =	swait.ge [sflag:s24], $0x6000  }
0x131: {  	[sflag:s24] =	ssyncset.done $0x0  }
0x132: {  	[sflag:s24] =	ssyncadd.s32 $0xFFFFA000  }
0x133: {  	_ =	swait.ge [sflag:s24], $0x6000  }
0x134: {  	[sflag:s24] =	ssyncset.done $0x0  }
0x135: {  	[sflag:s24] =	ssyncadd.s32 $0xFFFFA000  }
0x136: {  	[tilespmem:s15], [sflag:$0x1] =	stream.indirect.gather [hbm4b:s2+s13], $0xC0, s31, s13, $0xb8;
	[tilespmem:$0x18780] =	vst v63  }
0x137: {  	_ = 	snop  }
0x138: {  	[tilespmem:s17], [sflag:$0x1] =	stream.indirect.gather [hbm4b:s4+s13], $0xC0, s1, s13, $0xb8;
	[tilespmem:$0x18780] =	vst v63  }
0x139: {  	_ = 	snop  }
0x13a: {  	[hbm4b:s7+s3] =	stream.linear.scatter [tilespmem:s20], [sflag:$0x4], $0x6000, $0x38;
	[tilespmem:$0x18780] =	vst v63  }
0x13b: {  	_ = 	snop  }
0x13c: {  	[hbm4b:s8+s3] =	stream.linear.scatter [tilespmem:s22], [sflag:$0x4], $0x6000, $0x38;
	[tilespmem:$0x18780] =	vst v63  }
0x13d: {  	_ =	swait.ge [sflag:s18], $0x6000  }
0x13e: {  	[sflag:s18] =	ssyncset.done $0x0  }
0x13f: {  	[sflag:s18] =	ssyncadd.s32 $0xFFFFA000  }
0x140: {  	_ =	swait.ge [sflag:s18], $0x6000  }
0x141: {  	[sflag:s18] =	ssyncset.done $0x0  }
0x142: {  	[sflag:s18] =	ssyncadd.s32 $0xFFFFA000  }
0x143: {  	[hbm4b:s9+s3] =	stream.linear.scatter [tilespmem:s15], [sflag:$0x3], $0x6000, $0x38;
	[tilespmem:$0x18780] =	vst v63  }
0x144: {  	_ = 	snop  }
0x145: {  	[hbm4b:s10+s3] =	stream.linear.scatter [tilespmem:s17], [sflag:$0x3], $0x6000, $0x38;
	[tilespmem:$0x18780] =	vst v63  }
0x146: {  	_ =	swait.ge [sflag:s28], $0x6000  }
0x147: {  	[sflag:s28] =	ssyncset.done $0x0  }
0x148: {  	[sflag:s28] =	ssyncadd.s32 $0xFFFFA000  }
0x149: {  	_ =	swait.ge [sflag:s28], $0x6000  }
0x14a: {  	[sflag:s28] =	ssyncset.done $0x0  }
0x14b: {  	[sflag:s28] =	ssyncadd.s32 $0xFFFFA000  }
0x14c: {  	p0 =	sne.s32 s11, $0x1;
	_ =	swait.ge [sflag:s24], $0x6000  }
.Ltmp0:
0x14d: {  	[sflag:s24] =	ssyncset.done $0x0;
	(pc) =	sbr.rel @p0 .LBB2_1-.Ltmp0, $4  }
0x14e: {  	[sflag:s24] =	ssyncadd.s32 $0xFFFFA000  }
0x14f: {  	_ =	swait.ge [sflag:s24], $0x6000  }
0x150: {  	[sflag:s24] =	ssyncset.done $0x0  }
0x151: {  	s11 =	sadd.s32 $0xFFFFFFFF, s11;
	[sflag:s24] =	ssyncadd.s32 $0xFFFFA000  }
0x152: {  	_ =	sfence.sel $0x180000  }
0x153: {  	[bflag:$0x0] =	sbarrier.arrive $0xFFFF  }
0x154: {  	_ =	strace $0x90000047  }
0x155: {  	s0 =	stileid.u32;
	[bflag:$0x2] =	sbarrier.arrive $0xFFFF  }
0x156: {  	p0 =	sne.s32 s0, $0x0;
	s0 =	rddreg [dreg:$0x2]  }
0x157: {  	s0 =	sadd.s32 @!p0 $0x100000, s0  }
0x158: {  	[sflag:s0] =	ssyncadd.tile.s32 @!p0 $0x1;
	_ =	shalt  }
.Lfunc_end2:
_tile_overlayer_lowered:
.L_overlay_start_2:
0x159: {  	(tag) =	ssettag $0x2  }
0x15a: {  	s0 =	rddreg [dreg:$0x0];
	s2 =	stileid.u32  }
0x15b: {  	s1 =	rddreg [dreg:$0x1];
	p0 =	sne.s32 s2, $0x0  }
0x15c: {  	s3 =	rddreg [dreg:$0x2];
	[bflag:$0x3] =	sbarrier.arrive $0xFFFF;
	s2 =	simm.s32 @!p0 $0x1C05  }
0x15d: {  	[timem:s3], [sflag:s2] =	dma.local @!p0 [hbm:s0], s1  }
0x15e: {  	s0 =	simm.s32 @!p0 $0x5  }
0x15f: {  	_ =	swait.ge @!p0 [sflag:s0], s1  }
0x160: {  	s1 =	ssub.s32 @!p0 $0x0, s1;
	[sflag:s0] =	ssyncset.done @!p0 $0x0  }
0x161: {  	[sflag:s0] =	ssyncadd.s32 @!p0 s1  }
0x162: {  	[bflag:$0x3] =	sbarrier.arrive $0xFFFF  }
0x163: {  	_ =	shalt  }

</sc_bundles>
